<compile_context>
chip_gen: v7x
topology: tpu7x:2x2x1
jax: 0.10.2.dev20260603
libtpu: 0.0.44.dev20260713+nightly
codegen_flags: <defaults>
</compile_context>

<pallas_src>
import functools

import jax
import jax.numpy as jnp
from jax import lax
from jax.experimental import pallas as pl
from jax.experimental.pallas import tpu as pltpu
from jax.experimental.pallas import tpu_sc as plsc

B = 16384
D = 128
NC = 2
NS = 16
NW = NC * NS
CH = 64
NBUF = 3
VPR = D // 16
NSPLIT = 1
BH = B // NSPLIT


def _make_sc_gather(off):
    b_per_w = BH // NW
    n_ch = b_per_w // CH

    def body(uidx_hbm, iidx_hbm, ue_gmf, ie_gmf, ue_mlp, ie_mlp, wog_hbm,
             o_gd, o_um, o_im,
             uix, iix, wog, bufs, obufs, gsem, wsem):
        wid = lax.axis_index("s") * NC + lax.axis_index("c")
        base = off + wid * b_per_w
        obase = wid * b_per_w

        pltpu.sync_copy(wog_hbm, wog)
        for c in range(n_ch):
            pltpu.sync_copy(uidx_hbm.at[pl.ds(base + c * CH, CH)], uix.at[c])
            pltpu.sync_copy(iidx_hbm.at[pl.ds(base + c * CH, CH)], iix.at[c])

        def gather(c, s):
            bug, big, bum, bim = bufs[s]
            return [
                pltpu.async_copy(ue_gmf.at[uix.at[c]], bug, gsem),
                pltpu.async_copy(ie_gmf.at[iix.at[c]], big, gsem),
                pltpu.async_copy(ue_mlp.at[uix.at[c]], bum, gsem),
                pltpu.async_copy(ie_mlp.at[iix.at[c]], bim, gsem),
            ]

        lane = lax.iota(jnp.int32, 16)
        perms = [lane ^ (1 << k) for k in range(4)]
        shuf_dnums = lax.GatherDimensionNumbers(
            offset_dims=(), collapsed_slice_dims=(0,), start_index_map=(0,))

        def lane_sum(v):
            for p in perms:
                v = v + lax.gather(v, p[:, None], shuf_dnums, (1,),
                                   mode=lax.GatherScatterMode.PROMISE_IN_BOUNDS)
            return v

        def gmf_dot(s):
            bug, big = bufs[s][0], bufs[s][1]
            obuf = obufs[s]
            w = [wog[pl.ds(j * 16, 16)] for j in range(VPR)]

            def row(r, res):
                acc = bug[r, pl.ds(0, 16)] * big[r, pl.ds(0, 16)] * w[0]
                for j in range(1, VPR):
                    sl = pl.ds(j * 16, 16)
                    acc = acc + bug[r, sl] * big[r, sl] * w[j]
                total = lane_sum(acc)
                res = jnp.where(lane == lax.rem(r, 16), total, res)

                @pl.when(lax.rem(r, 16) == 15)
                def _():
                    obuf[pl.ds(r - 15, 16)] = res

                return res

            lax.fori_loop(0, CH, row, jnp.zeros((16,), jnp.float32))

        def writeback(c, s):
            _, _, bum, bim = bufs[s]
            rows = pl.ds(obase + c * CH, CH)
            return [
                pltpu.async_copy(obufs[s], o_gd.at[rows], wsem),
                pltpu.async_copy(bum, o_um.at[rows], wsem),
                pltpu.async_copy(bim, o_im.at[rows], wsem),
            ]

        g = {}
        wb = {}
        for c in range(min(2, n_ch)):
            g[c] = gather(c, c % NBUF)
        for c in range(n_ch):
            s = c % NBUF
            for dsc in g.pop(c):
                dsc.wait()
            gmf_dot(s)
            wb[s] = writeback(c, s)
            nc = c + 2
            if nc < n_ch:
                ns = nc % NBUF
                if ns in wb:
                    for dsc in wb.pop(ns):
                        dsc.wait()
                g[nc] = gather(nc, ns)
        for s in list(wb):
            for dsc in wb.pop(s):
                dsc.wait()

    return functools.partial(
        pl.kernel,
        mesh=plsc.VectorSubcoreMesh(core_axis_name="c", subcore_axis_name="s"),
        out_type=(jax.ShapeDtypeStruct((BH,), jnp.float32),
                  jax.ShapeDtypeStruct((BH, D), jnp.float32),
                  jax.ShapeDtypeStruct((BH, D), jnp.float32)),
        scratch_types=[
            pltpu.VMEM((n_ch, CH), jnp.int32),
            pltpu.VMEM((n_ch, CH), jnp.int32),
            pltpu.VMEM((D,), jnp.float32),
            tuple(tuple(pltpu.VMEM((CH, D), jnp.float32) for _ in range(4))
                  for _ in range(NBUF)),
            tuple(pltpu.VMEM((CH,), jnp.float32) for _ in range(NBUF)),
            pltpu.SemaphoreType.DMA,
            pltpu.SemaphoreType.DMA,
        ],
    )(body)


_sc_gather = [_make_sc_gather(h * BH) for h in range(NSPLIT)]


TC_BLK = 4096

_CONTRACT_01 = (((0,), (1,)), ((), ()))


def _tc_body(um_r, im_r, gd_r, w1_r, b1_r, wo_r, bo_r, out_r):
    w1 = w1_r[...]
    h_t = lax.dot_general(w1[0:D, :], um_r[...], _CONTRACT_01,
                          preferred_element_type=jnp.float32)
    h_t = h_t + lax.dot_general(w1[D:2 * D, :], im_r[...], _CONTRACT_01,
                                preferred_element_type=jnp.float32)
    h_t = jnp.maximum(h_t + b1_r[...].reshape(D, 1), 0.0)
    woh = wo_r[...][D:2 * D, :].T
    out = jnp.dot(woh, h_t, preferred_element_type=jnp.float32)
    out_r[...] = out + gd_r[...] + bo_r[...].reshape(1, 1)


def _tc_forward(um, im, gd_row, W1, b1, Wo, bo):
    grid = (BH // TC_BLK,)
    blk = lambda i: (i, 0)
    lane_blk = lambda i: (0, i)
    whole = lambda i: (0, 0)
    return pl.pallas_call(
        _tc_body,
        grid=grid,
        in_specs=[
            pl.BlockSpec((TC_BLK, D), blk),
            pl.BlockSpec((TC_BLK, D), blk),
            pl.BlockSpec((1, TC_BLK), lane_blk),
            pl.BlockSpec((2 * D, D), whole),
            pl.BlockSpec((D,), lambda i: (0,)),
            pl.BlockSpec((2 * D, 1), whole),
            pl.BlockSpec((1,), lambda i: (0,)),
        ],
        out_specs=pl.BlockSpec((1, TC_BLK), lane_blk),
        out_shape=jax.ShapeDtypeStruct((1, BH), jnp.float32),
    )(um, im, gd_row, W1, b1, Wo, bo)


def kernel(user_idx, item_idx, ue_gmf, ie_gmf, ue_mlp, ie_mlp, W1, b1, Wo, bo):
    wog = Wo[:D, 0]
    halves = []
    for h in range(NSPLIT):
        gd, um, im = _sc_gather[h](user_idx, item_idx, ue_gmf, ie_gmf,
                                   ue_mlp, ie_mlp, wog)
        halves.append((gd, um, im))
    outs = [_tc_forward(um, im, gd.reshape(1, BH), W1, b1, Wo, bo)
            for gd, um, im in halves]
    out = outs[0] if NSPLIT == 1 else jnp.concatenate(outs, axis=1)
    return out.reshape(B, 1)

# --- scband reference (transcript-rebuilt; emitter-appended) ---
"""Pipeline reference for scband-neu-mf-39814346834046 (READ-ONLY COPY).

The authoritative reference and input builder live on the scoring server;
editing this copy changes nothing except your own understanding.
"""

import jax, jax.numpy as jnp
import numpy as np

NUM_USERS = 1000000
NUM_ITEMS = 1000000
MF_DIM = 128
MLP_IN = 256
MLP_HID = 128
BATCH = 16384


def setup_inputs(seed: int = 0) -> dict:
    key = jax.random.key(seed)
    ks = jax.random.split(key, 10)
    user_idx = jax.random.randint(ks[0], (BATCH,), 0, NUM_USERS, dtype=jnp.int64 if jax.config.jax_enable_x64 else jnp.int32).astype(jnp.int32)
    item_idx = jax.random.randint(ks[1], (BATCH,), 0, NUM_ITEMS, dtype=jnp.int32)
    s = 0.01
    ue_gmf = jax.random.normal(ks[2], (NUM_USERS, MF_DIM), dtype=jnp.float32) * s
    ie_gmf = jax.random.normal(ks[3], (NUM_ITEMS, MF_DIM), dtype=jnp.float32) * s
    ue_mlp = jax.random.normal(ks[4], (NUM_USERS, MLP_IN // 2), dtype=jnp.float32) * s
    ie_mlp = jax.random.normal(ks[5], (NUM_ITEMS, MLP_IN // 2), dtype=jnp.float32) * s
    W1 = jax.random.normal(ks[6], (MLP_IN, MLP_HID), dtype=jnp.float32) * (1.0 / np.sqrt(MLP_IN))
    b1 = jnp.zeros((MLP_HID,), dtype=jnp.float32)
    Wo = jax.random.normal(ks[7], (MF_DIM + MLP_HID, 1), dtype=jnp.float32) * (1.0 / np.sqrt(MF_DIM + MLP_HID))
    bo = jnp.zeros((1,), dtype=jnp.float32)
    return {
        "user_idx": user_idx,
        "item_idx": item_idx,
        "ue_gmf": ue_gmf,
        "ie_gmf": ie_gmf,
        "ue_mlp": ue_mlp,
        "ie_mlp": ie_mlp,
        "W1": W1,
        "b1": b1,
        "Wo": Wo,
        "bo": bo,
    }


def reference(user_idx, item_idx, ue_gmf, ie_gmf, ue_mlp, ie_mlp, W1, b1, Wo, bo):
    # GMF branch: elementwise product of user/item embeddings
    gmf = jnp.take(ue_gmf, user_idx, axis=0) * jnp.take(ie_gmf, item_idx, axis=0)
    # MLP branch: concat user/item embeddings, one hidden layer with ReLU
    mlp_input = jnp.concatenate([jnp.take(ue_mlp, user_idx, axis=0), jnp.take(ie_mlp, item_idx, axis=0)], axis=-1)
    mlp_out = jnp.maximum(mlp_input @ W1 + b1, 0.0)
    # Dropout(0.2) is identity in eval mode
    out = jnp.concatenate([gmf, mlp_out], axis=-1)
    return out @ Wo + bo

if __name__ == "__main__":
    import jax
    _d = setup_inputs()
    print(jax.jit(kernel)(*tuple(_d.values())))

</pallas_src>

<mosaic_0001>
#map = affine_map<(d0, d1) -> (0)>
#map1 = affine_map<(d0, d1) -> (0, 0)>
module attributes {stable_mosaic.version = 14 : i64} {
  func.func @body(%arg0: i32, %arg1: i32, %arg2: memref<16384xi32, #tpu.memory_space<hbm>>, %arg3: memref<16384xi32, #tpu.memory_space<hbm>>, %arg4: memref<1000000x128xf32, #tpu.memory_space<hbm>>, %arg5: memref<1000000x128xf32, #tpu.memory_space<hbm>>, %arg6: memref<1000000x128xf32, #tpu.memory_space<hbm>>, %arg7: memref<1000000x128xf32, #tpu.memory_space<hbm>>, %arg8: memref<128xf32, #tpu.memory_space<hbm>>, %arg9: memref<16384xf32, #tpu.memory_space<hbm>>, %arg10: memref<16384x128xf32, #tpu.memory_space<hbm>>, %arg11: memref<16384x128xf32, #tpu.memory_space<hbm>>, %arg12: memref<8x64xi32, #tpu.memory_space<vmem>>, %arg13: memref<8x64xi32, #tpu.memory_space<vmem>>, %arg14: memref<128xf32, #tpu.memory_space<vmem>>, %arg15: memref<64x128xf32, #tpu.memory_space<vmem>>, %arg16: memref<64x128xf32, #tpu.memory_space<vmem>>, %arg17: memref<64x128xf32, #tpu.memory_space<vmem>>, %arg18: memref<64x128xf32, #tpu.memory_space<vmem>>, %arg19: memref<64x128xf32, #tpu.memory_space<vmem>>, %arg20: memref<64x128xf32, #tpu.memory_space<vmem>>, %arg21: memref<64x128xf32, #tpu.memory_space<vmem>>, %arg22: memref<64x128xf32, #tpu.memory_space<vmem>>, %arg23: memref<64x128xf32, #tpu.memory_space<vmem>>, %arg24: memref<64x128xf32, #tpu.memory_space<vmem>>, %arg25: memref<64x128xf32, #tpu.memory_space<vmem>>, %arg26: memref<64x128xf32, #tpu.memory_space<vmem>>, %arg27: memref<64xf32, #tpu.memory_space<vmem>>, %arg28: memref<64xf32, #tpu.memory_space<vmem>>, %arg29: memref<64xf32, #tpu.memory_space<vmem>>, %arg30: memref<!tpu.dma_semaphore, #tpu.memory_space<semaphore_mem>>, %arg31: memref<!tpu.dma_semaphore, #tpu.memory_space<semaphore_mem>>) attributes {dimension_semantics = [#tpu.dimension_semantics<core_parallel>, #tpu.dimension_semantics<subcore_parallel>], iteration_bounds = array<i64: 2, 16>, scalar_prefetch = 0 : i64, scratch_operands = 20 : i64, tpu.core_type = #tpu.core_type<sc_vector_subcore>, window_params = [{transform_indices = #map}, {transform_indices = #map}, {transform_indices = #map1}, {transform_indices = #map1}, {transform_indices = #map1}, {transform_indices = #map1}, {transform_indices = #map}, {transform_indices = #map}, {transform_indices = #map1}, {transform_indices = #map1}]} {
    %mul3A = arith.constant 2 : i32
    %mul3A_0 = arith.muli %arg1, %mul3A : i32
    %add3A = arith.addi %mul3A_0, %arg0 : i32
    %mul3A_1 = arith.constant 512 : i32
    %mul3A_2 = arith.muli %add3A, %mul3A_1 : i32
    %add3A_3 = arith.constant 0 : i32
    %add3A_4 = arith.addi %add3A_3, %mul3A_2 : i32
    %mul3A_5 = arith.constant 512 : i32
    %mul3A_6 = arith.muli %add3A, %mul3A_5 : i32
    "tpu.region"() ({
      %run_scoped3A_940 = tpu.sem_alloc : memref<!tpu.dma_semaphore, #tpu.memory_space<semaphore_mem>>
      tpu.enqueue_dma source(%arg8 : memref<128xf32, #tpu.memory_space<hbm>>) target(%arg14 : memref<128xf32, #tpu.memory_space<vmem>>) target_semaphore(%run_scoped3A_940 : memref<!tpu.dma_semaphore, #tpu.memory_space<semaphore_mem>>)
      tpu.wait_dma2 semaphore(%run_scoped3A_940 : memref<!tpu.dma_semaphore, #tpu.memory_space<semaphore_mem>>) src(%arg8 : memref<128xf32, #tpu.memory_space<hbm>>) dst(%arg14 : memref<128xf32, #tpu.memory_space<vmem>>)
      tpu.yield
    }) : () -> ()
    %add3A_7 = arith.constant 0 : i32
    %add3A_8 = arith.addi %add3A_4, %add3A_7 : i32
    %run_scoped3A = arith.constant 0 : i32
    "tpu.region"() ({
      %run_scoped3A_940 = tpu.sem_alloc : memref<!tpu.dma_semaphore, #tpu.memory_space<semaphore_mem>>
      %dma_start3A_941 = arith.constant 0 : i32
      %dma_start3A_942 = tpu.memref_slice %arg12[%run_scoped3A, %dma_start3A_941] : memref<8x64xi32, #tpu.memory_space<vmem>> -> memref<1x64xi32, #tpu.memory_space<vmem>>
      %dma_start3A_943 = tpu.memref_squeeze %dma_start3A_942 : memref<1x64xi32, #tpu.memory_space<vmem>> -> memref<64xi32, #tpu.memory_space<vmem>>
      %dma_start3A_944 = tpu.memref_slice %arg2[%add3A_8] : memref<16384xi32, #tpu.memory_space<hbm>> -> memref<64xi32, #tpu.memory_space<hbm>>
      %dma_start3A_945 = arith.constant 0 : i32
      %dma_start3A_946 = tpu.memref_slice %arg12[%run_scoped3A, %dma_start3A_945] : memref<8x64xi32, #tpu.memory_space<vmem>> -> memref<1x64xi32, #tpu.memory_space<vmem>>
      %dma_start3A_947 = tpu.memref_squeeze %dma_start3A_946 : memref<1x64xi32, #tpu.memory_space<vmem>> -> memref<64xi32, #tpu.memory_space<vmem>>
      %dma_start3A_948 = tpu.memref_slice %arg2[%add3A_8] : memref<16384xi32, #tpu.memory_space<hbm>> -> memref<64xi32, #tpu.memory_space<hbm>>
      tpu.enqueue_dma source(%dma_start3A_948 : memref<64xi32, #tpu.memory_space<hbm>>) target(%dma_start3A_947 : memref<64xi32, #tpu.memory_space<vmem>>) target_semaphore(%run_scoped3A_940 : memref<!tpu.dma_semaphore, #tpu.memory_space<semaphore_mem>>)
      %dma_wait3A_949 = arith.constant 0 : i32
      %dma_wait3A_950 = tpu.memref_slice %arg12[%run_scoped3A, %dma_wait3A_949] : memref<8x64xi32, #tpu.memory_space<vmem>> -> memref<1x64xi32, #tpu.memory_space<vmem>>
      %dma_wait3A_951 = tpu.memref_squeeze %dma_wait3A_950 : memref<1x64xi32, #tpu.memory_space<vmem>> -> memref<64xi32, #tpu.memory_space<vmem>>
      %dma_wait3A_952 = tpu.memref_slice %arg2[%add3A_8] : memref<16384xi32, #tpu.memory_space<hbm>> -> memref<64xi32, #tpu.memory_space<hbm>>
      %dma_wait3A_953 = arith.constant 0 : i32
      %dma_wait3A_954 = tpu.memref_slice %arg12[%run_scoped3A, %dma_wait3A_953] : memref<8x64xi32, #tpu.memory_space<vmem>> -> memref<1x64xi32, #tpu.memory_space<vmem>>
      %dma_wait3A_955 = tpu.memref_squeeze %dma_wait3A_954 : memref<1x64xi32, #tpu.memory_space<vmem>> -> memref<64xi32, #tpu.memory_space<vmem>>
      %dma_wait3A_956 = tpu.memref_slice %arg2[%add3A_8] : memref<16384xi32, #tpu.memory_space<hbm>> -> memref<64xi32, #tpu.memory_space<hbm>>
      tpu.wait_dma2 semaphore(%run_scoped3A_940 : memref<!tpu.dma_semaphore, #tpu.memory_space<semaphore_mem>>) src(%dma_wait3A_956 : memref<64xi32, #tpu.memory_space<hbm>>) dst(%dma_wait3A_955 : memref<64xi32, #tpu.memory_space<vmem>>)
      tpu.yield
    }) : () -> ()
    %add3A_9 = arith.constant 0 : i32
    %add3A_10 = arith.addi %add3A_4, %add3A_9 : i32
    %run_scoped3A_11 = arith.constant 0 : i32
    "tpu.region"() ({
      %run_scoped3A_940 = tpu.sem_alloc : memref<!tpu.dma_semaphore, #tpu.memory_space<semaphore_mem>>
      %dma_start3A_941 = arith.constant 0 : i32
      %dma_start3A_942 = tpu.memref_slice %arg13[%run_scoped3A_11, %dma_start3A_941] : memref<8x64xi32, #tpu.memory_space<vmem>> -> memref<1x64xi32, #tpu.memory_space<vmem>>
      %dma_start3A_943 = tpu.memref_squeeze %dma_start3A_942 : memref<1x64xi32, #tpu.memory_space<vmem>> -> memref<64xi32, #tpu.memory_space<vmem>>
      %dma_start3A_944 = tpu.memref_slice %arg3[%add3A_10] : memref<16384xi32, #tpu.memory_space<hbm>> -> memref<64xi32, #tpu.memory_space<hbm>>
      %dma_start3A_945 = arith.constant 0 : i32
      %dma_start3A_946 = tpu.memref_slice %arg13[%run_scoped3A_11, %dma_start3A_945] : memref<8x64xi32, #tpu.memory_space<vmem>> -> memref<1x64xi32, #tpu.memory_space<vmem>>
      %dma_start3A_947 = tpu.memref_squeeze %dma_start3A_946 : memref<1x64xi32, #tpu.memory_space<vmem>> -> memref<64xi32, #tpu.memory_space<vmem>>
      %dma_start3A_948 = tpu.memref_slice %arg3[%add3A_10] : memref<16384xi32, #tpu.memory_space<hbm>> -> memref<64xi32, #tpu.memory_space<hbm>>
      tpu.enqueue_dma source(%dma_start3A_948 : memref<64xi32, #tpu.memory_space<hbm>>) target(%dma_start3A_947 : memref<64xi32, #tpu.memory_space<vmem>>) target_semaphore(%run_scoped3A_940 : memref<!tpu.dma_semaphore, #tpu.memory_space<semaphore_mem>>)
      %dma_wait3A_949 = arith.constant 0 : i32
      %dma_wait3A_950 = tpu.memref_slice %arg13[%run_scoped3A_11, %dma_wait3A_949] : memref<8x64xi32, #tpu.memory_space<vmem>> -> memref<1x64xi32, #tpu.memory_space<vmem>>
      %dma_wait3A_951 = tpu.memref_squeeze %dma_wait3A_950 : memref<1x64xi32, #tpu.memory_space<vmem>> -> memref<64xi32, #tpu.memory_space<vmem>>
      %dma_wait3A_952 = tpu.memref_slice %arg3[%add3A_10] : memref<16384xi32, #tpu.memory_space<hbm>> -> memref<64xi32, #tpu.memory_space<hbm>>
      %dma_wait3A_953 = arith.constant 0 : i32
      %dma_wait3A_954 = tpu.memref_slice %arg13[%run_scoped3A_11, %dma_wait3A_953] : memref<8x64xi32, #tpu.memory_space<vmem>> -> memref<1x64xi32, #tpu.memory_space<vmem>>
      %dma_wait3A_955 = tpu.memref_squeeze %dma_wait3A_954 : memref<1x64xi32, #tpu.memory_space<vmem>> -> memref<64xi32, #tpu.memory_space<vmem>>
      %dma_wait3A_956 = tpu.memref_slice %arg3[%add3A_10] : memref<16384xi32, #tpu.memory_space<hbm>> -> memref<64xi32, #tpu.memory_space<hbm>>
      tpu.wait_dma2 semaphore(%run_scoped3A_940 : memref<!tpu.dma_semaphore, #tpu.memory_space<semaphore_mem>>) src(%dma_wait3A_956 : memref<64xi32, #tpu.memory_space<hbm>>) dst(%dma_wait3A_955 : memref<64xi32, #tpu.memory_space<vmem>>)
      tpu.yield
    }) : () -> ()
    %add3A_12 = arith.constant 64 : i32
    %add3A_13 = arith.addi %add3A_4, %add3A_12 : i32
    %run_scoped3A_14 = arith.constant 1 : i32
    "tpu.region"() ({
      %run_scoped3A_940 = tpu.sem_alloc : memref<!tpu.dma_semaphore, #tpu.memory_space<semaphore_mem>>
      %dma_start3A_941 = arith.constant 0 : i32
      %dma_start3A_942 = tpu.memref_slice %arg12[%run_scoped3A_14, %dma_start3A_941] : memref<8x64xi32, #tpu.memory_space<vmem>> -> memref<1x64xi32, #tpu.memory_space<vmem>>
      %dma_start3A_943 = tpu.memref_squeeze %dma_start3A_942 : memref<1x64xi32, #tpu.memory_space<vmem>> -> memref<64xi32, #tpu.memory_space<vmem>>
      %dma_start3A_944 = tpu.memref_slice %arg2[%add3A_13] : memref<16384xi32, #tpu.memory_space<hbm>> -> memref<64xi32, #tpu.memory_space<hbm>>
      %dma_start3A_945 = arith.constant 0 : i32
      %dma_start3A_946 = tpu.memref_slice %arg12[%run_scoped3A_14, %dma_start3A_945] : memref<8x64xi32, #tpu.memory_space<vmem>> -> memref<1x64xi32, #tpu.memory_space<vmem>>
      %dma_start3A_947 = tpu.memref_squeeze %dma_start3A_946 : memref<1x64xi32, #tpu.memory_space<vmem>> -> memref<64xi32, #tpu.memory_space<vmem>>
      %dma_start3A_948 = tpu.memref_slice %arg2[%add3A_13] : memref<16384xi32, #tpu.memory_space<hbm>> -> memref<64xi32, #tpu.memory_space<hbm>>
      tpu.enqueue_dma source(%dma_start3A_948 : memref<64xi32, #tpu.memory_space<hbm>>) target(%dma_start3A_947 : memref<64xi32, #tpu.memory_space<vmem>>) target_semaphore(%run_scoped3A_940 : memref<!tpu.dma_semaphore, #tpu.memory_space<semaphore_mem>>)
      %dma_wait3A_949 = arith.constant 0 : i32
      %dma_wait3A_950 = tpu.memref_slice %arg12[%run_scoped3A_14, %dma_wait3A_949] : memref<8x64xi32, #tpu.memory_space<vmem>> -> memref<1x64xi32, #tpu.memory_space<vmem>>
      %dma_wait3A_951 = tpu.memref_squeeze %dma_wait3A_950 : memref<1x64xi32, #tpu.memory_space<vmem>> -> memref<64xi32, #tpu.memory_space<vmem>>
      %dma_wait3A_952 = tpu.memref_slice %arg2[%add3A_13] : memref<16384xi32, #tpu.memory_space<hbm>> -> memref<64xi32, #tpu.memory_space<hbm>>
      %dma_wait3A_953 = arith.constant 0 : i32
      %dma_wait3A_954 = tpu.memref_slice %arg12[%run_scoped3A_14, %dma_wait3A_953] : memref<8x64xi32, #tpu.memory_space<vmem>> -> memref<1x64xi32, #tpu.memory_space<vmem>>
      %dma_wait3A_955 = tpu.memref_squeeze %dma_wait3A_954 : memref<1x64xi32, #tpu.memory_space<vmem>> -> memref<64xi32, #tpu.memory_space<vmem>>
      %dma_wait3A_956 = tpu.memref_slice %arg2[%add3A_13] : memref<16384xi32, #tpu.memory_space<hbm>> -> memref<64xi32, #tpu.memory_space<hbm>>
      tpu.wait_dma2 semaphore(%run_scoped3A_940 : memref<!tpu.dma_semaphore, #tpu.memory_space<semaphore_mem>>) src(%dma_wait3A_956 : memref<64xi32, #tpu.memory_space<hbm>>) dst(%dma_wait3A_955 : memref<64xi32, #tpu.memory_space<vmem>>)
      tpu.yield
    }) : () -> ()
    %add3A_15 = arith.constant 64 : i32
    %add3A_16 = arith.addi %add3A_4, %add3A_15 : i32
    %run_scoped3A_17 = arith.constant 1 : i32
    "tpu.region"() ({
      %run_scoped3A_940 = tpu.sem_alloc : memref<!tpu.dma_semaphore, #tpu.memory_space<semaphore_mem>>
      %dma_start3A_941 = arith.constant 0 : i32
      %dma_start3A_942 = tpu.memref_slice %arg13[%run_scoped3A_17, %dma_start3A_941] : memref<8x64xi32, #tpu.memory_space<vmem>> -> memref<1x64xi32, #tpu.memory_space<vmem>>
      %dma_start3A_943 = tpu.memref_squeeze %dma_start3A_942 : memref<1x64xi32, #tpu.memory_space<vmem>> -> memref<64xi32, #tpu.memory_space<vmem>>
      %dma_start3A_944 = tpu.memref_slice %arg3[%add3A_16] : memref<16384xi32, #tpu.memory_space<hbm>> -> memref<64xi32, #tpu.memory_space<hbm>>
      %dma_start3A_945 = arith.constant 0 : i32
      %dma_start3A_946 = tpu.memref_slice %arg13[%run_scoped3A_17, %dma_start3A_945] : memref<8x64xi32, #tpu.memory_space<vmem>> -> memref<1x64xi32, #tpu.memory_space<vmem>>
      %dma_start3A_947 = tpu.memref_squeeze %dma_start3A_946 : memref<1x64xi32, #tpu.memory_space<vmem>> -> memref<64xi32, #tpu.memory_space<vmem>>
      %dma_start3A_948 = tpu.memref_slice %arg3[%add3A_16] : memref<16384xi32, #tpu.memory_space<hbm>> -> memref<64xi32, #tpu.memory_space<hbm>>
      tpu.enqueue_dma source(%dma_start3A_948 : memref<64xi32, #tpu.memory_space<hbm>>) target(%dma_start3A_947 : memref<64xi32, #tpu.memory_space<vmem>>) target_semaphore(%run_scoped3A_940 : memref<!tpu.dma_semaphore, #tpu.memory_space<semaphore_mem>>)
      %dma_wait3A_949 = arith.constant 0 : i32
      %dma_wait3A_950 = tpu.memref_slice %arg13[%run_scoped3A_17, %dma_wait3A_949] : memref<8x64xi32, #tpu.memory_space<vmem>> -> memref<1x64xi32, #tpu.memory_space<vmem>>
      %dma_wait3A_951 = tpu.memref_squeeze %dma_wait3A_950 : memref<1x64xi32, #tpu.memory_space<vmem>> -> memref<64xi32, #tpu.memory_space<vmem>>
      %dma_wait3A_952 = tpu.memref_slice %arg3[%add3A_16] : memref<16384xi32, #tpu.memory_space<hbm>> -> memref<64xi32, #tpu.memory_space<hbm>>
      %dma_wait3A_953 = arith.constant 0 : i32
      %dma_wait3A_954 = tpu.memref_slice %arg13[%run_scoped3A_17, %dma_wait3A_953] : memref<8x64xi32, #tpu.memory_space<vmem>> -> memref<1x64xi32, #tpu.memory_space<vmem>>
      %dma_wait3A_955 = tpu.memref_squeeze %dma_wait3A_954 : memref<1x64xi32, #tpu.memory_space<vmem>> -> memref<64xi32, #tpu.memory_space<vmem>>
      %dma_wait3A_956 = tpu.memref_slice %arg3[%add3A_16] : memref<16384xi32, #tpu.memory_space<hbm>> -> memref<64xi32, #tpu.memory_space<hbm>>
      tpu.wait_dma2 semaphore(%run_scoped3A_940 : memref<!tpu.dma_semaphore, #tpu.memory_space<semaphore_mem>>) src(%dma_wait3A_956 : memref<64xi32, #tpu.memory_space<hbm>>) dst(%dma_wait3A_955 : memref<64xi32, #tpu.memory_space<vmem>>)
      tpu.yield
    }) : () -> ()
    %add3A_18 = arith.constant 128 : i32
    %add3A_19 = arith.addi %add3A_4, %add3A_18 : i32
    %run_scoped3A_20 = arith.constant 2 : i32
    "tpu.region"() ({
      %run_scoped3A_940 = tpu.sem_alloc : memref<!tpu.dma_semaphore, #tpu.memory_space<semaphore_mem>>
      %dma_start3A_941 = arith.constant 0 : i32
      %dma_start3A_942 = tpu.memref_slice %arg12[%run_scoped3A_20, %dma_start3A_941] : memref<8x64xi32, #tpu.memory_space<vmem>> -> memref<1x64xi32, #tpu.memory_space<vmem>>
      %dma_start3A_943 = tpu.memref_squeeze %dma_start3A_942 : memref<1x64xi32, #tpu.memory_space<vmem>> -> memref<64xi32, #tpu.memory_space<vmem>>
      %dma_start3A_944 = tpu.memref_slice %arg2[%add3A_19] : memref<16384xi32, #tpu.memory_space<hbm>> -> memref<64xi32, #tpu.memory_space<hbm>>
      %dma_start3A_945 = arith.constant 0 : i32
      %dma_start3A_946 = tpu.memref_slice %arg12[%run_scoped3A_20, %dma_start3A_945] : memref<8x64xi32, #tpu.memory_space<vmem>> -> memref<1x64xi32, #tpu.memory_space<vmem>>
      %dma_start3A_947 = tpu.memref_squeeze %dma_start3A_946 : memref<1x64xi32, #tpu.memory_space<vmem>> -> memref<64xi32, #tpu.memory_space<vmem>>
      %dma_start3A_948 = tpu.memref_slice %arg2[%add3A_19] : memref<16384xi32, #tpu.memory_space<hbm>> -> memref<64xi32, #tpu.memory_space<hbm>>
      tpu.enqueue_dma source(%dma_start3A_948 : memref<64xi32, #tpu.memory_space<hbm>>) target(%dma_start3A_947 : memref<64xi32, #tpu.memory_space<vmem>>) target_semaphore(%run_scoped3A_940 : memref<!tpu.dma_semaphore, #tpu.memory_space<semaphore_mem>>)
      %dma_wait3A_949 = arith.constant 0 : i32
      %dma_wait3A_950 = tpu.memref_slice %arg12[%run_scoped3A_20, %dma_wait3A_949] : memref<8x64xi32, #tpu.memory_space<vmem>> -> memref<1x64xi32, #tpu.memory_space<vmem>>
      %dma_wait3A_951 = tpu.memref_squeeze %dma_wait3A_950 : memref<1x64xi32, #tpu.memory_space<vmem>> -> memref<64xi32, #tpu.memory_space<vmem>>
      %dma_wait3A_952 = tpu.memref_slice %arg2[%add3A_19] : memref<16384xi32, #tpu.memory_space<hbm>> -> memref<64xi32, #tpu.memory_space<hbm>>
      %dma_wait3A_953 = arith.constant 0 : i32
      %dma_wait3A_954 = tpu.memref_slice %arg12[%run_scoped3A_20, %dma_wait3A_953] : memref<8x64xi32, #tpu.memory_space<vmem>> -> memref<1x64xi32, #tpu.memory_space<vmem>>
      %dma_wait3A_955 = tpu.memref_squeeze %dma_wait3A_954 : memref<1x64xi32, #tpu.memory_space<vmem>> -> memref<64xi32, #tpu.memory_space<vmem>>
      %dma_wait3A_956 = tpu.memref_slice %arg2[%add3A_19] : memref<16384xi32, #tpu.memory_space<hbm>> -> memref<64xi32, #tpu.memory_space<hbm>>
      tpu.wait_dma2 semaphore(%run_scoped3A_940 : memref<!tpu.dma_semaphore, #tpu.memory_space<semaphore_mem>>) src(%dma_wait3A_956 : memref<64xi32, #tpu.memory_space<hbm>>) dst(%dma_wait3A_955 : memref<64xi32, #tpu.memory_space<vmem>>)
      tpu.yield
    }) : () -> ()
    %add3A_21 = arith.constant 128 : i32
    %add3A_22 = arith.addi %add3A_4, %add3A_21 : i32
    %run_scoped3A_23 = arith.constant 2 : i32
    "tpu.region"() ({
      %run_scoped3A_940 = tpu.sem_alloc : memref<!tpu.dma_semaphore, #tpu.memory_space<semaphore_mem>>
      %dma_start3A_941 = arith.constant 0 : i32
      %dma_start3A_942 = tpu.memref_slice %arg13[%run_scoped3A_23, %dma_start3A_941] : memref<8x64xi32, #tpu.memory_space<vmem>> -> memref<1x64xi32, #tpu.memory_space<vmem>>
      %dma_start3A_943 = tpu.memref_squeeze %dma_start3A_942 : memref<1x64xi32, #tpu.memory_space<vmem>> -> memref<64xi32, #tpu.memory_space<vmem>>
      %dma_start3A_944 = tpu.memref_slice %arg3[%add3A_22] : memref<16384xi32, #tpu.memory_space<hbm>> -> memref<64xi32, #tpu.memory_space<hbm>>
      %dma_start3A_945 = arith.constant 0 : i32
      %dma_start3A_946 = tpu.memref_slice %arg13[%run_scoped3A_23, %dma_start3A_945] : memref<8x64xi32, #tpu.memory_space<vmem>> -> memref<1x64xi32, #tpu.memory_space<vmem>>
      %dma_start3A_947 = tpu.memref_squeeze %dma_start3A_946 : memref<1x64xi32, #tpu.memory_space<vmem>> -> memref<64xi32, #tpu.memory_space<vmem>>
      %dma_start3A_948 = tpu.memref_slice %arg3[%add3A_22] : memref<16384xi32, #tpu.memory_space<hbm>> -> memref<64xi32, #tpu.memory_space<hbm>>
      tpu.enqueue_dma source(%dma_start3A_948 : memref<64xi32, #tpu.memory_space<hbm>>) target(%dma_start3A_947 : memref<64xi32, #tpu.memory_space<vmem>>) target_semaphore(%run_scoped3A_940 : memref<!tpu.dma_semaphore, #tpu.memory_space<semaphore_mem>>)
      %dma_wait3A_949 = arith.constant 0 : i32
      %dma_wait3A_950 = tpu.memref_slice %arg13[%run_scoped3A_23, %dma_wait3A_949] : memref<8x64xi32, #tpu.memory_space<vmem>> -> memref<1x64xi32, #tpu.memory_space<vmem>>
      %dma_wait3A_951 = tpu.memref_squeeze %dma_wait3A_950 : memref<1x64xi32, #tpu.memory_space<vmem>> -> memref<64xi32, #tpu.memory_space<vmem>>
      %dma_wait3A_952 = tpu.memref_slice %arg3[%add3A_22] : memref<16384xi32, #tpu.memory_space<hbm>> -> memref<64xi32, #tpu.memory_space<hbm>>
      %dma_wait3A_953 = arith.constant 0 : i32
      %dma_wait3A_954 = tpu.memref_slice %arg13[%run_scoped3A_23, %dma_wait3A_953] : memref<8x64xi32, #tpu.memory_space<vmem>> -> memref<1x64xi32, #tpu.memory_space<vmem>>
      %dma_wait3A_955 = tpu.memref_squeeze %dma_wait3A_954 : memref<1x64xi32, #tpu.memory_space<vmem>> -> memref<64xi32, #tpu.memory_space<vmem>>
      %dma_wait3A_956 = tpu.memref_slice %arg3[%add3A_22] : memref<16384xi32, #tpu.memory_space<hbm>> -> memref<64xi32, #tpu.memory_space<hbm>>
      tpu.wait_dma2 semaphore(%run_scoped3A_940 : memref<!tpu.dma_semaphore, #tpu.memory_space<semaphore_mem>>) src(%dma_wait3A_956 : memref<64xi32, #tpu.memory_space<hbm>>) dst(%dma_wait3A_955 : memref<64xi32, #tpu.memory_space<vmem>>)
      tpu.yield
    }) : () -> ()
    %add3A_24 = arith.constant 192 : i32
    %add3A_25 = arith.addi %add3A_4, %add3A_24 : i32
    %run_scoped3A_26 = arith.constant 3 : i32
    "tpu.region"() ({
      %run_scoped3A_940 = tpu.sem_alloc : memref<!tpu.dma_semaphore, #tpu.memory_space<semaphore_mem>>
      %dma_start3A_941 = arith.constant 0 : i32
      %dma_start3A_942 = tpu.memref_slice %arg12[%run_scoped3A_26, %dma_start3A_941] : memref<8x64xi32, #tpu.memory_space<vmem>> -> memref<1x64xi32, #tpu.memory_space<vmem>>
      %dma_start3A_943 = tpu.memref_squeeze %dma_start3A_942 : memref<1x64xi32, #tpu.memory_space<vmem>> -> memref<64xi32, #tpu.memory_space<vmem>>
      %dma_start3A_944 = tpu.memref_slice %arg2[%add3A_25] : memref<16384xi32, #tpu.memory_space<hbm>> -> memref<64xi32, #tpu.memory_space<hbm>>
      %dma_start3A_945 = arith.constant 0 : i32
      %dma_start3A_946 = tpu.memref_slice %arg12[%run_scoped3A_26, %dma_start3A_945] : memref<8x64xi32, #tpu.memory_space<vmem>> -> memref<1x64xi32, #tpu.memory_space<vmem>>
      %dma_start3A_947 = tpu.memref_squeeze %dma_start3A_946 : memref<1x64xi32, #tpu.memory_space<vmem>> -> memref<64xi32, #tpu.memory_space<vmem>>
      %dma_start3A_948 = tpu.memref_slice %arg2[%add3A_25] : memref<16384xi32, #tpu.memory_space<hbm>> -> memref<64xi32, #tpu.memory_space<hbm>>
      tpu.enqueue_dma source(%dma_start3A_948 : memref<64xi32, #tpu.memory_space<hbm>>) target(%dma_start3A_947 : memref<64xi32, #tpu.memory_space<vmem>>) target_semaphore(%run_scoped3A_940 : memref<!tpu.dma_semaphore, #tpu.memory_space<semaphore_mem>>)
      %dma_wait3A_949 = arith.constant 0 : i32
      %dma_wait3A_950 = tpu.memref_slice %arg12[%run_scoped3A_26, %dma_wait3A_949] : memref<8x64xi32, #tpu.memory_space<vmem>> -> memref<1x64xi32, #tpu.memory_space<vmem>>
      %dma_wait3A_951 = tpu.memref_squeeze %dma_wait3A_950 : memref<1x64xi32, #tpu.memory_space<vmem>> -> memref<64xi32, #tpu.memory_space<vmem>>
      %dma_wait3A_952 = tpu.memref_slice %arg2[%add3A_25] : memref<16384xi32, #tpu.memory_space<hbm>> -> memref<64xi32, #tpu.memory_space<hbm>>
      %dma_wait3A_953 = arith.constant 0 : i32
      %dma_wait3A_954 = tpu.memref_slice %arg12[%run_scoped3A_26, %dma_wait3A_953] : memref<8x64xi32, #tpu.memory_space<vmem>> -> memref<1x64xi32, #tpu.memory_space<vmem>>
      %dma_wait3A_955 = tpu.memref_squeeze %dma_wait3A_954 : memref<1x64xi32, #tpu.memory_space<vmem>> -> memref<64xi32, #tpu.memory_space<vmem>>
      %dma_wait3A_956 = tpu.memref_slice %arg2[%add3A_25] : memref<16384xi32, #tpu.memory_space<hbm>> -> memref<64xi32, #tpu.memory_space<hbm>>
      tpu.wait_dma2 semaphore(%run_scoped3A_940 : memref<!tpu.dma_semaphore, #tpu.memory_space<semaphore_mem>>) src(%dma_wait3A_956 : memref<64xi32, #tpu.memory_space<hbm>>) dst(%dma_wait3A_955 : memref<64xi32, #tpu.memory_space<vmem>>)
      tpu.yield
    }) : () -> ()
    %add3A_27 = arith.constant 192 : i32
    %add3A_28 = arith.addi %add3A_4, %add3A_27 : i32
    %run_scoped3A_29 = arith.constant 3 : i32
    "tpu.region"() ({
      %run_scoped3A_940 = tpu.sem_alloc : memref<!tpu.dma_semaphore, #tpu.memory_space<semaphore_mem>>
      %dma_start3A_941 = arith.constant 0 : i32
      %dma_start3A_942 = tpu.memref_slice %arg13[%run_scoped3A_29, %dma_start3A_941] : memref<8x64xi32, #tpu.memory_space<vmem>> -> memref<1x64xi32, #tpu.memory_space<vmem>>
      %dma_start3A_943 = tpu.memref_squeeze %dma_start3A_942 : memref<1x64xi32, #tpu.memory_space<vmem>> -> memref<64xi32, #tpu.memory_space<vmem>>
      %dma_start3A_944 = tpu.memref_slice %arg3[%add3A_28] : memref<16384xi32, #tpu.memory_space<hbm>> -> memref<64xi32, #tpu.memory_space<hbm>>
      %dma_start3A_945 = arith.constant 0 : i32
      %dma_start3A_946 = tpu.memref_slice %arg13[%run_scoped3A_29, %dma_start3A_945] : memref<8x64xi32, #tpu.memory_space<vmem>> -> memref<1x64xi32, #tpu.memory_space<vmem>>
      %dma_start3A_947 = tpu.memref_squeeze %dma_start3A_946 : memref<1x64xi32, #tpu.memory_space<vmem>> -> memref<64xi32, #tpu.memory_space<vmem>>
      %dma_start3A_948 = tpu.memref_slice %arg3[%add3A_28] : memref<16384xi32, #tpu.memory_space<hbm>> -> memref<64xi32, #tpu.memory_space<hbm>>
      tpu.enqueue_dma source(%dma_start3A_948 : memref<64xi32, #tpu.memory_space<hbm>>) target(%dma_start3A_947 : memref<64xi32, #tpu.memory_space<vmem>>) target_semaphore(%run_scoped3A_940 : memref<!tpu.dma_semaphore, #tpu.memory_space<semaphore_mem>>)
      %dma_wait3A_949 = arith.constant 0 : i32
      %dma_wait3A_950 = tpu.memref_slice %arg13[%run_scoped3A_29, %dma_wait3A_949] : memref<8x64xi32, #tpu.memory_space<vmem>> -> memref<1x64xi32, #tpu.memory_space<vmem>>
      %dma_wait3A_951 = tpu.memref_squeeze %dma_wait3A_950 : memref<1x64xi32, #tpu.memory_space<vmem>> -> memref<64xi32, #tpu.memory_space<vmem>>
      %dma_wait3A_952 = tpu.memref_slice %arg3[%add3A_28] : memref<16384xi32, #tpu.memory_space<hbm>> -> memref<64xi32, #tpu.memory_space<hbm>>
      %dma_wait3A_953 = arith.constant 0 : i32
      %dma_wait3A_954 = tpu.memref_slice %arg13[%run_scoped3A_29, %dma_wait3A_953] : memref<8x64xi32, #tpu.memory_space<vmem>> -> memref<1x64xi32, #tpu.memory_space<vmem>>
      %dma_wait3A_955 = tpu.memref_squeeze %dma_wait3A_954 : memref<1x64xi32, #tpu.memory_space<vmem>> -> memref<64xi32, #tpu.memory_space<vmem>>
      %dma_wait3A_956 = tpu.memref_slice %arg3[%add3A_28] : memref<16384xi32, #tpu.memory_space<hbm>> -> memref<64xi32, #tpu.memory_space<hbm>>
      tpu.wait_dma2 semaphore(%run_scoped3A_940 : memref<!tpu.dma_semaphore, #tpu.memory_space<semaphore_mem>>) src(%dma_wait3A_956 : memref<64xi32, #tpu.memory_space<hbm>>) dst(%dma_wait3A_955 : memref<64xi32, #tpu.memory_space<vmem>>)
      tpu.yield
    }) : () -> ()
    %add3A_30 = arith.constant 256 : i32
    %add3A_31 = arith.addi %add3A_4, %add3A_30 : i32
    %run_scoped3A_32 = arith.constant 4 : i32
    "tpu.region"() ({
      %run_scoped3A_940 = tpu.sem_alloc : memref<!tpu.dma_semaphore, #tpu.memory_space<semaphore_mem>>
      %dma_start3A_941 = arith.constant 0 : i32
      %dma_start3A_942 = tpu.memref_slice %arg12[%run_scoped3A_32, %dma_start3A_941] : memref<8x64xi32, #tpu.memory_space<vmem>> -> memref<1x64xi32, #tpu.memory_space<vmem>>
      %dma_start3A_943 = tpu.memref_squeeze %dma_start3A_942 : memref<1x64xi32, #tpu.memory_space<vmem>> -> memref<64xi32, #tpu.memory_space<vmem>>
      %dma_start3A_944 = tpu.memref_slice %arg2[%add3A_31] : memref<16384xi32, #tpu.memory_space<hbm>> -> memref<64xi32, #tpu.memory_space<hbm>>
      %dma_start3A_945 = arith.constant 0 : i32
      %dma_start3A_946 = tpu.memref_slice %arg12[%run_scoped3A_32, %dma_start3A_945] : memref<8x64xi32, #tpu.memory_space<vmem>> -> memref<1x64xi32, #tpu.memory_space<vmem>>
      %dma_start3A_947 = tpu.memref_squeeze %dma_start3A_946 : memref<1x64xi32, #tpu.memory_space<vmem>> -> memref<64xi32, #tpu.memory_space<vmem>>
      %dma_start3A_948 = tpu.memref_slice %arg2[%add3A_31] : memref<16384xi32, #tpu.memory_space<hbm>> -> memref<64xi32, #tpu.memory_space<hbm>>
      tpu.enqueue_dma source(%dma_start3A_948 : memref<64xi32, #tpu.memory_space<hbm>>) target(%dma_start3A_947 : memref<64xi32, #tpu.memory_space<vmem>>) target_semaphore(%run_scoped3A_940 : memref<!tpu.dma_semaphore, #tpu.memory_space<semaphore_mem>>)
      %dma_wait3A_949 = arith.constant 0 : i32
      %dma_wait3A_950 = tpu.memref_slice %arg12[%run_scoped3A_32, %dma_wait3A_949] : memref<8x64xi32, #tpu.memory_space<vmem>> -> memref<1x64xi32, #tpu.memory_space<vmem>>
      %dma_wait3A_951 = tpu.memref_squeeze %dma_wait3A_950 : memref<1x64xi32, #tpu.memory_space<vmem>> -> memref<64xi32, #tpu.memory_space<vmem>>
      %dma_wait3A_952 = tpu.memref_slice %arg2[%add3A_31] : memref<16384xi32, #tpu.memory_space<hbm>> -> memref<64xi32, #tpu.memory_space<hbm>>
      %dma_wait3A_953 = arith.constant 0 : i32
      %dma_wait3A_954 = tpu.memref_slice %arg12[%run_scoped3A_32, %dma_wait3A_953] : memref<8x64xi32, #tpu.memory_space<vmem>> -> memref<1x64xi32, #tpu.memory_space<vmem>>
      %dma_wait3A_955 = tpu.memref_squeeze %dma_wait3A_954 : memref<1x64xi32, #tpu.memory_space<vmem>> -> memref<64xi32, #tpu.memory_space<vmem>>
      %dma_wait3A_956 = tpu.memref_slice %arg2[%add3A_31] : memref<16384xi32, #tpu.memory_space<hbm>> -> memref<64xi32, #tpu.memory_space<hbm>>
      tpu.wait_dma2 semaphore(%run_scoped3A_940 : memref<!tpu.dma_semaphore, #tpu.memory_space<semaphore_mem>>) src(%dma_wait3A_956 : memref<64xi32, #tpu.memory_space<hbm>>) dst(%dma_wait3A_955 : memref<64xi32, #tpu.memory_space<vmem>>)
      tpu.yield
    }) : () -> ()
    %add3A_33 = arith.constant 256 : i32
    %add3A_34 = arith.addi %add3A_4, %add3A_33 : i32
    %run_scoped3A_35 = arith.constant 4 : i32
    "tpu.region"() ({
      %run_scoped3A_940 = tpu.sem_alloc : memref<!tpu.dma_semaphore, #tpu.memory_space<semaphore_mem>>
      %dma_start3A_941 = arith.constant 0 : i32
      %dma_start3A_942 = tpu.memref_slice %arg13[%run_scoped3A_35, %dma_start3A_941] : memref<8x64xi32, #tpu.memory_space<vmem>> -> memref<1x64xi32, #tpu.memory_space<vmem>>
      %dma_start3A_943 = tpu.memref_squeeze %dma_start3A_942 : memref<1x64xi32, #tpu.memory_space<vmem>> -> memref<64xi32, #tpu.memory_space<vmem>>
      %dma_start3A_944 = tpu.memref_slice %arg3[%add3A_34] : memref<16384xi32, #tpu.memory_space<hbm>> -> memref<64xi32, #tpu.memory_space<hbm>>
      %dma_start3A_945 = arith.constant 0 : i32
      %dma_start3A_946 = tpu.memref_slice %arg13[%run_scoped3A_35, %dma_start3A_945] : memref<8x64xi32, #tpu.memory_space<vmem>> -> memref<1x64xi32, #tpu.memory_space<vmem>>
      %dma_start3A_947 = tpu.memref_squeeze %dma_start3A_946 : memref<1x64xi32, #tpu.memory_space<vmem>> -> memref<64xi32, #tpu.memory_space<vmem>>
      %dma_start3A_948 = tpu.memref_slice %arg3[%add3A_34] : memref<16384xi32, #tpu.memory_space<hbm>> -> memref<64xi32, #tpu.memory_space<hbm>>
      tpu.enqueue_dma source(%dma_start3A_948 : memref<64xi32, #tpu.memory_space<hbm>>) target(%dma_start3A_947 : memref<64xi32, #tpu.memory_space<vmem>>) target_semaphore(%run_scoped3A_940 : memref<!tpu.dma_semaphore, #tpu.memory_space<semaphore_mem>>)
      %dma_wait3A_949 = arith.constant 0 : i32
      %dma_wait3A_950 = tpu.memref_slice %arg13[%run_scoped3A_35, %dma_wait3A_949] : memref<8x64xi32, #tpu.memory_space<vmem>> -> memref<1x64xi32, #tpu.memory_space<vmem>>
      %dma_wait3A_951 = tpu.memref_squeeze %dma_wait3A_950 : memref<1x64xi32, #tpu.memory_space<vmem>> -> memref<64xi32, #tpu.memory_space<vmem>>
      %dma_wait3A_952 = tpu.memref_slice %arg3[%add3A_34] : memref<16384xi32, #tpu.memory_space<hbm>> -> memref<64xi32, #tpu.memory_space<hbm>>
      %dma_wait3A_953 = arith.constant 0 : i32
      %dma_wait3A_954 = tpu.memref_slice %arg13[%run_scoped3A_35, %dma_wait3A_953] : memref<8x64xi32, #tpu.memory_space<vmem>> -> memref<1x64xi32, #tpu.memory_space<vmem>>
      %dma_wait3A_955 = tpu.memref_squeeze %dma_wait3A_954 : memref<1x64xi32, #tpu.memory_space<vmem>> -> memref<64xi32, #tpu.memory_space<vmem>>
      %dma_wait3A_956 = tpu.memref_slice %arg3[%add3A_34] : memref<16384xi32, #tpu.memory_space<hbm>> -> memref<64xi32, #tpu.memory_space<hbm>>
      tpu.wait_dma2 semaphore(%run_scoped3A_940 : memref<!tpu.dma_semaphore, #tpu.memory_space<semaphore_mem>>) src(%dma_wait3A_956 : memref<64xi32, #tpu.memory_space<hbm>>) dst(%dma_wait3A_955 : memref<64xi32, #tpu.memory_space<vmem>>)
      tpu.yield
    }) : () -> ()
    %add3A_36 = arith.constant 320 : i32
    %add3A_37 = arith.addi %add3A_4, %add3A_36 : i32
    %run_scoped3A_38 = arith.constant 5 : i32
    "tpu.region"() ({
      %run_scoped3A_940 = tpu.sem_alloc : memref<!tpu.dma_semaphore, #tpu.memory_space<semaphore_mem>>
      %dma_start3A_941 = arith.constant 0 : i32
      %dma_start3A_942 = tpu.memref_slice %arg12[%run_scoped3A_38, %dma_start3A_941] : memref<8x64xi32, #tpu.memory_space<vmem>> -> memref<1x64xi32, #tpu.memory_space<vmem>>
      %dma_start3A_943 = tpu.memref_squeeze %dma_start3A_942 : memref<1x64xi32, #tpu.memory_space<vmem>> -> memref<64xi32, #tpu.memory_space<vmem>>
      %dma_start3A_944 = tpu.memref_slice %arg2[%add3A_37] : memref<16384xi32, #tpu.memory_space<hbm>> -> memref<64xi32, #tpu.memory_space<hbm>>
      %dma_start3A_945 = arith.constant 0 : i32
      %dma_start3A_946 = tpu.memref_slice %arg12[%run_scoped3A_38, %dma_start3A_945] : memref<8x64xi32, #tpu.memory_space<vmem>> -> memref<1x64xi32, #tpu.memory_space<vmem>>
      %dma_start3A_947 = tpu.memref_squeeze %dma_start3A_946 : memref<1x64xi32, #tpu.memory_space<vmem>> -> memref<64xi32, #tpu.memory_space<vmem>>
      %dma_start3A_948 = tpu.memref_slice %arg2[%add3A_37] : memref<16384xi32, #tpu.memory_space<hbm>> -> memref<64xi32, #tpu.memory_space<hbm>>
      tpu.enqueue_dma source(%dma_start3A_948 : memref<64xi32, #tpu.memory_space<hbm>>) target(%dma_start3A_947 : memref<64xi32, #tpu.memory_space<vmem>>) target_semaphore(%run_scoped3A_940 : memref<!tpu.dma_semaphore, #tpu.memory_space<semaphore_mem>>)
      %dma_wait3A_949 = arith.constant 0 : i32
      %dma_wait3A_950 = tpu.memref_slice %arg12[%run_scoped3A_38, %dma_wait3A_949] : memref<8x64xi32, #tpu.memory_space<vmem>> -> memref<1x64xi32, #tpu.memory_space<vmem>>
      %dma_wait3A_951 = tpu.memref_squeeze %dma_wait3A_950 : memref<1x64xi32, #tpu.memory_space<vmem>> -> memref<64xi32, #tpu.memory_space<vmem>>
      %dma_wait3A_952 = tpu.memref_slice %arg2[%add3A_37] : memref<16384xi32, #tpu.memory_space<hbm>> -> memref<64xi32, #tpu.memory_space<hbm>>
      %dma_wait3A_953 = arith.constant 0 : i32
      %dma_wait3A_954 = tpu.memref_slice %arg12[%run_scoped3A_38, %dma_wait3A_953] : memref<8x64xi32, #tpu.memory_space<vmem>> -> memref<1x64xi32, #tpu.memory_space<vmem>>
      %dma_wait3A_955 = tpu.memref_squeeze %dma_wait3A_954 : memref<1x64xi32, #tpu.memory_space<vmem>> -> memref<64xi32, #tpu.memory_space<vmem>>
      %dma_wait3A_956 = tpu.memref_slice %arg2[%add3A_37] : memref<16384xi32, #tpu.memory_space<hbm>> -> memref<64xi32, #tpu.memory_space<hbm>>
      tpu.wait_dma2 semaphore(%run_scoped3A_940 : memref<!tpu.dma_semaphore, #tpu.memory_space<semaphore_mem>>) src(%dma_wait3A_956 : memref<64xi32, #tpu.memory_space<hbm>>) dst(%dma_wait3A_955 : memref<64xi32, #tpu.memory_space<vmem>>)
      tpu.yield
    }) : () -> ()
    %add3A_39 = arith.constant 320 : i32
    %add3A_40 = arith.addi %add3A_4, %add3A_39 : i32
    %run_scoped3A_41 = arith.constant 5 : i32
    "tpu.region"() ({
      %run_scoped3A_940 = tpu.sem_alloc : memref<!tpu.dma_semaphore, #tpu.memory_space<semaphore_mem>>
      %dma_start3A_941 = arith.constant 0 : i32
      %dma_start3A_942 = tpu.memref_slice %arg13[%run_scoped3A_41, %dma_start3A_941] : memref<8x64xi32, #tpu.memory_space<vmem>> -> memref<1x64xi32, #tpu.memory_space<vmem>>
      %dma_start3A_943 = tpu.memref_squeeze %dma_start3A_942 : memref<1x64xi32, #tpu.memory_space<vmem>> -> memref<64xi32, #tpu.memory_space<vmem>>
      %dma_start3A_944 = tpu.memref_slice %arg3[%add3A_40] : memref<16384xi32, #tpu.memory_space<hbm>> -> memref<64xi32, #tpu.memory_space<hbm>>
      %dma_start3A_945 = arith.constant 0 : i32
      %dma_start3A_946 = tpu.memref_slice %arg13[%run_scoped3A_41, %dma_start3A_945] : memref<8x64xi32, #tpu.memory_space<vmem>> -> memref<1x64xi32, #tpu.memory_space<vmem>>
      %dma_start3A_947 = tpu.memref_squeeze %dma_start3A_946 : memref<1x64xi32, #tpu.memory_space<vmem>> -> memref<64xi32, #tpu.memory_space<vmem>>
      %dma_start3A_948 = tpu.memref_slice %arg3[%add3A_40] : memref<16384xi32, #tpu.memory_space<hbm>> -> memref<64xi32, #tpu.memory_space<hbm>>
      tpu.enqueue_dma source(%dma_start3A_948 : memref<64xi32, #tpu.memory_space<hbm>>) target(%dma_start3A_947 : memref<64xi32, #tpu.memory_space<vmem>>) target_semaphore(%run_scoped3A_940 : memref<!tpu.dma_semaphore, #tpu.memory_space<semaphore_mem>>)
      %dma_wait3A_949 = arith.constant 0 : i32
      %dma_wait3A_950 = tpu.memref_slice %arg13[%run_scoped3A_41, %dma_wait3A_949] : memref<8x64xi32, #tpu.memory_space<vmem>> -> memref<1x64xi32, #tpu.memory_space<vmem>>
      %dma_wait3A_951 = tpu.memref_squeeze %dma_wait3A_950 : memref<1x64xi32, #tpu.memory_space<vmem>> -> memref<64xi32, #tpu.memory_space<vmem>>
      %dma_wait3A_952 = tpu.memref_slice %arg3[%add3A_40] : memref<16384xi32, #tpu.memory_space<hbm>> -> memref<64xi32, #tpu.memory_space<hbm>>
      %dma_wait3A_953 = arith.constant 0 : i32
      %dma_wait3A_954 = tpu.memref_slice %arg13[%run_scoped3A_41, %dma_wait3A_953] : memref<8x64xi32, #tpu.memory_space<vmem>> -> memref<1x64xi32, #tpu.memory_space<vmem>>
      %dma_wait3A_955 = tpu.memref_squeeze %dma_wait3A_954 : memref<1x64xi32, #tpu.memory_space<vmem>> -> memref<64xi32, #tpu.memory_space<vmem>>
      %dma_wait3A_956 = tpu.memref_slice %arg3[%add3A_40] : memref<16384xi32, #tpu.memory_space<hbm>> -> memref<64xi32, #tpu.memory_space<hbm>>
      tpu.wait_dma2 semaphore(%run_scoped3A_940 : memref<!tpu.dma_semaphore, #tpu.memory_space<semaphore_mem>>) src(%dma_wait3A_956 : memref<64xi32, #tpu.memory_space<hbm>>) dst(%dma_wait3A_955 : memref<64xi32, #tpu.memory_space<vmem>>)
      tpu.yield
    }) : () -> ()
    %add3A_42 = arith.constant 384 : i32
    %add3A_43 = arith.addi %add3A_4, %add3A_42 : i32
    %run_scoped3A_44 = arith.constant 6 : i32
    "tpu.region"() ({
      %run_scoped3A_940 = tpu.sem_alloc : memref<!tpu.dma_semaphore, #tpu.memory_space<semaphore_mem>>
      %dma_start3A_941 = arith.constant 0 : i32
      %dma_start3A_942 = tpu.memref_slice %arg12[%run_scoped3A_44, %dma_start3A_941] : memref<8x64xi32, #tpu.memory_space<vmem>> -> memref<1x64xi32, #tpu.memory_space<vmem>>
      %dma_start3A_943 = tpu.memref_squeeze %dma_start3A_942 : memref<1x64xi32, #tpu.memory_space<vmem>> -> memref<64xi32, #tpu.memory_space<vmem>>
      %dma_start3A_944 = tpu.memref_slice %arg2[%add3A_43] : memref<16384xi32, #tpu.memory_space<hbm>> -> memref<64xi32, #tpu.memory_space<hbm>>
      %dma_start3A_945 = arith.constant 0 : i32
      %dma_start3A_946 = tpu.memref_slice %arg12[%run_scoped3A_44, %dma_start3A_945] : memref<8x64xi32, #tpu.memory_space<vmem>> -> memref<1x64xi32, #tpu.memory_space<vmem>>
      %dma_start3A_947 = tpu.memref_squeeze %dma_start3A_946 : memref<1x64xi32, #tpu.memory_space<vmem>> -> memref<64xi32, #tpu.memory_space<vmem>>
      %dma_start3A_948 = tpu.memref_slice %arg2[%add3A_43] : memref<16384xi32, #tpu.memory_space<hbm>> -> memref<64xi32, #tpu.memory_space<hbm>>
      tpu.enqueue_dma source(%dma_start3A_948 : memref<64xi32, #tpu.memory_space<hbm>>) target(%dma_start3A_947 : memref<64xi32, #tpu.memory_space<vmem>>) target_semaphore(%run_scoped3A_940 : memref<!tpu.dma_semaphore, #tpu.memory_space<semaphore_mem>>)
      %dma_wait3A_949 = arith.constant 0 : i32
      %dma_wait3A_950 = tpu.memref_slice %arg12[%run_scoped3A_44, %dma_wait3A_949] : memref<8x64xi32, #tpu.memory_space<vmem>> -> memref<1x64xi32, #tpu.memory_space<vmem>>
      %dma_wait3A_951 = tpu.memref_squeeze %dma_wait3A_950 : memref<1x64xi32, #tpu.memory_space<vmem>> -> memref<64xi32, #tpu.memory_space<vmem>>
      %dma_wait3A_952 = tpu.memref_slice %arg2[%add3A_43] : memref<16384xi32, #tpu.memory_space<hbm>> -> memref<64xi32, #tpu.memory_space<hbm>>
      %dma_wait3A_953 = arith.constant 0 : i32
      %dma_wait3A_954 = tpu.memref_slice %arg12[%run_scoped3A_44, %dma_wait3A_953] : memref<8x64xi32, #tpu.memory_space<vmem>> -> memref<1x64xi32, #tpu.memory_space<vmem>>
      %dma_wait3A_955 = tpu.memref_squeeze %dma_wait3A_954 : memref<1x64xi32, #tpu.memory_space<vmem>> -> memref<64xi32, #tpu.memory_space<vmem>>
      %dma_wait3A_956 = tpu.memref_slice %arg2[%add3A_43] : memref<16384xi32, #tpu.memory_space<hbm>> -> memref<64xi32, #tpu.memory_space<hbm>>
      tpu.wait_dma2 semaphore(%run_scoped3A_940 : memref<!tpu.dma_semaphore, #tpu.memory_space<semaphore_mem>>) src(%dma_wait3A_956 : memref<64xi32, #tpu.memory_space<hbm>>) dst(%dma_wait3A_955 : memref<64xi32, #tpu.memory_space<vmem>>)
      tpu.yield
    }) : () -> ()
    %add3A_45 = arith.constant 384 : i32
    %add3A_46 = arith.addi %add3A_4, %add3A_45 : i32
    %run_scoped3A_47 = arith.constant 6 : i32
    "tpu.region"() ({
      %run_scoped3A_940 = tpu.sem_alloc : memref<!tpu.dma_semaphore, #tpu.memory_space<semaphore_mem>>
      %dma_start3A_941 = arith.constant 0 : i32
      %dma_start3A_942 = tpu.memref_slice %arg13[%run_scoped3A_47, %dma_start3A_941] : memref<8x64xi32, #tpu.memory_space<vmem>> -> memref<1x64xi32, #tpu.memory_space<vmem>>
      %dma_start3A_943 = tpu.memref_squeeze %dma_start3A_942 : memref<1x64xi32, #tpu.memory_space<vmem>> -> memref<64xi32, #tpu.memory_space<vmem>>
      %dma_start3A_944 = tpu.memref_slice %arg3[%add3A_46] : memref<16384xi32, #tpu.memory_space<hbm>> -> memref<64xi32, #tpu.memory_space<hbm>>
      %dma_start3A_945 = arith.constant 0 : i32
      %dma_start3A_946 = tpu.memref_slice %arg13[%run_scoped3A_47, %dma_start3A_945] : memref<8x64xi32, #tpu.memory_space<vmem>> -> memref<1x64xi32, #tpu.memory_space<vmem>>
      %dma_start3A_947 = tpu.memref_squeeze %dma_start3A_946 : memref<1x64xi32, #tpu.memory_space<vmem>> -> memref<64xi32, #tpu.memory_space<vmem>>
      %dma_start3A_948 = tpu.memref_slice %arg3[%add3A_46] : memref<16384xi32, #tpu.memory_space<hbm>> -> memref<64xi32, #tpu.memory_space<hbm>>
      tpu.enqueue_dma source(%dma_start3A_948 : memref<64xi32, #tpu.memory_space<hbm>>) target(%dma_start3A_947 : memref<64xi32, #tpu.memory_space<vmem>>) target_semaphore(%run_scoped3A_940 : memref<!tpu.dma_semaphore, #tpu.memory_space<semaphore_mem>>)
      %dma_wait3A_949 = arith.constant 0 : i32
      %dma_wait3A_950 = tpu.memref_slice %arg13[%run_scoped3A_47, %dma_wait3A_949] : memref<8x64xi32, #tpu.memory_space<vmem>> -> memref<1x64xi32, #tpu.memory_space<vmem>>
      %dma_wait3A_951 = tpu.memref_squeeze %dma_wait3A_950 : memref<1x64xi32, #tpu.memory_space<vmem>> -> memref<64xi32, #tpu.memory_space<vmem>>
      %dma_wait3A_952 = tpu.memref_slice %arg3[%add3A_46] : memref<16384xi32, #tpu.memory_space<hbm>> -> memref<64xi32, #tpu.memory_space<hbm>>
      %dma_wait3A_953 = arith.constant 0 : i32
      %dma_wait3A_954 = tpu.memref_slice %arg13[%run_scoped3A_47, %dma_wait3A_953] : memref<8x64xi32, #tpu.memory_space<vmem>> -> memref<1x64xi32, #tpu.memory_space<vmem>>
      %dma_wait3A_955 = tpu.memref_squeeze %dma_wait3A_954 : memref<1x64xi32, #tpu.memory_space<vmem>> -> memref<64xi32, #tpu.memory_space<vmem>>
      %dma_wait3A_956 = tpu.memref_slice %arg3[%add3A_46] : memref<16384xi32, #tpu.memory_space<hbm>> -> memref<64xi32, #tpu.memory_space<hbm>>
      tpu.wait_dma2 semaphore(%run_scoped3A_940 : memref<!tpu.dma_semaphore, #tpu.memory_space<semaphore_mem>>) src(%dma_wait3A_956 : memref<64xi32, #tpu.memory_space<hbm>>) dst(%dma_wait3A_955 : memref<64xi32, #tpu.memory_space<vmem>>)
      tpu.yield
    }) : () -> ()
    %add3A_48 = arith.constant 448 : i32
    %add3A_49 = arith.addi %add3A_4, %add3A_48 : i32
    %run_scoped3A_50 = arith.constant 7 : i32
    "tpu.region"() ({
      %run_scoped3A_940 = tpu.sem_alloc : memref<!tpu.dma_semaphore, #tpu.memory_space<semaphore_mem>>
      %dma_start3A_941 = arith.constant 0 : i32
      %dma_start3A_942 = tpu.memref_slice %arg12[%run_scoped3A_50, %dma_start3A_941] : memref<8x64xi32, #tpu.memory_space<vmem>> -> memref<1x64xi32, #tpu.memory_space<vmem>>
      %dma_start3A_943 = tpu.memref_squeeze %dma_start3A_942 : memref<1x64xi32, #tpu.memory_space<vmem>> -> memref<64xi32, #tpu.memory_space<vmem>>
      %dma_start3A_944 = tpu.memref_slice %arg2[%add3A_49] : memref<16384xi32, #tpu.memory_space<hbm>> -> memref<64xi32, #tpu.memory_space<hbm>>
      %dma_start3A_945 = arith.constant 0 : i32
      %dma_start3A_946 = tpu.memref_slice %arg12[%run_scoped3A_50, %dma_start3A_945] : memref<8x64xi32, #tpu.memory_space<vmem>> -> memref<1x64xi32, #tpu.memory_space<vmem>>
      %dma_start3A_947 = tpu.memref_squeeze %dma_start3A_946 : memref<1x64xi32, #tpu.memory_space<vmem>> -> memref<64xi32, #tpu.memory_space<vmem>>
      %dma_start3A_948 = tpu.memref_slice %arg2[%add3A_49] : memref<16384xi32, #tpu.memory_space<hbm>> -> memref<64xi32, #tpu.memory_space<hbm>>
      tpu.enqueue_dma source(%dma_start3A_948 : memref<64xi32, #tpu.memory_space<hbm>>) target(%dma_start3A_947 : memref<64xi32, #tpu.memory_space<vmem>>) target_semaphore(%run_scoped3A_940 : memref<!tpu.dma_semaphore, #tpu.memory_space<semaphore_mem>>)
      %dma_wait3A_949 = arith.constant 0 : i32
      %dma_wait3A_950 = tpu.memref_slice %arg12[%run_scoped3A_50, %dma_wait3A_949] : memref<8x64xi32, #tpu.memory_space<vmem>> -> memref<1x64xi32, #tpu.memory_space<vmem>>
      %dma_wait3A_951 = tpu.memref_squeeze %dma_wait3A_950 : memref<1x64xi32, #tpu.memory_space<vmem>> -> memref<64xi32, #tpu.memory_space<vmem>>
      %dma_wait3A_952 = tpu.memref_slice %arg2[%add3A_49] : memref<16384xi32, #tpu.memory_space<hbm>> -> memref<64xi32, #tpu.memory_space<hbm>>
      %dma_wait3A_953 = arith.constant 0 : i32
      %dma_wait3A_954 = tpu.memref_slice %arg12[%run_scoped3A_50, %dma_wait3A_953] : memref<8x64xi32, #tpu.memory_space<vmem>> -> memref<1x64xi32, #tpu.memory_space<vmem>>
      %dma_wait3A_955 = tpu.memref_squeeze %dma_wait3A_954 : memref<1x64xi32, #tpu.memory_space<vmem>> -> memref<64xi32, #tpu.memory_space<vmem>>
      %dma_wait3A_956 = tpu.memref_slice %arg2[%add3A_49] : memref<16384xi32, #tpu.memory_space<hbm>> -> memref<64xi32, #tpu.memory_space<hbm>>
      tpu.wait_dma2 semaphore(%run_scoped3A_940 : memref<!tpu.dma_semaphore, #tpu.memory_space<semaphore_mem>>) src(%dma_wait3A_956 : memref<64xi32, #tpu.memory_space<hbm>>) dst(%dma_wait3A_955 : memref<64xi32, #tpu.memory_space<vmem>>)
      tpu.yield
    }) : () -> ()
    %add3A_51 = arith.constant 448 : i32
    %add3A_52 = arith.addi %add3A_4, %add3A_51 : i32
    %run_scoped3A_53 = arith.constant 7 : i32
    "tpu.region"() ({
      %run_scoped3A_940 = tpu.sem_alloc : memref<!tpu.dma_semaphore, #tpu.memory_space<semaphore_mem>>
      %dma_start3A_941 = arith.constant 0 : i32
      %dma_start3A_942 = tpu.memref_slice %arg13[%run_scoped3A_53, %dma_start3A_941] : memref<8x64xi32, #tpu.memory_space<vmem>> -> memref<1x64xi32, #tpu.memory_space<vmem>>
      %dma_start3A_943 = tpu.memref_squeeze %dma_start3A_942 : memref<1x64xi32, #tpu.memory_space<vmem>> -> memref<64xi32, #tpu.memory_space<vmem>>
      %dma_start3A_944 = tpu.memref_slice %arg3[%add3A_52] : memref<16384xi32, #tpu.memory_space<hbm>> -> memref<64xi32, #tpu.memory_space<hbm>>
      %dma_start3A_945 = arith.constant 0 : i32
      %dma_start3A_946 = tpu.memref_slice %arg13[%run_scoped3A_53, %dma_start3A_945] : memref<8x64xi32, #tpu.memory_space<vmem>> -> memref<1x64xi32, #tpu.memory_space<vmem>>
      %dma_start3A_947 = tpu.memref_squeeze %dma_start3A_946 : memref<1x64xi32, #tpu.memory_space<vmem>> -> memref<64xi32, #tpu.memory_space<vmem>>
      %dma_start3A_948 = tpu.memref_slice %arg3[%add3A_52] : memref<16384xi32, #tpu.memory_space<hbm>> -> memref<64xi32, #tpu.memory_space<hbm>>
      tpu.enqueue_dma source(%dma_start3A_948 : memref<64xi32, #tpu.memory_space<hbm>>) target(%dma_start3A_947 : memref<64xi32, #tpu.memory_space<vmem>>) target_semaphore(%run_scoped3A_940 : memref<!tpu.dma_semaphore, #tpu.memory_space<semaphore_mem>>)
      %dma_wait3A_949 = arith.constant 0 : i32
      %dma_wait3A_950 = tpu.memref_slice %arg13[%run_scoped3A_53, %dma_wait3A_949] : memref<8x64xi32, #tpu.memory_space<vmem>> -> memref<1x64xi32, #tpu.memory_space<vmem>>
      %dma_wait3A_951 = tpu.memref_squeeze %dma_wait3A_950 : memref<1x64xi32, #tpu.memory_space<vmem>> -> memref<64xi32, #tpu.memory_space<vmem>>
      %dma_wait3A_952 = tpu.memref_slice %arg3[%add3A_52] : memref<16384xi32, #tpu.memory_space<hbm>> -> memref<64xi32, #tpu.memory_space<hbm>>
      %dma_wait3A_953 = arith.constant 0 : i32
      %dma_wait3A_954 = tpu.memref_slice %arg13[%run_scoped3A_53, %dma_wait3A_953] : memref<8x64xi32, #tpu.memory_space<vmem>> -> memref<1x64xi32, #tpu.memory_space<vmem>>
      %dma_wait3A_955 = tpu.memref_squeeze %dma_wait3A_954 : memref<1x64xi32, #tpu.memory_space<vmem>> -> memref<64xi32, #tpu.memory_space<vmem>>
      %dma_wait3A_956 = tpu.memref_slice %arg3[%add3A_52] : memref<16384xi32, #tpu.memory_space<hbm>> -> memref<64xi32, #tpu.memory_space<hbm>>
      tpu.wait_dma2 semaphore(%run_scoped3A_940 : memref<!tpu.dma_semaphore, #tpu.memory_space<semaphore_mem>>) src(%dma_wait3A_956 : memref<64xi32, #tpu.memory_space<hbm>>) dst(%dma_wait3A_955 : memref<64xi32, #tpu.memory_space<vmem>>)
      tpu.yield
    }) : () -> ()
    %iota3A = tpu.iota {dimensions = array<i32: 0>} : vector<16xi32>
    %xor3A = arith.constant 1 : i32
    %xor3A_54 = vector.broadcast %xor3A : i32 to vector<16xi32>
    %xor3A_55 = arith.xori %iota3A, %xor3A_54 : vector<16xi32>
    %xor3A_56 = arith.constant 2 : i32
    %xor3A_57 = vector.broadcast %xor3A_56 : i32 to vector<16xi32>
    %xor3A_58 = arith.xori %iota3A, %xor3A_57 : vector<16xi32>
    %xor3A_59 = arith.constant 4 : i32
    %xor3A_60 = vector.broadcast %xor3A_59 : i32 to vector<16xi32>
    %xor3A_61 = arith.xori %iota3A, %xor3A_60 : vector<16xi32>
    %xor3A_62 = arith.constant 8 : i32
    %xor3A_63 = vector.broadcast %xor3A_62 : i32 to vector<16xi32>
    %xor3A_64 = arith.xori %iota3A, %xor3A_63 : vector<16xi32>
    %dma_start3A = arith.constant 0 : i32
    %dma_start3A_65 = arith.constant 0 : i32
    %dma_start3A_66 = tpu.memref_slice %arg12[%dma_start3A, %dma_start3A_65] : memref<8x64xi32, #tpu.memory_space<vmem>> -> memref<1x64xi32, #tpu.memory_space<vmem>>
    %dma_start3A_67 = tpu.memref_squeeze %dma_start3A_66 : memref<1x64xi32, #tpu.memory_space<vmem>> -> memref<64xi32, #tpu.memory_space<vmem>>
    %dma_start3A_68 = arith.constant 0 : i32
    %dma_start3A_69 = arith.constant 0 : i32
    %dma_start3A_70 = tpu.memref_slice %arg4[%dma_start3A_68, %dma_start3A_69] : memref<1000000x128xf32, #tpu.memory_space<hbm>> -> memref<1000000x128xf32, #tpu.memory_space<hbm>>
    tpu.enqueue_indirect_dma source(%dma_start3A_70 : memref<1000000x128xf32, #tpu.memory_space<hbm>>) target(%arg15 : memref<64x128xf32, #tpu.memory_space<vmem>>) offsets(%dma_start3A_67 : memref<64xi32, #tpu.memory_space<vmem>>) semaphore(%arg30 : memref<!tpu.dma_semaphore, #tpu.memory_space<semaphore_mem>>)
    %dma_start3A_71 = arith.constant 0 : i32
    %dma_start3A_72 = arith.constant 0 : i32
    %dma_start3A_73 = tpu.memref_slice %arg13[%dma_start3A_71, %dma_start3A_72] : memref<8x64xi32, #tpu.memory_space<vmem>> -> memref<1x64xi32, #tpu.memory_space<vmem>>
    %dma_start3A_74 = tpu.memref_squeeze %dma_start3A_73 : memref<1x64xi32, #tpu.memory_space<vmem>> -> memref<64xi32, #tpu.memory_space<vmem>>
    %dma_start3A_75 = arith.constant 0 : i32
    %dma_start3A_76 = arith.constant 0 : i32
    %dma_start3A_77 = tpu.memref_slice %arg5[%dma_start3A_75, %dma_start3A_76] : memref<1000000x128xf32, #tpu.memory_space<hbm>> -> memref<1000000x128xf32, #tpu.memory_space<hbm>>
    tpu.enqueue_indirect_dma source(%dma_start3A_77 : memref<1000000x128xf32, #tpu.memory_space<hbm>>) target(%arg16 : memref<64x128xf32, #tpu.memory_space<vmem>>) offsets(%dma_start3A_74 : memref<64xi32, #tpu.memory_space<vmem>>) semaphore(%arg30 : memref<!tpu.dma_semaphore, #tpu.memory_space<semaphore_mem>>)
    %dma_start3A_78 = arith.constant 0 : i32
    %dma_start3A_79 = arith.constant 0 : i32
    %dma_start3A_80 = tpu.memref_slice %arg12[%dma_start3A_78, %dma_start3A_79] : memref<8x64xi32, #tpu.memory_space<vmem>> -> memref<1x64xi32, #tpu.memory_space<vmem>>
    %dma_start3A_81 = tpu.memref_squeeze %dma_start3A_80 : memref<1x64xi32, #tpu.memory_space<vmem>> -> memref<64xi32, #tpu.memory_space<vmem>>
    %dma_start3A_82 = arith.constant 0 : i32
    %dma_start3A_83 = arith.constant 0 : i32
    %dma_start3A_84 = tpu.memref_slice %arg6[%dma_start3A_82, %dma_start3A_83] : memref<1000000x128xf32, #tpu.memory_space<hbm>> -> memref<1000000x128xf32, #tpu.memory_space<hbm>>
    tpu.enqueue_indirect_dma source(%dma_start3A_84 : memref<1000000x128xf32, #tpu.memory_space<hbm>>) target(%arg17 : memref<64x128xf32, #tpu.memory_space<vmem>>) offsets(%dma_start3A_81 : memref<64xi32, #tpu.memory_space<vmem>>) semaphore(%arg30 : memref<!tpu.dma_semaphore, #tpu.memory_space<semaphore_mem>>)
    %dma_start3A_85 = arith.constant 0 : i32
    %dma_start3A_86 = arith.constant 0 : i32
    %dma_start3A_87 = tpu.memref_slice %arg13[%dma_start3A_85, %dma_start3A_86] : memref<8x64xi32, #tpu.memory_space<vmem>> -> memref<1x64xi32, #tpu.memory_space<vmem>>
    %dma_start3A_88 = tpu.memref_squeeze %dma_start3A_87 : memref<1x64xi32, #tpu.memory_space<vmem>> -> memref<64xi32, #tpu.memory_space<vmem>>
    %dma_start3A_89 = arith.constant 0 : i32
    %dma_start3A_90 = arith.constant 0 : i32
    %dma_start3A_91 = tpu.memref_slice %arg7[%dma_start3A_89, %dma_start3A_90] : memref<1000000x128xf32, #tpu.memory_space<hbm>> -> memref<1000000x128xf32, #tpu.memory_space<hbm>>
    tpu.enqueue_indirect_dma source(%dma_start3A_91 : memref<1000000x128xf32, #tpu.memory_space<hbm>>) target(%arg18 : memref<64x128xf32, #tpu.memory_space<vmem>>) offsets(%dma_start3A_88 : memref<64xi32, #tpu.memory_space<vmem>>) semaphore(%arg30 : memref<!tpu.dma_semaphore, #tpu.memory_space<semaphore_mem>>)
    %dma_start3A_92 = arith.constant 1 : i32
    %dma_start3A_93 = arith.constant 0 : i32
    %dma_start3A_94 = tpu.memref_slice %arg12[%dma_start3A_92, %dma_start3A_93] : memref<8x64xi32, #tpu.memory_space<vmem>> -> memref<1x64xi32, #tpu.memory_space<vmem>>
    %dma_start3A_95 = tpu.memref_squeeze %dma_start3A_94 : memref<1x64xi32, #tpu.memory_space<vmem>> -> memref<64xi32, #tpu.memory_space<vmem>>
    %dma_start3A_96 = arith.constant 0 : i32
    %dma_start3A_97 = arith.constant 0 : i32
    %dma_start3A_98 = tpu.memref_slice %arg4[%dma_start3A_96, %dma_start3A_97] : memref<1000000x128xf32, #tpu.memory_space<hbm>> -> memref<1000000x128xf32, #tpu.memory_space<hbm>>
    tpu.enqueue_indirect_dma source(%dma_start3A_98 : memref<1000000x128xf32, #tpu.memory_space<hbm>>) target(%arg19 : memref<64x128xf32, #tpu.memory_space<vmem>>) offsets(%dma_start3A_95 : memref<64xi32, #tpu.memory_space<vmem>>) semaphore(%arg30 : memref<!tpu.dma_semaphore, #tpu.memory_space<semaphore_mem>>)
    %dma_start3A_99 = arith.constant 1 : i32
    %dma_start3A_100 = arith.constant 0 : i32
    %dma_start3A_101 = tpu.memref_slice %arg13[%dma_start3A_99, %dma_start3A_100] : memref<8x64xi32, #tpu.memory_space<vmem>> -> memref<1x64xi32, #tpu.memory_space<vmem>>
    %dma_start3A_102 = tpu.memref_squeeze %dma_start3A_101 : memref<1x64xi32, #tpu.memory_space<vmem>> -> memref<64xi32, #tpu.memory_space<vmem>>
    %dma_start3A_103 = arith.constant 0 : i32
    %dma_start3A_104 = arith.constant 0 : i32
    %dma_start3A_105 = tpu.memref_slice %arg5[%dma_start3A_103, %dma_start3A_104] : memref<1000000x128xf32, #tpu.memory_space<hbm>> -> memref<1000000x128xf32, #tpu.memory_space<hbm>>
    tpu.enqueue_indirect_dma source(%dma_start3A_105 : memref<1000000x128xf32, #tpu.memory_space<hbm>>) target(%arg20 : memref<64x128xf32, #tpu.memory_space<vmem>>) offsets(%dma_start3A_102 : memref<64xi32, #tpu.memory_space<vmem>>) semaphore(%arg30 : memref<!tpu.dma_semaphore, #tpu.memory_space<semaphore_mem>>)
    %dma_start3A_106 = arith.constant 1 : i32
    %dma_start3A_107 = arith.constant 0 : i32
    %dma_start3A_108 = tpu.memref_slice %arg12[%dma_start3A_106, %dma_start3A_107] : memref<8x64xi32, #tpu.memory_space<vmem>> -> memref<1x64xi32, #tpu.memory_space<vmem>>
    %dma_start3A_109 = tpu.memref_squeeze %dma_start3A_108 : memref<1x64xi32, #tpu.memory_space<vmem>> -> memref<64xi32, #tpu.memory_space<vmem>>
    %dma_start3A_110 = arith.constant 0 : i32
    %dma_start3A_111 = arith.constant 0 : i32
    %dma_start3A_112 = tpu.memref_slice %arg6[%dma_start3A_110, %dma_start3A_111] : memref<1000000x128xf32, #tpu.memory_space<hbm>> -> memref<1000000x128xf32, #tpu.memory_space<hbm>>
    tpu.enqueue_indirect_dma source(%dma_start3A_112 : memref<1000000x128xf32, #tpu.memory_space<hbm>>) target(%arg21 : memref<64x128xf32, #tpu.memory_space<vmem>>) offsets(%dma_start3A_109 : memref<64xi32, #tpu.memory_space<vmem>>) semaphore(%arg30 : memref<!tpu.dma_semaphore, #tpu.memory_space<semaphore_mem>>)
    %dma_start3A_113 = arith.constant 1 : i32
    %dma_start3A_114 = arith.constant 0 : i32
    %dma_start3A_115 = tpu.memref_slice %arg13[%dma_start3A_113, %dma_start3A_114] : memref<8x64xi32, #tpu.memory_space<vmem>> -> memref<1x64xi32, #tpu.memory_space<vmem>>
    %dma_start3A_116 = tpu.memref_squeeze %dma_start3A_115 : memref<1x64xi32, #tpu.memory_space<vmem>> -> memref<64xi32, #tpu.memory_space<vmem>>
    %dma_start3A_117 = arith.constant 0 : i32
    %dma_start3A_118 = arith.constant 0 : i32
    %dma_start3A_119 = tpu.memref_slice %arg7[%dma_start3A_117, %dma_start3A_118] : memref<1000000x128xf32, #tpu.memory_space<hbm>> -> memref<1000000x128xf32, #tpu.memory_space<hbm>>
    tpu.enqueue_indirect_dma source(%dma_start3A_119 : memref<1000000x128xf32, #tpu.memory_space<hbm>>) target(%arg22 : memref<64x128xf32, #tpu.memory_space<vmem>>) offsets(%dma_start3A_116 : memref<64xi32, #tpu.memory_space<vmem>>) semaphore(%arg30 : memref<!tpu.dma_semaphore, #tpu.memory_space<semaphore_mem>>)
    %dma_wait3A = arith.constant 0 : i32
    %dma_wait3A_120 = arith.constant 0 : i32
    %dma_wait3A_121 = tpu.memref_slice %arg12[%dma_wait3A, %dma_wait3A_120] : memref<8x64xi32, #tpu.memory_space<vmem>> -> memref<1x64xi32, #tpu.memory_space<vmem>>
    %dma_wait3A_122 = tpu.memref_squeeze %dma_wait3A_121 : memref<1x64xi32, #tpu.memory_space<vmem>> -> memref<64xi32, #tpu.memory_space<vmem>>
    %dma_wait3A_123 = arith.constant 0 : i32
    %dma_wait3A_124 = arith.constant 0 : i32
    %dma_wait3A_125 = tpu.memref_slice %arg4[%dma_wait3A_123, %dma_wait3A_124] : memref<1000000x128xf32, #tpu.memory_space<hbm>> -> memref<1000000x128xf32, #tpu.memory_space<hbm>>
    tpu.wait_indirect_dma semaphore(%arg30 : memref<!tpu.dma_semaphore, #tpu.memory_space<semaphore_mem>>) src(%dma_wait3A_125 : memref<1000000x128xf32, #tpu.memory_space<hbm>>) dst(%arg15 : memref<64x128xf32, #tpu.memory_space<vmem>>)
    %dma_wait3A_126 = arith.constant 0 : i32
    %dma_wait3A_127 = arith.constant 0 : i32
    %dma_wait3A_128 = tpu.memref_slice %arg13[%dma_wait3A_126, %dma_wait3A_127] : memref<8x64xi32, #tpu.memory_space<vmem>> -> memref<1x64xi32, #tpu.memory_space<vmem>>
    %dma_wait3A_129 = tpu.memref_squeeze %dma_wait3A_128 : memref<1x64xi32, #tpu.memory_space<vmem>> -> memref<64xi32, #tpu.memory_space<vmem>>
    %dma_wait3A_130 = arith.constant 0 : i32
    %dma_wait3A_131 = arith.constant 0 : i32
    %dma_wait3A_132 = tpu.memref_slice %arg5[%dma_wait3A_130, %dma_wait3A_131] : memref<1000000x128xf32, #tpu.memory_space<hbm>> -> memref<1000000x128xf32, #tpu.memory_space<hbm>>
    tpu.wait_indirect_dma semaphore(%arg30 : memref<!tpu.dma_semaphore, #tpu.memory_space<semaphore_mem>>) src(%dma_wait3A_132 : memref<1000000x128xf32, #tpu.memory_space<hbm>>) dst(%arg16 : memref<64x128xf32, #tpu.memory_space<vmem>>)
    %dma_wait3A_133 = arith.constant 0 : i32
    %dma_wait3A_134 = arith.constant 0 : i32
    %dma_wait3A_135 = tpu.memref_slice %arg12[%dma_wait3A_133, %dma_wait3A_134] : memref<8x64xi32, #tpu.memory_space<vmem>> -> memref<1x64xi32, #tpu.memory_space<vmem>>
    %dma_wait3A_136 = tpu.memref_squeeze %dma_wait3A_135 : memref<1x64xi32, #tpu.memory_space<vmem>> -> memref<64xi32, #tpu.memory_space<vmem>>
    %dma_wait3A_137 = arith.constant 0 : i32
    %dma_wait3A_138 = arith.constant 0 : i32
    %dma_wait3A_139 = tpu.memref_slice %arg6[%dma_wait3A_137, %dma_wait3A_138] : memref<1000000x128xf32, #tpu.memory_space<hbm>> -> memref<1000000x128xf32, #tpu.memory_space<hbm>>
    tpu.wait_indirect_dma semaphore(%arg30 : memref<!tpu.dma_semaphore, #tpu.memory_space<semaphore_mem>>) src(%dma_wait3A_139 : memref<1000000x128xf32, #tpu.memory_space<hbm>>) dst(%arg17 : memref<64x128xf32, #tpu.memory_space<vmem>>)
    %dma_wait3A_140 = arith.constant 0 : i32
    %dma_wait3A_141 = arith.constant 0 : i32
    %dma_wait3A_142 = tpu.memref_slice %arg13[%dma_wait3A_140, %dma_wait3A_141] : memref<8x64xi32, #tpu.memory_space<vmem>> -> memref<1x64xi32, #tpu.memory_space<vmem>>
    %dma_wait3A_143 = tpu.memref_squeeze %dma_wait3A_142 : memref<1x64xi32, #tpu.memory_space<vmem>> -> memref<64xi32, #tpu.memory_space<vmem>>
    %dma_wait3A_144 = arith.constant 0 : i32
    %dma_wait3A_145 = arith.constant 0 : i32
    %dma_wait3A_146 = tpu.memref_slice %arg7[%dma_wait3A_144, %dma_wait3A_145] : memref<1000000x128xf32, #tpu.memory_space<hbm>> -> memref<1000000x128xf32, #tpu.memory_space<hbm>>
    tpu.wait_indirect_dma semaphore(%arg30 : memref<!tpu.dma_semaphore, #tpu.memory_space<semaphore_mem>>) src(%dma_wait3A_146 : memref<1000000x128xf32, #tpu.memory_space<hbm>>) dst(%arg18 : memref<64x128xf32, #tpu.memory_space<vmem>>)
    %get3A = arith.constant 0 : index
    %get3A_147 = tpu.vector_load %arg14[%get3A] {strides = array<i32>} : memref<128xf32, #tpu.memory_space<vmem>>, vector<16xf32>,
    %get3A_148 = vector.shape_cast %get3A_147 : vector<16xf32> to vector<16xf32>
    %get3A_149 = arith.constant 16 : index
    %get3A_150 = tpu.vector_load %arg14[%get3A_149] {strides = array<i32>} : memref<128xf32, #tpu.memory_space<vmem>>, vector<16xf32>,
    %get3A_151 = vector.shape_cast %get3A_150 : vector<16xf32> to vector<16xf32>
    %get3A_152 = arith.constant 32 : index
    %get3A_153 = tpu.vector_load %arg14[%get3A_152] {strides = array<i32>} : memref<128xf32, #tpu.memory_space<vmem>>, vector<16xf32>,
    %get3A_154 = vector.shape_cast %get3A_153 : vector<16xf32> to vector<16xf32>
    %get3A_155 = arith.constant 48 : index
    %get3A_156 = tpu.vector_load %arg14[%get3A_155] {strides = array<i32>} : memref<128xf32, #tpu.memory_space<vmem>>, vector<16xf32>,
    %get3A_157 = vector.shape_cast %get3A_156 : vector<16xf32> to vector<16xf32>
    %get3A_158 = arith.constant 64 : index
    %get3A_159 = tpu.vector_load %arg14[%get3A_158] {strides = array<i32>} : memref<128xf32, #tpu.memory_space<vmem>>, vector<16xf32>,
    %get3A_160 = vector.shape_cast %get3A_159 : vector<16xf32> to vector<16xf32>
    %get3A_161 = arith.constant 80 : index
    %get3A_162 = tpu.vector_load %arg14[%get3A_161] {strides = array<i32>} : memref<128xf32, #tpu.memory_space<vmem>>, vector<16xf32>,
    %get3A_163 = vector.shape_cast %get3A_162 : vector<16xf32> to vector<16xf32>
    %get3A_164 = arith.constant 96 : index
    %get3A_165 = tpu.vector_load %arg14[%get3A_164] {strides = array<i32>} : memref<128xf32, #tpu.memory_space<vmem>>, vector<16xf32>,
    %get3A_166 = vector.shape_cast %get3A_165 : vector<16xf32> to vector<16xf32>
    %get3A_167 = arith.constant 112 : index
    %get3A_168 = tpu.vector_load %arg14[%get3A_167] {strides = array<i32>} : memref<128xf32, #tpu.memory_space<vmem>>, vector<16xf32>,
    %get3A_169 = vector.shape_cast %get3A_168 : vector<16xf32> to vector<16xf32>
    %broadcast_in_dim3A = arith.constant 0.000000e+00 : f32
    %broadcast_in_dim3A_170 = vector.broadcast %broadcast_in_dim3A : f32 to vector<16xf32>
    %scan3A = arith.constant 0 : i32
    %scan3A_171 = arith.constant 64 : i32
    %scan3A_172 = arith.addi %scan3A, %scan3A_171 : i32
    %scan3A_173 = arith.constant 1 : i32
    %scan3A_174 = scf.for %scan3A_940 = %scan3A to %scan3A_172 step %scan3A_173 iter_args(%scan3A_941 = %broadcast_in_dim3A_170) -> (vector<16xf32>)  : i32 {
      %get3A_942 = arith.index_cast %scan3A_940 : i32 to index
      %get3A_943 = arith.constant 0 : index
      %get3A_944 = tpu.vector_load %arg15[%get3A_942, %get3A_943] {strides = array<i32>} : memref<64x128xf32, #tpu.memory_space<vmem>>, vector<1x16xf32>,
      %get3A_945 = vector.shape_cast %get3A_944 : vector<1x16xf32> to vector<16xf32>
      %get3A_946 = arith.index_cast %scan3A_940 : i32 to index
      %get3A_947 = arith.constant 0 : index
      %get3A_948 = tpu.vector_load %arg16[%get3A_946, %get3A_947] {strides = array<i32>} : memref<64x128xf32, #tpu.memory_space<vmem>>, vector<1x16xf32>,
      %get3A_949 = vector.shape_cast %get3A_948 : vector<1x16xf32> to vector<16xf32>
      %mul3A_950 = arith.mulf %get3A_945, %get3A_949 : vector<16xf32>
      %mul3A_951 = arith.mulf %mul3A_950, %get3A_148 : vector<16xf32>
      %get3A_952 = arith.index_cast %scan3A_940 : i32 to index
      %get3A_953 = arith.constant 16 : index
      %get3A_954 = tpu.vector_load %arg15[%get3A_952, %get3A_953] {strides = array<i32>} : memref<64x128xf32, #tpu.memory_space<vmem>>, vector<1x16xf32>,
      %get3A_955 = vector.shape_cast %get3A_954 : vector<1x16xf32> to vector<16xf32>
      %get3A_956 = arith.index_cast %scan3A_940 : i32 to index
      %get3A_957 = arith.constant 16 : index
      %get3A_958 = tpu.vector_load %arg16[%get3A_956, %get3A_957] {strides = array<i32>} : memref<64x128xf32, #tpu.memory_space<vmem>>, vector<1x16xf32>,
      %get3A_959 = vector.shape_cast %get3A_958 : vector<1x16xf32> to vector<16xf32>
      %mul3A_960 = arith.mulf %get3A_955, %get3A_959 : vector<16xf32>
      %mul3A_961 = arith.mulf %mul3A_960, %get3A_151 : vector<16xf32>
      %add3A_962 = arith.addf %mul3A_951, %mul3A_961 : vector<16xf32>
      %get3A_963 = arith.index_cast %scan3A_940 : i32 to index
      %get3A_964 = arith.constant 32 : index
      %get3A_965 = tpu.vector_load %arg15[%get3A_963, %get3A_964] {strides = array<i32>} : memref<64x128xf32, #tpu.memory_space<vmem>>, vector<1x16xf32>,
      %get3A_966 = vector.shape_cast %get3A_965 : vector<1x16xf32> to vector<16xf32>
      %get3A_967 = arith.index_cast %scan3A_940 : i32 to index
      %get3A_968 = arith.constant 32 : index
      %get3A_969 = tpu.vector_load %arg16[%get3A_967, %get3A_968] {strides = array<i32>} : memref<64x128xf32, #tpu.memory_space<vmem>>, vector<1x16xf32>,
      %get3A_970 = vector.shape_cast %get3A_969 : vector<1x16xf32> to vector<16xf32>
      %mul3A_971 = arith.mulf %get3A_966, %get3A_970 : vector<16xf32>
      %mul3A_972 = arith.mulf %mul3A_971, %get3A_154 : vector<16xf32>
      %add3A_973 = arith.addf %add3A_962, %mul3A_972 : vector<16xf32>
      %get3A_974 = arith.index_cast %scan3A_940 : i32 to index
      %get3A_975 = arith.constant 48 : index
      %get3A_976 = tpu.vector_load %arg15[%get3A_974, %get3A_975] {strides = array<i32>} : memref<64x128xf32, #tpu.memory_space<vmem>>, vector<1x16xf32>,
      %get3A_977 = vector.shape_cast %get3A_976 : vector<1x16xf32> to vector<16xf32>
      %get3A_978 = arith.index_cast %scan3A_940 : i32 to index
      %get3A_979 = arith.constant 48 : index
      %get3A_980 = tpu.vector_load %arg16[%get3A_978, %get3A_979] {strides = array<i32>} : memref<64x128xf32, #tpu.memory_space<vmem>>, vector<1x16xf32>,
      %get3A_981 = vector.shape_cast %get3A_980 : vector<1x16xf32> to vector<16xf32>
      %mul3A_982 = arith.mulf %get3A_977, %get3A_981 : vector<16xf32>
      %mul3A_983 = arith.mulf %mul3A_982, %get3A_157 : vector<16xf32>
      %add3A_984 = arith.addf %add3A_973, %mul3A_983 : vector<16xf32>
      %get3A_985 = arith.index_cast %scan3A_940 : i32 to index
      %get3A_986 = arith.constant 64 : index
      %get3A_987 = tpu.vector_load %arg15[%get3A_985, %get3A_986] {strides = array<i32>} : memref<64x128xf32, #tpu.memory_space<vmem>>, vector<1x16xf32>,
      %get3A_988 = vector.shape_cast %get3A_987 : vector<1x16xf32> to vector<16xf32>
      %get3A_989 = arith.index_cast %scan3A_940 : i32 to index
      %get3A_990 = arith.constant 64 : index
      %get3A_991 = tpu.vector_load %arg16[%get3A_989, %get3A_990] {strides = array<i32>} : memref<64x128xf32, #tpu.memory_space<vmem>>, vector<1x16xf32>,
      %get3A_992 = vector.shape_cast %get3A_991 : vector<1x16xf32> to vector<16xf32>
      %mul3A_993 = arith.mulf %get3A_988, %get3A_992 : vector<16xf32>
      %mul3A_994 = arith.mulf %mul3A_993, %get3A_160 : vector<16xf32>
      %add3A_995 = arith.addf %add3A_984, %mul3A_994 : vector<16xf32>
      %get3A_996 = arith.index_cast %scan3A_940 : i32 to index
      %get3A_997 = arith.constant 80 : index
      %get3A_998 = tpu.vector_load %arg15[%get3A_996, %get3A_997] {strides = array<i32>} : memref<64x128xf32, #tpu.memory_space<vmem>>, vector<1x16xf32>,
      %get3A_999 = vector.shape_cast %get3A_998 : vector<1x16xf32> to vector<16xf32>
      %get3A_1000 = arith.index_cast %scan3A_940 : i32 to index
      %get3A_1001 = arith.constant 80 : index
      %get3A_1002 = tpu.vector_load %arg16[%get3A_1000, %get3A_1001] {strides = array<i32>} : memref<64x128xf32, #tpu.memory_space<vmem>>, vector<1x16xf32>,
      %get3A_1003 = vector.shape_cast %get3A_1002 : vector<1x16xf32> to vector<16xf32>
      %mul3A_1004 = arith.mulf %get3A_999, %get3A_1003 : vector<16xf32>
      %mul3A_1005 = arith.mulf %mul3A_1004, %get3A_163 : vector<16xf32>
      %add3A_1006 = arith.addf %add3A_995, %mul3A_1005 : vector<16xf32>
      %get3A_1007 = arith.index_cast %scan3A_940 : i32 to index
      %get3A_1008 = arith.constant 96 : index
      %get3A_1009 = tpu.vector_load %arg15[%get3A_1007, %get3A_1008] {strides = array<i32>} : memref<64x128xf32, #tpu.memory_space<vmem>>, vector<1x16xf32>,
      %get3A_1010 = vector.shape_cast %get3A_1009 : vector<1x16xf32> to vector<16xf32>
      %get3A_1011 = arith.index_cast %scan3A_940 : i32 to index
      %get3A_1012 = arith.constant 96 : index
      %get3A_1013 = tpu.vector_load %arg16[%get3A_1011, %get3A_1012] {strides = array<i32>} : memref<64x128xf32, #tpu.memory_space<vmem>>, vector<1x16xf32>,
      %get3A_1014 = vector.shape_cast %get3A_1013 : vector<1x16xf32> to vector<16xf32>
      %mul3A_1015 = arith.mulf %get3A_1010, %get3A_1014 : vector<16xf32>
      %mul3A_1016 = arith.mulf %mul3A_1015, %get3A_166 : vector<16xf32>
      %add3A_1017 = arith.addf %add3A_1006, %mul3A_1016 : vector<16xf32>
      %get3A_1018 = arith.index_cast %scan3A_940 : i32 to index
      %get3A_1019 = arith.constant 112 : index
      %get3A_1020 = tpu.vector_load %arg15[%get3A_1018, %get3A_1019] {strides = array<i32>} : memref<64x128xf32, #tpu.memory_space<vmem>>, vector<1x16xf32>,
      %get3A_1021 = vector.shape_cast %get3A_1020 : vector<1x16xf32> to vector<16xf32>
      %get3A_1022 = arith.index_cast %scan3A_940 : i32 to index
      %get3A_1023 = arith.constant 112 : index
      %get3A_1024 = tpu.vector_load %arg16[%get3A_1022, %get3A_1023] {strides = array<i32>} : memref<64x128xf32, #tpu.memory_space<vmem>>, vector<1x16xf32>,
      %get3A_1025 = vector.shape_cast %get3A_1024 : vector<1x16xf32> to vector<16xf32>
      %mul3A_1026 = arith.mulf %get3A_1021, %get3A_1025 : vector<16xf32>
      %mul3A_1027 = arith.mulf %mul3A_1026, %get3A_169 : vector<16xf32>
      %add3A_1028 = arith.addf %add3A_1017, %mul3A_1027 : vector<16xf32>
      %broadcast_in_dim3A_1029 = vector.shape_cast %xor3A_55 : vector<16xi32> to vector<16x1xi32>
      %gather3A = vector.shape_cast %broadcast_in_dim3A_1029 : vector<16x1xi32> to vector<16xi32>
      %gather3A_1030 = tpu.dynamic_gather %add3A_1028[%gather3A] in [0] : vector<16xf32>, vector<16xi32> -> vector<16xf32>
      %add3A_1031 = arith.addf %add3A_1028, %gather3A_1030 : vector<16xf32>
      %broadcast_in_dim3A_1032 = vector.shape_cast %xor3A_58 : vector<16xi32> to vector<16x1xi32>
      %gather3A_1033 = vector.shape_cast %broadcast_in_dim3A_1032 : vector<16x1xi32> to vector<16xi32>
      %gather3A_1034 = tpu.dynamic_gather %add3A_1031[%gather3A_1033] in [0] : vector<16xf32>, vector<16xi32> -> vector<16xf32>
      %add3A_1035 = arith.addf %add3A_1031, %gather3A_1034 : vector<16xf32>
      %broadcast_in_dim3A_1036 = vector.shape_cast %xor3A_61 : vector<16xi32> to vector<16x1xi32>
      %gather3A_1037 = vector.shape_cast %broadcast_in_dim3A_1036 : vector<16x1xi32> to vector<16xi32>
      %gather3A_1038 = tpu.dynamic_gather %add3A_1035[%gather3A_1037] in [0] : vector<16xf32>, vector<16xi32> -> vector<16xf32>
      %add3A_1039 = arith.addf %add3A_1035, %gather3A_1038 : vector<16xf32>
      %broadcast_in_dim3A_1040 = vector.shape_cast %xor3A_64 : vector<16xi32> to vector<16x1xi32>
      %gather3A_1041 = vector.shape_cast %broadcast_in_dim3A_1040 : vector<16x1xi32> to vector<16xi32>
      %gather3A_1042 = tpu.dynamic_gather %add3A_1039[%gather3A_1041] in [0] : vector<16xf32>, vector<16xi32> -> vector<16xf32>
      %add3A_1043 = arith.addf %add3A_1039, %gather3A_1042 : vector<16xf32>
      %rem3A = arith.constant 16 : i32
      %rem3A_1044 = arith.remsi %scan3A_940, %rem3A : i32
      %eq3A = vector.broadcast %rem3A_1044 : i32 to vector<16xi32>
      %eq3A_1045 = arith.cmpi eq, %iota3A, %eq3A : vector<16xi32>
      %select_n3A = arith.select %eq3A_1045, %add3A_1043, %scan3A_941 : vector<16xi1>, vector<16xf32>
      %rem3A_1046 = arith.constant 16 : i32
      %rem3A_1047 = arith.remsi %scan3A_940, %rem3A_1046 : i32
      %eq3A_1048 = arith.constant 15 : i32
      %eq3A_1049 = arith.cmpi eq, %rem3A_1047, %eq3A_1048 : i32
      %convert_element_type3A = arith.extui %eq3A_1049 : i1 to i32
      %cond3A = arith.constant 0 : i32
      %cond3A_1050 = arith.cmpi ne, %convert_element_type3A, %cond3A : i32
      scf.if %cond3A_1050 {
        %sub3A = arith.constant 15 : i32
        %sub3A_1051 = arith.subi %scan3A_940, %sub3A : i32
        %swap3A = arith.index_cast %sub3A_1051 : i32 to index
        %swap3A_1052 = tpu.vector_load %arg27[%swap3A] {strides = array<i32>} : memref<64xf32, #tpu.memory_space<vmem>>, vector<16xf32>,
        %swap3A_1053 = vector.shape_cast %swap3A_1052 : vector<16xf32> to vector<16xf32>
        %swap3A_1054 = vector.shape_cast %select_n3A : vector<16xf32> to vector<16xf32>
        tpu.vector_store %arg27[%swap3A], %swap3A_1054 {strides = array<i32>} : memref<64xf32, #tpu.memory_space<vmem>>, vector<16xf32>,
      } else {
      }
      scf.yield %select_n3A : vector<16xf32>
    }
    %scan3A_175 = arith.constant 64 : i32
    %add3A_176 = arith.constant 0 : i32
    %add3A_177 = arith.addi %mul3A_6, %add3A_176 : i32
    %dma_start3A_178 = tpu.memref_slice %arg9[%add3A_177] : memref<16384xf32, #tpu.memory_space<hbm>> -> memref<64xf32, #tpu.memory_space<hbm>>
    %dma_start3A_179 = tpu.memref_slice %arg9[%add3A_177] : memref<16384xf32, #tpu.memory_space<hbm>> -> memref<64xf32, #tpu.memory_space<hbm>>
    tpu.enqueue_dma source(%arg27 : memref<64xf32, #tpu.memory_space<vmem>>) target(%dma_start3A_179 : memref<64xf32, #tpu.memory_space<hbm>>) target_semaphore(%arg31 : memref<!tpu.dma_semaphore, #tpu.memory_space<semaphore_mem>>)
    %dma_start3A_180 = arith.constant 0 : i32
    %dma_start3A_181 = tpu.memref_slice %arg10[%add3A_177, %dma_start3A_180] : memref<16384x128xf32, #tpu.memory_space<hbm>> -> memref<64x128xf32, #tpu.memory_space<hbm>>
    %dma_start3A_182 = arith.constant 0 : i32
    %dma_start3A_183 = tpu.memref_slice %arg10[%add3A_177, %dma_start3A_182] : memref<16384x128xf32, #tpu.memory_space<hbm>> -> memref<64x128xf32, #tpu.memory_space<hbm>>
    tpu.enqueue_dma source(%arg17 : memref<64x128xf32, #tpu.memory_space<vmem>>) target(%dma_start3A_183 : memref<64x128xf32, #tpu.memory_space<hbm>>) target_semaphore(%arg31 : memref<!tpu.dma_semaphore, #tpu.memory_space<semaphore_mem>>)
    %dma_start3A_184 = arith.constant 0 : i32
    %dma_start3A_185 = tpu.memref_slice %arg11[%add3A_177, %dma_start3A_184] : memref<16384x128xf32, #tpu.memory_space<hbm>> -> memref<64x128xf32, #tpu.memory_space<hbm>>
    %dma_start3A_186 = arith.constant 0 : i32
    %dma_start3A_187 = tpu.memref_slice %arg11[%add3A_177, %dma_start3A_186] : memref<16384x128xf32, #tpu.memory_space<hbm>> -> memref<64x128xf32, #tpu.memory_space<hbm>>
    tpu.enqueue_dma source(%arg18 : memref<64x128xf32, #tpu.memory_space<vmem>>) target(%dma_start3A_187 : memref<64x128xf32, #tpu.memory_space<hbm>>) target_semaphore(%arg31 : memref<!tpu.dma_semaphore, #tpu.memory_space<semaphore_mem>>)
    %dma_start3A_188 = arith.constant 2 : i32
    %dma_start3A_189 = arith.constant 0 : i32
    %dma_start3A_190 = tpu.memref_slice %arg12[%dma_start3A_188, %dma_start3A_189] : memref<8x64xi32, #tpu.memory_space<vmem>> -> memref<1x64xi32, #tpu.memory_space<vmem>>
    %dma_start3A_191 = tpu.memref_squeeze %dma_start3A_190 : memref<1x64xi32, #tpu.memory_space<vmem>> -> memref<64xi32, #tpu.memory_space<vmem>>
    %dma_start3A_192 = arith.constant 0 : i32
    %dma_start3A_193 = arith.constant 0 : i32
    %dma_start3A_194 = tpu.memref_slice %arg4[%dma_start3A_192, %dma_start3A_193] : memref<1000000x128xf32, #tpu.memory_space<hbm>> -> memref<1000000x128xf32, #tpu.memory_space<hbm>>
    tpu.enqueue_indirect_dma source(%dma_start3A_194 : memref<1000000x128xf32, #tpu.memory_space<hbm>>) target(%arg23 : memref<64x128xf32, #tpu.memory_space<vmem>>) offsets(%dma_start3A_191 : memref<64xi32, #tpu.memory_space<vmem>>) semaphore(%arg30 : memref<!tpu.dma_semaphore, #tpu.memory_space<semaphore_mem>>)
    %dma_start3A_195 = arith.constant 2 : i32
    %dma_start3A_196 = arith.constant 0 : i32
    %dma_start3A_197 = tpu.memref_slice %arg13[%dma_start3A_195, %dma_start3A_196] : memref<8x64xi32, #tpu.memory_space<vmem>> -> memref<1x64xi32, #tpu.memory_space<vmem>>
    %dma_start3A_198 = tpu.memref_squeeze %dma_start3A_197 : memref<1x64xi32, #tpu.memory_space<vmem>> -> memref<64xi32, #tpu.memory_space<vmem>>
    %dma_start3A_199 = arith.constant 0 : i32
    %dma_start3A_200 = arith.constant 0 : i32
    %dma_start3A_201 = tpu.memref_slice %arg5[%dma_start3A_199, %dma_start3A_200] : memref<1000000x128xf32, #tpu.memory_space<hbm>> -> memref<1000000x128xf32, #tpu.memory_space<hbm>>
    tpu.enqueue_indirect_dma source(%dma_start3A_201 : memref<1000000x128xf32, #tpu.memory_space<hbm>>) target(%arg24 : memref<64x128xf32, #tpu.memory_space<vmem>>) offsets(%dma_start3A_198 : memref<64xi32, #tpu.memory_space<vmem>>) semaphore(%arg30 : memref<!tpu.dma_semaphore, #tpu.memory_space<semaphore_mem>>)
    %dma_start3A_202 = arith.constant 2 : i32
    %dma_start3A_203 = arith.constant 0 : i32
    %dma_start3A_204 = tpu.memref_slice %arg12[%dma_start3A_202, %dma_start3A_203] : memref<8x64xi32, #tpu.memory_space<vmem>> -> memref<1x64xi32, #tpu.memory_space<vmem>>
    %dma_start3A_205 = tpu.memref_squeeze %dma_start3A_204 : memref<1x64xi32, #tpu.memory_space<vmem>> -> memref<64xi32, #tpu.memory_space<vmem>>
    %dma_start3A_206 = arith.constant 0 : i32
    %dma_start3A_207 = arith.constant 0 : i32
    %dma_start3A_208 = tpu.memref_slice %arg6[%dma_start3A_206, %dma_start3A_207] : memref<1000000x128xf32, #tpu.memory_space<hbm>> -> memref<1000000x128xf32, #tpu.memory_space<hbm>>
    tpu.enqueue_indirect_dma source(%dma_start3A_208 : memref<1000000x128xf32, #tpu.memory_space<hbm>>) target(%arg25 : memref<64x128xf32, #tpu.memory_space<vmem>>) offsets(%dma_start3A_205 : memref<64xi32, #tpu.memory_space<vmem>>) semaphore(%arg30 : memref<!tpu.dma_semaphore, #tpu.memory_space<semaphore_mem>>)
    %dma_start3A_209 = arith.constant 2 : i32
    %dma_start3A_210 = arith.constant 0 : i32
    %dma_start3A_211 = tpu.memref_slice %arg13[%dma_start3A_209, %dma_start3A_210] : memref<8x64xi32, #tpu.memory_space<vmem>> -> memref<1x64xi32, #tpu.memory_space<vmem>>
    %dma_start3A_212 = tpu.memref_squeeze %dma_start3A_211 : memref<1x64xi32, #tpu.memory_space<vmem>> -> memref<64xi32, #tpu.memory_space<vmem>>
    %dma_start3A_213 = arith.constant 0 : i32
    %dma_start3A_214 = arith.constant 0 : i32
    %dma_start3A_215 = tpu.memref_slice %arg7[%dma_start3A_213, %dma_start3A_214] : memref<1000000x128xf32, #tpu.memory_space<hbm>> -> memref<1000000x128xf32, #tpu.memory_space<hbm>>
    tpu.enqueue_indirect_dma source(%dma_start3A_215 : memref<1000000x128xf32, #tpu.memory_space<hbm>>) target(%arg26 : memref<64x128xf32, #tpu.memory_space<vmem>>) offsets(%dma_start3A_212 : memref<64xi32, #tpu.memory_space<vmem>>) semaphore(%arg30 : memref<!tpu.dma_semaphore, #tpu.memory_space<semaphore_mem>>)
    %dma_wait3A_216 = arith.constant 1 : i32
    %dma_wait3A_217 = arith.constant 0 : i32
    %dma_wait3A_218 = tpu.memref_slice %arg12[%dma_wait3A_216, %dma_wait3A_217] : memref<8x64xi32, #tpu.memory_space<vmem>> -> memref<1x64xi32, #tpu.memory_space<vmem>>
    %dma_wait3A_219 = tpu.memref_squeeze %dma_wait3A_218 : memref<1x64xi32, #tpu.memory_space<vmem>> -> memref<64xi32, #tpu.memory_space<vmem>>
    %dma_wait3A_220 = arith.constant 0 : i32
    %dma_wait3A_221 = arith.constant 0 : i32
    %dma_wait3A_222 = tpu.memref_slice %arg4[%dma_wait3A_220, %dma_wait3A_221] : memref<1000000x128xf32, #tpu.memory_space<hbm>> -> memref<1000000x128xf32, #tpu.memory_space<hbm>>
    tpu.wait_indirect_dma semaphore(%arg30 : memref<!tpu.dma_semaphore, #tpu.memory_space<semaphore_mem>>) src(%dma_wait3A_222 : memref<1000000x128xf32, #tpu.memory_space<hbm>>) dst(%arg19 : memref<64x128xf32, #tpu.memory_space<vmem>>)
    %dma_wait3A_223 = arith.constant 1 : i32
    %dma_wait3A_224 = arith.constant 0 : i32
    %dma_wait3A_225 = tpu.memref_slice %arg13[%dma_wait3A_223, %dma_wait3A_224] : memref<8x64xi32, #tpu.memory_space<vmem>> -> memref<1x64xi32, #tpu.memory_space<vmem>>
    %dma_wait3A_226 = tpu.memref_squeeze %dma_wait3A_225 : memref<1x64xi32, #tpu.memory_space<vmem>> -> memref<64xi32, #tpu.memory_space<vmem>>
    %dma_wait3A_227 = arith.constant 0 : i32
    %dma_wait3A_228 = arith.constant 0 : i32
    %dma_wait3A_229 = tpu.memref_slice %arg5[%dma_wait3A_227, %dma_wait3A_228] : memref<1000000x128xf32, #tpu.memory_space<hbm>> -> memref<1000000x128xf32, #tpu.memory_space<hbm>>
    tpu.wait_indirect_dma semaphore(%arg30 : memref<!tpu.dma_semaphore, #tpu.memory_space<semaphore_mem>>) src(%dma_wait3A_229 : memref<1000000x128xf32, #tpu.memory_space<hbm>>) dst(%arg20 : memref<64x128xf32, #tpu.memory_space<vmem>>)
    %dma_wait3A_230 = arith.constant 1 : i32
    %dma_wait3A_231 = arith.constant 0 : i32
    %dma_wait3A_232 = tpu.memref_slice %arg12[%dma_wait3A_230, %dma_wait3A_231] : memref<8x64xi32, #tpu.memory_space<vmem>> -> memref<1x64xi32, #tpu.memory_space<vmem>>
    %dma_wait3A_233 = tpu.memref_squeeze %dma_wait3A_232 : memref<1x64xi32, #tpu.memory_space<vmem>> -> memref<64xi32, #tpu.memory_space<vmem>>
    %dma_wait3A_234 = arith.constant 0 : i32
    %dma_wait3A_235 = arith.constant 0 : i32
    %dma_wait3A_236 = tpu.memref_slice %arg6[%dma_wait3A_234, %dma_wait3A_235] : memref<1000000x128xf32, #tpu.memory_space<hbm>> -> memref<1000000x128xf32, #tpu.memory_space<hbm>>
    tpu.wait_indirect_dma semaphore(%arg30 : memref<!tpu.dma_semaphore, #tpu.memory_space<semaphore_mem>>) src(%dma_wait3A_236 : memref<1000000x128xf32, #tpu.memory_space<hbm>>) dst(%arg21 : memref<64x128xf32, #tpu.memory_space<vmem>>)
    %dma_wait3A_237 = arith.constant 1 : i32
    %dma_wait3A_238 = arith.constant 0 : i32
    %dma_wait3A_239 = tpu.memref_slice %arg13[%dma_wait3A_237, %dma_wait3A_238] : memref<8x64xi32, #tpu.memory_space<vmem>> -> memref<1x64xi32, #tpu.memory_space<vmem>>
    %dma_wait3A_240 = tpu.memref_squeeze %dma_wait3A_239 : memref<1x64xi32, #tpu.memory_space<vmem>> -> memref<64xi32, #tpu.memory_space<vmem>>
    %dma_wait3A_241 = arith.constant 0 : i32
    %dma_wait3A_242 = arith.constant 0 : i32
    %dma_wait3A_243 = tpu.memref_slice %arg7[%dma_wait3A_241, %dma_wait3A_242] : memref<1000000x128xf32, #tpu.memory_space<hbm>> -> memref<1000000x128xf32, #tpu.memory_space<hbm>>
    tpu.wait_indirect_dma semaphore(%arg30 : memref<!tpu.dma_semaphore, #tpu.memory_space<semaphore_mem>>) src(%dma_wait3A_243 : memref<1000000x128xf32, #tpu.memory_space<hbm>>) dst(%arg22 : memref<64x128xf32, #tpu.memory_space<vmem>>)
    %get3A_244 = arith.constant 0 : index
    %get3A_245 = tpu.vector_load %arg14[%get3A_244] {strides = array<i32>} : memref<128xf32, #tpu.memory_space<vmem>>, vector<16xf32>,
    %get3A_246 = vector.shape_cast %get3A_245 : vector<16xf32> to vector<16xf32>
    %get3A_247 = arith.constant 16 : index
    %get3A_248 = tpu.vector_load %arg14[%get3A_247] {strides = array<i32>} : memref<128xf32, #tpu.memory_space<vmem>>, vector<16xf32>,
    %get3A_249 = vector.shape_cast %get3A_248 : vector<16xf32> to vector<16xf32>
    %get3A_250 = arith.constant 32 : index
    %get3A_251 = tpu.vector_load %arg14[%get3A_250] {strides = array<i32>} : memref<128xf32, #tpu.memory_space<vmem>>, vector<16xf32>,
    %get3A_252 = vector.shape_cast %get3A_251 : vector<16xf32> to vector<16xf32>
    %get3A_253 = arith.constant 48 : index
    %get3A_254 = tpu.vector_load %arg14[%get3A_253] {strides = array<i32>} : memref<128xf32, #tpu.memory_space<vmem>>, vector<16xf32>,
    %get3A_255 = vector.shape_cast %get3A_254 : vector<16xf32> to vector<16xf32>
    %get3A_256 = arith.constant 64 : index
    %get3A_257 = tpu.vector_load %arg14[%get3A_256] {strides = array<i32>} : memref<128xf32, #tpu.memory_space<vmem>>, vector<16xf32>,
    %get3A_258 = vector.shape_cast %get3A_257 : vector<16xf32> to vector<16xf32>
    %get3A_259 = arith.constant 80 : index
    %get3A_260 = tpu.vector_load %arg14[%get3A_259] {strides = array<i32>} : memref<128xf32, #tpu.memory_space<vmem>>, vector<16xf32>,
    %get3A_261 = vector.shape_cast %get3A_260 : vector<16xf32> to vector<16xf32>
    %get3A_262 = arith.constant 96 : index
    %get3A_263 = tpu.vector_load %arg14[%get3A_262] {strides = array<i32>} : memref<128xf32, #tpu.memory_space<vmem>>, vector<16xf32>,
    %get3A_264 = vector.shape_cast %get3A_263 : vector<16xf32> to vector<16xf32>
    %get3A_265 = arith.constant 112 : index
    %get3A_266 = tpu.vector_load %arg14[%get3A_265] {strides = array<i32>} : memref<128xf32, #tpu.memory_space<vmem>>, vector<16xf32>,
    %get3A_267 = vector.shape_cast %get3A_266 : vector<16xf32> to vector<16xf32>
    %broadcast_in_dim3A_268 = arith.constant 0.000000e+00 : f32
    %broadcast_in_dim3A_269 = vector.broadcast %broadcast_in_dim3A_268 : f32 to vector<16xf32>
    %scan3A_270 = arith.constant 0 : i32
    %scan3A_271 = arith.constant 64 : i32
    %scan3A_272 = arith.addi %scan3A_270, %scan3A_271 : i32
    %scan3A_273 = arith.constant 1 : i32
    %scan3A_274 = scf.for %scan3A_940 = %scan3A_270 to %scan3A_272 step %scan3A_273 iter_args(%scan3A_941 = %broadcast_in_dim3A_269) -> (vector<16xf32>)  : i32 {
      %get3A_942 = arith.index_cast %scan3A_940 : i32 to index
      %get3A_943 = arith.constant 0 : index
      %get3A_944 = tpu.vector_load %arg19[%get3A_942, %get3A_943] {strides = array<i32>} : memref<64x128xf32, #tpu.memory_space<vmem>>, vector<1x16xf32>,
      %get3A_945 = vector.shape_cast %get3A_944 : vector<1x16xf32> to vector<16xf32>
      %get3A_946 = arith.index_cast %scan3A_940 : i32 to index
      %get3A_947 = arith.constant 0 : index
      %get3A_948 = tpu.vector_load %arg20[%get3A_946, %get3A_947] {strides = array<i32>} : memref<64x128xf32, #tpu.memory_space<vmem>>, vector<1x16xf32>,
      %get3A_949 = vector.shape_cast %get3A_948 : vector<1x16xf32> to vector<16xf32>
      %mul3A_950 = arith.mulf %get3A_945, %get3A_949 : vector<16xf32>
      %mul3A_951 = arith.mulf %mul3A_950, %get3A_246 : vector<16xf32>
      %get3A_952 = arith.index_cast %scan3A_940 : i32 to index
      %get3A_953 = arith.constant 16 : index
      %get3A_954 = tpu.vector_load %arg19[%get3A_952, %get3A_953] {strides = array<i32>} : memref<64x128xf32, #tpu.memory_space<vmem>>, vector<1x16xf32>,
      %get3A_955 = vector.shape_cast %get3A_954 : vector<1x16xf32> to vector<16xf32>
      %get3A_956 = arith.index_cast %scan3A_940 : i32 to index
      %get3A_957 = arith.constant 16 : index
      %get3A_958 = tpu.vector_load %arg20[%get3A_956, %get3A_957] {strides = array<i32>} : memref<64x128xf32, #tpu.memory_space<vmem>>, vector<1x16xf32>,
      %get3A_959 = vector.shape_cast %get3A_958 : vector<1x16xf32> to vector<16xf32>
      %mul3A_960 = arith.mulf %get3A_955, %get3A_959 : vector<16xf32>
      %mul3A_961 = arith.mulf %mul3A_960, %get3A_249 : vector<16xf32>
      %add3A_962 = arith.addf %mul3A_951, %mul3A_961 : vector<16xf32>
      %get3A_963 = arith.index_cast %scan3A_940 : i32 to index
      %get3A_964 = arith.constant 32 : index
      %get3A_965 = tpu.vector_load %arg19[%get3A_963, %get3A_964] {strides = array<i32>} : memref<64x128xf32, #tpu.memory_space<vmem>>, vector<1x16xf32>,
      %get3A_966 = vector.shape_cast %get3A_965 : vector<1x16xf32> to vector<16xf32>
      %get3A_967 = arith.index_cast %scan3A_940 : i32 to index
      %get3A_968 = arith.constant 32 : index
      %get3A_969 = tpu.vector_load %arg20[%get3A_967, %get3A_968] {strides = array<i32>} : memref<64x128xf32, #tpu.memory_space<vmem>>, vector<1x16xf32>,
      %get3A_970 = vector.shape_cast %get3A_969 : vector<1x16xf32> to vector<16xf32>
      %mul3A_971 = arith.mulf %get3A_966, %get3A_970 : vector<16xf32>
      %mul3A_972 = arith.mulf %mul3A_971, %get3A_252 : vector<16xf32>
      %add3A_973 = arith.addf %add3A_962, %mul3A_972 : vector<16xf32>
      %get3A_974 = arith.index_cast %scan3A_940 : i32 to index
      %get3A_975 = arith.constant 48 : index
      %get3A_976 = tpu.vector_load %arg19[%get3A_974, %get3A_975] {strides = array<i32>} : memref<64x128xf32, #tpu.memory_space<vmem>>, vector<1x16xf32>,
      %get3A_977 = vector.shape_cast %get3A_976 : vector<1x16xf32> to vector<16xf32>
      %get3A_978 = arith.index_cast %scan3A_940 : i32 to index
      %get3A_979 = arith.constant 48 : index
      %get3A_980 = tpu.vector_load %arg20[%get3A_978, %get3A_979] {strides = array<i32>} : memref<64x128xf32, #tpu.memory_space<vmem>>, vector<1x16xf32>,
      %get3A_981 = vector.shape_cast %get3A_980 : vector<1x16xf32> to vector<16xf32>
      %mul3A_982 = arith.mulf %get3A_977, %get3A_981 : vector<16xf32>
      %mul3A_983 = arith.mulf %mul3A_982, %get3A_255 : vector<16xf32>
      %add3A_984 = arith.addf %add3A_973, %mul3A_983 : vector<16xf32>
      %get3A_985 = arith.index_cast %scan3A_940 : i32 to index
      %get3A_986 = arith.constant 64 : index
      %get3A_987 = tpu.vector_load %arg19[%get3A_985, %get3A_986] {strides = array<i32>} : memref<64x128xf32, #tpu.memory_space<vmem>>, vector<1x16xf32>,
      %get3A_988 = vector.shape_cast %get3A_987 : vector<1x16xf32> to vector<16xf32>
      %get3A_989 = arith.index_cast %scan3A_940 : i32 to index
      %get3A_990 = arith.constant 64 : index
      %get3A_991 = tpu.vector_load %arg20[%get3A_989, %get3A_990] {strides = array<i32>} : memref<64x128xf32, #tpu.memory_space<vmem>>, vector<1x16xf32>,
      %get3A_992 = vector.shape_cast %get3A_991 : vector<1x16xf32> to vector<16xf32>
      %mul3A_993 = arith.mulf %get3A_988, %get3A_992 : vector<16xf32>
      %mul3A_994 = arith.mulf %mul3A_993, %get3A_258 : vector<16xf32>
      %add3A_995 = arith.addf %add3A_984, %mul3A_994 : vector<16xf32>
      %get3A_996 = arith.index_cast %scan3A_940 : i32 to index
      %get3A_997 = arith.constant 80 : index
      %get3A_998 = tpu.vector_load %arg19[%get3A_996, %get3A_997] {strides = array<i32>} : memref<64x128xf32, #tpu.memory_space<vmem>>, vector<1x16xf32>,
      %get3A_999 = vector.shape_cast %get3A_998 : vector<1x16xf32> to vector<16xf32>
      %get3A_1000 = arith.index_cast %scan3A_940 : i32 to index
      %get3A_1001 = arith.constant 80 : index
      %get3A_1002 = tpu.vector_load %arg20[%get3A_1000, %get3A_1001] {strides = array<i32>} : memref<64x128xf32, #tpu.memory_space<vmem>>, vector<1x16xf32>,
      %get3A_1003 = vector.shape_cast %get3A_1002 : vector<1x16xf32> to vector<16xf32>
      %mul3A_1004 = arith.mulf %get3A_999, %get3A_1003 : vector<16xf32>
      %mul3A_1005 = arith.mulf %mul3A_1004, %get3A_261 : vector<16xf32>
      %add3A_1006 = arith.addf %add3A_995, %mul3A_1005 : vector<16xf32>
      %get3A_1007 = arith.index_cast %scan3A_940 : i32 to index
      %get3A_1008 = arith.constant 96 : index
      %get3A_1009 = tpu.vector_load %arg19[%get3A_1007, %get3A_1008] {strides = array<i32>} : memref<64x128xf32, #tpu.memory_space<vmem>>, vector<1x16xf32>,
      %get3A_1010 = vector.shape_cast %get3A_1009 : vector<1x16xf32> to vector<16xf32>
      %get3A_1011 = arith.index_cast %scan3A_940 : i32 to index
      %get3A_1012 = arith.constant 96 : index
      %get3A_1013 = tpu.vector_load %arg20[%get3A_1011, %get3A_1012] {strides = array<i32>} : memref<64x128xf32, #tpu.memory_space<vmem>>, vector<1x16xf32>,
      %get3A_1014 = vector.shape_cast %get3A_1013 : vector<1x16xf32> to vector<16xf32>
      %mul3A_1015 = arith.mulf %get3A_1010, %get3A_1014 : vector<16xf32>
      %mul3A_1016 = arith.mulf %mul3A_1015, %get3A_264 : vector<16xf32>
      %add3A_1017 = arith.addf %add3A_1006, %mul3A_1016 : vector<16xf32>
      %get3A_1018 = arith.index_cast %scan3A_940 : i32 to index
      %get3A_1019 = arith.constant 112 : index
      %get3A_1020 = tpu.vector_load %arg19[%get3A_1018, %get3A_1019] {strides = array<i32>} : memref<64x128xf32, #tpu.memory_space<vmem>>, vector<1x16xf32>,
      %get3A_1021 = vector.shape_cast %get3A_1020 : vector<1x16xf32> to vector<16xf32>
      %get3A_1022 = arith.index_cast %scan3A_940 : i32 to index
      %get3A_1023 = arith.constant 112 : index
      %get3A_1024 = tpu.vector_load %arg20[%get3A_1022, %get3A_1023] {strides = array<i32>} : memref<64x128xf32, #tpu.memory_space<vmem>>, vector<1x16xf32>,
      %get3A_1025 = vector.shape_cast %get3A_1024 : vector<1x16xf32> to vector<16xf32>
      %mul3A_1026 = arith.mulf %get3A_1021, %get3A_1025 : vector<16xf32>
      %mul3A_1027 = arith.mulf %mul3A_1026, %get3A_267 : vector<16xf32>
      %add3A_1028 = arith.addf %add3A_1017, %mul3A_1027 : vector<16xf32>
      %broadcast_in_dim3A_1029 = vector.shape_cast %xor3A_55 : vector<16xi32> to vector<16x1xi32>
      %gather3A = vector.shape_cast %broadcast_in_dim3A_1029 : vector<16x1xi32> to vector<16xi32>
      %gather3A_1030 = tpu.dynamic_gather %add3A_1028[%gather3A] in [0] : vector<16xf32>, vector<16xi32> -> vector<16xf32>
      %add3A_1031 = arith.addf %add3A_1028, %gather3A_1030 : vector<16xf32>
      %broadcast_in_dim3A_1032 = vector.shape_cast %xor3A_58 : vector<16xi32> to vector<16x1xi32>
      %gather3A_1033 = vector.shape_cast %broadcast_in_dim3A_1032 : vector<16x1xi32> to vector<16xi32>
      %gather3A_1034 = tpu.dynamic_gather %add3A_1031[%gather3A_1033] in [0] : vector<16xf32>, vector<16xi32> -> vector<16xf32>
      %add3A_1035 = arith.addf %add3A_1031, %gather3A_1034 : vector<16xf32>
      %broadcast_in_dim3A_1036 = vector.shape_cast %xor3A_61 : vector<16xi32> to vector<16x1xi32>
      %gather3A_1037 = vector.shape_cast %broadcast_in_dim3A_1036 : vector<16x1xi32> to vector<16xi32>
      %gather3A_1038 = tpu.dynamic_gather %add3A_1035[%gather3A_1037] in [0] : vector<16xf32>, vector<16xi32> -> vector<16xf32>
      %add3A_1039 = arith.addf %add3A_1035, %gather3A_1038 : vector<16xf32>
      %broadcast_in_dim3A_1040 = vector.shape_cast %xor3A_64 : vector<16xi32> to vector<16x1xi32>
      %gather3A_1041 = vector.shape_cast %broadcast_in_dim3A_1040 : vector<16x1xi32> to vector<16xi32>
      %gather3A_1042 = tpu.dynamic_gather %add3A_1039[%gather3A_1041] in [0] : vector<16xf32>, vector<16xi32> -> vector<16xf32>
      %add3A_1043 = arith.addf %add3A_1039, %gather3A_1042 : vector<16xf32>
      %rem3A = arith.constant 16 : i32
      %rem3A_1044 = arith.remsi %scan3A_940, %rem3A : i32
      %eq3A = vector.broadcast %rem3A_1044 : i32 to vector<16xi32>
      %eq3A_1045 = arith.cmpi eq, %iota3A, %eq3A : vector<16xi32>
      %select_n3A = arith.select %eq3A_1045, %add3A_1043, %scan3A_941 : vector<16xi1>, vector<16xf32>
      %rem3A_1046 = arith.constant 16 : i32
      %rem3A_1047 = arith.remsi %scan3A_940, %rem3A_1046 : i32
      %eq3A_1048 = arith.constant 15 : i32
      %eq3A_1049 = arith.cmpi eq, %rem3A_1047, %eq3A_1048 : i32
      %convert_element_type3A = arith.extui %eq3A_1049 : i1 to i32
      %cond3A = arith.constant 0 : i32
      %cond3A_1050 = arith.cmpi ne, %convert_element_type3A, %cond3A : i32
      scf.if %cond3A_1050 {
        %sub3A = arith.constant 15 : i32
        %sub3A_1051 = arith.subi %scan3A_940, %sub3A : i32
        %swap3A = arith.index_cast %sub3A_1051 : i32 to index
        %swap3A_1052 = tpu.vector_load %arg28[%swap3A] {strides = array<i32>} : memref<64xf32, #tpu.memory_space<vmem>>, vector<16xf32>,
        %swap3A_1053 = vector.shape_cast %swap3A_1052 : vector<16xf32> to vector<16xf32>
        %swap3A_1054 = vector.shape_cast %select_n3A : vector<16xf32> to vector<16xf32>
        tpu.vector_store %arg28[%swap3A], %swap3A_1054 {strides = array<i32>} : memref<64xf32, #tpu.memory_space<vmem>>, vector<16xf32>,
      } else {
      }
      scf.yield %select_n3A : vector<16xf32>
    }
    %scan3A_275 = arith.constant 64 : i32
    %add3A_276 = arith.constant 64 : i32
    %add3A_277 = arith.addi %mul3A_6, %add3A_276 : i32
    %dma_start3A_278 = tpu.memref_slice %arg9[%add3A_277] : memref<16384xf32, #tpu.memory_space<hbm>> -> memref<64xf32, #tpu.memory_space<hbm>>
    %dma_start3A_279 = tpu.memref_slice %arg9[%add3A_277] : memref<16384xf32, #tpu.memory_space<hbm>> -> memref<64xf32, #tpu.memory_space<hbm>>
    tpu.enqueue_dma source(%arg28 : memref<64xf32, #tpu.memory_space<vmem>>) target(%dma_start3A_279 : memref<64xf32, #tpu.memory_space<hbm>>) target_semaphore(%arg31 : memref<!tpu.dma_semaphore, #tpu.memory_space<semaphore_mem>>)
    %dma_start3A_280 = arith.constant 0 : i32
    %dma_start3A_281 = tpu.memref_slice %arg10[%add3A_277, %dma_start3A_280] : memref<16384x128xf32, #tpu.memory_space<hbm>> -> memref<64x128xf32, #tpu.memory_space<hbm>>
    %dma_start3A_282 = arith.constant 0 : i32
    %dma_start3A_283 = tpu.memref_slice %arg10[%add3A_277, %dma_start3A_282] : memref<16384x128xf32, #tpu.memory_space<hbm>> -> memref<64x128xf32, #tpu.memory_space<hbm>>
    tpu.enqueue_dma source(%arg21 : memref<64x128xf32, #tpu.memory_space<vmem>>) target(%dma_start3A_283 : memref<64x128xf32, #tpu.memory_space<hbm>>) target_semaphore(%arg31 : memref<!tpu.dma_semaphore, #tpu.memory_space<semaphore_mem>>)
    %dma_start3A_284 = arith.constant 0 : i32
    %dma_start3A_285 = tpu.memref_slice %arg11[%add3A_277, %dma_start3A_284] : memref<16384x128xf32, #tpu.memory_space<hbm>> -> memref<64x128xf32, #tpu.memory_space<hbm>>
    %dma_start3A_286 = arith.constant 0 : i32
    %dma_start3A_287 = tpu.memref_slice %arg11[%add3A_277, %dma_start3A_286] : memref<16384x128xf32, #tpu.memory_space<hbm>> -> memref<64x128xf32, #tpu.memory_space<hbm>>
    tpu.enqueue_dma source(%arg22 : memref<64x128xf32, #tpu.memory_space<vmem>>) target(%dma_start3A_287 : memref<64x128xf32, #tpu.memory_space<hbm>>) target_semaphore(%arg31 : memref<!tpu.dma_semaphore, #tpu.memory_space<semaphore_mem>>)
    %dma_wait3A_288 = tpu.memref_slice %arg9[%add3A_177] : memref<16384xf32, #tpu.memory_space<hbm>> -> memref<64xf32, #tpu.memory_space<hbm>>
    %dma_wait3A_289 = tpu.memref_slice %arg9[%add3A_177] : memref<16384xf32, #tpu.memory_space<hbm>> -> memref<64xf32, #tpu.memory_space<hbm>>
    tpu.wait_dma2 semaphore(%arg31 : memref<!tpu.dma_semaphore, #tpu.memory_space<semaphore_mem>>) src(%arg27 : memref<64xf32, #tpu.memory_space<vmem>>) dst(%dma_wait3A_289 : memref<64xf32, #tpu.memory_space<hbm>>)
    %dma_wait3A_290 = arith.constant 0 : i32
    %dma_wait3A_291 = tpu.memref_slice %arg10[%add3A_177, %dma_wait3A_290] : memref<16384x128xf32, #tpu.memory_space<hbm>> -> memref<64x128xf32, #tpu.memory_space<hbm>>
    %dma_wait3A_292 = arith.constant 0 : i32
    %dma_wait3A_293 = tpu.memref_slice %arg10[%add3A_177, %dma_wait3A_292] : memref<16384x128xf32, #tpu.memory_space<hbm>> -> memref<64x128xf32, #tpu.memory_space<hbm>>
    tpu.wait_dma2 semaphore(%arg31 : memref<!tpu.dma_semaphore, #tpu.memory_space<semaphore_mem>>) src(%arg17 : memref<64x128xf32, #tpu.memory_space<vmem>>) dst(%dma_wait3A_293 : memref<64x128xf32, #tpu.memory_space<hbm>>)
    %dma_wait3A_294 = arith.constant 0 : i32
    %dma_wait3A_295 = tpu.memref_slice %arg11[%add3A_177, %dma_wait3A_294] : memref<16384x128xf32, #tpu.memory_space<hbm>> -> memref<64x128xf32, #tpu.memory_space<hbm>>
    %dma_wait3A_296 = arith.constant 0 : i32
    %dma_wait3A_297 = tpu.memref_slice %arg11[%add3A_177, %dma_wait3A_296] : memref<16384x128xf32, #tpu.memory_space<hbm>> -> memref<64x128xf32, #tpu.memory_space<hbm>>
    tpu.wait_dma2 semaphore(%arg31 : memref<!tpu.dma_semaphore, #tpu.memory_space<semaphore_mem>>) src(%arg18 : memref<64x128xf32, #tpu.memory_space<vmem>>) dst(%dma_wait3A_297 : memref<64x128xf32, #tpu.memory_space<hbm>>)
    %dma_start3A_298 = arith.constant 3 : i32
    %dma_start3A_299 = arith.constant 0 : i32
    %dma_start3A_300 = tpu.memref_slice %arg12[%dma_start3A_298, %dma_start3A_299] : memref<8x64xi32, #tpu.memory_space<vmem>> -> memref<1x64xi32, #tpu.memory_space<vmem>>
    %dma_start3A_301 = tpu.memref_squeeze %dma_start3A_300 : memref<1x64xi32, #tpu.memory_space<vmem>> -> memref<64xi32, #tpu.memory_space<vmem>>
    %dma_start3A_302 = arith.constant 0 : i32
    %dma_start3A_303 = arith.constant 0 : i32
    %dma_start3A_304 = tpu.memref_slice %arg4[%dma_start3A_302, %dma_start3A_303] : memref<1000000x128xf32, #tpu.memory_space<hbm>> -> memref<1000000x128xf32, #tpu.memory_space<hbm>>
    tpu.enqueue_indirect_dma source(%dma_start3A_304 : memref<1000000x128xf32, #tpu.memory_space<hbm>>) target(%arg15 : memref<64x128xf32, #tpu.memory_space<vmem>>) offsets(%dma_start3A_301 : memref<64xi32, #tpu.memory_space<vmem>>) semaphore(%arg30 : memref<!tpu.dma_semaphore, #tpu.memory_space<semaphore_mem>>)
    %dma_start3A_305 = arith.constant 3 : i32
    %dma_start3A_306 = arith.constant 0 : i32
    %dma_start3A_307 = tpu.memref_slice %arg13[%dma_start3A_305, %dma_start3A_306] : memref<8x64xi32, #tpu.memory_space<vmem>> -> memref<1x64xi32, #tpu.memory_space<vmem>>
    %dma_start3A_308 = tpu.memref_squeeze %dma_start3A_307 : memref<1x64xi32, #tpu.memory_space<vmem>> -> memref<64xi32, #tpu.memory_space<vmem>>
    %dma_start3A_309 = arith.constant 0 : i32
    %dma_start3A_310 = arith.constant 0 : i32
    %dma_start3A_311 = tpu.memref_slice %arg5[%dma_start3A_309, %dma_start3A_310] : memref<1000000x128xf32, #tpu.memory_space<hbm>> -> memref<1000000x128xf32, #tpu.memory_space<hbm>>
    tpu.enqueue_indirect_dma source(%dma_start3A_311 : memref<1000000x128xf32, #tpu.memory_space<hbm>>) target(%arg16 : memref<64x128xf32, #tpu.memory_space<vmem>>) offsets(%dma_start3A_308 : memref<64xi32, #tpu.memory_space<vmem>>) semaphore(%arg30 : memref<!tpu.dma_semaphore, #tpu.memory_space<semaphore_mem>>)
    %dma_start3A_312 = arith.constant 3 : i32
    %dma_start3A_313 = arith.constant 0 : i32
    %dma_start3A_314 = tpu.memref_slice %arg12[%dma_start3A_312, %dma_start3A_313] : memref<8x64xi32, #tpu.memory_space<vmem>> -> memref<1x64xi32, #tpu.memory_space<vmem>>
    %dma_start3A_315 = tpu.memref_squeeze %dma_start3A_314 : memref<1x64xi32, #tpu.memory_space<vmem>> -> memref<64xi32, #tpu.memory_space<vmem>>
    %dma_start3A_316 = arith.constant 0 : i32
    %dma_start3A_317 = arith.constant 0 : i32
    %dma_start3A_318 = tpu.memref_slice %arg6[%dma_start3A_316, %dma_start3A_317] : memref<1000000x128xf32, #tpu.memory_space<hbm>> -> memref<1000000x128xf32, #tpu.memory_space<hbm>>
    tpu.enqueue_indirect_dma source(%dma_start3A_318 : memref<1000000x128xf32, #tpu.memory_space<hbm>>) target(%arg17 : memref<64x128xf32, #tpu.memory_space<vmem>>) offsets(%dma_start3A_315 : memref<64xi32, #tpu.memory_space<vmem>>) semaphore(%arg30 : memref<!tpu.dma_semaphore, #tpu.memory_space<semaphore_mem>>)
    %dma_start3A_319 = arith.constant 3 : i32
    %dma_start3A_320 = arith.constant 0 : i32
    %dma_start3A_321 = tpu.memref_slice %arg13[%dma_start3A_319, %dma_start3A_320] : memref<8x64xi32, #tpu.memory_space<vmem>> -> memref<1x64xi32, #tpu.memory_space<vmem>>
    %dma_start3A_322 = tpu.memref_squeeze %dma_start3A_321 : memref<1x64xi32, #tpu.memory_space<vmem>> -> memref<64xi32, #tpu.memory_space<vmem>>
    %dma_start3A_323 = arith.constant 0 : i32
    %dma_start3A_324 = arith.constant 0 : i32
    %dma_start3A_325 = tpu.memref_slice %arg7[%dma_start3A_323, %dma_start3A_324] : memref<1000000x128xf32, #tpu.memory_space<hbm>> -> memref<1000000x128xf32, #tpu.memory_space<hbm>>
    tpu.enqueue_indirect_dma source(%dma_start3A_325 : memref<1000000x128xf32, #tpu.memory_space<hbm>>) target(%arg18 : memref<64x128xf32, #tpu.memory_space<vmem>>) offsets(%dma_start3A_322 : memref<64xi32, #tpu.memory_space<vmem>>) semaphore(%arg30 : memref<!tpu.dma_semaphore, #tpu.memory_space<semaphore_mem>>)
    %dma_wait3A_326 = arith.constant 2 : i32
    %dma_wait3A_327 = arith.constant 0 : i32
    %dma_wait3A_328 = tpu.memref_slice %arg12[%dma_wait3A_326, %dma_wait3A_327] : memref<8x64xi32, #tpu.memory_space<vmem>> -> memref<1x64xi32, #tpu.memory_space<vmem>>
    %dma_wait3A_329 = tpu.memref_squeeze %dma_wait3A_328 : memref<1x64xi32, #tpu.memory_space<vmem>> -> memref<64xi32, #tpu.memory_space<vmem>>
    %dma_wait3A_330 = arith.constant 0 : i32
    %dma_wait3A_331 = arith.constant 0 : i32
    %dma_wait3A_332 = tpu.memref_slice %arg4[%dma_wait3A_330, %dma_wait3A_331] : memref<1000000x128xf32, #tpu.memory_space<hbm>> -> memref<1000000x128xf32, #tpu.memory_space<hbm>>
    tpu.wait_indirect_dma semaphore(%arg30 : memref<!tpu.dma_semaphore, #tpu.memory_space<semaphore_mem>>) src(%dma_wait3A_332 : memref<1000000x128xf32, #tpu.memory_space<hbm>>) dst(%arg23 : memref<64x128xf32, #tpu.memory_space<vmem>>)
    %dma_wait3A_333 = arith.constant 2 : i32
    %dma_wait3A_334 = arith.constant 0 : i32
    %dma_wait3A_335 = tpu.memref_slice %arg13[%dma_wait3A_333, %dma_wait3A_334] : memref<8x64xi32, #tpu.memory_space<vmem>> -> memref<1x64xi32, #tpu.memory_space<vmem>>
    %dma_wait3A_336 = tpu.memref_squeeze %dma_wait3A_335 : memref<1x64xi32, #tpu.memory_space<vmem>> -> memref<64xi32, #tpu.memory_space<vmem>>
    %dma_wait3A_337 = arith.constant 0 : i32
    %dma_wait3A_338 = arith.constant 0 : i32
    %dma_wait3A_339 = tpu.memref_slice %arg5[%dma_wait3A_337, %dma_wait3A_338] : memref<1000000x128xf32, #tpu.memory_space<hbm>> -> memref<1000000x128xf32, #tpu.memory_space<hbm>>
    tpu.wait_indirect_dma semaphore(%arg30 : memref<!tpu.dma_semaphore, #tpu.memory_space<semaphore_mem>>) src(%dma_wait3A_339 : memref<1000000x128xf32, #tpu.memory_space<hbm>>) dst(%arg24 : memref<64x128xf32, #tpu.memory_space<vmem>>)
    %dma_wait3A_340 = arith.constant 2 : i32
    %dma_wait3A_341 = arith.constant 0 : i32
    %dma_wait3A_342 = tpu.memref_slice %arg12[%dma_wait3A_340, %dma_wait3A_341] : memref<8x64xi32, #tpu.memory_space<vmem>> -> memref<1x64xi32, #tpu.memory_space<vmem>>
    %dma_wait3A_343 = tpu.memref_squeeze %dma_wait3A_342 : memref<1x64xi32, #tpu.memory_space<vmem>> -> memref<64xi32, #tpu.memory_space<vmem>>
    %dma_wait3A_344 = arith.constant 0 : i32
    %dma_wait3A_345 = arith.constant 0 : i32
    %dma_wait3A_346 = tpu.memref_slice %arg6[%dma_wait3A_344, %dma_wait3A_345] : memref<1000000x128xf32, #tpu.memory_space<hbm>> -> memref<1000000x128xf32, #tpu.memory_space<hbm>>
    tpu.wait_indirect_dma semaphore(%arg30 : memref<!tpu.dma_semaphore, #tpu.memory_space<semaphore_mem>>) src(%dma_wait3A_346 : memref<1000000x128xf32, #tpu.memory_space<hbm>>) dst(%arg25 : memref<64x128xf32, #tpu.memory_space<vmem>>)
    %dma_wait3A_347 = arith.constant 2 : i32
    %dma_wait3A_348 = arith.constant 0 : i32
    %dma_wait3A_349 = tpu.memref_slice %arg13[%dma_wait3A_347, %dma_wait3A_348] : memref<8x64xi32, #tpu.memory_space<vmem>> -> memref<1x64xi32, #tpu.memory_space<vmem>>
    %dma_wait3A_350 = tpu.memref_squeeze %dma_wait3A_349 : memref<1x64xi32, #tpu.memory_space<vmem>> -> memref<64xi32, #tpu.memory_space<vmem>>
    %dma_wait3A_351 = arith.constant 0 : i32
    %dma_wait3A_352 = arith.constant 0 : i32
    %dma_wait3A_353 = tpu.memref_slice %arg7[%dma_wait3A_351, %dma_wait3A_352] : memref<1000000x128xf32, #tpu.memory_space<hbm>> -> memref<1000000x128xf32, #tpu.memory_space<hbm>>
    tpu.wait_indirect_dma semaphore(%arg30 : memref<!tpu.dma_semaphore, #tpu.memory_space<semaphore_mem>>) src(%dma_wait3A_353 : memref<1000000x128xf32, #tpu.memory_space<hbm>>) dst(%arg26 : memref<64x128xf32, #tpu.memory_space<vmem>>)
    %get3A_354 = arith.constant 0 : index
    %get3A_355 = tpu.vector_load %arg14[%get3A_354] {strides = array<i32>} : memref<128xf32, #tpu.memory_space<vmem>>, vector<16xf32>,
    %get3A_356 = vector.shape_cast %get3A_355 : vector<16xf32> to vector<16xf32>
    %get3A_357 = arith.constant 16 : index
    %get3A_358 = tpu.vector_load %arg14[%get3A_357] {strides = array<i32>} : memref<128xf32, #tpu.memory_space<vmem>>, vector<16xf32>,
    %get3A_359 = vector.shape_cast %get3A_358 : vector<16xf32> to vector<16xf32>
    %get3A_360 = arith.constant 32 : index
    %get3A_361 = tpu.vector_load %arg14[%get3A_360] {strides = array<i32>} : memref<128xf32, #tpu.memory_space<vmem>>, vector<16xf32>,
    %get3A_362 = vector.shape_cast %get3A_361 : vector<16xf32> to vector<16xf32>
    %get3A_363 = arith.constant 48 : index
    %get3A_364 = tpu.vector_load %arg14[%get3A_363] {strides = array<i32>} : memref<128xf32, #tpu.memory_space<vmem>>, vector<16xf32>,
    %get3A_365 = vector.shape_cast %get3A_364 : vector<16xf32> to vector<16xf32>
    %get3A_366 = arith.constant 64 : index
    %get3A_367 = tpu.vector_load %arg14[%get3A_366] {strides = array<i32>} : memref<128xf32, #tpu.memory_space<vmem>>, vector<16xf32>,
    %get3A_368 = vector.shape_cast %get3A_367 : vector<16xf32> to vector<16xf32>
    %get3A_369 = arith.constant 80 : index
    %get3A_370 = tpu.vector_load %arg14[%get3A_369] {strides = array<i32>} : memref<128xf32, #tpu.memory_space<vmem>>, vector<16xf32>,
    %get3A_371 = vector.shape_cast %get3A_370 : vector<16xf32> to vector<16xf32>
    %get3A_372 = arith.constant 96 : index
    %get3A_373 = tpu.vector_load %arg14[%get3A_372] {strides = array<i32>} : memref<128xf32, #tpu.memory_space<vmem>>, vector<16xf32>,
    %get3A_374 = vector.shape_cast %get3A_373 : vector<16xf32> to vector<16xf32>
    %get3A_375 = arith.constant 112 : index
    %get3A_376 = tpu.vector_load %arg14[%get3A_375] {strides = array<i32>} : memref<128xf32, #tpu.memory_space<vmem>>, vector<16xf32>,
    %get3A_377 = vector.shape_cast %get3A_376 : vector<16xf32> to vector<16xf32>
    %broadcast_in_dim3A_378 = arith.constant 0.000000e+00 : f32
    %broadcast_in_dim3A_379 = vector.broadcast %broadcast_in_dim3A_378 : f32 to vector<16xf32>
    %scan3A_380 = arith.constant 0 : i32
    %scan3A_381 = arith.constant 64 : i32
    %scan3A_382 = arith.addi %scan3A_380, %scan3A_381 : i32
    %scan3A_383 = arith.constant 1 : i32
    %scan3A_384 = scf.for %scan3A_940 = %scan3A_380 to %scan3A_382 step %scan3A_383 iter_args(%scan3A_941 = %broadcast_in_dim3A_379) -> (vector<16xf32>)  : i32 {
      %get3A_942 = arith.index_cast %scan3A_940 : i32 to index
      %get3A_943 = arith.constant 0 : index
      %get3A_944 = tpu.vector_load %arg23[%get3A_942, %get3A_943] {strides = array<i32>} : memref<64x128xf32, #tpu.memory_space<vmem>>, vector<1x16xf32>,
      %get3A_945 = vector.shape_cast %get3A_944 : vector<1x16xf32> to vector<16xf32>
      %get3A_946 = arith.index_cast %scan3A_940 : i32 to index
      %get3A_947 = arith.constant 0 : index
      %get3A_948 = tpu.vector_load %arg24[%get3A_946, %get3A_947] {strides = array<i32>} : memref<64x128xf32, #tpu.memory_space<vmem>>, vector<1x16xf32>,
      %get3A_949 = vector.shape_cast %get3A_948 : vector<1x16xf32> to vector<16xf32>
      %mul3A_950 = arith.mulf %get3A_945, %get3A_949 : vector<16xf32>
      %mul3A_951 = arith.mulf %mul3A_950, %get3A_356 : vector<16xf32>
      %get3A_952 = arith.index_cast %scan3A_940 : i32 to index
      %get3A_953 = arith.constant 16 : index
      %get3A_954 = tpu.vector_load %arg23[%get3A_952, %get3A_953] {strides = array<i32>} : memref<64x128xf32, #tpu.memory_space<vmem>>, vector<1x16xf32>,
      %get3A_955 = vector.shape_cast %get3A_954 : vector<1x16xf32> to vector<16xf32>
      %get3A_956 = arith.index_cast %scan3A_940 : i32 to index
      %get3A_957 = arith.constant 16 : index
      %get3A_958 = tpu.vector_load %arg24[%get3A_956, %get3A_957] {strides = array<i32>} : memref<64x128xf32, #tpu.memory_space<vmem>>, vector<1x16xf32>,
      %get3A_959 = vector.shape_cast %get3A_958 : vector<1x16xf32> to vector<16xf32>
      %mul3A_960 = arith.mulf %get3A_955, %get3A_959 : vector<16xf32>
      %mul3A_961 = arith.mulf %mul3A_960, %get3A_359 : vector<16xf32>
      %add3A_962 = arith.addf %mul3A_951, %mul3A_961 : vector<16xf32>
      %get3A_963 = arith.index_cast %scan3A_940 : i32 to index
      %get3A_964 = arith.constant 32 : index
      %get3A_965 = tpu.vector_load %arg23[%get3A_963, %get3A_964] {strides = array<i32>} : memref<64x128xf32, #tpu.memory_space<vmem>>, vector<1x16xf32>,
      %get3A_966 = vector.shape_cast %get3A_965 : vector<1x16xf32> to vector<16xf32>
      %get3A_967 = arith.index_cast %scan3A_940 : i32 to index
      %get3A_968 = arith.constant 32 : index
      %get3A_969 = tpu.vector_load %arg24[%get3A_967, %get3A_968] {strides = array<i32>} : memref<64x128xf32, #tpu.memory_space<vmem>>, vector<1x16xf32>,
      %get3A_970 = vector.shape_cast %get3A_969 : vector<1x16xf32> to vector<16xf32>
      %mul3A_971 = arith.mulf %get3A_966, %get3A_970 : vector<16xf32>
      %mul3A_972 = arith.mulf %mul3A_971, %get3A_362 : vector<16xf32>
      %add3A_973 = arith.addf %add3A_962, %mul3A_972 : vector<16xf32>
      %get3A_974 = arith.index_cast %scan3A_940 : i32 to index
      %get3A_975 = arith.constant 48 : index
      %get3A_976 = tpu.vector_load %arg23[%get3A_974, %get3A_975] {strides = array<i32>} : memref<64x128xf32, #tpu.memory_space<vmem>>, vector<1x16xf32>,
      %get3A_977 = vector.shape_cast %get3A_976 : vector<1x16xf32> to vector<16xf32>
      %get3A_978 = arith.index_cast %scan3A_940 : i32 to index
      %get3A_979 = arith.constant 48 : index
      %get3A_980 = tpu.vector_load %arg24[%get3A_978, %get3A_979] {strides = array<i32>} : memref<64x128xf32, #tpu.memory_space<vmem>>, vector<1x16xf32>,
      %get3A_981 = vector.shape_cast %get3A_980 : vector<1x16xf32> to vector<16xf32>
      %mul3A_982 = arith.mulf %get3A_977, %get3A_981 : vector<16xf32>
      %mul3A_983 = arith.mulf %mul3A_982, %get3A_365 : vector<16xf32>
      %add3A_984 = arith.addf %add3A_973, %mul3A_983 : vector<16xf32>
      %get3A_985 = arith.index_cast %scan3A_940 : i32 to index
      %get3A_986 = arith.constant 64 : index
      %get3A_987 = tpu.vector_load %arg23[%get3A_985, %get3A_986] {strides = array<i32>} : memref<64x128xf32, #tpu.memory_space<vmem>>, vector<1x16xf32>,
      %get3A_988 = vector.shape_cast %get3A_987 : vector<1x16xf32> to vector<16xf32>
      %get3A_989 = arith.index_cast %scan3A_940 : i32 to index
      %get3A_990 = arith.constant 64 : index
      %get3A_991 = tpu.vector_load %arg24[%get3A_989, %get3A_990] {strides = array<i32>} : memref<64x128xf32, #tpu.memory_space<vmem>>, vector<1x16xf32>,
      %get3A_992 = vector.shape_cast %get3A_991 : vector<1x16xf32> to vector<16xf32>
      %mul3A_993 = arith.mulf %get3A_988, %get3A_992 : vector<16xf32>
      %mul3A_994 = arith.mulf %mul3A_993, %get3A_368 : vector<16xf32>
      %add3A_995 = arith.addf %add3A_984, %mul3A_994 : vector<16xf32>
      %get3A_996 = arith.index_cast %scan3A_940 : i32 to index
      %get3A_997 = arith.constant 80 : index
      %get3A_998 = tpu.vector_load %arg23[%get3A_996, %get3A_997] {strides = array<i32>} : memref<64x128xf32, #tpu.memory_space<vmem>>, vector<1x16xf32>,
      %get3A_999 = vector.shape_cast %get3A_998 : vector<1x16xf32> to vector<16xf32>
      %get3A_1000 = arith.index_cast %scan3A_940 : i32 to index
      %get3A_1001 = arith.constant 80 : index
      %get3A_1002 = tpu.vector_load %arg24[%get3A_1000, %get3A_1001] {strides = array<i32>} : memref<64x128xf32, #tpu.memory_space<vmem>>, vector<1x16xf32>,
      %get3A_1003 = vector.shape_cast %get3A_1002 : vector<1x16xf32> to vector<16xf32>
      %mul3A_1004 = arith.mulf %get3A_999, %get3A_1003 : vector<16xf32>
      %mul3A_1005 = arith.mulf %mul3A_1004, %get3A_371 : vector<16xf32>
      %add3A_1006 = arith.addf %add3A_995, %mul3A_1005 : vector<16xf32>
      %get3A_1007 = arith.index_cast %scan3A_940 : i32 to index
      %get3A_1008 = arith.constant 96 : index
      %get3A_1009 = tpu.vector_load %arg23[%get3A_1007, %get3A_1008] {strides = array<i32>} : memref<64x128xf32, #tpu.memory_space<vmem>>, vector<1x16xf32>,
      %get3A_1010 = vector.shape_cast %get3A_1009 : vector<1x16xf32> to vector<16xf32>
      %get3A_1011 = arith.index_cast %scan3A_940 : i32 to index
      %get3A_1012 = arith.constant 96 : index
      %get3A_1013 = tpu.vector_load %arg24[%get3A_1011, %get3A_1012] {strides = array<i32>} : memref<64x128xf32, #tpu.memory_space<vmem>>, vector<1x16xf32>,
      %get3A_1014 = vector.shape_cast %get3A_1013 : vector<1x16xf32> to vector<16xf32>
      %mul3A_1015 = arith.mulf %get3A_1010, %get3A_1014 : vector<16xf32>
      %mul3A_1016 = arith.mulf %mul3A_1015, %get3A_374 : vector<16xf32>
      %add3A_1017 = arith.addf %add3A_1006, %mul3A_1016 : vector<16xf32>
      %get3A_1018 = arith.index_cast %scan3A_940 : i32 to index
      %get3A_1019 = arith.constant 112 : index
      %get3A_1020 = tpu.vector_load %arg23[%get3A_1018, %get3A_1019] {strides = array<i32>} : memref<64x128xf32, #tpu.memory_space<vmem>>, vector<1x16xf32>,
      %get3A_1021 = vector.shape_cast %get3A_1020 : vector<1x16xf32> to vector<16xf32>
      %get3A_1022 = arith.index_cast %scan3A_940 : i32 to index
      %get3A_1023 = arith.constant 112 : index
      %get3A_1024 = tpu.vector_load %arg24[%get3A_1022, %get3A_1023] {strides = array<i32>} : memref<64x128xf32, #tpu.memory_space<vmem>>, vector<1x16xf32>,
      %get3A_1025 = vector.shape_cast %get3A_1024 : vector<1x16xf32> to vector<16xf32>
      %mul3A_1026 = arith.mulf %get3A_1021, %get3A_1025 : vector<16xf32>
      %mul3A_1027 = arith.mulf %mul3A_1026, %get3A_377 : vector<16xf32>
      %add3A_1028 = arith.addf %add3A_1017, %mul3A_1027 : vector<16xf32>
      %broadcast_in_dim3A_1029 = vector.shape_cast %xor3A_55 : vector<16xi32> to vector<16x1xi32>
      %gather3A = vector.shape_cast %broadcast_in_dim3A_1029 : vector<16x1xi32> to vector<16xi32>
      %gather3A_1030 = tpu.dynamic_gather %add3A_1028[%gather3A] in [0] : vector<16xf32>, vector<16xi32> -> vector<16xf32>
      %add3A_1031 = arith.addf %add3A_1028, %gather3A_1030 : vector<16xf32>
      %broadcast_in_dim3A_1032 = vector.shape_cast %xor3A_58 : vector<16xi32> to vector<16x1xi32>
      %gather3A_1033 = vector.shape_cast %broadcast_in_dim3A_1032 : vector<16x1xi32> to vector<16xi32>
      %gather3A_1034 = tpu.dynamic_gather %add3A_1031[%gather3A_1033] in [0] : vector<16xf32>, vector<16xi32> -> vector<16xf32>
      %add3A_1035 = arith.addf %add3A_1031, %gather3A_1034 : vector<16xf32>
      %broadcast_in_dim3A_1036 = vector.shape_cast %xor3A_61 : vector<16xi32> to vector<16x1xi32>
      %gather3A_1037 = vector.shape_cast %broadcast_in_dim3A_1036 : vector<16x1xi32> to vector<16xi32>
      %gather3A_1038 = tpu.dynamic_gather %add3A_1035[%gather3A_1037] in [0] : vector<16xf32>, vector<16xi32> -> vector<16xf32>
      %add3A_1039 = arith.addf %add3A_1035, %gather3A_1038 : vector<16xf32>
      %broadcast_in_dim3A_1040 = vector.shape_cast %xor3A_64 : vector<16xi32> to vector<16x1xi32>
      %gather3A_1041 = vector.shape_cast %broadcast_in_dim3A_1040 : vector<16x1xi32> to vector<16xi32>
      %gather3A_1042 = tpu.dynamic_gather %add3A_1039[%gather3A_1041] in [0] : vector<16xf32>, vector<16xi32> -> vector<16xf32>
      %add3A_1043 = arith.addf %add3A_1039, %gather3A_1042 : vector<16xf32>
      %rem3A = arith.constant 16 : i32
      %rem3A_1044 = arith.remsi %scan3A_940, %rem3A : i32
      %eq3A = vector.broadcast %rem3A_1044 : i32 to vector<16xi32>
      %eq3A_1045 = arith.cmpi eq, %iota3A, %eq3A : vector<16xi32>
      %select_n3A = arith.select %eq3A_1045, %add3A_1043, %scan3A_941 : vector<16xi1>, vector<16xf32>
      %rem3A_1046 = arith.constant 16 : i32
      %rem3A_1047 = arith.remsi %scan3A_940, %rem3A_1046 : i32
      %eq3A_1048 = arith.constant 15 : i32
      %eq3A_1049 = arith.cmpi eq, %rem3A_1047, %eq3A_1048 : i32
      %convert_element_type3A = arith.extui %eq3A_1049 : i1 to i32
      %cond3A = arith.constant 0 : i32
      %cond3A_1050 = arith.cmpi ne, %convert_element_type3A, %cond3A : i32
      scf.if %cond3A_1050 {
        %sub3A = arith.constant 15 : i32
        %sub3A_1051 = arith.subi %scan3A_940, %sub3A : i32
        %swap3A = arith.index_cast %sub3A_1051 : i32 to index
        %swap3A_1052 = tpu.vector_load %arg29[%swap3A] {strides = array<i32>} : memref<64xf32, #tpu.memory_space<vmem>>, vector<16xf32>,
        %swap3A_1053 = vector.shape_cast %swap3A_1052 : vector<16xf32> to vector<16xf32>
        %swap3A_1054 = vector.shape_cast %select_n3A : vector<16xf32> to vector<16xf32>
        tpu.vector_store %arg29[%swap3A], %swap3A_1054 {strides = array<i32>} : memref<64xf32, #tpu.memory_space<vmem>>, vector<16xf32>,
      } else {
      }
      scf.yield %select_n3A : vector<16xf32>
    }
    %scan3A_385 = arith.constant 64 : i32
    %add3A_386 = arith.constant 128 : i32
    %add3A_387 = arith.addi %mul3A_6, %add3A_386 : i32
    %dma_start3A_388 = tpu.memref_slice %arg9[%add3A_387] : memref<16384xf32, #tpu.memory_space<hbm>> -> memref<64xf32, #tpu.memory_space<hbm>>
    %dma_start3A_389 = tpu.memref_slice %arg9[%add3A_387] : memref<16384xf32, #tpu.memory_space<hbm>> -> memref<64xf32, #tpu.memory_space<hbm>>
    tpu.enqueue_dma source(%arg29 : memref<64xf32, #tpu.memory_space<vmem>>) target(%dma_start3A_389 : memref<64xf32, #tpu.memory_space<hbm>>) target_semaphore(%arg31 : memref<!tpu.dma_semaphore, #tpu.memory_space<semaphore_mem>>)
    %dma_start3A_390 = arith.constant 0 : i32
    %dma_start3A_391 = tpu.memref_slice %arg10[%add3A_387, %dma_start3A_390] : memref<16384x128xf32, #tpu.memory_space<hbm>> -> memref<64x128xf32, #tpu.memory_space<hbm>>
    %dma_start3A_392 = arith.constant 0 : i32
    %dma_start3A_393 = tpu.memref_slice %arg10[%add3A_387, %dma_start3A_392] : memref<16384x128xf32, #tpu.memory_space<hbm>> -> memref<64x128xf32, #tpu.memory_space<hbm>>
    tpu.enqueue_dma source(%arg25 : memref<64x128xf32, #tpu.memory_space<vmem>>) target(%dma_start3A_393 : memref<64x128xf32, #tpu.memory_space<hbm>>) target_semaphore(%arg31 : memref<!tpu.dma_semaphore, #tpu.memory_space<semaphore_mem>>)
    %dma_start3A_394 = arith.constant 0 : i32
    %dma_start3A_395 = tpu.memref_slice %arg11[%add3A_387, %dma_start3A_394] : memref<16384x128xf32, #tpu.memory_space<hbm>> -> memref<64x128xf32, #tpu.memory_space<hbm>>
    %dma_start3A_396 = arith.constant 0 : i32
    %dma_start3A_397 = tpu.memref_slice %arg11[%add3A_387, %dma_start3A_396] : memref<16384x128xf32, #tpu.memory_space<hbm>> -> memref<64x128xf32, #tpu.memory_space<hbm>>
    tpu.enqueue_dma source(%arg26 : memref<64x128xf32, #tpu.memory_space<vmem>>) target(%dma_start3A_397 : memref<64x128xf32, #tpu.memory_space<hbm>>) target_semaphore(%arg31 : memref<!tpu.dma_semaphore, #tpu.memory_space<semaphore_mem>>)
    %dma_wait3A_398 = tpu.memref_slice %arg9[%add3A_277] : memref<16384xf32, #tpu.memory_space<hbm>> -> memref<64xf32, #tpu.memory_space<hbm>>
    %dma_wait3A_399 = tpu.memref_slice %arg9[%add3A_277] : memref<16384xf32, #tpu.memory_space<hbm>> -> memref<64xf32, #tpu.memory_space<hbm>>
    tpu.wait_dma2 semaphore(%arg31 : memref<!tpu.dma_semaphore, #tpu.memory_space<semaphore_mem>>) src(%arg28 : memref<64xf32, #tpu.memory_space<vmem>>) dst(%dma_wait3A_399 : memref<64xf32, #tpu.memory_space<hbm>>)
    %dma_wait3A_400 = arith.constant 0 : i32
    %dma_wait3A_401 = tpu.memref_slice %arg10[%add3A_277, %dma_wait3A_400] : memref<16384x128xf32, #tpu.memory_space<hbm>> -> memref<64x128xf32, #tpu.memory_space<hbm>>
    %dma_wait3A_402 = arith.constant 0 : i32
    %dma_wait3A_403 = tpu.memref_slice %arg10[%add3A_277, %dma_wait3A_402] : memref<16384x128xf32, #tpu.memory_space<hbm>> -> memref<64x128xf32, #tpu.memory_space<hbm>>
    tpu.wait_dma2 semaphore(%arg31 : memref<!tpu.dma_semaphore, #tpu.memory_space<semaphore_mem>>) src(%arg21 : memref<64x128xf32, #tpu.memory_space<vmem>>) dst(%dma_wait3A_403 : memref<64x128xf32, #tpu.memory_space<hbm>>)
    %dma_wait3A_404 = arith.constant 0 : i32
    %dma_wait3A_405 = tpu.memref_slice %arg11[%add3A_277, %dma_wait3A_404] : memref<16384x128xf32, #tpu.memory_space<hbm>> -> memref<64x128xf32, #tpu.memory_space<hbm>>
    %dma_wait3A_406 = arith.constant 0 : i32
    %dma_wait3A_407 = tpu.memref_slice %arg11[%add3A_277, %dma_wait3A_406] : memref<16384x128xf32, #tpu.memory_space<hbm>> -> memref<64x128xf32, #tpu.memory_space<hbm>>
    tpu.wait_dma2 semaphore(%arg31 : memref<!tpu.dma_semaphore, #tpu.memory_space<semaphore_mem>>) src(%arg22 : memref<64x128xf32, #tpu.memory_space<vmem>>) dst(%dma_wait3A_407 : memref<64x128xf32, #tpu.memory_space<hbm>>)
    %dma_start3A_408 = arith.constant 4 : i32
    %dma_start3A_409 = arith.constant 0 : i32
    %dma_start3A_410 = tpu.memref_slice %arg12[%dma_start3A_408, %dma_start3A_409] : memref<8x64xi32, #tpu.memory_space<vmem>> -> memref<1x64xi32, #tpu.memory_space<vmem>>
    %dma_start3A_411 = tpu.memref_squeeze %dma_start3A_410 : memref<1x64xi32, #tpu.memory_space<vmem>> -> memref<64xi32, #tpu.memory_space<vmem>>
    %dma_start3A_412 = arith.constant 0 : i32
    %dma_start3A_413 = arith.constant 0 : i32
    %dma_start3A_414 = tpu.memref_slice %arg4[%dma_start3A_412, %dma_start3A_413] : memref<1000000x128xf32, #tpu.memory_space<hbm>> -> memref<1000000x128xf32, #tpu.memory_space<hbm>>
    tpu.enqueue_indirect_dma source(%dma_start3A_414 : memref<1000000x128xf32, #tpu.memory_space<hbm>>) target(%arg19 : memref<64x128xf32, #tpu.memory_space<vmem>>) offsets(%dma_start3A_411 : memref<64xi32, #tpu.memory_space<vmem>>) semaphore(%arg30 : memref<!tpu.dma_semaphore, #tpu.memory_space<semaphore_mem>>)
    %dma_start3A_415 = arith.constant 4 : i32
    %dma_start3A_416 = arith.constant 0 : i32
    %dma_start3A_417 = tpu.memref_slice %arg13[%dma_start3A_415, %dma_start3A_416] : memref<8x64xi32, #tpu.memory_space<vmem>> -> memref<1x64xi32, #tpu.memory_space<vmem>>
    %dma_start3A_418 = tpu.memref_squeeze %dma_start3A_417 : memref<1x64xi32, #tpu.memory_space<vmem>> -> memref<64xi32, #tpu.memory_space<vmem>>
    %dma_start3A_419 = arith.constant 0 : i32
    %dma_start3A_420 = arith.constant 0 : i32
    %dma_start3A_421 = tpu.memref_slice %arg5[%dma_start3A_419, %dma_start3A_420] : memref<1000000x128xf32, #tpu.memory_space<hbm>> -> memref<1000000x128xf32, #tpu.memory_space<hbm>>
    tpu.enqueue_indirect_dma source(%dma_start3A_421 : memref<1000000x128xf32, #tpu.memory_space<hbm>>) target(%arg20 : memref<64x128xf32, #tpu.memory_space<vmem>>) offsets(%dma_start3A_418 : memref<64xi32, #tpu.memory_space<vmem>>) semaphore(%arg30 : memref<!tpu.dma_semaphore, #tpu.memory_space<semaphore_mem>>)
    %dma_start3A_422 = arith.constant 4 : i32
    %dma_start3A_423 = arith.constant 0 : i32
    %dma_start3A_424 = tpu.memref_slice %arg12[%dma_start3A_422, %dma_start3A_423] : memref<8x64xi32, #tpu.memory_space<vmem>> -> memref<1x64xi32, #tpu.memory_space<vmem>>
    %dma_start3A_425 = tpu.memref_squeeze %dma_start3A_424 : memref<1x64xi32, #tpu.memory_space<vmem>> -> memref<64xi32, #tpu.memory_space<vmem>>
    %dma_start3A_426 = arith.constant 0 : i32
    %dma_start3A_427 = arith.constant 0 : i32
    %dma_start3A_428 = tpu.memref_slice %arg6[%dma_start3A_426, %dma_start3A_427] : memref<1000000x128xf32, #tpu.memory_space<hbm>> -> memref<1000000x128xf32, #tpu.memory_space<hbm>>
    tpu.enqueue_indirect_dma source(%dma_start3A_428 : memref<1000000x128xf32, #tpu.memory_space<hbm>>) target(%arg21 : memref<64x128xf32, #tpu.memory_space<vmem>>) offsets(%dma_start3A_425 : memref<64xi32, #tpu.memory_space<vmem>>) semaphore(%arg30 : memref<!tpu.dma_semaphore, #tpu.memory_space<semaphore_mem>>)
    %dma_start3A_429 = arith.constant 4 : i32
    %dma_start3A_430 = arith.constant 0 : i32
    %dma_start3A_431 = tpu.memref_slice %arg13[%dma_start3A_429, %dma_start3A_430] : memref<8x64xi32, #tpu.memory_space<vmem>> -> memref<1x64xi32, #tpu.memory_space<vmem>>
    %dma_start3A_432 = tpu.memref_squeeze %dma_start3A_431 : memref<1x64xi32, #tpu.memory_space<vmem>> -> memref<64xi32, #tpu.memory_space<vmem>>
    %dma_start3A_433 = arith.constant 0 : i32
    %dma_start3A_434 = arith.constant 0 : i32
    %dma_start3A_435 = tpu.memref_slice %arg7[%dma_start3A_433, %dma_start3A_434] : memref<1000000x128xf32, #tpu.memory_space<hbm>> -> memref<1000000x128xf32, #tpu.memory_space<hbm>>
    tpu.enqueue_indirect_dma source(%dma_start3A_435 : memref<1000000x128xf32, #tpu.memory_space<hbm>>) target(%arg22 : memref<64x128xf32, #tpu.memory_space<vmem>>) offsets(%dma_start3A_432 : memref<64xi32, #tpu.memory_space<vmem>>) semaphore(%arg30 : memref<!tpu.dma_semaphore, #tpu.memory_space<semaphore_mem>>)
    %dma_wait3A_436 = arith.constant 3 : i32
    %dma_wait3A_437 = arith.constant 0 : i32
    %dma_wait3A_438 = tpu.memref_slice %arg12[%dma_wait3A_436, %dma_wait3A_437] : memref<8x64xi32, #tpu.memory_space<vmem>> -> memref<1x64xi32, #tpu.memory_space<vmem>>
    %dma_wait3A_439 = tpu.memref_squeeze %dma_wait3A_438 : memref<1x64xi32, #tpu.memory_space<vmem>> -> memref<64xi32, #tpu.memory_space<vmem>>
    %dma_wait3A_440 = arith.constant 0 : i32
    %dma_wait3A_441 = arith.constant 0 : i32
    %dma_wait3A_442 = tpu.memref_slice %arg4[%dma_wait3A_440, %dma_wait3A_441] : memref<1000000x128xf32, #tpu.memory_space<hbm>> -> memref<1000000x128xf32, #tpu.memory_space<hbm>>
    tpu.wait_indirect_dma semaphore(%arg30 : memref<!tpu.dma_semaphore, #tpu.memory_space<semaphore_mem>>) src(%dma_wait3A_442 : memref<1000000x128xf32, #tpu.memory_space<hbm>>) dst(%arg15 : memref<64x128xf32, #tpu.memory_space<vmem>>)
    %dma_wait3A_443 = arith.constant 3 : i32
    %dma_wait3A_444 = arith.constant 0 : i32
    %dma_wait3A_445 = tpu.memref_slice %arg13[%dma_wait3A_443, %dma_wait3A_444] : memref<8x64xi32, #tpu.memory_space<vmem>> -> memref<1x64xi32, #tpu.memory_space<vmem>>
    %dma_wait3A_446 = tpu.memref_squeeze %dma_wait3A_445 : memref<1x64xi32, #tpu.memory_space<vmem>> -> memref<64xi32, #tpu.memory_space<vmem>>
    %dma_wait3A_447 = arith.constant 0 : i32
    %dma_wait3A_448 = arith.constant 0 : i32
    %dma_wait3A_449 = tpu.memref_slice %arg5[%dma_wait3A_447, %dma_wait3A_448] : memref<1000000x128xf32, #tpu.memory_space<hbm>> -> memref<1000000x128xf32, #tpu.memory_space<hbm>>
    tpu.wait_indirect_dma semaphore(%arg30 : memref<!tpu.dma_semaphore, #tpu.memory_space<semaphore_mem>>) src(%dma_wait3A_449 : memref<1000000x128xf32, #tpu.memory_space<hbm>>) dst(%arg16 : memref<64x128xf32, #tpu.memory_space<vmem>>)
    %dma_wait3A_450 = arith.constant 3 : i32
    %dma_wait3A_451 = arith.constant 0 : i32
    %dma_wait3A_452 = tpu.memref_slice %arg12[%dma_wait3A_450, %dma_wait3A_451] : memref<8x64xi32, #tpu.memory_space<vmem>> -> memref<1x64xi32, #tpu.memory_space<vmem>>
    %dma_wait3A_453 = tpu.memref_squeeze %dma_wait3A_452 : memref<1x64xi32, #tpu.memory_space<vmem>> -> memref<64xi32, #tpu.memory_space<vmem>>
    %dma_wait3A_454 = arith.constant 0 : i32
    %dma_wait3A_455 = arith.constant 0 : i32
    %dma_wait3A_456 = tpu.memref_slice %arg6[%dma_wait3A_454, %dma_wait3A_455] : memref<1000000x128xf32, #tpu.memory_space<hbm>> -> memref<1000000x128xf32, #tpu.memory_space<hbm>>
    tpu.wait_indirect_dma semaphore(%arg30 : memref<!tpu.dma_semaphore, #tpu.memory_space<semaphore_mem>>) src(%dma_wait3A_456 : memref<1000000x128xf32, #tpu.memory_space<hbm>>) dst(%arg17 : memref<64x128xf32, #tpu.memory_space<vmem>>)
    %dma_wait3A_457 = arith.constant 3 : i32
    %dma_wait3A_458 = arith.constant 0 : i32
    %dma_wait3A_459 = tpu.memref_slice %arg13[%dma_wait3A_457, %dma_wait3A_458] : memref<8x64xi32, #tpu.memory_space<vmem>> -> memref<1x64xi32, #tpu.memory_space<vmem>>
    %dma_wait3A_460 = tpu.memref_squeeze %dma_wait3A_459 : memref<1x64xi32, #tpu.memory_space<vmem>> -> memref<64xi32, #tpu.memory_space<vmem>>
    %dma_wait3A_461 = arith.constant 0 : i32
    %dma_wait3A_462 = arith.constant 0 : i32
    %dma_wait3A_463 = tpu.memref_slice %arg7[%dma_wait3A_461, %dma_wait3A_462] : memref<1000000x128xf32, #tpu.memory_space<hbm>> -> memref<1000000x128xf32, #tpu.memory_space<hbm>>
    tpu.wait_indirect_dma semaphore(%arg30 : memref<!tpu.dma_semaphore, #tpu.memory_space<semaphore_mem>>) src(%dma_wait3A_463 : memref<1000000x128xf32, #tpu.memory_space<hbm>>) dst(%arg18 : memref<64x128xf32, #tpu.memory_space<vmem>>)
    %get3A_464 = arith.constant 0 : index
    %get3A_465 = tpu.vector_load %arg14[%get3A_464] {strides = array<i32>} : memref<128xf32, #tpu.memory_space<vmem>>, vector<16xf32>,
    %get3A_466 = vector.shape_cast %get3A_465 : vector<16xf32> to vector<16xf32>
    %get3A_467 = arith.constant 16 : index
    %get3A_468 = tpu.vector_load %arg14[%get3A_467] {strides = array<i32>} : memref<128xf32, #tpu.memory_space<vmem>>, vector<16xf32>,
    %get3A_469 = vector.shape_cast %get3A_468 : vector<16xf32> to vector<16xf32>
    %get3A_470 = arith.constant 32 : index
    %get3A_471 = tpu.vector_load %arg14[%get3A_470] {strides = array<i32>} : memref<128xf32, #tpu.memory_space<vmem>>, vector<16xf32>,
    %get3A_472 = vector.shape_cast %get3A_471 : vector<16xf32> to vector<16xf32>
    %get3A_473 = arith.constant 48 : index
    %get3A_474 = tpu.vector_load %arg14[%get3A_473] {strides = array<i32>} : memref<128xf32, #tpu.memory_space<vmem>>, vector<16xf32>,
    %get3A_475 = vector.shape_cast %get3A_474 : vector<16xf32> to vector<16xf32>
    %get3A_476 = arith.constant 64 : index
    %get3A_477 = tpu.vector_load %arg14[%get3A_476] {strides = array<i32>} : memref<128xf32, #tpu.memory_space<vmem>>, vector<16xf32>,
    %get3A_478 = vector.shape_cast %get3A_477 : vector<16xf32> to vector<16xf32>
    %get3A_479 = arith.constant 80 : index
    %get3A_480 = tpu.vector_load %arg14[%get3A_479] {strides = array<i32>} : memref<128xf32, #tpu.memory_space<vmem>>, vector<16xf32>,
    %get3A_481 = vector.shape_cast %get3A_480 : vector<16xf32> to vector<16xf32>
    %get3A_482 = arith.constant 96 : index
    %get3A_483 = tpu.vector_load %arg14[%get3A_482] {strides = array<i32>} : memref<128xf32, #tpu.memory_space<vmem>>, vector<16xf32>,
    %get3A_484 = vector.shape_cast %get3A_483 : vector<16xf32> to vector<16xf32>
    %get3A_485 = arith.constant 112 : index
    %get3A_486 = tpu.vector_load %arg14[%get3A_485] {strides = array<i32>} : memref<128xf32, #tpu.memory_space<vmem>>, vector<16xf32>,
    %get3A_487 = vector.shape_cast %get3A_486 : vector<16xf32> to vector<16xf32>
    %broadcast_in_dim3A_488 = arith.constant 0.000000e+00 : f32
    %broadcast_in_dim3A_489 = vector.broadcast %broadcast_in_dim3A_488 : f32 to vector<16xf32>
    %scan3A_490 = arith.constant 0 : i32
    %scan3A_491 = arith.constant 64 : i32
    %scan3A_492 = arith.addi %scan3A_490, %scan3A_491 : i32
    %scan3A_493 = arith.constant 1 : i32
    %scan3A_494 = scf.for %scan3A_940 = %scan3A_490 to %scan3A_492 step %scan3A_493 iter_args(%scan3A_941 = %broadcast_in_dim3A_489) -> (vector<16xf32>)  : i32 {
      %get3A_942 = arith.index_cast %scan3A_940 : i32 to index
      %get3A_943 = arith.constant 0 : index
      %get3A_944 = tpu.vector_load %arg15[%get3A_942, %get3A_943] {strides = array<i32>} : memref<64x128xf32, #tpu.memory_space<vmem>>, vector<1x16xf32>,
      %get3A_945 = vector.shape_cast %get3A_944 : vector<1x16xf32> to vector<16xf32>
      %get3A_946 = arith.index_cast %scan3A_940 : i32 to index
      %get3A_947 = arith.constant 0 : index
      %get3A_948 = tpu.vector_load %arg16[%get3A_946, %get3A_947] {strides = array<i32>} : memref<64x128xf32, #tpu.memory_space<vmem>>, vector<1x16xf32>,
      %get3A_949 = vector.shape_cast %get3A_948 : vector<1x16xf32> to vector<16xf32>
      %mul3A_950 = arith.mulf %get3A_945, %get3A_949 : vector<16xf32>
      %mul3A_951 = arith.mulf %mul3A_950, %get3A_466 : vector<16xf32>
      %get3A_952 = arith.index_cast %scan3A_940 : i32 to index
      %get3A_953 = arith.constant 16 : index
      %get3A_954 = tpu.vector_load %arg15[%get3A_952, %get3A_953] {strides = array<i32>} : memref<64x128xf32, #tpu.memory_space<vmem>>, vector<1x16xf32>,
      %get3A_955 = vector.shape_cast %get3A_954 : vector<1x16xf32> to vector<16xf32>
      %get3A_956 = arith.index_cast %scan3A_940 : i32 to index
      %get3A_957 = arith.constant 16 : index
      %get3A_958 = tpu.vector_load %arg16[%get3A_956, %get3A_957] {strides = array<i32>} : memref<64x128xf32, #tpu.memory_space<vmem>>, vector<1x16xf32>,
      %get3A_959 = vector.shape_cast %get3A_958 : vector<1x16xf32> to vector<16xf32>
      %mul3A_960 = arith.mulf %get3A_955, %get3A_959 : vector<16xf32>
      %mul3A_961 = arith.mulf %mul3A_960, %get3A_469 : vector<16xf32>
      %add3A_962 = arith.addf %mul3A_951, %mul3A_961 : vector<16xf32>
      %get3A_963 = arith.index_cast %scan3A_940 : i32 to index
      %get3A_964 = arith.constant 32 : index
      %get3A_965 = tpu.vector_load %arg15[%get3A_963, %get3A_964] {strides = array<i32>} : memref<64x128xf32, #tpu.memory_space<vmem>>, vector<1x16xf32>,
      %get3A_966 = vector.shape_cast %get3A_965 : vector<1x16xf32> to vector<16xf32>
      %get3A_967 = arith.index_cast %scan3A_940 : i32 to index
      %get3A_968 = arith.constant 32 : index
      %get3A_969 = tpu.vector_load %arg16[%get3A_967, %get3A_968] {strides = array<i32>} : memref<64x128xf32, #tpu.memory_space<vmem>>, vector<1x16xf32>,
      %get3A_970 = vector.shape_cast %get3A_969 : vector<1x16xf32> to vector<16xf32>
      %mul3A_971 = arith.mulf %get3A_966, %get3A_970 : vector<16xf32>
      %mul3A_972 = arith.mulf %mul3A_971, %get3A_472 : vector<16xf32>
      %add3A_973 = arith.addf %add3A_962, %mul3A_972 : vector<16xf32>
      %get3A_974 = arith.index_cast %scan3A_940 : i32 to index
      %get3A_975 = arith.constant 48 : index
      %get3A_976 = tpu.vector_load %arg15[%get3A_974, %get3A_975] {strides = array<i32>} : memref<64x128xf32, #tpu.memory_space<vmem>>, vector<1x16xf32>,
      %get3A_977 = vector.shape_cast %get3A_976 : vector<1x16xf32> to vector<16xf32>
      %get3A_978 = arith.index_cast %scan3A_940 : i32 to index
      %get3A_979 = arith.constant 48 : index
      %get3A_980 = tpu.vector_load %arg16[%get3A_978, %get3A_979] {strides = array<i32>} : memref<64x128xf32, #tpu.memory_space<vmem>>, vector<1x16xf32>,
      %get3A_981 = vector.shape_cast %get3A_980 : vector<1x16xf32> to vector<16xf32>
      %mul3A_982 = arith.mulf %get3A_977, %get3A_981 : vector<16xf32>
      %mul3A_983 = arith.mulf %mul3A_982, %get3A_475 : vector<16xf32>
      %add3A_984 = arith.addf %add3A_973, %mul3A_983 : vector<16xf32>
      %get3A_985 = arith.index_cast %scan3A_940 : i32 to index
      %get3A_986 = arith.constant 64 : index
      %get3A_987 = tpu.vector_load %arg15[%get3A_985, %get3A_986] {strides = array<i32>} : memref<64x128xf32, #tpu.memory_space<vmem>>, vector<1x16xf32>,
      %get3A_988 = vector.shape_cast %get3A_987 : vector<1x16xf32> to vector<16xf32>
      %get3A_989 = arith.index_cast %scan3A_940 : i32 to index
      %get3A_990 = arith.constant 64 : index
      %get3A_991 = tpu.vector_load %arg16[%get3A_989, %get3A_990] {strides = array<i32>} : memref<64x128xf32, #tpu.memory_space<vmem>>, vector<1x16xf32>,
      %get3A_992 = vector.shape_cast %get3A_991 : vector<1x16xf32> to vector<16xf32>
      %mul3A_993 = arith.mulf %get3A_988, %get3A_992 : vector<16xf32>
      %mul3A_994 = arith.mulf %mul3A_993, %get3A_478 : vector<16xf32>
      %add3A_995 = arith.addf %add3A_984, %mul3A_994 : vector<16xf32>
      %get3A_996 = arith.index_cast %scan3A_940 : i32 to index
      %get3A_997 = arith.constant 80 : index
      %get3A_998 = tpu.vector_load %arg15[%get3A_996, %get3A_997] {strides = array<i32>} : memref<64x128xf32, #tpu.memory_space<vmem>>, vector<1x16xf32>,
      %get3A_999 = vector.shape_cast %get3A_998 : vector<1x16xf32> to vector<16xf32>
      %get3A_1000 = arith.index_cast %scan3A_940 : i32 to index
      %get3A_1001 = arith.constant 80 : index
      %get3A_1002 = tpu.vector_load %arg16[%get3A_1000, %get3A_1001] {strides = array<i32>} : memref<64x128xf32, #tpu.memory_space<vmem>>, vector<1x16xf32>,
      %get3A_1003 = vector.shape_cast %get3A_1002 : vector<1x16xf32> to vector<16xf32>
      %mul3A_1004 = arith.mulf %get3A_999, %get3A_1003 : vector<16xf32>
      %mul3A_1005 = arith.mulf %mul3A_1004, %get3A_481 : vector<16xf32>
      %add3A_1006 = arith.addf %add3A_995, %mul3A_1005 : vector<16xf32>
      %get3A_1007 = arith.index_cast %scan3A_940 : i32 to index
      %get3A_1008 = arith.constant 96 : index
      %get3A_1009 = tpu.vector_load %arg15[%get3A_1007, %get3A_1008] {strides = array<i32>} : memref<64x128xf32, #tpu.memory_space<vmem>>, vector<1x16xf32>,
      %get3A_1010 = vector.shape_cast %get3A_1009 : vector<1x16xf32> to vector<16xf32>
      %get3A_1011 = arith.index_cast %scan3A_940 : i32 to index
      %get3A_1012 = arith.constant 96 : index
      %get3A_1013 = tpu.vector_load %arg16[%get3A_1011, %get3A_1012] {strides = array<i32>} : memref<64x128xf32, #tpu.memory_space<vmem>>, vector<1x16xf32>,
      %get3A_1014 = vector.shape_cast %get3A_1013 : vector<1x16xf32> to vector<16xf32>
      %mul3A_1015 = arith.mulf %get3A_1010, %get3A_1014 : vector<16xf32>
      %mul3A_1016 = arith.mulf %mul3A_1015, %get3A_484 : vector<16xf32>
      %add3A_1017 = arith.addf %add3A_1006, %mul3A_1016 : vector<16xf32>
      %get3A_1018 = arith.index_cast %scan3A_940 : i32 to index
      %get3A_1019 = arith.constant 112 : index
      %get3A_1020 = tpu.vector_load %arg15[%get3A_1018, %get3A_1019] {strides = array<i32>} : memref<64x128xf32, #tpu.memory_space<vmem>>, vector<1x16xf32>,
      %get3A_1021 = vector.shape_cast %get3A_1020 : vector<1x16xf32> to vector<16xf32>
      %get3A_1022 = arith.index_cast %scan3A_940 : i32 to index
      %get3A_1023 = arith.constant 112 : index
      %get3A_1024 = tpu.vector_load %arg16[%get3A_1022, %get3A_1023] {strides = array<i32>} : memref<64x128xf32, #tpu.memory_space<vmem>>, vector<1x16xf32>,
      %get3A_1025 = vector.shape_cast %get3A_1024 : vector<1x16xf32> to vector<16xf32>
      %mul3A_1026 = arith.mulf %get3A_1021, %get3A_1025 : vector<16xf32>
      %mul3A_1027 = arith.mulf %mul3A_1026, %get3A_487 : vector<16xf32>
      %add3A_1028 = arith.addf %add3A_1017, %mul3A_1027 : vector<16xf32>
      %broadcast_in_dim3A_1029 = vector.shape_cast %xor3A_55 : vector<16xi32> to vector<16x1xi32>
      %gather3A = vector.shape_cast %broadcast_in_dim3A_1029 : vector<16x1xi32> to vector<16xi32>
      %gather3A_1030 = tpu.dynamic_gather %add3A_1028[%gather3A] in [0] : vector<16xf32>, vector<16xi32> -> vector<16xf32>
      %add3A_1031 = arith.addf %add3A_1028, %gather3A_1030 : vector<16xf32>
      %broadcast_in_dim3A_1032 = vector.shape_cast %xor3A_58 : vector<16xi32> to vector<16x1xi32>
      %gather3A_1033 = vector.shape_cast %broadcast_in_dim3A_1032 : vector<16x1xi32> to vector<16xi32>
      %gather3A_1034 = tpu.dynamic_gather %add3A_1031[%gather3A_1033] in [0] : vector<16xf32>, vector<16xi32> -> vector<16xf32>
      %add3A_1035 = arith.addf %add3A_1031, %gather3A_1034 : vector<16xf32>
      %broadcast_in_dim3A_1036 = vector.shape_cast %xor3A_61 : vector<16xi32> to vector<16x1xi32>
      %gather3A_1037 = vector.shape_cast %broadcast_in_dim3A_1036 : vector<16x1xi32> to vector<16xi32>
      %gather3A_1038 = tpu.dynamic_gather %add3A_1035[%gather3A_1037] in [0] : vector<16xf32>, vector<16xi32> -> vector<16xf32>
      %add3A_1039 = arith.addf %add3A_1035, %gather3A_1038 : vector<16xf32>
      %broadcast_in_dim3A_1040 = vector.shape_cast %xor3A_64 : vector<16xi32> to vector<16x1xi32>
      %gather3A_1041 = vector.shape_cast %broadcast_in_dim3A_1040 : vector<16x1xi32> to vector<16xi32>
      %gather3A_1042 = tpu.dynamic_gather %add3A_1039[%gather3A_1041] in [0] : vector<16xf32>, vector<16xi32> -> vector<16xf32>
      %add3A_1043 = arith.addf %add3A_1039, %gather3A_1042 : vector<16xf32>
      %rem3A = arith.constant 16 : i32
      %rem3A_1044 = arith.remsi %scan3A_940, %rem3A : i32
      %eq3A = vector.broadcast %rem3A_1044 : i32 to vector<16xi32>
      %eq3A_1045 = arith.cmpi eq, %iota3A, %eq3A : vector<16xi32>
      %select_n3A = arith.select %eq3A_1045, %add3A_1043, %scan3A_941 : vector<16xi1>, vector<16xf32>
      %rem3A_1046 = arith.constant 16 : i32
      %rem3A_1047 = arith.remsi %scan3A_940, %rem3A_1046 : i32
      %eq3A_1048 = arith.constant 15 : i32
      %eq3A_1049 = arith.cmpi eq, %rem3A_1047, %eq3A_1048 : i32
      %convert_element_type3A = arith.extui %eq3A_1049 : i1 to i32
      %cond3A = arith.constant 0 : i32
      %cond3A_1050 = arith.cmpi ne, %convert_element_type3A, %cond3A : i32
      scf.if %cond3A_1050 {
        %sub3A = arith.constant 15 : i32
        %sub3A_1051 = arith.subi %scan3A_940, %sub3A : i32
        %swap3A = arith.index_cast %sub3A_1051 : i32 to index
        %swap3A_1052 = tpu.vector_load %arg27[%swap3A] {strides = array<i32>} : memref<64xf32, #tpu.memory_space<vmem>>, vector<16xf32>,
        %swap3A_1053 = vector.shape_cast %swap3A_1052 : vector<16xf32> to vector<16xf32>
        %swap3A_1054 = vector.shape_cast %select_n3A : vector<16xf32> to vector<16xf32>
        tpu.vector_store %arg27[%swap3A], %swap3A_1054 {strides = array<i32>} : memref<64xf32, #tpu.memory_space<vmem>>, vector<16xf32>,
      } else {
      }
      scf.yield %select_n3A : vector<16xf32>
    }
    %scan3A_495 = arith.constant 64 : i32
    %add3A_496 = arith.constant 192 : i32
    %add3A_497 = arith.addi %mul3A_6, %add3A_496 : i32
    %dma_start3A_498 = tpu.memref_slice %arg9[%add3A_497] : memref<16384xf32, #tpu.memory_space<hbm>> -> memref<64xf32, #tpu.memory_space<hbm>>
    %dma_start3A_499 = tpu.memref_slice %arg9[%add3A_497] : memref<16384xf32, #tpu.memory_space<hbm>> -> memref<64xf32, #tpu.memory_space<hbm>>
    tpu.enqueue_dma source(%arg27 : memref<64xf32, #tpu.memory_space<vmem>>) target(%dma_start3A_499 : memref<64xf32, #tpu.memory_space<hbm>>) target_semaphore(%arg31 : memref<!tpu.dma_semaphore, #tpu.memory_space<semaphore_mem>>)
    %dma_start3A_500 = arith.constant 0 : i32
    %dma_start3A_501 = tpu.memref_slice %arg10[%add3A_497, %dma_start3A_500] : memref<16384x128xf32, #tpu.memory_space<hbm>> -> memref<64x128xf32, #tpu.memory_space<hbm>>
    %dma_start3A_502 = arith.constant 0 : i32
    %dma_start3A_503 = tpu.memref_slice %arg10[%add3A_497, %dma_start3A_502] : memref<16384x128xf32, #tpu.memory_space<hbm>> -> memref<64x128xf32, #tpu.memory_space<hbm>>
    tpu.enqueue_dma source(%arg17 : memref<64x128xf32, #tpu.memory_space<vmem>>) target(%dma_start3A_503 : memref<64x128xf32, #tpu.memory_space<hbm>>) target_semaphore(%arg31 : memref<!tpu.dma_semaphore, #tpu.memory_space<semaphore_mem>>)
    %dma_start3A_504 = arith.constant 0 : i32
    %dma_start3A_505 = tpu.memref_slice %arg11[%add3A_497, %dma_start3A_504] : memref<16384x128xf32, #tpu.memory_space<hbm>> -> memref<64x128xf32, #tpu.memory_space<hbm>>
    %dma_start3A_506 = arith.constant 0 : i32
    %dma_start3A_507 = tpu.memref_slice %arg11[%add3A_497, %dma_start3A_506] : memref<16384x128xf32, #tpu.memory_space<hbm>> -> memref<64x128xf32, #tpu.memory_space<hbm>>
    tpu.enqueue_dma source(%arg18 : memref<64x128xf32, #tpu.memory_space<vmem>>) target(%dma_start3A_507 : memref<64x128xf32, #tpu.memory_space<hbm>>) target_semaphore(%arg31 : memref<!tpu.dma_semaphore, #tpu.memory_space<semaphore_mem>>)
    %dma_wait3A_508 = tpu.memref_slice %arg9[%add3A_387] : memref<16384xf32, #tpu.memory_space<hbm>> -> memref<64xf32, #tpu.memory_space<hbm>>
    %dma_wait3A_509 = tpu.memref_slice %arg9[%add3A_387] : memref<16384xf32, #tpu.memory_space<hbm>> -> memref<64xf32, #tpu.memory_space<hbm>>
    tpu.wait_dma2 semaphore(%arg31 : memref<!tpu.dma_semaphore, #tpu.memory_space<semaphore_mem>>) src(%arg29 : memref<64xf32, #tpu.memory_space<vmem>>) dst(%dma_wait3A_509 : memref<64xf32, #tpu.memory_space<hbm>>)
    %dma_wait3A_510 = arith.constant 0 : i32
    %dma_wait3A_511 = tpu.memref_slice %arg10[%add3A_387, %dma_wait3A_510] : memref<16384x128xf32, #tpu.memory_space<hbm>> -> memref<64x128xf32, #tpu.memory_space<hbm>>
    %dma_wait3A_512 = arith.constant 0 : i32
    %dma_wait3A_513 = tpu.memref_slice %arg10[%add3A_387, %dma_wait3A_512] : memref<16384x128xf32, #tpu.memory_space<hbm>> -> memref<64x128xf32, #tpu.memory_space<hbm>>
    tpu.wait_dma2 semaphore(%arg31 : memref<!tpu.dma_semaphore, #tpu.memory_space<semaphore_mem>>) src(%arg25 : memref<64x128xf32, #tpu.memory_space<vmem>>) dst(%dma_wait3A_513 : memref<64x128xf32, #tpu.memory_space<hbm>>)
    %dma_wait3A_514 = arith.constant 0 : i32
    %dma_wait3A_515 = tpu.memref_slice %arg11[%add3A_387, %dma_wait3A_514] : memref<16384x128xf32, #tpu.memory_space<hbm>> -> memref<64x128xf32, #tpu.memory_space<hbm>>
    %dma_wait3A_516 = arith.constant 0 : i32
    %dma_wait3A_517 = tpu.memref_slice %arg11[%add3A_387, %dma_wait3A_516] : memref<16384x128xf32, #tpu.memory_space<hbm>> -> memref<64x128xf32, #tpu.memory_space<hbm>>
    tpu.wait_dma2 semaphore(%arg31 : memref<!tpu.dma_semaphore, #tpu.memory_space<semaphore_mem>>) src(%arg26 : memref<64x128xf32, #tpu.memory_space<vmem>>) dst(%dma_wait3A_517 : memref<64x128xf32, #tpu.memory_space<hbm>>)
    %dma_start3A_518 = arith.constant 5 : i32
    %dma_start3A_519 = arith.constant 0 : i32
    %dma_start3A_520 = tpu.memref_slice %arg12[%dma_start3A_518, %dma_start3A_519] : memref<8x64xi32, #tpu.memory_space<vmem>> -> memref<1x64xi32, #tpu.memory_space<vmem>>
    %dma_start3A_521 = tpu.memref_squeeze %dma_start3A_520 : memref<1x64xi32, #tpu.memory_space<vmem>> -> memref<64xi32, #tpu.memory_space<vmem>>
    %dma_start3A_522 = arith.constant 0 : i32
    %dma_start3A_523 = arith.constant 0 : i32
    %dma_start3A_524 = tpu.memref_slice %arg4[%dma_start3A_522, %dma_start3A_523] : memref<1000000x128xf32, #tpu.memory_space<hbm>> -> memref<1000000x128xf32, #tpu.memory_space<hbm>>
    tpu.enqueue_indirect_dma source(%dma_start3A_524 : memref<1000000x128xf32, #tpu.memory_space<hbm>>) target(%arg23 : memref<64x128xf32, #tpu.memory_space<vmem>>) offsets(%dma_start3A_521 : memref<64xi32, #tpu.memory_space<vmem>>) semaphore(%arg30 : memref<!tpu.dma_semaphore, #tpu.memory_space<semaphore_mem>>)
    %dma_start3A_525 = arith.constant 5 : i32
    %dma_start3A_526 = arith.constant 0 : i32
    %dma_start3A_527 = tpu.memref_slice %arg13[%dma_start3A_525, %dma_start3A_526] : memref<8x64xi32, #tpu.memory_space<vmem>> -> memref<1x64xi32, #tpu.memory_space<vmem>>
    %dma_start3A_528 = tpu.memref_squeeze %dma_start3A_527 : memref<1x64xi32, #tpu.memory_space<vmem>> -> memref<64xi32, #tpu.memory_space<vmem>>
    %dma_start3A_529 = arith.constant 0 : i32
    %dma_start3A_530 = arith.constant 0 : i32
    %dma_start3A_531 = tpu.memref_slice %arg5[%dma_start3A_529, %dma_start3A_530] : memref<1000000x128xf32, #tpu.memory_space<hbm>> -> memref<1000000x128xf32, #tpu.memory_space<hbm>>
    tpu.enqueue_indirect_dma source(%dma_start3A_531 : memref<1000000x128xf32, #tpu.memory_space<hbm>>) target(%arg24 : memref<64x128xf32, #tpu.memory_space<vmem>>) offsets(%dma_start3A_528 : memref<64xi32, #tpu.memory_space<vmem>>) semaphore(%arg30 : memref<!tpu.dma_semaphore, #tpu.memory_space<semaphore_mem>>)
    %dma_start3A_532 = arith.constant 5 : i32
    %dma_start3A_533 = arith.constant 0 : i32
    %dma_start3A_534 = tpu.memref_slice %arg12[%dma_start3A_532, %dma_start3A_533] : memref<8x64xi32, #tpu.memory_space<vmem>> -> memref<1x64xi32, #tpu.memory_space<vmem>>
    %dma_start3A_535 = tpu.memref_squeeze %dma_start3A_534 : memref<1x64xi32, #tpu.memory_space<vmem>> -> memref<64xi32, #tpu.memory_space<vmem>>
    %dma_start3A_536 = arith.constant 0 : i32
    %dma_start3A_537 = arith.constant 0 : i32
    %dma_start3A_538 = tpu.memref_slice %arg6[%dma_start3A_536, %dma_start3A_537] : memref<1000000x128xf32, #tpu.memory_space<hbm>> -> memref<1000000x128xf32, #tpu.memory_space<hbm>>
    tpu.enqueue_indirect_dma source(%dma_start3A_538 : memref<1000000x128xf32, #tpu.memory_space<hbm>>) target(%arg25 : memref<64x128xf32, #tpu.memory_space<vmem>>) offsets(%dma_start3A_535 : memref<64xi32, #tpu.memory_space<vmem>>) semaphore(%arg30 : memref<!tpu.dma_semaphore, #tpu.memory_space<semaphore_mem>>)
    %dma_start3A_539 = arith.constant 5 : i32
    %dma_start3A_540 = arith.constant 0 : i32
    %dma_start3A_541 = tpu.memref_slice %arg13[%dma_start3A_539, %dma_start3A_540] : memref<8x64xi32, #tpu.memory_space<vmem>> -> memref<1x64xi32, #tpu.memory_space<vmem>>
    %dma_start3A_542 = tpu.memref_squeeze %dma_start3A_541 : memref<1x64xi32, #tpu.memory_space<vmem>> -> memref<64xi32, #tpu.memory_space<vmem>>
    %dma_start3A_543 = arith.constant 0 : i32
    %dma_start3A_544 = arith.constant 0 : i32
    %dma_start3A_545 = tpu.memref_slice %arg7[%dma_start3A_543, %dma_start3A_544] : memref<1000000x128xf32, #tpu.memory_space<hbm>> -> memref<1000000x128xf32, #tpu.memory_space<hbm>>
    tpu.enqueue_indirect_dma source(%dma_start3A_545 : memref<1000000x128xf32, #tpu.memory_space<hbm>>) target(%arg26 : memref<64x128xf32, #tpu.memory_space<vmem>>) offsets(%dma_start3A_542 : memref<64xi32, #tpu.memory_space<vmem>>) semaphore(%arg30 : memref<!tpu.dma_semaphore, #tpu.memory_space<semaphore_mem>>)
    %dma_wait3A_546 = arith.constant 4 : i32
    %dma_wait3A_547 = arith.constant 0 : i32
    %dma_wait3A_548 = tpu.memref_slice %arg12[%dma_wait3A_546, %dma_wait3A_547] : memref<8x64xi32, #tpu.memory_space<vmem>> -> memref<1x64xi32, #tpu.memory_space<vmem>>
    %dma_wait3A_549 = tpu.memref_squeeze %dma_wait3A_548 : memref<1x64xi32, #tpu.memory_space<vmem>> -> memref<64xi32, #tpu.memory_space<vmem>>
    %dma_wait3A_550 = arith.constant 0 : i32
    %dma_wait3A_551 = arith.constant 0 : i32
    %dma_wait3A_552 = tpu.memref_slice %arg4[%dma_wait3A_550, %dma_wait3A_551] : memref<1000000x128xf32, #tpu.memory_space<hbm>> -> memref<1000000x128xf32, #tpu.memory_space<hbm>>
    tpu.wait_indirect_dma semaphore(%arg30 : memref<!tpu.dma_semaphore, #tpu.memory_space<semaphore_mem>>) src(%dma_wait3A_552 : memref<1000000x128xf32, #tpu.memory_space<hbm>>) dst(%arg19 : memref<64x128xf32, #tpu.memory_space<vmem>>)
    %dma_wait3A_553 = arith.constant 4 : i32
    %dma_wait3A_554 = arith.constant 0 : i32
    %dma_wait3A_555 = tpu.memref_slice %arg13[%dma_wait3A_553, %dma_wait3A_554] : memref<8x64xi32, #tpu.memory_space<vmem>> -> memref<1x64xi32, #tpu.memory_space<vmem>>
    %dma_wait3A_556 = tpu.memref_squeeze %dma_wait3A_555 : memref<1x64xi32, #tpu.memory_space<vmem>> -> memref<64xi32, #tpu.memory_space<vmem>>
    %dma_wait3A_557 = arith.constant 0 : i32
    %dma_wait3A_558 = arith.constant 0 : i32
    %dma_wait3A_559 = tpu.memref_slice %arg5[%dma_wait3A_557, %dma_wait3A_558] : memref<1000000x128xf32, #tpu.memory_space<hbm>> -> memref<1000000x128xf32, #tpu.memory_space<hbm>>
    tpu.wait_indirect_dma semaphore(%arg30 : memref<!tpu.dma_semaphore, #tpu.memory_space<semaphore_mem>>) src(%dma_wait3A_559 : memref<1000000x128xf32, #tpu.memory_space<hbm>>) dst(%arg20 : memref<64x128xf32, #tpu.memory_space<vmem>>)
    %dma_wait3A_560 = arith.constant 4 : i32
    %dma_wait3A_561 = arith.constant 0 : i32
    %dma_wait3A_562 = tpu.memref_slice %arg12[%dma_wait3A_560, %dma_wait3A_561] : memref<8x64xi32, #tpu.memory_space<vmem>> -> memref<1x64xi32, #tpu.memory_space<vmem>>
    %dma_wait3A_563 = tpu.memref_squeeze %dma_wait3A_562 : memref<1x64xi32, #tpu.memory_space<vmem>> -> memref<64xi32, #tpu.memory_space<vmem>>
    %dma_wait3A_564 = arith.constant 0 : i32
    %dma_wait3A_565 = arith.constant 0 : i32
    %dma_wait3A_566 = tpu.memref_slice %arg6[%dma_wait3A_564, %dma_wait3A_565] : memref<1000000x128xf32, #tpu.memory_space<hbm>> -> memref<1000000x128xf32, #tpu.memory_space<hbm>>
    tpu.wait_indirect_dma semaphore(%arg30 : memref<!tpu.dma_semaphore, #tpu.memory_space<semaphore_mem>>) src(%dma_wait3A_566 : memref<1000000x128xf32, #tpu.memory_space<hbm>>) dst(%arg21 : memref<64x128xf32, #tpu.memory_space<vmem>>)
    %dma_wait3A_567 = arith.constant 4 : i32
    %dma_wait3A_568 = arith.constant 0 : i32
    %dma_wait3A_569 = tpu.memref_slice %arg13[%dma_wait3A_567, %dma_wait3A_568] : memref<8x64xi32, #tpu.memory_space<vmem>> -> memref<1x64xi32, #tpu.memory_space<vmem>>
    %dma_wait3A_570 = tpu.memref_squeeze %dma_wait3A_569 : memref<1x64xi32, #tpu.memory_space<vmem>> -> memref<64xi32, #tpu.memory_space<vmem>>
    %dma_wait3A_571 = arith.constant 0 : i32
    %dma_wait3A_572 = arith.constant 0 : i32
    %dma_wait3A_573 = tpu.memref_slice %arg7[%dma_wait3A_571, %dma_wait3A_572] : memref<1000000x128xf32, #tpu.memory_space<hbm>> -> memref<1000000x128xf32, #tpu.memory_space<hbm>>
    tpu.wait_indirect_dma semaphore(%arg30 : memref<!tpu.dma_semaphore, #tpu.memory_space<semaphore_mem>>) src(%dma_wait3A_573 : memref<1000000x128xf32, #tpu.memory_space<hbm>>) dst(%arg22 : memref<64x128xf32, #tpu.memory_space<vmem>>)
    %get3A_574 = arith.constant 0 : index
    %get3A_575 = tpu.vector_load %arg14[%get3A_574] {strides = array<i32>} : memref<128xf32, #tpu.memory_space<vmem>>, vector<16xf32>,
    %get3A_576 = vector.shape_cast %get3A_575 : vector<16xf32> to vector<16xf32>
    %get3A_577 = arith.constant 16 : index
    %get3A_578 = tpu.vector_load %arg14[%get3A_577] {strides = array<i32>} : memref<128xf32, #tpu.memory_space<vmem>>, vector<16xf32>,
    %get3A_579 = vector.shape_cast %get3A_578 : vector<16xf32> to vector<16xf32>
    %get3A_580 = arith.constant 32 : index
    %get3A_581 = tpu.vector_load %arg14[%get3A_580] {strides = array<i32>} : memref<128xf32, #tpu.memory_space<vmem>>, vector<16xf32>,
    %get3A_582 = vector.shape_cast %get3A_581 : vector<16xf32> to vector<16xf32>
    %get3A_583 = arith.constant 48 : index
    %get3A_584 = tpu.vector_load %arg14[%get3A_583] {strides = array<i32>} : memref<128xf32, #tpu.memory_space<vmem>>, vector<16xf32>,
    %get3A_585 = vector.shape_cast %get3A_584 : vector<16xf32> to vector<16xf32>
    %get3A_586 = arith.constant 64 : index
    %get3A_587 = tpu.vector_load %arg14[%get3A_586] {strides = array<i32>} : memref<128xf32, #tpu.memory_space<vmem>>, vector<16xf32>,
    %get3A_588 = vector.shape_cast %get3A_587 : vector<16xf32> to vector<16xf32>
    %get3A_589 = arith.constant 80 : index
    %get3A_590 = tpu.vector_load %arg14[%get3A_589] {strides = array<i32>} : memref<128xf32, #tpu.memory_space<vmem>>, vector<16xf32>,
    %get3A_591 = vector.shape_cast %get3A_590 : vector<16xf32> to vector<16xf32>
    %get3A_592 = arith.constant 96 : index
    %get3A_593 = tpu.vector_load %arg14[%get3A_592] {strides = array<i32>} : memref<128xf32, #tpu.memory_space<vmem>>, vector<16xf32>,
    %get3A_594 = vector.shape_cast %get3A_593 : vector<16xf32> to vector<16xf32>
    %get3A_595 = arith.constant 112 : index
    %get3A_596 = tpu.vector_load %arg14[%get3A_595] {strides = array<i32>} : memref<128xf32, #tpu.memory_space<vmem>>, vector<16xf32>,
    %get3A_597 = vector.shape_cast %get3A_596 : vector<16xf32> to vector<16xf32>
    %broadcast_in_dim3A_598 = arith.constant 0.000000e+00 : f32
    %broadcast_in_dim3A_599 = vector.broadcast %broadcast_in_dim3A_598 : f32 to vector<16xf32>
    %scan3A_600 = arith.constant 0 : i32
    %scan3A_601 = arith.constant 64 : i32
    %scan3A_602 = arith.addi %scan3A_600, %scan3A_601 : i32
    %scan3A_603 = arith.constant 1 : i32
    %scan3A_604 = scf.for %scan3A_940 = %scan3A_600 to %scan3A_602 step %scan3A_603 iter_args(%scan3A_941 = %broadcast_in_dim3A_599) -> (vector<16xf32>)  : i32 {
      %get3A_942 = arith.index_cast %scan3A_940 : i32 to index
      %get3A_943 = arith.constant 0 : index
      %get3A_944 = tpu.vector_load %arg19[%get3A_942, %get3A_943] {strides = array<i32>} : memref<64x128xf32, #tpu.memory_space<vmem>>, vector<1x16xf32>,
      %get3A_945 = vector.shape_cast %get3A_944 : vector<1x16xf32> to vector<16xf32>
      %get3A_946 = arith.index_cast %scan3A_940 : i32 to index
      %get3A_947 = arith.constant 0 : index
      %get3A_948 = tpu.vector_load %arg20[%get3A_946, %get3A_947] {strides = array<i32>} : memref<64x128xf32, #tpu.memory_space<vmem>>, vector<1x16xf32>,
      %get3A_949 = vector.shape_cast %get3A_948 : vector<1x16xf32> to vector<16xf32>
      %mul3A_950 = arith.mulf %get3A_945, %get3A_949 : vector<16xf32>
      %mul3A_951 = arith.mulf %mul3A_950, %get3A_576 : vector<16xf32>
      %get3A_952 = arith.index_cast %scan3A_940 : i32 to index
      %get3A_953 = arith.constant 16 : index
      %get3A_954 = tpu.vector_load %arg19[%get3A_952, %get3A_953] {strides = array<i32>} : memref<64x128xf32, #tpu.memory_space<vmem>>, vector<1x16xf32>,
      %get3A_955 = vector.shape_cast %get3A_954 : vector<1x16xf32> to vector<16xf32>
      %get3A_956 = arith.index_cast %scan3A_940 : i32 to index
      %get3A_957 = arith.constant 16 : index
      %get3A_958 = tpu.vector_load %arg20[%get3A_956, %get3A_957] {strides = array<i32>} : memref<64x128xf32, #tpu.memory_space<vmem>>, vector<1x16xf32>,
      %get3A_959 = vector.shape_cast %get3A_958 : vector<1x16xf32> to vector<16xf32>
      %mul3A_960 = arith.mulf %get3A_955, %get3A_959 : vector<16xf32>
      %mul3A_961 = arith.mulf %mul3A_960, %get3A_579 : vector<16xf32>
      %add3A_962 = arith.addf %mul3A_951, %mul3A_961 : vector<16xf32>
      %get3A_963 = arith.index_cast %scan3A_940 : i32 to index
      %get3A_964 = arith.constant 32 : index
      %get3A_965 = tpu.vector_load %arg19[%get3A_963, %get3A_964] {strides = array<i32>} : memref<64x128xf32, #tpu.memory_space<vmem>>, vector<1x16xf32>,
      %get3A_966 = vector.shape_cast %get3A_965 : vector<1x16xf32> to vector<16xf32>
      %get3A_967 = arith.index_cast %scan3A_940 : i32 to index
      %get3A_968 = arith.constant 32 : index
      %get3A_969 = tpu.vector_load %arg20[%get3A_967, %get3A_968] {strides = array<i32>} : memref<64x128xf32, #tpu.memory_space<vmem>>, vector<1x16xf32>,
      %get3A_970 = vector.shape_cast %get3A_969 : vector<1x16xf32> to vector<16xf32>
      %mul3A_971 = arith.mulf %get3A_966, %get3A_970 : vector<16xf32>
      %mul3A_972 = arith.mulf %mul3A_971, %get3A_582 : vector<16xf32>
      %add3A_973 = arith.addf %add3A_962, %mul3A_972 : vector<16xf32>
      %get3A_974 = arith.index_cast %scan3A_940 : i32 to index
      %get3A_975 = arith.constant 48 : index
      %get3A_976 = tpu.vector_load %arg19[%get3A_974, %get3A_975] {strides = array<i32>} : memref<64x128xf32, #tpu.memory_space<vmem>>, vector<1x16xf32>,
      %get3A_977 = vector.shape_cast %get3A_976 : vector<1x16xf32> to vector<16xf32>
      %get3A_978 = arith.index_cast %scan3A_940 : i32 to index
      %get3A_979 = arith.constant 48 : index
      %get3A_980 = tpu.vector_load %arg20[%get3A_978, %get3A_979] {strides = array<i32>} : memref<64x128xf32, #tpu.memory_space<vmem>>, vector<1x16xf32>,
      %get3A_981 = vector.shape_cast %get3A_980 : vector<1x16xf32> to vector<16xf32>
      %mul3A_982 = arith.mulf %get3A_977, %get3A_981 : vector<16xf32>
      %mul3A_983 = arith.mulf %mul3A_982, %get3A_585 : vector<16xf32>
      %add3A_984 = arith.addf %add3A_973, %mul3A_983 : vector<16xf32>
      %get3A_985 = arith.index_cast %scan3A_940 : i32 to index
      %get3A_986 = arith.constant 64 : index
      %get3A_987 = tpu.vector_load %arg19[%get3A_985, %get3A_986] {strides = array<i32>} : memref<64x128xf32, #tpu.memory_space<vmem>>, vector<1x16xf32>,
      %get3A_988 = vector.shape_cast %get3A_987 : vector<1x16xf32> to vector<16xf32>
      %get3A_989 = arith.index_cast %scan3A_940 : i32 to index
      %get3A_990 = arith.constant 64 : index
      %get3A_991 = tpu.vector_load %arg20[%get3A_989, %get3A_990] {strides = array<i32>} : memref<64x128xf32, #tpu.memory_space<vmem>>, vector<1x16xf32>,
      %get3A_992 = vector.shape_cast %get3A_991 : vector<1x16xf32> to vector<16xf32>
      %mul3A_993 = arith.mulf %get3A_988, %get3A_992 : vector<16xf32>
      %mul3A_994 = arith.mulf %mul3A_993, %get3A_588 : vector<16xf32>
      %add3A_995 = arith.addf %add3A_984, %mul3A_994 : vector<16xf32>
      %get3A_996 = arith.index_cast %scan3A_940 : i32 to index
      %get3A_997 = arith.constant 80 : index
      %get3A_998 = tpu.vector_load %arg19[%get3A_996, %get3A_997] {strides = array<i32>} : memref<64x128xf32, #tpu.memory_space<vmem>>, vector<1x16xf32>,
      %get3A_999 = vector.shape_cast %get3A_998 : vector<1x16xf32> to vector<16xf32>
      %get3A_1000 = arith.index_cast %scan3A_940 : i32 to index
      %get3A_1001 = arith.constant 80 : index
      %get3A_1002 = tpu.vector_load %arg20[%get3A_1000, %get3A_1001] {strides = array<i32>} : memref<64x128xf32, #tpu.memory_space<vmem>>, vector<1x16xf32>,
      %get3A_1003 = vector.shape_cast %get3A_1002 : vector<1x16xf32> to vector<16xf32>
      %mul3A_1004 = arith.mulf %get3A_999, %get3A_1003 : vector<16xf32>
      %mul3A_1005 = arith.mulf %mul3A_1004, %get3A_591 : vector<16xf32>
      %add3A_1006 = arith.addf %add3A_995, %mul3A_1005 : vector<16xf32>
      %get3A_1007 = arith.index_cast %scan3A_940 : i32 to index
      %get3A_1008 = arith.constant 96 : index
      %get3A_1009 = tpu.vector_load %arg19[%get3A_1007, %get3A_1008] {strides = array<i32>} : memref<64x128xf32, #tpu.memory_space<vmem>>, vector<1x16xf32>,
      %get3A_1010 = vector.shape_cast %get3A_1009 : vector<1x16xf32> to vector<16xf32>
      %get3A_1011 = arith.index_cast %scan3A_940 : i32 to index
      %get3A_1012 = arith.constant 96 : index
      %get3A_1013 = tpu.vector_load %arg20[%get3A_1011, %get3A_1012] {strides = array<i32>} : memref<64x128xf32, #tpu.memory_space<vmem>>, vector<1x16xf32>,
      %get3A_1014 = vector.shape_cast %get3A_1013 : vector<1x16xf32> to vector<16xf32>
      %mul3A_1015 = arith.mulf %get3A_1010, %get3A_1014 : vector<16xf32>
      %mul3A_1016 = arith.mulf %mul3A_1015, %get3A_594 : vector<16xf32>
      %add3A_1017 = arith.addf %add3A_1006, %mul3A_1016 : vector<16xf32>
      %get3A_1018 = arith.index_cast %scan3A_940 : i32 to index
      %get3A_1019 = arith.constant 112 : index
      %get3A_1020 = tpu.vector_load %arg19[%get3A_1018, %get3A_1019] {strides = array<i32>} : memref<64x128xf32, #tpu.memory_space<vmem>>, vector<1x16xf32>,
      %get3A_1021 = vector.shape_cast %get3A_1020 : vector<1x16xf32> to vector<16xf32>
      %get3A_1022 = arith.index_cast %scan3A_940 : i32 to index
      %get3A_1023 = arith.constant 112 : index
      %get3A_1024 = tpu.vector_load %arg20[%get3A_1022, %get3A_1023] {strides = array<i32>} : memref<64x128xf32, #tpu.memory_space<vmem>>, vector<1x16xf32>,
      %get3A_1025 = vector.shape_cast %get3A_1024 : vector<1x16xf32> to vector<16xf32>
      %mul3A_1026 = arith.mulf %get3A_1021, %get3A_1025 : vector<16xf32>
      %mul3A_1027 = arith.mulf %mul3A_1026, %get3A_597 : vector<16xf32>
      %add3A_1028 = arith.addf %add3A_1017, %mul3A_1027 : vector<16xf32>
      %broadcast_in_dim3A_1029 = vector.shape_cast %xor3A_55 : vector<16xi32> to vector<16x1xi32>
      %gather3A = vector.shape_cast %broadcast_in_dim3A_1029 : vector<16x1xi32> to vector<16xi32>
      %gather3A_1030 = tpu.dynamic_gather %add3A_1028[%gather3A] in [0] : vector<16xf32>, vector<16xi32> -> vector<16xf32>
      %add3A_1031 = arith.addf %add3A_1028, %gather3A_1030 : vector<16xf32>
      %broadcast_in_dim3A_1032 = vector.shape_cast %xor3A_58 : vector<16xi32> to vector<16x1xi32>
      %gather3A_1033 = vector.shape_cast %broadcast_in_dim3A_1032 : vector<16x1xi32> to vector<16xi32>
      %gather3A_1034 = tpu.dynamic_gather %add3A_1031[%gather3A_1033] in [0] : vector<16xf32>, vector<16xi32> -> vector<16xf32>
      %add3A_1035 = arith.addf %add3A_1031, %gather3A_1034 : vector<16xf32>
      %broadcast_in_dim3A_1036 = vector.shape_cast %xor3A_61 : vector<16xi32> to vector<16x1xi32>
      %gather3A_1037 = vector.shape_cast %broadcast_in_dim3A_1036 : vector<16x1xi32> to vector<16xi32>
      %gather3A_1038 = tpu.dynamic_gather %add3A_1035[%gather3A_1037] in [0] : vector<16xf32>, vector<16xi32> -> vector<16xf32>
      %add3A_1039 = arith.addf %add3A_1035, %gather3A_1038 : vector<16xf32>
      %broadcast_in_dim3A_1040 = vector.shape_cast %xor3A_64 : vector<16xi32> to vector<16x1xi32>
      %gather3A_1041 = vector.shape_cast %broadcast_in_dim3A_1040 : vector<16x1xi32> to vector<16xi32>
      %gather3A_1042 = tpu.dynamic_gather %add3A_1039[%gather3A_1041] in [0] : vector<16xf32>, vector<16xi32> -> vector<16xf32>
      %add3A_1043 = arith.addf %add3A_1039, %gather3A_1042 : vector<16xf32>
      %rem3A = arith.constant 16 : i32
      %rem3A_1044 = arith.remsi %scan3A_940, %rem3A : i32
      %eq3A = vector.broadcast %rem3A_1044 : i32 to vector<16xi32>
      %eq3A_1045 = arith.cmpi eq, %iota3A, %eq3A : vector<16xi32>
      %select_n3A = arith.select %eq3A_1045, %add3A_1043, %scan3A_941 : vector<16xi1>, vector<16xf32>
      %rem3A_1046 = arith.constant 16 : i32
      %rem3A_1047 = arith.remsi %scan3A_940, %rem3A_1046 : i32
      %eq3A_1048 = arith.constant 15 : i32
      %eq3A_1049 = arith.cmpi eq, %rem3A_1047, %eq3A_1048 : i32
      %convert_element_type3A = arith.extui %eq3A_1049 : i1 to i32
      %cond3A = arith.constant 0 : i32
      %cond3A_1050 = arith.cmpi ne, %convert_element_type3A, %cond3A : i32
      scf.if %cond3A_1050 {
        %sub3A = arith.constant 15 : i32
        %sub3A_1051 = arith.subi %scan3A_940, %sub3A : i32
        %swap3A = arith.index_cast %sub3A_1051 : i32 to index
        %swap3A_1052 = tpu.vector_load %arg28[%swap3A] {strides = array<i32>} : memref<64xf32, #tpu.memory_space<vmem>>, vector<16xf32>,
        %swap3A_1053 = vector.shape_cast %swap3A_1052 : vector<16xf32> to vector<16xf32>
        %swap3A_1054 = vector.shape_cast %select_n3A : vector<16xf32> to vector<16xf32>
        tpu.vector_store %arg28[%swap3A], %swap3A_1054 {strides = array<i32>} : memref<64xf32, #tpu.memory_space<vmem>>, vector<16xf32>,
      } else {
      }
      scf.yield %select_n3A : vector<16xf32>
    }
    %scan3A_605 = arith.constant 64 : i32
    %add3A_606 = arith.constant 256 : i32
    %add3A_607 = arith.addi %mul3A_6, %add3A_606 : i32
    %dma_start3A_608 = tpu.memref_slice %arg9[%add3A_607] : memref<16384xf32, #tpu.memory_space<hbm>> -> memref<64xf32, #tpu.memory_space<hbm>>
    %dma_start3A_609 = tpu.memref_slice %arg9[%add3A_607] : memref<16384xf32, #tpu.memory_space<hbm>> -> memref<64xf32, #tpu.memory_space<hbm>>
    tpu.enqueue_dma source(%arg28 : memref<64xf32, #tpu.memory_space<vmem>>) target(%dma_start3A_609 : memref<64xf32, #tpu.memory_space<hbm>>) target_semaphore(%arg31 : memref<!tpu.dma_semaphore, #tpu.memory_space<semaphore_mem>>)
    %dma_start3A_610 = arith.constant 0 : i32
    %dma_start3A_611 = tpu.memref_slice %arg10[%add3A_607, %dma_start3A_610] : memref<16384x128xf32, #tpu.memory_space<hbm>> -> memref<64x128xf32, #tpu.memory_space<hbm>>
    %dma_start3A_612 = arith.constant 0 : i32
    %dma_start3A_613 = tpu.memref_slice %arg10[%add3A_607, %dma_start3A_612] : memref<16384x128xf32, #tpu.memory_space<hbm>> -> memref<64x128xf32, #tpu.memory_space<hbm>>
    tpu.enqueue_dma source(%arg21 : memref<64x128xf32, #tpu.memory_space<vmem>>) target(%dma_start3A_613 : memref<64x128xf32, #tpu.memory_space<hbm>>) target_semaphore(%arg31 : memref<!tpu.dma_semaphore, #tpu.memory_space<semaphore_mem>>)
    %dma_start3A_614 = arith.constant 0 : i32
    %dma_start3A_615 = tpu.memref_slice %arg11[%add3A_607, %dma_start3A_614] : memref<16384x128xf32, #tpu.memory_space<hbm>> -> memref<64x128xf32, #tpu.memory_space<hbm>>
    %dma_start3A_616 = arith.constant 0 : i32
    %dma_start3A_617 = tpu.memref_slice %arg11[%add3A_607, %dma_start3A_616] : memref<16384x128xf32, #tpu.memory_space<hbm>> -> memref<64x128xf32, #tpu.memory_space<hbm>>
    tpu.enqueue_dma source(%arg22 : memref<64x128xf32, #tpu.memory_space<vmem>>) target(%dma_start3A_617 : memref<64x128xf32, #tpu.memory_space<hbm>>) target_semaphore(%arg31 : memref<!tpu.dma_semaphore, #tpu.memory_space<semaphore_mem>>)
    %dma_wait3A_618 = tpu.memref_slice %arg9[%add3A_497] : memref<16384xf32, #tpu.memory_space<hbm>> -> memref<64xf32, #tpu.memory_space<hbm>>
    %dma_wait3A_619 = tpu.memref_slice %arg9[%add3A_497] : memref<16384xf32, #tpu.memory_space<hbm>> -> memref<64xf32, #tpu.memory_space<hbm>>
    tpu.wait_dma2 semaphore(%arg31 : memref<!tpu.dma_semaphore, #tpu.memory_space<semaphore_mem>>) src(%arg27 : memref<64xf32, #tpu.memory_space<vmem>>) dst(%dma_wait3A_619 : memref<64xf32, #tpu.memory_space<hbm>>)
    %dma_wait3A_620 = arith.constant 0 : i32
    %dma_wait3A_621 = tpu.memref_slice %arg10[%add3A_497, %dma_wait3A_620] : memref<16384x128xf32, #tpu.memory_space<hbm>> -> memref<64x128xf32, #tpu.memory_space<hbm>>
    %dma_wait3A_622 = arith.constant 0 : i32
    %dma_wait3A_623 = tpu.memref_slice %arg10[%add3A_497, %dma_wait3A_622] : memref<16384x128xf32, #tpu.memory_space<hbm>> -> memref<64x128xf32, #tpu.memory_space<hbm>>
    tpu.wait_dma2 semaphore(%arg31 : memref<!tpu.dma_semaphore, #tpu.memory_space<semaphore_mem>>) src(%arg17 : memref<64x128xf32, #tpu.memory_space<vmem>>) dst(%dma_wait3A_623 : memref<64x128xf32, #tpu.memory_space<hbm>>)
    %dma_wait3A_624 = arith.constant 0 : i32
    %dma_wait3A_625 = tpu.memref_slice %arg11[%add3A_497, %dma_wait3A_624] : memref<16384x128xf32, #tpu.memory_space<hbm>> -> memref<64x128xf32, #tpu.memory_space<hbm>>
    %dma_wait3A_626 = arith.constant 0 : i32
    %dma_wait3A_627 = tpu.memref_slice %arg11[%add3A_497, %dma_wait3A_626] : memref<16384x128xf32, #tpu.memory_space<hbm>> -> memref<64x128xf32, #tpu.memory_space<hbm>>
    tpu.wait_dma2 semaphore(%arg31 : memref<!tpu.dma_semaphore, #tpu.memory_space<semaphore_mem>>) src(%arg18 : memref<64x128xf32, #tpu.memory_space<vmem>>) dst(%dma_wait3A_627 : memref<64x128xf32, #tpu.memory_space<hbm>>)
    %dma_start3A_628 = arith.constant 6 : i32
    %dma_start3A_629 = arith.constant 0 : i32
    %dma_start3A_630 = tpu.memref_slice %arg12[%dma_start3A_628, %dma_start3A_629] : memref<8x64xi32, #tpu.memory_space<vmem>> -> memref<1x64xi32, #tpu.memory_space<vmem>>
    %dma_start3A_631 = tpu.memref_squeeze %dma_start3A_630 : memref<1x64xi32, #tpu.memory_space<vmem>> -> memref<64xi32, #tpu.memory_space<vmem>>
    %dma_start3A_632 = arith.constant 0 : i32
    %dma_start3A_633 = arith.constant 0 : i32
    %dma_start3A_634 = tpu.memref_slice %arg4[%dma_start3A_632, %dma_start3A_633] : memref<1000000x128xf32, #tpu.memory_space<hbm>> -> memref<1000000x128xf32, #tpu.memory_space<hbm>>
    tpu.enqueue_indirect_dma source(%dma_start3A_634 : memref<1000000x128xf32, #tpu.memory_space<hbm>>) target(%arg15 : memref<64x128xf32, #tpu.memory_space<vmem>>) offsets(%dma_start3A_631 : memref<64xi32, #tpu.memory_space<vmem>>) semaphore(%arg30 : memref<!tpu.dma_semaphore, #tpu.memory_space<semaphore_mem>>)
    %dma_start3A_635 = arith.constant 6 : i32
    %dma_start3A_636 = arith.constant 0 : i32
    %dma_start3A_637 = tpu.memref_slice %arg13[%dma_start3A_635, %dma_start3A_636] : memref<8x64xi32, #tpu.memory_space<vmem>> -> memref<1x64xi32, #tpu.memory_space<vmem>>
    %dma_start3A_638 = tpu.memref_squeeze %dma_start3A_637 : memref<1x64xi32, #tpu.memory_space<vmem>> -> memref<64xi32, #tpu.memory_space<vmem>>
    %dma_start3A_639 = arith.constant 0 : i32
    %dma_start3A_640 = arith.constant 0 : i32
    %dma_start3A_641 = tpu.memref_slice %arg5[%dma_start3A_639, %dma_start3A_640] : memref<1000000x128xf32, #tpu.memory_space<hbm>> -> memref<1000000x128xf32, #tpu.memory_space<hbm>>
    tpu.enqueue_indirect_dma source(%dma_start3A_641 : memref<1000000x128xf32, #tpu.memory_space<hbm>>) target(%arg16 : memref<64x128xf32, #tpu.memory_space<vmem>>) offsets(%dma_start3A_638 : memref<64xi32, #tpu.memory_space<vmem>>) semaphore(%arg30 : memref<!tpu.dma_semaphore, #tpu.memory_space<semaphore_mem>>)
    %dma_start3A_642 = arith.constant 6 : i32
    %dma_start3A_643 = arith.constant 0 : i32
    %dma_start3A_644 = tpu.memref_slice %arg12[%dma_start3A_642, %dma_start3A_643] : memref<8x64xi32, #tpu.memory_space<vmem>> -> memref<1x64xi32, #tpu.memory_space<vmem>>
    %dma_start3A_645 = tpu.memref_squeeze %dma_start3A_644 : memref<1x64xi32, #tpu.memory_space<vmem>> -> memref<64xi32, #tpu.memory_space<vmem>>
    %dma_start3A_646 = arith.constant 0 : i32
    %dma_start3A_647 = arith.constant 0 : i32
    %dma_start3A_648 = tpu.memref_slice %arg6[%dma_start3A_646, %dma_start3A_647] : memref<1000000x128xf32, #tpu.memory_space<hbm>> -> memref<1000000x128xf32, #tpu.memory_space<hbm>>
    tpu.enqueue_indirect_dma source(%dma_start3A_648 : memref<1000000x128xf32, #tpu.memory_space<hbm>>) target(%arg17 : memref<64x128xf32, #tpu.memory_space<vmem>>) offsets(%dma_start3A_645 : memref<64xi32, #tpu.memory_space<vmem>>) semaphore(%arg30 : memref<!tpu.dma_semaphore, #tpu.memory_space<semaphore_mem>>)
    %dma_start3A_649 = arith.constant 6 : i32
    %dma_start3A_650 = arith.constant 0 : i32
    %dma_start3A_651 = tpu.memref_slice %arg13[%dma_start3A_649, %dma_start3A_650] : memref<8x64xi32, #tpu.memory_space<vmem>> -> memref<1x64xi32, #tpu.memory_space<vmem>>
    %dma_start3A_652 = tpu.memref_squeeze %dma_start3A_651 : memref<1x64xi32, #tpu.memory_space<vmem>> -> memref<64xi32, #tpu.memory_space<vmem>>
    %dma_start3A_653 = arith.constant 0 : i32
    %dma_start3A_654 = arith.constant 0 : i32
    %dma_start3A_655 = tpu.memref_slice %arg7[%dma_start3A_653, %dma_start3A_654] : memref<1000000x128xf32, #tpu.memory_space<hbm>> -> memref<1000000x128xf32, #tpu.memory_space<hbm>>
    tpu.enqueue_indirect_dma source(%dma_start3A_655 : memref<1000000x128xf32, #tpu.memory_space<hbm>>) target(%arg18 : memref<64x128xf32, #tpu.memory_space<vmem>>) offsets(%dma_start3A_652 : memref<64xi32, #tpu.memory_space<vmem>>) semaphore(%arg30 : memref<!tpu.dma_semaphore, #tpu.memory_space<semaphore_mem>>)
    %dma_wait3A_656 = arith.constant 5 : i32
    %dma_wait3A_657 = arith.constant 0 : i32
    %dma_wait3A_658 = tpu.memref_slice %arg12[%dma_wait3A_656, %dma_wait3A_657] : memref<8x64xi32, #tpu.memory_space<vmem>> -> memref<1x64xi32, #tpu.memory_space<vmem>>
    %dma_wait3A_659 = tpu.memref_squeeze %dma_wait3A_658 : memref<1x64xi32, #tpu.memory_space<vmem>> -> memref<64xi32, #tpu.memory_space<vmem>>
    %dma_wait3A_660 = arith.constant 0 : i32
    %dma_wait3A_661 = arith.constant 0 : i32
    %dma_wait3A_662 = tpu.memref_slice %arg4[%dma_wait3A_660, %dma_wait3A_661] : memref<1000000x128xf32, #tpu.memory_space<hbm>> -> memref<1000000x128xf32, #tpu.memory_space<hbm>>
    tpu.wait_indirect_dma semaphore(%arg30 : memref<!tpu.dma_semaphore, #tpu.memory_space<semaphore_mem>>) src(%dma_wait3A_662 : memref<1000000x128xf32, #tpu.memory_space<hbm>>) dst(%arg23 : memref<64x128xf32, #tpu.memory_space<vmem>>)
    %dma_wait3A_663 = arith.constant 5 : i32
    %dma_wait3A_664 = arith.constant 0 : i32
    %dma_wait3A_665 = tpu.memref_slice %arg13[%dma_wait3A_663, %dma_wait3A_664] : memref<8x64xi32, #tpu.memory_space<vmem>> -> memref<1x64xi32, #tpu.memory_space<vmem>>
    %dma_wait3A_666 = tpu.memref_squeeze %dma_wait3A_665 : memref<1x64xi32, #tpu.memory_space<vmem>> -> memref<64xi32, #tpu.memory_space<vmem>>
    %dma_wait3A_667 = arith.constant 0 : i32
    %dma_wait3A_668 = arith.constant 0 : i32
    %dma_wait3A_669 = tpu.memref_slice %arg5[%dma_wait3A_667, %dma_wait3A_668] : memref<1000000x128xf32, #tpu.memory_space<hbm>> -> memref<1000000x128xf32, #tpu.memory_space<hbm>>
    tpu.wait_indirect_dma semaphore(%arg30 : memref<!tpu.dma_semaphore, #tpu.memory_space<semaphore_mem>>) src(%dma_wait3A_669 : memref<1000000x128xf32, #tpu.memory_space<hbm>>) dst(%arg24 : memref<64x128xf32, #tpu.memory_space<vmem>>)
    %dma_wait3A_670 = arith.constant 5 : i32
    %dma_wait3A_671 = arith.constant 0 : i32
    %dma_wait3A_672 = tpu.memref_slice %arg12[%dma_wait3A_670, %dma_wait3A_671] : memref<8x64xi32, #tpu.memory_space<vmem>> -> memref<1x64xi32, #tpu.memory_space<vmem>>
    %dma_wait3A_673 = tpu.memref_squeeze %dma_wait3A_672 : memref<1x64xi32, #tpu.memory_space<vmem>> -> memref<64xi32, #tpu.memory_space<vmem>>
    %dma_wait3A_674 = arith.constant 0 : i32
    %dma_wait3A_675 = arith.constant 0 : i32
    %dma_wait3A_676 = tpu.memref_slice %arg6[%dma_wait3A_674, %dma_wait3A_675] : memref<1000000x128xf32, #tpu.memory_space<hbm>> -> memref<1000000x128xf32, #tpu.memory_space<hbm>>
    tpu.wait_indirect_dma semaphore(%arg30 : memref<!tpu.dma_semaphore, #tpu.memory_space<semaphore_mem>>) src(%dma_wait3A_676 : memref<1000000x128xf32, #tpu.memory_space<hbm>>) dst(%arg25 : memref<64x128xf32, #tpu.memory_space<vmem>>)
    %dma_wait3A_677 = arith.constant 5 : i32
    %dma_wait3A_678 = arith.constant 0 : i32
    %dma_wait3A_679 = tpu.memref_slice %arg13[%dma_wait3A_677, %dma_wait3A_678] : memref<8x64xi32, #tpu.memory_space<vmem>> -> memref<1x64xi32, #tpu.memory_space<vmem>>
    %dma_wait3A_680 = tpu.memref_squeeze %dma_wait3A_679 : memref<1x64xi32, #tpu.memory_space<vmem>> -> memref<64xi32, #tpu.memory_space<vmem>>
    %dma_wait3A_681 = arith.constant 0 : i32
    %dma_wait3A_682 = arith.constant 0 : i32
    %dma_wait3A_683 = tpu.memref_slice %arg7[%dma_wait3A_681, %dma_wait3A_682] : memref<1000000x128xf32, #tpu.memory_space<hbm>> -> memref<1000000x128xf32, #tpu.memory_space<hbm>>
    tpu.wait_indirect_dma semaphore(%arg30 : memref<!tpu.dma_semaphore, #tpu.memory_space<semaphore_mem>>) src(%dma_wait3A_683 : memref<1000000x128xf32, #tpu.memory_space<hbm>>) dst(%arg26 : memref<64x128xf32, #tpu.memory_space<vmem>>)
    %get3A_684 = arith.constant 0 : index
    %get3A_685 = tpu.vector_load %arg14[%get3A_684] {strides = array<i32>} : memref<128xf32, #tpu.memory_space<vmem>>, vector<16xf32>,
    %get3A_686 = vector.shape_cast %get3A_685 : vector<16xf32> to vector<16xf32>
    %get3A_687 = arith.constant 16 : index
    %get3A_688 = tpu.vector_load %arg14[%get3A_687] {strides = array<i32>} : memref<128xf32, #tpu.memory_space<vmem>>, vector<16xf32>,
    %get3A_689 = vector.shape_cast %get3A_688 : vector<16xf32> to vector<16xf32>
    %get3A_690 = arith.constant 32 : index
    %get3A_691 = tpu.vector_load %arg14[%get3A_690] {strides = array<i32>} : memref<128xf32, #tpu.memory_space<vmem>>, vector<16xf32>,
    %get3A_692 = vector.shape_cast %get3A_691 : vector<16xf32> to vector<16xf32>
    %get3A_693 = arith.constant 48 : index
    %get3A_694 = tpu.vector_load %arg14[%get3A_693] {strides = array<i32>} : memref<128xf32, #tpu.memory_space<vmem>>, vector<16xf32>,
    %get3A_695 = vector.shape_cast %get3A_694 : vector<16xf32> to vector<16xf32>
    %get3A_696 = arith.constant 64 : index
    %get3A_697 = tpu.vector_load %arg14[%get3A_696] {strides = array<i32>} : memref<128xf32, #tpu.memory_space<vmem>>, vector<16xf32>,
    %get3A_698 = vector.shape_cast %get3A_697 : vector<16xf32> to vector<16xf32>
    %get3A_699 = arith.constant 80 : index
    %get3A_700 = tpu.vector_load %arg14[%get3A_699] {strides = array<i32>} : memref<128xf32, #tpu.memory_space<vmem>>, vector<16xf32>,
    %get3A_701 = vector.shape_cast %get3A_700 : vector<16xf32> to vector<16xf32>
    %get3A_702 = arith.constant 96 : index
    %get3A_703 = tpu.vector_load %arg14[%get3A_702] {strides = array<i32>} : memref<128xf32, #tpu.memory_space<vmem>>, vector<16xf32>,
    %get3A_704 = vector.shape_cast %get3A_703 : vector<16xf32> to vector<16xf32>
    %get3A_705 = arith.constant 112 : index
    %get3A_706 = tpu.vector_load %arg14[%get3A_705] {strides = array<i32>} : memref<128xf32, #tpu.memory_space<vmem>>, vector<16xf32>,
    %get3A_707 = vector.shape_cast %get3A_706 : vector<16xf32> to vector<16xf32>
    %broadcast_in_dim3A_708 = arith.constant 0.000000e+00 : f32
    %broadcast_in_dim3A_709 = vector.broadcast %broadcast_in_dim3A_708 : f32 to vector<16xf32>
    %scan3A_710 = arith.constant 0 : i32
    %scan3A_711 = arith.constant 64 : i32
    %scan3A_712 = arith.addi %scan3A_710, %scan3A_711 : i32
    %scan3A_713 = arith.constant 1 : i32
    %scan3A_714 = scf.for %scan3A_940 = %scan3A_710 to %scan3A_712 step %scan3A_713 iter_args(%scan3A_941 = %broadcast_in_dim3A_709) -> (vector<16xf32>)  : i32 {
      %get3A_942 = arith.index_cast %scan3A_940 : i32 to index
      %get3A_943 = arith.constant 0 : index
      %get3A_944 = tpu.vector_load %arg23[%get3A_942, %get3A_943] {strides = array<i32>} : memref<64x128xf32, #tpu.memory_space<vmem>>, vector<1x16xf32>,
      %get3A_945 = vector.shape_cast %get3A_944 : vector<1x16xf32> to vector<16xf32>
      %get3A_946 = arith.index_cast %scan3A_940 : i32 to index
      %get3A_947 = arith.constant 0 : index
      %get3A_948 = tpu.vector_load %arg24[%get3A_946, %get3A_947] {strides = array<i32>} : memref<64x128xf32, #tpu.memory_space<vmem>>, vector<1x16xf32>,
      %get3A_949 = vector.shape_cast %get3A_948 : vector<1x16xf32> to vector<16xf32>
      %mul3A_950 = arith.mulf %get3A_945, %get3A_949 : vector<16xf32>
      %mul3A_951 = arith.mulf %mul3A_950, %get3A_686 : vector<16xf32>
      %get3A_952 = arith.index_cast %scan3A_940 : i32 to index
      %get3A_953 = arith.constant 16 : index
      %get3A_954 = tpu.vector_load %arg23[%get3A_952, %get3A_953] {strides = array<i32>} : memref<64x128xf32, #tpu.memory_space<vmem>>, vector<1x16xf32>,
      %get3A_955 = vector.shape_cast %get3A_954 : vector<1x16xf32> to vector<16xf32>
      %get3A_956 = arith.index_cast %scan3A_940 : i32 to index
      %get3A_957 = arith.constant 16 : index
      %get3A_958 = tpu.vector_load %arg24[%get3A_956, %get3A_957] {strides = array<i32>} : memref<64x128xf32, #tpu.memory_space<vmem>>, vector<1x16xf32>,
      %get3A_959 = vector.shape_cast %get3A_958 : vector<1x16xf32> to vector<16xf32>
      %mul3A_960 = arith.mulf %get3A_955, %get3A_959 : vector<16xf32>
      %mul3A_961 = arith.mulf %mul3A_960, %get3A_689 : vector<16xf32>
      %add3A_962 = arith.addf %mul3A_951, %mul3A_961 : vector<16xf32>
      %get3A_963 = arith.index_cast %scan3A_940 : i32 to index
      %get3A_964 = arith.constant 32 : index
      %get3A_965 = tpu.vector_load %arg23[%get3A_963, %get3A_964] {strides = array<i32>} : memref<64x128xf32, #tpu.memory_space<vmem>>, vector<1x16xf32>,
      %get3A_966 = vector.shape_cast %get3A_965 : vector<1x16xf32> to vector<16xf32>
      %get3A_967 = arith.index_cast %scan3A_940 : i32 to index
      %get3A_968 = arith.constant 32 : index
      %get3A_969 = tpu.vector_load %arg24[%get3A_967, %get3A_968] {strides = array<i32>} : memref<64x128xf32, #tpu.memory_space<vmem>>, vector<1x16xf32>,
      %get3A_970 = vector.shape_cast %get3A_969 : vector<1x16xf32> to vector<16xf32>
      %mul3A_971 = arith.mulf %get3A_966, %get3A_970 : vector<16xf32>
      %mul3A_972 = arith.mulf %mul3A_971, %get3A_692 : vector<16xf32>
      %add3A_973 = arith.addf %add3A_962, %mul3A_972 : vector<16xf32>
      %get3A_974 = arith.index_cast %scan3A_940 : i32 to index
      %get3A_975 = arith.constant 48 : index
      %get3A_976 = tpu.vector_load %arg23[%get3A_974, %get3A_975] {strides = array<i32>} : memref<64x128xf32, #tpu.memory_space<vmem>>, vector<1x16xf32>,
      %get3A_977 = vector.shape_cast %get3A_976 : vector<1x16xf32> to vector<16xf32>
      %get3A_978 = arith.index_cast %scan3A_940 : i32 to index
      %get3A_979 = arith.constant 48 : index
      %get3A_980 = tpu.vector_load %arg24[%get3A_978, %get3A_979] {strides = array<i32>} : memref<64x128xf32, #tpu.memory_space<vmem>>, vector<1x16xf32>,
      %get3A_981 = vector.shape_cast %get3A_980 : vector<1x16xf32> to vector<16xf32>
      %mul3A_982 = arith.mulf %get3A_977, %get3A_981 : vector<16xf32>
      %mul3A_983 = arith.mulf %mul3A_982, %get3A_695 : vector<16xf32>
      %add3A_984 = arith.addf %add3A_973, %mul3A_983 : vector<16xf32>
      %get3A_985 = arith.index_cast %scan3A_940 : i32 to index
      %get3A_986 = arith.constant 64 : index
      %get3A_987 = tpu.vector_load %arg23[%get3A_985, %get3A_986] {strides = array<i32>} : memref<64x128xf32, #tpu.memory_space<vmem>>, vector<1x16xf32>,
      %get3A_988 = vector.shape_cast %get3A_987 : vector<1x16xf32> to vector<16xf32>
      %get3A_989 = arith.index_cast %scan3A_940 : i32 to index
      %get3A_990 = arith.constant 64 : index
      %get3A_991 = tpu.vector_load %arg24[%get3A_989, %get3A_990] {strides = array<i32>} : memref<64x128xf32, #tpu.memory_space<vmem>>, vector<1x16xf32>,
      %get3A_992 = vector.shape_cast %get3A_991 : vector<1x16xf32> to vector<16xf32>
      %mul3A_993 = arith.mulf %get3A_988, %get3A_992 : vector<16xf32>
      %mul3A_994 = arith.mulf %mul3A_993, %get3A_698 : vector<16xf32>
      %add3A_995 = arith.addf %add3A_984, %mul3A_994 : vector<16xf32>
      %get3A_996 = arith.index_cast %scan3A_940 : i32 to index
      %get3A_997 = arith.constant 80 : index
      %get3A_998 = tpu.vector_load %arg23[%get3A_996, %get3A_997] {strides = array<i32>} : memref<64x128xf32, #tpu.memory_space<vmem>>, vector<1x16xf32>,
      %get3A_999 = vector.shape_cast %get3A_998 : vector<1x16xf32> to vector<16xf32>
      %get3A_1000 = arith.index_cast %scan3A_940 : i32 to index
      %get3A_1001 = arith.constant 80 : index
      %get3A_1002 = tpu.vector_load %arg24[%get3A_1000, %get3A_1001] {strides = array<i32>} : memref<64x128xf32, #tpu.memory_space<vmem>>, vector<1x16xf32>,
      %get3A_1003 = vector.shape_cast %get3A_1002 : vector<1x16xf32> to vector<16xf32>
      %mul3A_1004 = arith.mulf %get3A_999, %get3A_1003 : vector<16xf32>
      %mul3A_1005 = arith.mulf %mul3A_1004, %get3A_701 : vector<16xf32>
      %add3A_1006 = arith.addf %add3A_995, %mul3A_1005 : vector<16xf32>
      %get3A_1007 = arith.index_cast %scan3A_940 : i32 to index
      %get3A_1008 = arith.constant 96 : index
      %get3A_1009 = tpu.vector_load %arg23[%get3A_1007, %get3A_1008] {strides = array<i32>} : memref<64x128xf32, #tpu.memory_space<vmem>>, vector<1x16xf32>,
      %get3A_1010 = vector.shape_cast %get3A_1009 : vector<1x16xf32> to vector<16xf32>
      %get3A_1011 = arith.index_cast %scan3A_940 : i32 to index
      %get3A_1012 = arith.constant 96 : index
      %get3A_1013 = tpu.vector_load %arg24[%get3A_1011, %get3A_1012] {strides = array<i32>} : memref<64x128xf32, #tpu.memory_space<vmem>>, vector<1x16xf32>,
      %get3A_1014 = vector.shape_cast %get3A_1013 : vector<1x16xf32> to vector<16xf32>
      %mul3A_1015 = arith.mulf %get3A_1010, %get3A_1014 : vector<16xf32>
      %mul3A_1016 = arith.mulf %mul3A_1015, %get3A_704 : vector<16xf32>
      %add3A_1017 = arith.addf %add3A_1006, %mul3A_1016 : vector<16xf32>
      %get3A_1018 = arith.index_cast %scan3A_940 : i32 to index
      %get3A_1019 = arith.constant 112 : index
      %get3A_1020 = tpu.vector_load %arg23[%get3A_1018, %get3A_1019] {strides = array<i32>} : memref<64x128xf32, #tpu.memory_space<vmem>>, vector<1x16xf32>,
      %get3A_1021 = vector.shape_cast %get3A_1020 : vector<1x16xf32> to vector<16xf32>
      %get3A_1022 = arith.index_cast %scan3A_940 : i32 to index
      %get3A_1023 = arith.constant 112 : index
      %get3A_1024 = tpu.vector_load %arg24[%get3A_1022, %get3A_1023] {strides = array<i32>} : memref<64x128xf32, #tpu.memory_space<vmem>>, vector<1x16xf32>,
      %get3A_1025 = vector.shape_cast %get3A_1024 : vector<1x16xf32> to vector<16xf32>
      %mul3A_1026 = arith.mulf %get3A_1021, %get3A_1025 : vector<16xf32>
      %mul3A_1027 = arith.mulf %mul3A_1026, %get3A_707 : vector<16xf32>
      %add3A_1028 = arith.addf %add3A_1017, %mul3A_1027 : vector<16xf32>
      %broadcast_in_dim3A_1029 = vector.shape_cast %xor3A_55 : vector<16xi32> to vector<16x1xi32>
      %gather3A = vector.shape_cast %broadcast_in_dim3A_1029 : vector<16x1xi32> to vector<16xi32>
      %gather3A_1030 = tpu.dynamic_gather %add3A_1028[%gather3A] in [0] : vector<16xf32>, vector<16xi32> -> vector<16xf32>
      %add3A_1031 = arith.addf %add3A_1028, %gather3A_1030 : vector<16xf32>
      %broadcast_in_dim3A_1032 = vector.shape_cast %xor3A_58 : vector<16xi32> to vector<16x1xi32>
      %gather3A_1033 = vector.shape_cast %broadcast_in_dim3A_1032 : vector<16x1xi32> to vector<16xi32>
      %gather3A_1034 = tpu.dynamic_gather %add3A_1031[%gather3A_1033] in [0] : vector<16xf32>, vector<16xi32> -> vector<16xf32>
      %add3A_1035 = arith.addf %add3A_1031, %gather3A_1034 : vector<16xf32>
      %broadcast_in_dim3A_1036 = vector.shape_cast %xor3A_61 : vector<16xi32> to vector<16x1xi32>
      %gather3A_1037 = vector.shape_cast %broadcast_in_dim3A_1036 : vector<16x1xi32> to vector<16xi32>
      %gather3A_1038 = tpu.dynamic_gather %add3A_1035[%gather3A_1037] in [0] : vector<16xf32>, vector<16xi32> -> vector<16xf32>
      %add3A_1039 = arith.addf %add3A_1035, %gather3A_1038 : vector<16xf32>
      %broadcast_in_dim3A_1040 = vector.shape_cast %xor3A_64 : vector<16xi32> to vector<16x1xi32>
      %gather3A_1041 = vector.shape_cast %broadcast_in_dim3A_1040 : vector<16x1xi32> to vector<16xi32>
      %gather3A_1042 = tpu.dynamic_gather %add3A_1039[%gather3A_1041] in [0] : vector<16xf32>, vector<16xi32> -> vector<16xf32>
      %add3A_1043 = arith.addf %add3A_1039, %gather3A_1042 : vector<16xf32>
      %rem3A = arith.constant 16 : i32
      %rem3A_1044 = arith.remsi %scan3A_940, %rem3A : i32
      %eq3A = vector.broadcast %rem3A_1044 : i32 to vector<16xi32>
      %eq3A_1045 = arith.cmpi eq, %iota3A, %eq3A : vector<16xi32>
      %select_n3A = arith.select %eq3A_1045, %add3A_1043, %scan3A_941 : vector<16xi1>, vector<16xf32>
      %rem3A_1046 = arith.constant 16 : i32
      %rem3A_1047 = arith.remsi %scan3A_940, %rem3A_1046 : i32
      %eq3A_1048 = arith.constant 15 : i32
      %eq3A_1049 = arith.cmpi eq, %rem3A_1047, %eq3A_1048 : i32
      %convert_element_type3A = arith.extui %eq3A_1049 : i1 to i32
      %cond3A = arith.constant 0 : i32
      %cond3A_1050 = arith.cmpi ne, %convert_element_type3A, %cond3A : i32
      scf.if %cond3A_1050 {
        %sub3A = arith.constant 15 : i32
        %sub3A_1051 = arith.subi %scan3A_940, %sub3A : i32
        %swap3A = arith.index_cast %sub3A_1051 : i32 to index
        %swap3A_1052 = tpu.vector_load %arg29[%swap3A] {strides = array<i32>} : memref<64xf32, #tpu.memory_space<vmem>>, vector<16xf32>,
        %swap3A_1053 = vector.shape_cast %swap3A_1052 : vector<16xf32> to vector<16xf32>
        %swap3A_1054 = vector.shape_cast %select_n3A : vector<16xf32> to vector<16xf32>
        tpu.vector_store %arg29[%swap3A], %swap3A_1054 {strides = array<i32>} : memref<64xf32, #tpu.memory_space<vmem>>, vector<16xf32>,
      } else {
      }
      scf.yield %select_n3A : vector<16xf32>
    }
    %scan3A_715 = arith.constant 64 : i32
    %add3A_716 = arith.constant 320 : i32
    %add3A_717 = arith.addi %mul3A_6, %add3A_716 : i32
    %dma_start3A_718 = tpu.memref_slice %arg9[%add3A_717] : memref<16384xf32, #tpu.memory_space<hbm>> -> memref<64xf32, #tpu.memory_space<hbm>>
    %dma_start3A_719 = tpu.memref_slice %arg9[%add3A_717] : memref<16384xf32, #tpu.memory_space<hbm>> -> memref<64xf32, #tpu.memory_space<hbm>>
    tpu.enqueue_dma source(%arg29 : memref<64xf32, #tpu.memory_space<vmem>>) target(%dma_start3A_719 : memref<64xf32, #tpu.memory_space<hbm>>) target_semaphore(%arg31 : memref<!tpu.dma_semaphore, #tpu.memory_space<semaphore_mem>>)
    %dma_start3A_720 = arith.constant 0 : i32
    %dma_start3A_721 = tpu.memref_slice %arg10[%add3A_717, %dma_start3A_720] : memref<16384x128xf32, #tpu.memory_space<hbm>> -> memref<64x128xf32, #tpu.memory_space<hbm>>
    %dma_start3A_722 = arith.constant 0 : i32
    %dma_start3A_723 = tpu.memref_slice %arg10[%add3A_717, %dma_start3A_722] : memref<16384x128xf32, #tpu.memory_space<hbm>> -> memref<64x128xf32, #tpu.memory_space<hbm>>
    tpu.enqueue_dma source(%arg25 : memref<64x128xf32, #tpu.memory_space<vmem>>) target(%dma_start3A_723 : memref<64x128xf32, #tpu.memory_space<hbm>>) target_semaphore(%arg31 : memref<!tpu.dma_semaphore, #tpu.memory_space<semaphore_mem>>)
    %dma_start3A_724 = arith.constant 0 : i32
    %dma_start3A_725 = tpu.memref_slice %arg11[%add3A_717, %dma_start3A_724] : memref<16384x128xf32, #tpu.memory_space<hbm>> -> memref<64x128xf32, #tpu.memory_space<hbm>>
    %dma_start3A_726 = arith.constant 0 : i32
    %dma_start3A_727 = tpu.memref_slice %arg11[%add3A_717, %dma_start3A_726] : memref<16384x128xf32, #tpu.memory_space<hbm>> -> memref<64x128xf32, #tpu.memory_space<hbm>>
    tpu.enqueue_dma source(%arg26 : memref<64x128xf32, #tpu.memory_space<vmem>>) target(%dma_start3A_727 : memref<64x128xf32, #tpu.memory_space<hbm>>) target_semaphore(%arg31 : memref<!tpu.dma_semaphore, #tpu.memory_space<semaphore_mem>>)
    %dma_wait3A_728 = tpu.memref_slice %arg9[%add3A_607] : memref<16384xf32, #tpu.memory_space<hbm>> -> memref<64xf32, #tpu.memory_space<hbm>>
    %dma_wait3A_729 = tpu.memref_slice %arg9[%add3A_607] : memref<16384xf32, #tpu.memory_space<hbm>> -> memref<64xf32, #tpu.memory_space<hbm>>
    tpu.wait_dma2 semaphore(%arg31 : memref<!tpu.dma_semaphore, #tpu.memory_space<semaphore_mem>>) src(%arg28 : memref<64xf32, #tpu.memory_space<vmem>>) dst(%dma_wait3A_729 : memref<64xf32, #tpu.memory_space<hbm>>)
    %dma_wait3A_730 = arith.constant 0 : i32
    %dma_wait3A_731 = tpu.memref_slice %arg10[%add3A_607, %dma_wait3A_730] : memref<16384x128xf32, #tpu.memory_space<hbm>> -> memref<64x128xf32, #tpu.memory_space<hbm>>
    %dma_wait3A_732 = arith.constant 0 : i32
    %dma_wait3A_733 = tpu.memref_slice %arg10[%add3A_607, %dma_wait3A_732] : memref<16384x128xf32, #tpu.memory_space<hbm>> -> memref<64x128xf32, #tpu.memory_space<hbm>>
    tpu.wait_dma2 semaphore(%arg31 : memref<!tpu.dma_semaphore, #tpu.memory_space<semaphore_mem>>) src(%arg21 : memref<64x128xf32, #tpu.memory_space<vmem>>) dst(%dma_wait3A_733 : memref<64x128xf32, #tpu.memory_space<hbm>>)
    %dma_wait3A_734 = arith.constant 0 : i32
    %dma_wait3A_735 = tpu.memref_slice %arg11[%add3A_607, %dma_wait3A_734] : memref<16384x128xf32, #tpu.memory_space<hbm>> -> memref<64x128xf32, #tpu.memory_space<hbm>>
    %dma_wait3A_736 = arith.constant 0 : i32
    %dma_wait3A_737 = tpu.memref_slice %arg11[%add3A_607, %dma_wait3A_736] : memref<16384x128xf32, #tpu.memory_space<hbm>> -> memref<64x128xf32, #tpu.memory_space<hbm>>
    tpu.wait_dma2 semaphore(%arg31 : memref<!tpu.dma_semaphore, #tpu.memory_space<semaphore_mem>>) src(%arg22 : memref<64x128xf32, #tpu.memory_space<vmem>>) dst(%dma_wait3A_737 : memref<64x128xf32, #tpu.memory_space<hbm>>)
    %dma_start3A_738 = arith.constant 7 : i32
    %dma_start3A_739 = arith.constant 0 : i32
    %dma_start3A_740 = tpu.memref_slice %arg12[%dma_start3A_738, %dma_start3A_739] : memref<8x64xi32, #tpu.memory_space<vmem>> -> memref<1x64xi32, #tpu.memory_space<vmem>>
    %dma_start3A_741 = tpu.memref_squeeze %dma_start3A_740 : memref<1x64xi32, #tpu.memory_space<vmem>> -> memref<64xi32, #tpu.memory_space<vmem>>
    %dma_start3A_742 = arith.constant 0 : i32
    %dma_start3A_743 = arith.constant 0 : i32
    %dma_start3A_744 = tpu.memref_slice %arg4[%dma_start3A_742, %dma_start3A_743] : memref<1000000x128xf32, #tpu.memory_space<hbm>> -> memref<1000000x128xf32, #tpu.memory_space<hbm>>
    tpu.enqueue_indirect_dma source(%dma_start3A_744 : memref<1000000x128xf32, #tpu.memory_space<hbm>>) target(%arg19 : memref<64x128xf32, #tpu.memory_space<vmem>>) offsets(%dma_start3A_741 : memref<64xi32, #tpu.memory_space<vmem>>) semaphore(%arg30 : memref<!tpu.dma_semaphore, #tpu.memory_space<semaphore_mem>>)
    %dma_start3A_745 = arith.constant 7 : i32
    %dma_start3A_746 = arith.constant 0 : i32
    %dma_start3A_747 = tpu.memref_slice %arg13[%dma_start3A_745, %dma_start3A_746] : memref<8x64xi32, #tpu.memory_space<vmem>> -> memref<1x64xi32, #tpu.memory_space<vmem>>
    %dma_start3A_748 = tpu.memref_squeeze %dma_start3A_747 : memref<1x64xi32, #tpu.memory_space<vmem>> -> memref<64xi32, #tpu.memory_space<vmem>>
    %dma_start3A_749 = arith.constant 0 : i32
    %dma_start3A_750 = arith.constant 0 : i32
    %dma_start3A_751 = tpu.memref_slice %arg5[%dma_start3A_749, %dma_start3A_750] : memref<1000000x128xf32, #tpu.memory_space<hbm>> -> memref<1000000x128xf32, #tpu.memory_space<hbm>>
    tpu.enqueue_indirect_dma source(%dma_start3A_751 : memref<1000000x128xf32, #tpu.memory_space<hbm>>) target(%arg20 : memref<64x128xf32, #tpu.memory_space<vmem>>) offsets(%dma_start3A_748 : memref<64xi32, #tpu.memory_space<vmem>>) semaphore(%arg30 : memref<!tpu.dma_semaphore, #tpu.memory_space<semaphore_mem>>)
    %dma_start3A_752 = arith.constant 7 : i32
    %dma_start3A_753 = arith.constant 0 : i32
    %dma_start3A_754 = tpu.memref_slice %arg12[%dma_start3A_752, %dma_start3A_753] : memref<8x64xi32, #tpu.memory_space<vmem>> -> memref<1x64xi32, #tpu.memory_space<vmem>>
    %dma_start3A_755 = tpu.memref_squeeze %dma_start3A_754 : memref<1x64xi32, #tpu.memory_space<vmem>> -> memref<64xi32, #tpu.memory_space<vmem>>
    %dma_start3A_756 = arith.constant 0 : i32
    %dma_start3A_757 = arith.constant 0 : i32
    %dma_start3A_758 = tpu.memref_slice %arg6[%dma_start3A_756, %dma_start3A_757] : memref<1000000x128xf32, #tpu.memory_space<hbm>> -> memref<1000000x128xf32, #tpu.memory_space<hbm>>
    tpu.enqueue_indirect_dma source(%dma_start3A_758 : memref<1000000x128xf32, #tpu.memory_space<hbm>>) target(%arg21 : memref<64x128xf32, #tpu.memory_space<vmem>>) offsets(%dma_start3A_755 : memref<64xi32, #tpu.memory_space<vmem>>) semaphore(%arg30 : memref<!tpu.dma_semaphore, #tpu.memory_space<semaphore_mem>>)
    %dma_start3A_759 = arith.constant 7 : i32
    %dma_start3A_760 = arith.constant 0 : i32
    %dma_start3A_761 = tpu.memref_slice %arg13[%dma_start3A_759, %dma_start3A_760] : memref<8x64xi32, #tpu.memory_space<vmem>> -> memref<1x64xi32, #tpu.memory_space<vmem>>
    %dma_start3A_762 = tpu.memref_squeeze %dma_start3A_761 : memref<1x64xi32, #tpu.memory_space<vmem>> -> memref<64xi32, #tpu.memory_space<vmem>>
    %dma_start3A_763 = arith.constant 0 : i32
    %dma_start3A_764 = arith.constant 0 : i32
    %dma_start3A_765 = tpu.memref_slice %arg7[%dma_start3A_763, %dma_start3A_764] : memref<1000000x128xf32, #tpu.memory_space<hbm>> -> memref<1000000x128xf32, #tpu.memory_space<hbm>>
    tpu.enqueue_indirect_dma source(%dma_start3A_765 : memref<1000000x128xf32, #tpu.memory_space<hbm>>) target(%arg22 : memref<64x128xf32, #tpu.memory_space<vmem>>) offsets(%dma_start3A_762 : memref<64xi32, #tpu.memory_space<vmem>>) semaphore(%arg30 : memref<!tpu.dma_semaphore, #tpu.memory_space<semaphore_mem>>)
    %dma_wait3A_766 = arith.constant 6 : i32
    %dma_wait3A_767 = arith.constant 0 : i32
    %dma_wait3A_768 = tpu.memref_slice %arg12[%dma_wait3A_766, %dma_wait3A_767] : memref<8x64xi32, #tpu.memory_space<vmem>> -> memref<1x64xi32, #tpu.memory_space<vmem>>
    %dma_wait3A_769 = tpu.memref_squeeze %dma_wait3A_768 : memref<1x64xi32, #tpu.memory_space<vmem>> -> memref<64xi32, #tpu.memory_space<vmem>>
    %dma_wait3A_770 = arith.constant 0 : i32
    %dma_wait3A_771 = arith.constant 0 : i32
    %dma_wait3A_772 = tpu.memref_slice %arg4[%dma_wait3A_770, %dma_wait3A_771] : memref<1000000x128xf32, #tpu.memory_space<hbm>> -> memref<1000000x128xf32, #tpu.memory_space<hbm>>
    tpu.wait_indirect_dma semaphore(%arg30 : memref<!tpu.dma_semaphore, #tpu.memory_space<semaphore_mem>>) src(%dma_wait3A_772 : memref<1000000x128xf32, #tpu.memory_space<hbm>>) dst(%arg15 : memref<64x128xf32, #tpu.memory_space<vmem>>)
    %dma_wait3A_773 = arith.constant 6 : i32
    %dma_wait3A_774 = arith.constant 0 : i32
    %dma_wait3A_775 = tpu.memref_slice %arg13[%dma_wait3A_773, %dma_wait3A_774] : memref<8x64xi32, #tpu.memory_space<vmem>> -> memref<1x64xi32, #tpu.memory_space<vmem>>
    %dma_wait3A_776 = tpu.memref_squeeze %dma_wait3A_775 : memref<1x64xi32, #tpu.memory_space<vmem>> -> memref<64xi32, #tpu.memory_space<vmem>>
    %dma_wait3A_777 = arith.constant 0 : i32
    %dma_wait3A_778 = arith.constant 0 : i32
    %dma_wait3A_779 = tpu.memref_slice %arg5[%dma_wait3A_777, %dma_wait3A_778] : memref<1000000x128xf32, #tpu.memory_space<hbm>> -> memref<1000000x128xf32, #tpu.memory_space<hbm>>
    tpu.wait_indirect_dma semaphore(%arg30 : memref<!tpu.dma_semaphore, #tpu.memory_space<semaphore_mem>>) src(%dma_wait3A_779 : memref<1000000x128xf32, #tpu.memory_space<hbm>>) dst(%arg16 : memref<64x128xf32, #tpu.memory_space<vmem>>)
    %dma_wait3A_780 = arith.constant 6 : i32
    %dma_wait3A_781 = arith.constant 0 : i32
    %dma_wait3A_782 = tpu.memref_slice %arg12[%dma_wait3A_780, %dma_wait3A_781] : memref<8x64xi32, #tpu.memory_space<vmem>> -> memref<1x64xi32, #tpu.memory_space<vmem>>
    %dma_wait3A_783 = tpu.memref_squeeze %dma_wait3A_782 : memref<1x64xi32, #tpu.memory_space<vmem>> -> memref<64xi32, #tpu.memory_space<vmem>>
    %dma_wait3A_784 = arith.constant 0 : i32
    %dma_wait3A_785 = arith.constant 0 : i32
    %dma_wait3A_786 = tpu.memref_slice %arg6[%dma_wait3A_784, %dma_wait3A_785] : memref<1000000x128xf32, #tpu.memory_space<hbm>> -> memref<1000000x128xf32, #tpu.memory_space<hbm>>
    tpu.wait_indirect_dma semaphore(%arg30 : memref<!tpu.dma_semaphore, #tpu.memory_space<semaphore_mem>>) src(%dma_wait3A_786 : memref<1000000x128xf32, #tpu.memory_space<hbm>>) dst(%arg17 : memref<64x128xf32, #tpu.memory_space<vmem>>)
    %dma_wait3A_787 = arith.constant 6 : i32
    %dma_wait3A_788 = arith.constant 0 : i32
    %dma_wait3A_789 = tpu.memref_slice %arg13[%dma_wait3A_787, %dma_wait3A_788] : memref<8x64xi32, #tpu.memory_space<vmem>> -> memref<1x64xi32, #tpu.memory_space<vmem>>
    %dma_wait3A_790 = tpu.memref_squeeze %dma_wait3A_789 : memref<1x64xi32, #tpu.memory_space<vmem>> -> memref<64xi32, #tpu.memory_space<vmem>>
    %dma_wait3A_791 = arith.constant 0 : i32
    %dma_wait3A_792 = arith.constant 0 : i32
    %dma_wait3A_793 = tpu.memref_slice %arg7[%dma_wait3A_791, %dma_wait3A_792] : memref<1000000x128xf32, #tpu.memory_space<hbm>> -> memref<1000000x128xf32, #tpu.memory_space<hbm>>
    tpu.wait_indirect_dma semaphore(%arg30 : memref<!tpu.dma_semaphore, #tpu.memory_space<semaphore_mem>>) src(%dma_wait3A_793 : memref<1000000x128xf32, #tpu.memory_space<hbm>>) dst(%arg18 : memref<64x128xf32, #tpu.memory_space<vmem>>)
    %get3A_794 = arith.constant 0 : index
    %get3A_795 = tpu.vector_load %arg14[%get3A_794] {strides = array<i32>} : memref<128xf32, #tpu.memory_space<vmem>>, vector<16xf32>,
    %get3A_796 = vector.shape_cast %get3A_795 : vector<16xf32> to vector<16xf32>
    %get3A_797 = arith.constant 16 : index
    %get3A_798 = tpu.vector_load %arg14[%get3A_797] {strides = array<i32>} : memref<128xf32, #tpu.memory_space<vmem>>, vector<16xf32>,
    %get3A_799 = vector.shape_cast %get3A_798 : vector<16xf32> to vector<16xf32>
    %get3A_800 = arith.constant 32 : index
    %get3A_801 = tpu.vector_load %arg14[%get3A_800] {strides = array<i32>} : memref<128xf32, #tpu.memory_space<vmem>>, vector<16xf32>,
    %get3A_802 = vector.shape_cast %get3A_801 : vector<16xf32> to vector<16xf32>
    %get3A_803 = arith.constant 48 : index
    %get3A_804 = tpu.vector_load %arg14[%get3A_803] {strides = array<i32>} : memref<128xf32, #tpu.memory_space<vmem>>, vector<16xf32>,
    %get3A_805 = vector.shape_cast %get3A_804 : vector<16xf32> to vector<16xf32>
    %get3A_806 = arith.constant 64 : index
    %get3A_807 = tpu.vector_load %arg14[%get3A_806] {strides = array<i32>} : memref<128xf32, #tpu.memory_space<vmem>>, vector<16xf32>,
    %get3A_808 = vector.shape_cast %get3A_807 : vector<16xf32> to vector<16xf32>
    %get3A_809 = arith.constant 80 : index
    %get3A_810 = tpu.vector_load %arg14[%get3A_809] {strides = array<i32>} : memref<128xf32, #tpu.memory_space<vmem>>, vector<16xf32>,
    %get3A_811 = vector.shape_cast %get3A_810 : vector<16xf32> to vector<16xf32>
    %get3A_812 = arith.constant 96 : index
    %get3A_813 = tpu.vector_load %arg14[%get3A_812] {strides = array<i32>} : memref<128xf32, #tpu.memory_space<vmem>>, vector<16xf32>,
    %get3A_814 = vector.shape_cast %get3A_813 : vector<16xf32> to vector<16xf32>
    %get3A_815 = arith.constant 112 : index
    %get3A_816 = tpu.vector_load %arg14[%get3A_815] {strides = array<i32>} : memref<128xf32, #tpu.memory_space<vmem>>, vector<16xf32>,
    %get3A_817 = vector.shape_cast %get3A_816 : vector<16xf32> to vector<16xf32>
    %broadcast_in_dim3A_818 = arith.constant 0.000000e+00 : f32
    %broadcast_in_dim3A_819 = vector.broadcast %broadcast_in_dim3A_818 : f32 to vector<16xf32>
    %scan3A_820 = arith.constant 0 : i32
    %scan3A_821 = arith.constant 64 : i32
    %scan3A_822 = arith.addi %scan3A_820, %scan3A_821 : i32
    %scan3A_823 = arith.constant 1 : i32
    %scan3A_824 = scf.for %scan3A_940 = %scan3A_820 to %scan3A_822 step %scan3A_823 iter_args(%scan3A_941 = %broadcast_in_dim3A_819) -> (vector<16xf32>)  : i32 {
      %get3A_942 = arith.index_cast %scan3A_940 : i32 to index
      %get3A_943 = arith.constant 0 : index
      %get3A_944 = tpu.vector_load %arg15[%get3A_942, %get3A_943] {strides = array<i32>} : memref<64x128xf32, #tpu.memory_space<vmem>>, vector<1x16xf32>,
      %get3A_945 = vector.shape_cast %get3A_944 : vector<1x16xf32> to vector<16xf32>
      %get3A_946 = arith.index_cast %scan3A_940 : i32 to index
      %get3A_947 = arith.constant 0 : index
      %get3A_948 = tpu.vector_load %arg16[%get3A_946, %get3A_947] {strides = array<i32>} : memref<64x128xf32, #tpu.memory_space<vmem>>, vector<1x16xf32>,
      %get3A_949 = vector.shape_cast %get3A_948 : vector<1x16xf32> to vector<16xf32>
      %mul3A_950 = arith.mulf %get3A_945, %get3A_949 : vector<16xf32>
      %mul3A_951 = arith.mulf %mul3A_950, %get3A_796 : vector<16xf32>
      %get3A_952 = arith.index_cast %scan3A_940 : i32 to index
      %get3A_953 = arith.constant 16 : index
      %get3A_954 = tpu.vector_load %arg15[%get3A_952, %get3A_953] {strides = array<i32>} : memref<64x128xf32, #tpu.memory_space<vmem>>, vector<1x16xf32>,
      %get3A_955 = vector.shape_cast %get3A_954 : vector<1x16xf32> to vector<16xf32>
      %get3A_956 = arith.index_cast %scan3A_940 : i32 to index
      %get3A_957 = arith.constant 16 : index
      %get3A_958 = tpu.vector_load %arg16[%get3A_956, %get3A_957] {strides = array<i32>} : memref<64x128xf32, #tpu.memory_space<vmem>>, vector<1x16xf32>,
      %get3A_959 = vector.shape_cast %get3A_958 : vector<1x16xf32> to vector<16xf32>
      %mul3A_960 = arith.mulf %get3A_955, %get3A_959 : vector<16xf32>
      %mul3A_961 = arith.mulf %mul3A_960, %get3A_799 : vector<16xf32>
      %add3A_962 = arith.addf %mul3A_951, %mul3A_961 : vector<16xf32>
      %get3A_963 = arith.index_cast %scan3A_940 : i32 to index
      %get3A_964 = arith.constant 32 : index
      %get3A_965 = tpu.vector_load %arg15[%get3A_963, %get3A_964] {strides = array<i32>} : memref<64x128xf32, #tpu.memory_space<vmem>>, vector<1x16xf32>,
      %get3A_966 = vector.shape_cast %get3A_965 : vector<1x16xf32> to vector<16xf32>
      %get3A_967 = arith.index_cast %scan3A_940 : i32 to index
      %get3A_968 = arith.constant 32 : index
      %get3A_969 = tpu.vector_load %arg16[%get3A_967, %get3A_968] {strides = array<i32>} : memref<64x128xf32, #tpu.memory_space<vmem>>, vector<1x16xf32>,
      %get3A_970 = vector.shape_cast %get3A_969 : vector<1x16xf32> to vector<16xf32>
      %mul3A_971 = arith.mulf %get3A_966, %get3A_970 : vector<16xf32>
      %mul3A_972 = arith.mulf %mul3A_971, %get3A_802 : vector<16xf32>
      %add3A_973 = arith.addf %add3A_962, %mul3A_972 : vector<16xf32>
      %get3A_974 = arith.index_cast %scan3A_940 : i32 to index
      %get3A_975 = arith.constant 48 : index
      %get3A_976 = tpu.vector_load %arg15[%get3A_974, %get3A_975] {strides = array<i32>} : memref<64x128xf32, #tpu.memory_space<vmem>>, vector<1x16xf32>,
      %get3A_977 = vector.shape_cast %get3A_976 : vector<1x16xf32> to vector<16xf32>
      %get3A_978 = arith.index_cast %scan3A_940 : i32 to index
      %get3A_979 = arith.constant 48 : index
      %get3A_980 = tpu.vector_load %arg16[%get3A_978, %get3A_979] {strides = array<i32>} : memref<64x128xf32, #tpu.memory_space<vmem>>, vector<1x16xf32>,
      %get3A_981 = vector.shape_cast %get3A_980 : vector<1x16xf32> to vector<16xf32>
      %mul3A_982 = arith.mulf %get3A_977, %get3A_981 : vector<16xf32>
      %mul3A_983 = arith.mulf %mul3A_982, %get3A_805 : vector<16xf32>
      %add3A_984 = arith.addf %add3A_973, %mul3A_983 : vector<16xf32>
      %get3A_985 = arith.index_cast %scan3A_940 : i32 to index
      %get3A_986 = arith.constant 64 : index
      %get3A_987 = tpu.vector_load %arg15[%get3A_985, %get3A_986] {strides = array<i32>} : memref<64x128xf32, #tpu.memory_space<vmem>>, vector<1x16xf32>,
      %get3A_988 = vector.shape_cast %get3A_987 : vector<1x16xf32> to vector<16xf32>
      %get3A_989 = arith.index_cast %scan3A_940 : i32 to index
      %get3A_990 = arith.constant 64 : index
      %get3A_991 = tpu.vector_load %arg16[%get3A_989, %get3A_990] {strides = array<i32>} : memref<64x128xf32, #tpu.memory_space<vmem>>, vector<1x16xf32>,
      %get3A_992 = vector.shape_cast %get3A_991 : vector<1x16xf32> to vector<16xf32>
      %mul3A_993 = arith.mulf %get3A_988, %get3A_992 : vector<16xf32>
      %mul3A_994 = arith.mulf %mul3A_993, %get3A_808 : vector<16xf32>
      %add3A_995 = arith.addf %add3A_984, %mul3A_994 : vector<16xf32>
      %get3A_996 = arith.index_cast %scan3A_940 : i32 to index
      %get3A_997 = arith.constant 80 : index
      %get3A_998 = tpu.vector_load %arg15[%get3A_996, %get3A_997] {strides = array<i32>} : memref<64x128xf32, #tpu.memory_space<vmem>>, vector<1x16xf32>,
      %get3A_999 = vector.shape_cast %get3A_998 : vector<1x16xf32> to vector<16xf32>
      %get3A_1000 = arith.index_cast %scan3A_940 : i32 to index
      %get3A_1001 = arith.constant 80 : index
      %get3A_1002 = tpu.vector_load %arg16[%get3A_1000, %get3A_1001] {strides = array<i32>} : memref<64x128xf32, #tpu.memory_space<vmem>>, vector<1x16xf32>,
      %get3A_1003 = vector.shape_cast %get3A_1002 : vector<1x16xf32> to vector<16xf32>
      %mul3A_1004 = arith.mulf %get3A_999, %get3A_1003 : vector<16xf32>
      %mul3A_1005 = arith.mulf %mul3A_1004, %get3A_811 : vector<16xf32>
      %add3A_1006 = arith.addf %add3A_995, %mul3A_1005 : vector<16xf32>
      %get3A_1007 = arith.index_cast %scan3A_940 : i32 to index
      %get3A_1008 = arith.constant 96 : index
      %get3A_1009 = tpu.vector_load %arg15[%get3A_1007, %get3A_1008] {strides = array<i32>} : memref<64x128xf32, #tpu.memory_space<vmem>>, vector<1x16xf32>,
      %get3A_1010 = vector.shape_cast %get3A_1009 : vector<1x16xf32> to vector<16xf32>
      %get3A_1011 = arith.index_cast %scan3A_940 : i32 to index
      %get3A_1012 = arith.constant 96 : index
      %get3A_1013 = tpu.vector_load %arg16[%get3A_1011, %get3A_1012] {strides = array<i32>} : memref<64x128xf32, #tpu.memory_space<vmem>>, vector<1x16xf32>,
      %get3A_1014 = vector.shape_cast %get3A_1013 : vector<1x16xf32> to vector<16xf32>
      %mul3A_1015 = arith.mulf %get3A_1010, %get3A_1014 : vector<16xf32>
      %mul3A_1016 = arith.mulf %mul3A_1015, %get3A_814 : vector<16xf32>
      %add3A_1017 = arith.addf %add3A_1006, %mul3A_1016 : vector<16xf32>
      %get3A_1018 = arith.index_cast %scan3A_940 : i32 to index
      %get3A_1019 = arith.constant 112 : index
      %get3A_1020 = tpu.vector_load %arg15[%get3A_1018, %get3A_1019] {strides = array<i32>} : memref<64x128xf32, #tpu.memory_space<vmem>>, vector<1x16xf32>,
      %get3A_1021 = vector.shape_cast %get3A_1020 : vector<1x16xf32> to vector<16xf32>
      %get3A_1022 = arith.index_cast %scan3A_940 : i32 to index
      %get3A_1023 = arith.constant 112 : index
      %get3A_1024 = tpu.vector_load %arg16[%get3A_1022, %get3A_1023] {strides = array<i32>} : memref<64x128xf32, #tpu.memory_space<vmem>>, vector<1x16xf32>,
      %get3A_1025 = vector.shape_cast %get3A_1024 : vector<1x16xf32> to vector<16xf32>
      %mul3A_1026 = arith.mulf %get3A_1021, %get3A_1025 : vector<16xf32>
      %mul3A_1027 = arith.mulf %mul3A_1026, %get3A_817 : vector<16xf32>
      %add3A_1028 = arith.addf %add3A_1017, %mul3A_1027 : vector<16xf32>
      %broadcast_in_dim3A_1029 = vector.shape_cast %xor3A_55 : vector<16xi32> to vector<16x1xi32>
      %gather3A = vector.shape_cast %broadcast_in_dim3A_1029 : vector<16x1xi32> to vector<16xi32>
      %gather3A_1030 = tpu.dynamic_gather %add3A_1028[%gather3A] in [0] : vector<16xf32>, vector<16xi32> -> vector<16xf32>
      %add3A_1031 = arith.addf %add3A_1028, %gather3A_1030 : vector<16xf32>
      %broadcast_in_dim3A_1032 = vector.shape_cast %xor3A_58 : vector<16xi32> to vector<16x1xi32>
      %gather3A_1033 = vector.shape_cast %broadcast_in_dim3A_1032 : vector<16x1xi32> to vector<16xi32>
      %gather3A_1034 = tpu.dynamic_gather %add3A_1031[%gather3A_1033] in [0] : vector<16xf32>, vector<16xi32> -> vector<16xf32>
      %add3A_1035 = arith.addf %add3A_1031, %gather3A_1034 : vector<16xf32>
      %broadcast_in_dim3A_1036 = vector.shape_cast %xor3A_61 : vector<16xi32> to vector<16x1xi32>
      %gather3A_1037 = vector.shape_cast %broadcast_in_dim3A_1036 : vector<16x1xi32> to vector<16xi32>
      %gather3A_1038 = tpu.dynamic_gather %add3A_1035[%gather3A_1037] in [0] : vector<16xf32>, vector<16xi32> -> vector<16xf32>
      %add3A_1039 = arith.addf %add3A_1035, %gather3A_1038 : vector<16xf32>
      %broadcast_in_dim3A_1040 = vector.shape_cast %xor3A_64 : vector<16xi32> to vector<16x1xi32>
      %gather3A_1041 = vector.shape_cast %broadcast_in_dim3A_1040 : vector<16x1xi32> to vector<16xi32>
      %gather3A_1042 = tpu.dynamic_gather %add3A_1039[%gather3A_1041] in [0] : vector<16xf32>, vector<16xi32> -> vector<16xf32>
      %add3A_1043 = arith.addf %add3A_1039, %gather3A_1042 : vector<16xf32>
      %rem3A = arith.constant 16 : i32
      %rem3A_1044 = arith.remsi %scan3A_940, %rem3A : i32
      %eq3A = vector.broadcast %rem3A_1044 : i32 to vector<16xi32>
      %eq3A_1045 = arith.cmpi eq, %iota3A, %eq3A : vector<16xi32>
      %select_n3A = arith.select %eq3A_1045, %add3A_1043, %scan3A_941 : vector<16xi1>, vector<16xf32>
      %rem3A_1046 = arith.constant 16 : i32
      %rem3A_1047 = arith.remsi %scan3A_940, %rem3A_1046 : i32
      %eq3A_1048 = arith.constant 15 : i32
      %eq3A_1049 = arith.cmpi eq, %rem3A_1047, %eq3A_1048 : i32
      %convert_element_type3A = arith.extui %eq3A_1049 : i1 to i32
      %cond3A = arith.constant 0 : i32
      %cond3A_1050 = arith.cmpi ne, %convert_element_type3A, %cond3A : i32
      scf.if %cond3A_1050 {
        %sub3A = arith.constant 15 : i32
        %sub3A_1051 = arith.subi %scan3A_940, %sub3A : i32
        %swap3A = arith.index_cast %sub3A_1051 : i32 to index
        %swap3A_1052 = tpu.vector_load %arg27[%swap3A] {strides = array<i32>} : memref<64xf32, #tpu.memory_space<vmem>>, vector<16xf32>,
        %swap3A_1053 = vector.shape_cast %swap3A_1052 : vector<16xf32> to vector<16xf32>
        %swap3A_1054 = vector.shape_cast %select_n3A : vector<16xf32> to vector<16xf32>
        tpu.vector_store %arg27[%swap3A], %swap3A_1054 {strides = array<i32>} : memref<64xf32, #tpu.memory_space<vmem>>, vector<16xf32>,
      } else {
      }
      scf.yield %select_n3A : vector<16xf32>
    }
    %scan3A_825 = arith.constant 64 : i32
    %add3A_826 = arith.constant 384 : i32
    %add3A_827 = arith.addi %mul3A_6, %add3A_826 : i32
    %dma_start3A_828 = tpu.memref_slice %arg9[%add3A_827] : memref<16384xf32, #tpu.memory_space<hbm>> -> memref<64xf32, #tpu.memory_space<hbm>>
    %dma_start3A_829 = tpu.memref_slice %arg9[%add3A_827] : memref<16384xf32, #tpu.memory_space<hbm>> -> memref<64xf32, #tpu.memory_space<hbm>>
    tpu.enqueue_dma source(%arg27 : memref<64xf32, #tpu.memory_space<vmem>>) target(%dma_start3A_829 : memref<64xf32, #tpu.memory_space<hbm>>) target_semaphore(%arg31 : memref<!tpu.dma_semaphore, #tpu.memory_space<semaphore_mem>>)
    %dma_start3A_830 = arith.constant 0 : i32
    %dma_start3A_831 = tpu.memref_slice %arg10[%add3A_827, %dma_start3A_830] : memref<16384x128xf32, #tpu.memory_space<hbm>> -> memref<64x128xf32, #tpu.memory_space<hbm>>
    %dma_start3A_832 = arith.constant 0 : i32
    %dma_start3A_833 = tpu.memref_slice %arg10[%add3A_827, %dma_start3A_832] : memref<16384x128xf32, #tpu.memory_space<hbm>> -> memref<64x128xf32, #tpu.memory_space<hbm>>
    tpu.enqueue_dma source(%arg17 : memref<64x128xf32, #tpu.memory_space<vmem>>) target(%dma_start3A_833 : memref<64x128xf32, #tpu.memory_space<hbm>>) target_semaphore(%arg31 : memref<!tpu.dma_semaphore, #tpu.memory_space<semaphore_mem>>)
    %dma_start3A_834 = arith.constant 0 : i32
    %dma_start3A_835 = tpu.memref_slice %arg11[%add3A_827, %dma_start3A_834] : memref<16384x128xf32, #tpu.memory_space<hbm>> -> memref<64x128xf32, #tpu.memory_space<hbm>>
    %dma_start3A_836 = arith.constant 0 : i32
    %dma_start3A_837 = tpu.memref_slice %arg11[%add3A_827, %dma_start3A_836] : memref<16384x128xf32, #tpu.memory_space<hbm>> -> memref<64x128xf32, #tpu.memory_space<hbm>>
    tpu.enqueue_dma source(%arg18 : memref<64x128xf32, #tpu.memory_space<vmem>>) target(%dma_start3A_837 : memref<64x128xf32, #tpu.memory_space<hbm>>) target_semaphore(%arg31 : memref<!tpu.dma_semaphore, #tpu.memory_space<semaphore_mem>>)
    %dma_wait3A_838 = arith.constant 7 : i32
    %dma_wait3A_839 = arith.constant 0 : i32
    %dma_wait3A_840 = tpu.memref_slice %arg12[%dma_wait3A_838, %dma_wait3A_839] : memref<8x64xi32, #tpu.memory_space<vmem>> -> memref<1x64xi32, #tpu.memory_space<vmem>>
    %dma_wait3A_841 = tpu.memref_squeeze %dma_wait3A_840 : memref<1x64xi32, #tpu.memory_space<vmem>> -> memref<64xi32, #tpu.memory_space<vmem>>
    %dma_wait3A_842 = arith.constant 0 : i32
    %dma_wait3A_843 = arith.constant 0 : i32
    %dma_wait3A_844 = tpu.memref_slice %arg4[%dma_wait3A_842, %dma_wait3A_843] : memref<1000000x128xf32, #tpu.memory_space<hbm>> -> memref<1000000x128xf32, #tpu.memory_space<hbm>>
    tpu.wait_indirect_dma semaphore(%arg30 : memref<!tpu.dma_semaphore, #tpu.memory_space<semaphore_mem>>) src(%dma_wait3A_844 : memref<1000000x128xf32, #tpu.memory_space<hbm>>) dst(%arg19 : memref<64x128xf32, #tpu.memory_space<vmem>>)
    %dma_wait3A_845 = arith.constant 7 : i32
    %dma_wait3A_846 = arith.constant 0 : i32
    %dma_wait3A_847 = tpu.memref_slice %arg13[%dma_wait3A_845, %dma_wait3A_846] : memref<8x64xi32, #tpu.memory_space<vmem>> -> memref<1x64xi32, #tpu.memory_space<vmem>>
    %dma_wait3A_848 = tpu.memref_squeeze %dma_wait3A_847 : memref<1x64xi32, #tpu.memory_space<vmem>> -> memref<64xi32, #tpu.memory_space<vmem>>
    %dma_wait3A_849 = arith.constant 0 : i32
    %dma_wait3A_850 = arith.constant 0 : i32
    %dma_wait3A_851 = tpu.memref_slice %arg5[%dma_wait3A_849, %dma_wait3A_850] : memref<1000000x128xf32, #tpu.memory_space<hbm>> -> memref<1000000x128xf32, #tpu.memory_space<hbm>>
    tpu.wait_indirect_dma semaphore(%arg30 : memref<!tpu.dma_semaphore, #tpu.memory_space<semaphore_mem>>) src(%dma_wait3A_851 : memref<1000000x128xf32, #tpu.memory_space<hbm>>) dst(%arg20 : memref<64x128xf32, #tpu.memory_space<vmem>>)
    %dma_wait3A_852 = arith.constant 7 : i32
    %dma_wait3A_853 = arith.constant 0 : i32
    %dma_wait3A_854 = tpu.memref_slice %arg12[%dma_wait3A_852, %dma_wait3A_853] : memref<8x64xi32, #tpu.memory_space<vmem>> -> memref<1x64xi32, #tpu.memory_space<vmem>>
    %dma_wait3A_855 = tpu.memref_squeeze %dma_wait3A_854 : memref<1x64xi32, #tpu.memory_space<vmem>> -> memref<64xi32, #tpu.memory_space<vmem>>
    %dma_wait3A_856 = arith.constant 0 : i32
    %dma_wait3A_857 = arith.constant 0 : i32
    %dma_wait3A_858 = tpu.memref_slice %arg6[%dma_wait3A_856, %dma_wait3A_857] : memref<1000000x128xf32, #tpu.memory_space<hbm>> -> memref<1000000x128xf32, #tpu.memory_space<hbm>>
    tpu.wait_indirect_dma semaphore(%arg30 : memref<!tpu.dma_semaphore, #tpu.memory_space<semaphore_mem>>) src(%dma_wait3A_858 : memref<1000000x128xf32, #tpu.memory_space<hbm>>) dst(%arg21 : memref<64x128xf32, #tpu.memory_space<vmem>>)
    %dma_wait3A_859 = arith.constant 7 : i32
    %dma_wait3A_860 = arith.constant 0 : i32
    %dma_wait3A_861 = tpu.memref_slice %arg13[%dma_wait3A_859, %dma_wait3A_860] : memref<8x64xi32, #tpu.memory_space<vmem>> -> memref<1x64xi32, #tpu.memory_space<vmem>>
    %dma_wait3A_862 = tpu.memref_squeeze %dma_wait3A_861 : memref<1x64xi32, #tpu.memory_space<vmem>> -> memref<64xi32, #tpu.memory_space<vmem>>
    %dma_wait3A_863 = arith.constant 0 : i32
    %dma_wait3A_864 = arith.constant 0 : i32
    %dma_wait3A_865 = tpu.memref_slice %arg7[%dma_wait3A_863, %dma_wait3A_864] : memref<1000000x128xf32, #tpu.memory_space<hbm>> -> memref<1000000x128xf32, #tpu.memory_space<hbm>>
    tpu.wait_indirect_dma semaphore(%arg30 : memref<!tpu.dma_semaphore, #tpu.memory_space<semaphore_mem>>) src(%dma_wait3A_865 : memref<1000000x128xf32, #tpu.memory_space<hbm>>) dst(%arg22 : memref<64x128xf32, #tpu.memory_space<vmem>>)
    %get3A_866 = arith.constant 0 : index
    %get3A_867 = tpu.vector_load %arg14[%get3A_866] {strides = array<i32>} : memref<128xf32, #tpu.memory_space<vmem>>, vector<16xf32>,
    %get3A_868 = vector.shape_cast %get3A_867 : vector<16xf32> to vector<16xf32>
    %get3A_869 = arith.constant 16 : index
    %get3A_870 = tpu.vector_load %arg14[%get3A_869] {strides = array<i32>} : memref<128xf32, #tpu.memory_space<vmem>>, vector<16xf32>,
    %get3A_871 = vector.shape_cast %get3A_870 : vector<16xf32> to vector<16xf32>
    %get3A_872 = arith.constant 32 : index
    %get3A_873 = tpu.vector_load %arg14[%get3A_872] {strides = array<i32>} : memref<128xf32, #tpu.memory_space<vmem>>, vector<16xf32>,
    %get3A_874 = vector.shape_cast %get3A_873 : vector<16xf32> to vector<16xf32>
    %get3A_875 = arith.constant 48 : index
    %get3A_876 = tpu.vector_load %arg14[%get3A_875] {strides = array<i32>} : memref<128xf32, #tpu.memory_space<vmem>>, vector<16xf32>,
    %get3A_877 = vector.shape_cast %get3A_876 : vector<16xf32> to vector<16xf32>
    %get3A_878 = arith.constant 64 : index
    %get3A_879 = tpu.vector_load %arg14[%get3A_878] {strides = array<i32>} : memref<128xf32, #tpu.memory_space<vmem>>, vector<16xf32>,
    %get3A_880 = vector.shape_cast %get3A_879 : vector<16xf32> to vector<16xf32>
    %get3A_881 = arith.constant 80 : index
    %get3A_882 = tpu.vector_load %arg14[%get3A_881] {strides = array<i32>} : memref<128xf32, #tpu.memory_space<vmem>>, vector<16xf32>,
    %get3A_883 = vector.shape_cast %get3A_882 : vector<16xf32> to vector<16xf32>
    %get3A_884 = arith.constant 96 : index
    %get3A_885 = tpu.vector_load %arg14[%get3A_884] {strides = array<i32>} : memref<128xf32, #tpu.memory_space<vmem>>, vector<16xf32>,
    %get3A_886 = vector.shape_cast %get3A_885 : vector<16xf32> to vector<16xf32>
    %get3A_887 = arith.constant 112 : index
    %get3A_888 = tpu.vector_load %arg14[%get3A_887] {strides = array<i32>} : memref<128xf32, #tpu.memory_space<vmem>>, vector<16xf32>,
    %get3A_889 = vector.shape_cast %get3A_888 : vector<16xf32> to vector<16xf32>
    %broadcast_in_dim3A_890 = arith.constant 0.000000e+00 : f32
    %broadcast_in_dim3A_891 = vector.broadcast %broadcast_in_dim3A_890 : f32 to vector<16xf32>
    %scan3A_892 = arith.constant 0 : i32
    %scan3A_893 = arith.constant 64 : i32
    %scan3A_894 = arith.addi %scan3A_892, %scan3A_893 : i32
    %scan3A_895 = arith.constant 1 : i32
    %scan3A_896 = scf.for %scan3A_940 = %scan3A_892 to %scan3A_894 step %scan3A_895 iter_args(%scan3A_941 = %broadcast_in_dim3A_891) -> (vector<16xf32>)  : i32 {
      %get3A_942 = arith.index_cast %scan3A_940 : i32 to index
      %get3A_943 = arith.constant 0 : index
      %get3A_944 = tpu.vector_load %arg19[%get3A_942, %get3A_943] {strides = array<i32>} : memref<64x128xf32, #tpu.memory_space<vmem>>, vector<1x16xf32>,
      %get3A_945 = vector.shape_cast %get3A_944 : vector<1x16xf32> to vector<16xf32>
      %get3A_946 = arith.index_cast %scan3A_940 : i32 to index
      %get3A_947 = arith.constant 0 : index
      %get3A_948 = tpu.vector_load %arg20[%get3A_946, %get3A_947] {strides = array<i32>} : memref<64x128xf32, #tpu.memory_space<vmem>>, vector<1x16xf32>,
      %get3A_949 = vector.shape_cast %get3A_948 : vector<1x16xf32> to vector<16xf32>
      %mul3A_950 = arith.mulf %get3A_945, %get3A_949 : vector<16xf32>
      %mul3A_951 = arith.mulf %mul3A_950, %get3A_868 : vector<16xf32>
      %get3A_952 = arith.index_cast %scan3A_940 : i32 to index
      %get3A_953 = arith.constant 16 : index
      %get3A_954 = tpu.vector_load %arg19[%get3A_952, %get3A_953] {strides = array<i32>} : memref<64x128xf32, #tpu.memory_space<vmem>>, vector<1x16xf32>,
      %get3A_955 = vector.shape_cast %get3A_954 : vector<1x16xf32> to vector<16xf32>
      %get3A_956 = arith.index_cast %scan3A_940 : i32 to index
      %get3A_957 = arith.constant 16 : index
      %get3A_958 = tpu.vector_load %arg20[%get3A_956, %get3A_957] {strides = array<i32>} : memref<64x128xf32, #tpu.memory_space<vmem>>, vector<1x16xf32>,
      %get3A_959 = vector.shape_cast %get3A_958 : vector<1x16xf32> to vector<16xf32>
      %mul3A_960 = arith.mulf %get3A_955, %get3A_959 : vector<16xf32>
      %mul3A_961 = arith.mulf %mul3A_960, %get3A_871 : vector<16xf32>
      %add3A_962 = arith.addf %mul3A_951, %mul3A_961 : vector<16xf32>
      %get3A_963 = arith.index_cast %scan3A_940 : i32 to index
      %get3A_964 = arith.constant 32 : index
      %get3A_965 = tpu.vector_load %arg19[%get3A_963, %get3A_964] {strides = array<i32>} : memref<64x128xf32, #tpu.memory_space<vmem>>, vector<1x16xf32>,
      %get3A_966 = vector.shape_cast %get3A_965 : vector<1x16xf32> to vector<16xf32>
      %get3A_967 = arith.index_cast %scan3A_940 : i32 to index
      %get3A_968 = arith.constant 32 : index
      %get3A_969 = tpu.vector_load %arg20[%get3A_967, %get3A_968] {strides = array<i32>} : memref<64x128xf32, #tpu.memory_space<vmem>>, vector<1x16xf32>,
      %get3A_970 = vector.shape_cast %get3A_969 : vector<1x16xf32> to vector<16xf32>
      %mul3A_971 = arith.mulf %get3A_966, %get3A_970 : vector<16xf32>
      %mul3A_972 = arith.mulf %mul3A_971, %get3A_874 : vector<16xf32>
      %add3A_973 = arith.addf %add3A_962, %mul3A_972 : vector<16xf32>
      %get3A_974 = arith.index_cast %scan3A_940 : i32 to index
      %get3A_975 = arith.constant 48 : index
      %get3A_976 = tpu.vector_load %arg19[%get3A_974, %get3A_975] {strides = array<i32>} : memref<64x128xf32, #tpu.memory_space<vmem>>, vector<1x16xf32>,
      %get3A_977 = vector.shape_cast %get3A_976 : vector<1x16xf32> to vector<16xf32>
      %get3A_978 = arith.index_cast %scan3A_940 : i32 to index
      %get3A_979 = arith.constant 48 : index
      %get3A_980 = tpu.vector_load %arg20[%get3A_978, %get3A_979] {strides = array<i32>} : memref<64x128xf32, #tpu.memory_space<vmem>>, vector<1x16xf32>,
      %get3A_981 = vector.shape_cast %get3A_980 : vector<1x16xf32> to vector<16xf32>
      %mul3A_982 = arith.mulf %get3A_977, %get3A_981 : vector<16xf32>
      %mul3A_983 = arith.mulf %mul3A_982, %get3A_877 : vector<16xf32>
      %add3A_984 = arith.addf %add3A_973, %mul3A_983 : vector<16xf32>
      %get3A_985 = arith.index_cast %scan3A_940 : i32 to index
      %get3A_986 = arith.constant 64 : index
      %get3A_987 = tpu.vector_load %arg19[%get3A_985, %get3A_986] {strides = array<i32>} : memref<64x128xf32, #tpu.memory_space<vmem>>, vector<1x16xf32>,
      %get3A_988 = vector.shape_cast %get3A_987 : vector<1x16xf32> to vector<16xf32>
      %get3A_989 = arith.index_cast %scan3A_940 : i32 to index
      %get3A_990 = arith.constant 64 : index
      %get3A_991 = tpu.vector_load %arg20[%get3A_989, %get3A_990] {strides = array<i32>} : memref<64x128xf32, #tpu.memory_space<vmem>>, vector<1x16xf32>,
      %get3A_992 = vector.shape_cast %get3A_991 : vector<1x16xf32> to vector<16xf32>
      %mul3A_993 = arith.mulf %get3A_988, %get3A_992 : vector<16xf32>
      %mul3A_994 = arith.mulf %mul3A_993, %get3A_880 : vector<16xf32>
      %add3A_995 = arith.addf %add3A_984, %mul3A_994 : vector<16xf32>
      %get3A_996 = arith.index_cast %scan3A_940 : i32 to index
      %get3A_997 = arith.constant 80 : index
      %get3A_998 = tpu.vector_load %arg19[%get3A_996, %get3A_997] {strides = array<i32>} : memref<64x128xf32, #tpu.memory_space<vmem>>, vector<1x16xf32>,
      %get3A_999 = vector.shape_cast %get3A_998 : vector<1x16xf32> to vector<16xf32>
      %get3A_1000 = arith.index_cast %scan3A_940 : i32 to index
      %get3A_1001 = arith.constant 80 : index
      %get3A_1002 = tpu.vector_load %arg20[%get3A_1000, %get3A_1001] {strides = array<i32>} : memref<64x128xf32, #tpu.memory_space<vmem>>, vector<1x16xf32>,
      %get3A_1003 = vector.shape_cast %get3A_1002 : vector<1x16xf32> to vector<16xf32>
      %mul3A_1004 = arith.mulf %get3A_999, %get3A_1003 : vector<16xf32>
      %mul3A_1005 = arith.mulf %mul3A_1004, %get3A_883 : vector<16xf32>
      %add3A_1006 = arith.addf %add3A_995, %mul3A_1005 : vector<16xf32>
      %get3A_1007 = arith.index_cast %scan3A_940 : i32 to index
      %get3A_1008 = arith.constant 96 : index
      %get3A_1009 = tpu.vector_load %arg19[%get3A_1007, %get3A_1008] {strides = array<i32>} : memref<64x128xf32, #tpu.memory_space<vmem>>, vector<1x16xf32>,
      %get3A_1010 = vector.shape_cast %get3A_1009 : vector<1x16xf32> to vector<16xf32>
      %get3A_1011 = arith.index_cast %scan3A_940 : i32 to index
      %get3A_1012 = arith.constant 96 : index
      %get3A_1013 = tpu.vector_load %arg20[%get3A_1011, %get3A_1012] {strides = array<i32>} : memref<64x128xf32, #tpu.memory_space<vmem>>, vector<1x16xf32>,
      %get3A_1014 = vector.shape_cast %get3A_1013 : vector<1x16xf32> to vector<16xf32>
      %mul3A_1015 = arith.mulf %get3A_1010, %get3A_1014 : vector<16xf32>
      %mul3A_1016 = arith.mulf %mul3A_1015, %get3A_886 : vector<16xf32>
      %add3A_1017 = arith.addf %add3A_1006, %mul3A_1016 : vector<16xf32>
      %get3A_1018 = arith.index_cast %scan3A_940 : i32 to index
      %get3A_1019 = arith.constant 112 : index
      %get3A_1020 = tpu.vector_load %arg19[%get3A_1018, %get3A_1019] {strides = array<i32>} : memref<64x128xf32, #tpu.memory_space<vmem>>, vector<1x16xf32>,
      %get3A_1021 = vector.shape_cast %get3A_1020 : vector<1x16xf32> to vector<16xf32>
      %get3A_1022 = arith.index_cast %scan3A_940 : i32 to index
      %get3A_1023 = arith.constant 112 : index
      %get3A_1024 = tpu.vector_load %arg20[%get3A_1022, %get3A_1023] {strides = array<i32>} : memref<64x128xf32, #tpu.memory_space<vmem>>, vector<1x16xf32>,
      %get3A_1025 = vector.shape_cast %get3A_1024 : vector<1x16xf32> to vector<16xf32>
      %mul3A_1026 = arith.mulf %get3A_1021, %get3A_1025 : vector<16xf32>
      %mul3A_1027 = arith.mulf %mul3A_1026, %get3A_889 : vector<16xf32>
      %add3A_1028 = arith.addf %add3A_1017, %mul3A_1027 : vector<16xf32>
      %broadcast_in_dim3A_1029 = vector.shape_cast %xor3A_55 : vector<16xi32> to vector<16x1xi32>
      %gather3A = vector.shape_cast %broadcast_in_dim3A_1029 : vector<16x1xi32> to vector<16xi32>
      %gather3A_1030 = tpu.dynamic_gather %add3A_1028[%gather3A] in [0] : vector<16xf32>, vector<16xi32> -> vector<16xf32>
      %add3A_1031 = arith.addf %add3A_1028, %gather3A_1030 : vector<16xf32>
      %broadcast_in_dim3A_1032 = vector.shape_cast %xor3A_58 : vector<16xi32> to vector<16x1xi32>
      %gather3A_1033 = vector.shape_cast %broadcast_in_dim3A_1032 : vector<16x1xi32> to vector<16xi32>
      %gather3A_1034 = tpu.dynamic_gather %add3A_1031[%gather3A_1033] in [0] : vector<16xf32>, vector<16xi32> -> vector<16xf32>
      %add3A_1035 = arith.addf %add3A_1031, %gather3A_1034 : vector<16xf32>
      %broadcast_in_dim3A_1036 = vector.shape_cast %xor3A_61 : vector<16xi32> to vector<16x1xi32>
      %gather3A_1037 = vector.shape_cast %broadcast_in_dim3A_1036 : vector<16x1xi32> to vector<16xi32>
      %gather3A_1038 = tpu.dynamic_gather %add3A_1035[%gather3A_1037] in [0] : vector<16xf32>, vector<16xi32> -> vector<16xf32>
      %add3A_1039 = arith.addf %add3A_1035, %gather3A_1038 : vector<16xf32>
      %broadcast_in_dim3A_1040 = vector.shape_cast %xor3A_64 : vector<16xi32> to vector<16x1xi32>
      %gather3A_1041 = vector.shape_cast %broadcast_in_dim3A_1040 : vector<16x1xi32> to vector<16xi32>
      %gather3A_1042 = tpu.dynamic_gather %add3A_1039[%gather3A_1041] in [0] : vector<16xf32>, vector<16xi32> -> vector<16xf32>
      %add3A_1043 = arith.addf %add3A_1039, %gather3A_1042 : vector<16xf32>
      %rem3A = arith.constant 16 : i32
      %rem3A_1044 = arith.remsi %scan3A_940, %rem3A : i32
      %eq3A = vector.broadcast %rem3A_1044 : i32 to vector<16xi32>
      %eq3A_1045 = arith.cmpi eq, %iota3A, %eq3A : vector<16xi32>
      %select_n3A = arith.select %eq3A_1045, %add3A_1043, %scan3A_941 : vector<16xi1>, vector<16xf32>
      %rem3A_1046 = arith.constant 16 : i32
      %rem3A_1047 = arith.remsi %scan3A_940, %rem3A_1046 : i32
      %eq3A_1048 = arith.constant 15 : i32
      %eq3A_1049 = arith.cmpi eq, %rem3A_1047, %eq3A_1048 : i32
      %convert_element_type3A = arith.extui %eq3A_1049 : i1 to i32
      %cond3A = arith.constant 0 : i32
      %cond3A_1050 = arith.cmpi ne, %convert_element_type3A, %cond3A : i32
      scf.if %cond3A_1050 {
        %sub3A = arith.constant 15 : i32
        %sub3A_1051 = arith.subi %scan3A_940, %sub3A : i32
        %swap3A = arith.index_cast %sub3A_1051 : i32 to index
        %swap3A_1052 = tpu.vector_load %arg28[%swap3A] {strides = array<i32>} : memref<64xf32, #tpu.memory_space<vmem>>, vector<16xf32>,
        %swap3A_1053 = vector.shape_cast %swap3A_1052 : vector<16xf32> to vector<16xf32>
        %swap3A_1054 = vector.shape_cast %select_n3A : vector<16xf32> to vector<16xf32>
        tpu.vector_store %arg28[%swap3A], %swap3A_1054 {strides = array<i32>} : memref<64xf32, #tpu.memory_space<vmem>>, vector<16xf32>,
      } else {
      }
      scf.yield %select_n3A : vector<16xf32>
    }
    %scan3A_897 = arith.constant 64 : i32
    %add3A_898 = arith.constant 448 : i32
    %add3A_899 = arith.addi %mul3A_6, %add3A_898 : i32
    %dma_start3A_900 = tpu.memref_slice %arg9[%add3A_899] : memref<16384xf32, #tpu.memory_space<hbm>> -> memref<64xf32, #tpu.memory_space<hbm>>
    %dma_start3A_901 = tpu.memref_slice %arg9[%add3A_899] : memref<16384xf32, #tpu.memory_space<hbm>> -> memref<64xf32, #tpu.memory_space<hbm>>
    tpu.enqueue_dma source(%arg28 : memref<64xf32, #tpu.memory_space<vmem>>) target(%dma_start3A_901 : memref<64xf32, #tpu.memory_space<hbm>>) target_semaphore(%arg31 : memref<!tpu.dma_semaphore, #tpu.memory_space<semaphore_mem>>)
    %dma_start3A_902 = arith.constant 0 : i32
    %dma_start3A_903 = tpu.memref_slice %arg10[%add3A_899, %dma_start3A_902] : memref<16384x128xf32, #tpu.memory_space<hbm>> -> memref<64x128xf32, #tpu.memory_space<hbm>>
    %dma_start3A_904 = arith.constant 0 : i32
    %dma_start3A_905 = tpu.memref_slice %arg10[%add3A_899, %dma_start3A_904] : memref<16384x128xf32, #tpu.memory_space<hbm>> -> memref<64x128xf32, #tpu.memory_space<hbm>>
    tpu.enqueue_dma source(%arg21 : memref<64x128xf32, #tpu.memory_space<vmem>>) target(%dma_start3A_905 : memref<64x128xf32, #tpu.memory_space<hbm>>) target_semaphore(%arg31 : memref<!tpu.dma_semaphore, #tpu.memory_space<semaphore_mem>>)
    %dma_start3A_906 = arith.constant 0 : i32
    %dma_start3A_907 = tpu.memref_slice %arg11[%add3A_899, %dma_start3A_906] : memref<16384x128xf32, #tpu.memory_space<hbm>> -> memref<64x128xf32, #tpu.memory_space<hbm>>
    %dma_start3A_908 = arith.constant 0 : i32
    %dma_start3A_909 = tpu.memref_slice %arg11[%add3A_899, %dma_start3A_908] : memref<16384x128xf32, #tpu.memory_space<hbm>> -> memref<64x128xf32, #tpu.memory_space<hbm>>
    tpu.enqueue_dma source(%arg22 : memref<64x128xf32, #tpu.memory_space<vmem>>) target(%dma_start3A_909 : memref<64x128xf32, #tpu.memory_space<hbm>>) target_semaphore(%arg31 : memref<!tpu.dma_semaphore, #tpu.memory_space<semaphore_mem>>)
    %dma_wait3A_910 = tpu.memref_slice %arg9[%add3A_717] : memref<16384xf32, #tpu.memory_space<hbm>> -> memref<64xf32, #tpu.memory_space<hbm>>
    %dma_wait3A_911 = tpu.memref_slice %arg9[%add3A_717] : memref<16384xf32, #tpu.memory_space<hbm>> -> memref<64xf32, #tpu.memory_space<hbm>>
    tpu.wait_dma2 semaphore(%arg31 : memref<!tpu.dma_semaphore, #tpu.memory_space<semaphore_mem>>) src(%arg29 : memref<64xf32, #tpu.memory_space<vmem>>) dst(%dma_wait3A_911 : memref<64xf32, #tpu.memory_space<hbm>>)
    %dma_wait3A_912 = arith.constant 0 : i32
    %dma_wait3A_913 = tpu.memref_slice %arg10[%add3A_717, %dma_wait3A_912] : memref<16384x128xf32, #tpu.memory_space<hbm>> -> memref<64x128xf32, #tpu.memory_space<hbm>>
    %dma_wait3A_914 = arith.constant 0 : i32
    %dma_wait3A_915 = tpu.memref_slice %arg10[%add3A_717, %dma_wait3A_914] : memref<16384x128xf32, #tpu.memory_space<hbm>> -> memref<64x128xf32, #tpu.memory_space<hbm>>
    tpu.wait_dma2 semaphore(%arg31 : memref<!tpu.dma_semaphore, #tpu.memory_space<semaphore_mem>>) src(%arg25 : memref<64x128xf32, #tpu.memory_space<vmem>>) dst(%dma_wait3A_915 : memref<64x128xf32, #tpu.memory_space<hbm>>)
    %dma_wait3A_916 = arith.constant 0 : i32
    %dma_wait3A_917 = tpu.memref_slice %arg11[%add3A_717, %dma_wait3A_916] : memref<16384x128xf32, #tpu.memory_space<hbm>> -> memref<64x128xf32, #tpu.memory_space<hbm>>
    %dma_wait3A_918 = arith.constant 0 : i32
    %dma_wait3A_919 = tpu.memref_slice %arg11[%add3A_717, %dma_wait3A_918] : memref<16384x128xf32, #tpu.memory_space<hbm>> -> memref<64x128xf32, #tpu.memory_space<hbm>>
    tpu.wait_dma2 semaphore(%arg31 : memref<!tpu.dma_semaphore, #tpu.memory_space<semaphore_mem>>) src(%arg26 : memref<64x128xf32, #tpu.memory_space<vmem>>) dst(%dma_wait3A_919 : memref<64x128xf32, #tpu.memory_space<hbm>>)
    %dma_wait3A_920 = tpu.memref_slice %arg9[%add3A_827] : memref<16384xf32, #tpu.memory_space<hbm>> -> memref<64xf32, #tpu.memory_space<hbm>>
    %dma_wait3A_921 = tpu.memref_slice %arg9[%add3A_827] : memref<16384xf32, #tpu.memory_space<hbm>> -> memref<64xf32, #tpu.memory_space<hbm>>
    tpu.wait_dma2 semaphore(%arg31 : memref<!tpu.dma_semaphore, #tpu.memory_space<semaphore_mem>>) src(%arg27 : memref<64xf32, #tpu.memory_space<vmem>>) dst(%dma_wait3A_921 : memref<64xf32, #tpu.memory_space<hbm>>)
    %dma_wait3A_922 = arith.constant 0 : i32
    %dma_wait3A_923 = tpu.memref_slice %arg10[%add3A_827, %dma_wait3A_922] : memref<16384x128xf32, #tpu.memory_space<hbm>> -> memref<64x128xf32, #tpu.memory_space<hbm>>
    %dma_wait3A_924 = arith.constant 0 : i32
    %dma_wait3A_925 = tpu.memref_slice %arg10[%add3A_827, %dma_wait3A_924] : memref<16384x128xf32, #tpu.memory_space<hbm>> -> memref<64x128xf32, #tpu.memory_space<hbm>>
    tpu.wait_dma2 semaphore(%arg31 : memref<!tpu.dma_semaphore, #tpu.memory_space<semaphore_mem>>) src(%arg17 : memref<64x128xf32, #tpu.memory_space<vmem>>) dst(%dma_wait3A_925 : memref<64x128xf32, #tpu.memory_space<hbm>>)
    %dma_wait3A_926 = arith.constant 0 : i32
    %dma_wait3A_927 = tpu.memref_slice %arg11[%add3A_827, %dma_wait3A_926] : memref<16384x128xf32, #tpu.memory_space<hbm>> -> memref<64x128xf32, #tpu.memory_space<hbm>>
    %dma_wait3A_928 = arith.constant 0 : i32
    %dma_wait3A_929 = tpu.memref_slice %arg11[%add3A_827, %dma_wait3A_928] : memref<16384x128xf32, #tpu.memory_space<hbm>> -> memref<64x128xf32, #tpu.memory_space<hbm>>
    tpu.wait_dma2 semaphore(%arg31 : memref<!tpu.dma_semaphore, #tpu.memory_space<semaphore_mem>>) src(%arg18 : memref<64x128xf32, #tpu.memory_space<vmem>>) dst(%dma_wait3A_929 : memref<64x128xf32, #tpu.memory_space<hbm>>)
    %dma_wait3A_930 = tpu.memref_slice %arg9[%add3A_899] : memref<16384xf32, #tpu.memory_space<hbm>> -> memref<64xf32, #tpu.memory_space<hbm>>
    %dma_wait3A_931 = tpu.memref_slice %arg9[%add3A_899] : memref<16384xf32, #tpu.memory_space<hbm>> -> memref<64xf32, #tpu.memory_space<hbm>>
    tpu.wait_dma2 semaphore(%arg31 : memref<!tpu.dma_semaphore, #tpu.memory_space<semaphore_mem>>) src(%arg28 : memref<64xf32, #tpu.memory_space<vmem>>) dst(%dma_wait3A_931 : memref<64xf32, #tpu.memory_space<hbm>>)
    %dma_wait3A_932 = arith.constant 0 : i32
    %dma_wait3A_933 = tpu.memref_slice %arg10[%add3A_899, %dma_wait3A_932] : memref<16384x128xf32, #tpu.memory_space<hbm>> -> memref<64x128xf32, #tpu.memory_space<hbm>>
    %dma_wait3A_934 = arith.constant 0 : i32
    %dma_wait3A_935 = tpu.memref_slice %arg10[%add3A_899, %dma_wait3A_934] : memref<16384x128xf32, #tpu.memory_space<hbm>> -> memref<64x128xf32, #tpu.memory_space<hbm>>
    tpu.wait_dma2 semaphore(%arg31 : memref<!tpu.dma_semaphore, #tpu.memory_space<semaphore_mem>>) src(%arg21 : memref<64x128xf32, #tpu.memory_space<vmem>>) dst(%dma_wait3A_935 : memref<64x128xf32, #tpu.memory_space<hbm>>)
    %dma_wait3A_936 = arith.constant 0 : i32
    %dma_wait3A_937 = tpu.memref_slice %arg11[%add3A_899, %dma_wait3A_936] : memref<16384x128xf32, #tpu.memory_space<hbm>> -> memref<64x128xf32, #tpu.memory_space<hbm>>
    %dma_wait3A_938 = arith.constant 0 : i32
    %dma_wait3A_939 = tpu.memref_slice %arg11[%add3A_899, %dma_wait3A_938] : memref<16384x128xf32, #tpu.memory_space<hbm>> -> memref<64x128xf32, #tpu.memory_space<hbm>>
    tpu.wait_dma2 semaphore(%arg31 : memref<!tpu.dma_semaphore, #tpu.memory_space<semaphore_mem>>) src(%arg22 : memref<64x128xf32, #tpu.memory_space<vmem>>) dst(%dma_wait3A_939 : memref<64x128xf32, #tpu.memory_space<hbm>>)
    return
  }
}

module attributes {stable_mosaic.version = 14 : i64} {
  func.func @_tc_body(%arg0: i32, %arg1: memref<4096x128xf32, #tpu.memory_space<vmem>>, %arg2: memref<4096x128xf32, #tpu.memory_space<vmem>>, %arg3: memref<1x4096xf32, #tpu.memory_space<vmem>>, %arg4: memref<256x128xf32, #tpu.memory_space<vmem>>, %arg5: memref<128xf32, #tpu.memory_space<vmem>>, %arg6: memref<256x1xf32, #tpu.memory_space<vmem>>, %arg7: memref<1xf32, #tpu.memory_space<vmem>>, %arg8: memref<1x4096xf32, #tpu.memory_space<vmem>>) attributes {dimension_semantics = [#tpu.dimension_semantics<arbitrary>], iteration_bounds = array<i64: 4>, scalar_prefetch = 0 : i64, scratch_operands = 0 : i64, tpu.core_type = #tpu.core_type<tc>, window_params = [{transform_indices = @transform_0, window_bounds = array<i64: 4096, 128>}, {transform_indices = @transform_1, window_bounds = array<i64: 4096, 128>}, {transform_indices = @transform_2, window_bounds = array<i64: 1, 4096>}, {pipeline_mode = #tpu.pipeline_mode<synchronous>, transform_indices = @transform_3, window_bounds = array<i64: 256, 128>}, {pipeline_mode = #tpu.pipeline_mode<synchronous>, transform_indices = @transform_4, window_bounds = array<i64: 128>}, {pipeline_mode = #tpu.pipeline_mode<synchronous>, transform_indices = @transform_5, window_bounds = array<i64: 256, 1>}, {pipeline_mode = #tpu.pipeline_mode<synchronous>, transform_indices = @transform_6, window_bounds = array<i64: 1>}, {transform_indices = @transform_7, window_bounds = array<i64: 1, 4096>}]} {
    %get3A = arith.constant 0 : index
    %get3A_0 = arith.constant 0 : index
    %get3A_1 = vector.load %arg4[%get3A, %get3A_0] : memref<256x128xf32, #tpu.memory_space<vmem>>, vector<256x128xf32>
    %slice3A = vector.extract_strided_slice %get3A_1 {offsets = [0, 0], sizes = [128, 128], strides = [1, 1]} : vector<256x128xf32> to vector<128x128xf32>
    %get3A_2 = arith.constant 0 : index
    %get3A_3 = arith.constant 0 : index
    %get3A_4 = vector.load %arg1[%get3A_2, %get3A_3] : memref<4096x128xf32, #tpu.memory_space<vmem>>, vector<4096x128xf32>
    %dot_general3A = arith.constant dense<0.000000e+00> : vector<128x4096xf32>
    %dot_general3A_5 = tpu.matmul %slice3A, %get3A_4, %dot_general3A {dimension_numbers = #tpu.dot_dimension_numbers<[0], [1], [1], [0], [0, 1, 1, 0], [], []>, transpose_lhs_hint = false} : vector<128x128xf32>, vector<4096x128xf32>, vector<128x4096xf32> -> vector<128x4096xf32>
    %slice3A_6 = vector.extract_strided_slice %get3A_1 {offsets = [128, 0], sizes = [128, 128], strides = [1, 1]} : vector<256x128xf32> to vector<128x128xf32>
    %get3A_7 = arith.constant 0 : index
    %get3A_8 = arith.constant 0 : index
    %get3A_9 = vector.load %arg2[%get3A_7, %get3A_8] : memref<4096x128xf32, #tpu.memory_space<vmem>>, vector<4096x128xf32>
    %dot_general3A_10 = arith.constant dense<0.000000e+00> : vector<128x4096xf32>
    %dot_general3A_11 = tpu.matmul %slice3A_6, %get3A_9, %dot_general3A_10 {dimension_numbers = #tpu.dot_dimension_numbers<[0], [1], [1], [0], [0, 1, 1, 0], [], []>, transpose_lhs_hint = false} : vector<128x128xf32>, vector<4096x128xf32>, vector<128x4096xf32> -> vector<128x4096xf32>
    %add3A = arith.addf %dot_general3A_5, %dot_general3A_11 : vector<128x4096xf32>
    %get3A_12 = arith.constant 0 : index
    %get3A_13 = vector.load %arg5[%get3A_12] : memref<128xf32, #tpu.memory_space<vmem>>, vector<128xf32>
    %reshape3A = vector.shape_cast %get3A_13 : vector<128xf32> to vector<128x1xf32>
    %add3A_14 = vector.broadcast %reshape3A : vector<128x1xf32> to vector<128x4096xf32>
    %add3A_15 = arith.addf %add3A, %add3A_14 : vector<128x4096xf32>
    %max3A = arith.constant 0.000000e+00 : f32
    %max3A_16 = vector.broadcast %max3A : f32 to vector<128x4096xf32>
    %max3A_17 = arith.maximumf %add3A_15, %max3A_16 : vector<128x4096xf32>
    %get3A_18 = arith.constant 0 : index
    %get3A_19 = arith.constant 0 : index
    %get3A_20 = vector.load %arg6[%get3A_18, %get3A_19] : memref<256x1xf32, #tpu.memory_space<vmem>>, vector<256x1xf32>
    %slice3A_21 = vector.extract_strided_slice %get3A_20 {offsets = [128, 0], sizes = [128, 1], strides = [1, 1]} : vector<256x1xf32> to vector<128x1xf32>
    %transpose3A = tpu.transpose %slice3A_21, [1, 0] : vector<128x1xf32> -> vector<1x128xf32>
    %dot_general3A_22 = arith.constant dense<0.000000e+00> : vector<1x4096xf32>
    %dot_general3A_23 = tpu.matmul %transpose3A, %max3A_17, %dot_general3A_22 {dimension_numbers = #tpu.dot_dimension_numbers<[1], [0], [0], [1], [0, 0, 1, 1], [], []>, transpose_lhs_hint = false} : vector<1x128xf32>, vector<128x4096xf32>, vector<1x4096xf32> -> vector<1x4096xf32>
    %get3A_24 = arith.constant 0 : index
    %get3A_25 = arith.constant 0 : index
    %get3A_26 = vector.load %arg3[%get3A_24, %get3A_25] : memref<1x4096xf32, #tpu.memory_space<vmem>>, vector<1x4096xf32>
    %add3A_27 = arith.addf %dot_general3A_23, %get3A_26 : vector<1x4096xf32>
    %get3A_28 = arith.constant 0 : index
    %get3A_29 = vector.load %arg7[%get3A_28] : memref<1xf32, #tpu.memory_space<vmem>>, vector<1xf32>
    %reshape3A_30 = vector.shape_cast %get3A_29 : vector<1xf32> to vector<1x1xf32>
    %add3A_31 = vector.broadcast %reshape3A_30 : vector<1x1xf32> to vector<1x4096xf32>
    %add3A_32 = arith.addf %add3A_27, %add3A_31 : vector<1x4096xf32>
    %swap3A = arith.constant 0 : index
    %swap3A_33 = arith.constant 0 : index
    %swap3A_34 = vector.load %arg8[%swap3A, %swap3A_33] : memref<1x4096xf32, #tpu.memory_space<vmem>>, vector<1x4096xf32>
    tpu.vector_store %arg8[%swap3A, %swap3A_33], %add3A_32 {strides = array<i32>} : memref<1x4096xf32, #tpu.memory_space<vmem>>, vector<1x4096xf32>,
    return
  }
  func.func @transform_0(%arg0: i32) -> (i32, i32) {
    %c0_i32 = arith.constant 0 : i32
    %c0_i32_0 = arith.constant 0 : i32
    return %arg0, %c0_i32 : i32, i32
  }
  func.func @transform_1(%arg0: i32) -> (i32, i32) {
    %c0_i32 = arith.constant 0 : i32
    %c0_i32_0 = arith.constant 0 : i32
    return %arg0, %c0_i32 : i32, i32
  }
  func.func @transform_2(%arg0: i32) -> (i32, i32) {
    %c0_i32 = arith.constant 0 : i32
    %c0_i32_0 = arith.constant 0 : i32
    return %c0_i32, %arg0 : i32, i32
  }
  func.func @transform_3(%arg0: i32) -> (i32, i32) {
    %c0_i32 = arith.constant 0 : i32
    %c0_i32_0 = arith.constant 0 : i32
    %c0_i32_1 = arith.constant 0 : i32
    return %c0_i32, %c0_i32_0 : i32, i32
  }
  func.func @transform_4(%arg0: i32) -> i32 {
    %c0_i32 = arith.constant 0 : i32
    %c0_i32_0 = arith.constant 0 : i32
    return %c0_i32 : i32
  }
  func.func @transform_5(%arg0: i32) -> (i32, i32) {
    %c0_i32 = arith.constant 0 : i32
    %c0_i32_0 = arith.constant 0 : i32
    %c0_i32_1 = arith.constant 0 : i32
    return %c0_i32, %c0_i32_0 : i32, i32
  }
  func.func @transform_6(%arg0: i32) -> i32 {
    %c0_i32 = arith.constant 0 : i32
    %c0_i32_0 = arith.constant 0 : i32
    return %c0_i32 : i32
  }
  func.func @transform_7(%arg0: i32) -> (i32, i32) {
    %c0_i32 = arith.constant 0 : i32
    %c0_i32_0 = arith.constant 0 : i32
    return %c0_i32, %arg0 : i32, i32
  }
}

</mosaic_0001>

<sc_bundles>
// kernel: kernel.4.cloned.1.call-start
scs
__scs_entry_jumppad:
0x0: {  	(pc) =	sbr.rel $0x88, $3  }
0x1: {  	(tag) =	ssettag $0x0;
	lr =	simm.s32 $0x1  }
0x2: {  	[smem:$0x3F97] =	sst lr;
	_ =	strace $0xD0000000  }
0x3: {  	_ = 	snop  }
0x4: {  	_ = 	snop  }
0x5: {  	_ = 	snop  }
0x6: {  	_ = 	snop  }
0x7: {  	_ = 	snop  }
__scs_overlays_trampoline_lowered:
0x8: {  	[smem:$0x3FA6] =	sst s0  }
0x9: {  	[smem:$0x3FA7] =	sst s1  }
0xa: {  	[smem:$0x3FA8] =	sst s2  }
0xb: {  	[smem:$0x3FA9] =	sst s3  }
0xc: {  	[smem:$0x3FAA] =	sst s4  }
0xd: {  	[smem:$0x3FAB] =	sst s5  }
0xe: {  	[smem:$0x3FAC] =	sst s6  }
0xf: {  	[smem:$0x3FAD] =	sst s7  }
0x10: {  	[smem:$0x3FAE] =	sst s8  }
0x11: {  	[smem:$0x3FAF] =	sst s9;
	s0 =	simm.s32 @!p0 $0x0  }
0x12: {  	s1 =	sld [smem:$0x3F95];
	s0 =	simm.s32 @p0 $0x1  }
0x13: {  	[smem:$0x3FB0] =	sst s0;
	s0 =	simm.s32 @!p1 $0x0  }
0x14: {  	s2 =	sld [smem:$0x3F94];
	s0 =	simm.s32 @p1 $0x1  }
0x15: {  	[smem:$0x3FB1] =	sst s0;
	s0 =	simm.s32 @!p2 $0x0  }
0x16: {  	s3 =	sld [smem:$0x3FDB];
	s0 =	simm.s32 @p2 $0x1  }
0x17: {  	s4 =	simm.s32 $0x1BF5;
	[smem:$0x3FB3] =	sst s0  }
0x18: {  	s0 =	sld [smem:$0x3F96];
	_ =	swait.ge [sflag:s4], $0x0  }
0x19: {  	s7 =	sld [smem:$0x3F97]  }
0x1a: {  	s8 =	sadd.s32 $0xFFFFE003, lr  }
0x1b: {  	s9 =	sadd.s32 $0xFFFFFEF7, lr;
	s5 =	simm.s32 $0xFFFFFFFF;
	p2 =	slt.u32 s8, $0xFFFFF086  }
0x1c: {  	p1 =	slt.u32 s9, $0xF7A;
	s5 =	simm.s32 @!p2 $0x0  }
0x1d: {  	s5 =	simm.s32 @p1 $0x1;
	p0 =	seq.s32 s7, s2  }
0x1e: {  	s7 =	smul.u32 @!p0 $0xF7A, s2;
	p2 =	seq.s32 @!p0 s5, $0x0  }
0x1f: {  	s9 =	smul.u32 $0xF7A, s1;
	s8 =	simm.s32 @!p0 $0x1BF5;
	p2 =	por !p2, p0  }
0x20: {  	[sflag:s8] =	ssyncset.s32 @!p0 $0xFFFFF086;
	s6 =	sadd.s32 @!p0 s3, s7;
	s7 =	simm.s32 @!p0 $0x108  }
0x21: {  	s3 =	sadd.s32 s3, s9;
	s6 =	sadd.s32 @!p0 $0x88, s6;
	s7 =	simm.s32 @p2 $0x1082  }
0x22: {  	[simem:s7], [sflag:s8] =	dma.local @!p0 [hbm:s6], $0xF7A  }
0x23: {  	s9 =	sor.u32 $0xD0000000, s2;
	s6 =	simm.s32 $0x108;
	_ =	swait.ge @!p0 [sflag:s8], $0x0  }
0x24: {  	s3 =	sadd.s32 $0x88, s3;
	s6 =	simm.s32 @!p1 $0x1082;
	[sflag:s4] =	ssyncset.s32 $0xFFFFF086  }
0x25: {  	[simem:s6], [sflag:s4] =	dma.local [hbm:s3], $0xF7A  }
0x26: {  	[smem:$0x3F97] =	sst s1;
	(tag) =	ssettag s2;
	_ =	strace s9  }
0x27: {  	s1 =	sld [smem:$0x3FA7]  }
0x28: {  	s2 =	sld [smem:$0x3FA8]  }
0x29: {  	s4 =	sld [smem:$0x3FAA]  }
0x2a: {  	p0 =	seq.s32 s5, $0x0;
	s5 =	sld [smem:$0x3FAB]  }
0x2b: {  	s6 =	sld [smem:$0x3FAC]  }
0x2c: {  	s7 =	sld [smem:$0x3FAD]  }
0x2d: {  	s3 =	simm.s32 $0x108;
	s8 =	sld [smem:$0x3FAE]  }
0x2e: {  	s3 =	simm.s32 @!p0 $0x1082;
	s9 =	sld [smem:$0x3FAF]  }
0x2f: {  	lr =	sadd.s32 s0, s3;
	s0 =	sld [smem:$0x3FA6]  }
0x30: {  	s3 =	sld [smem:$0x3FA9]  }
0x31: {  	[smem:$0x3FB2] =	sst s10  }
0x32: {  	s10 =	sld [smem:$0x3FB0];
	_ =	sdelay $0x3  }
0x33: {  	p0 =	seq.s32 s10, $0x1;
	s10 =	sld [smem:$0x3FB2];
	_ =	sdelay $0x3  }
0x34: {  	[smem:$0x3FB2] =	sst s10  }
0x35: {  	s10 =	sld [smem:$0x3FB1];
	_ =	sdelay $0x3  }
0x36: {  	p1 =	seq.s32 s10, $0x1;
	s10 =	sld [smem:$0x3FB2];
	_ =	sdelay $0x3  }
0x37: {  	[smem:$0x3FB2] =	sst s10  }
0x38: {  	s10 =	sld [smem:$0x3FB3]  }
0x39: {  	_ = 	snop;
	(pc) =	sbr.ind lr, $3  }
0x3a: {  	_ = 	snop  }
0x3b: {  	_ = 	snop  }
0x3c: {  	p2 =	seq.s32 s10, $0x1;
	s10 =	sld [smem:$0x3FB2]  }
0x3d: {  	_ =	shalt  }
0x3e: {  	_ =	shalt  }
0x3f: {  	_ =	shalt  }
0x40: {  	_ =	shalt  }
0x41: {  	_ =	shalt  }
0x42: {  	_ =	shalt  }
0x43: {  	_ =	shalt  }
0x44: {  	_ =	shalt  }
0x45: {  	_ =	shalt  }
0x46: {  	_ =	shalt  }
0x47: {  	_ =	shalt  }
0x48: {  	_ =	shalt  }
0x49: {  	_ =	shalt  }
0x4a: {  	_ =	shalt  }
0x4b: {  	_ =	shalt  }
0x4c: {  	_ =	shalt  }
0x4d: {  	_ =	shalt  }
0x4e: {  	_ =	shalt  }
0x4f: {  	_ =	shalt  }
0x50: {  	_ =	shalt  }
0x51: {  	_ =	shalt  }
0x52: {  	_ =	shalt  }
0x53: {  	_ =	shalt  }
0x54: {  	_ =	shalt  }
0x55: {  	_ =	shalt  }
0x56: {  	_ =	shalt  }
0x57: {  	_ =	shalt  }
0x58: {  	_ =	shalt  }
0x59: {  	_ =	shalt  }
0x5a: {  	_ =	shalt  }
0x5b: {  	_ =	shalt  }
0x5c: {  	_ =	shalt  }
0x5d: {  	_ =	shalt  }
0x5e: {  	_ =	shalt  }
0x5f: {  	_ =	shalt  }
0x60: {  	_ =	shalt  }
0x61: {  	_ =	shalt  }
0x62: {  	_ =	shalt  }
0x63: {  	_ =	shalt  }
0x64: {  	_ =	shalt  }
0x65: {  	_ =	shalt  }
0x66: {  	_ =	shalt  }
0x67: {  	_ =	shalt  }
0x68: {  	_ =	shalt  }
0x69: {  	_ =	shalt  }
0x6a: {  	_ =	shalt  }
0x6b: {  	_ =	shalt  }
0x6c: {  	_ =	shalt  }
0x6d: {  	_ =	shalt  }
0x6e: {  	_ =	shalt  }
0x6f: {  	_ =	shalt  }
0x70: {  	_ =	shalt  }
0x71: {  	_ =	shalt  }
0x72: {  	_ =	shalt  }
0x73: {  	_ =	shalt  }
0x74: {  	_ =	shalt  }
0x75: {  	_ =	shalt  }
0x76: {  	_ =	shalt  }
0x77: {  	_ =	shalt  }
0x78: {  	_ =	shalt  }
0x79: {  	_ =	shalt  }
0x7a: {  	_ =	shalt  }
0x7b: {  	_ =	shalt  }
0x7c: {  	_ =	shalt  }
0x7d: {  	_ =	shalt  }
0x7e: {  	_ =	shalt  }
0x7f: {  	_ =	shalt  }
0x80: {  	_ =	shalt  }
0x81: {  	_ =	shalt  }
0x82: {  	_ =	shalt  }
0x83: {  	_ =	shalt  }
0x84: {  	_ =	shalt  }
0x85: {  	_ =	shalt  }
0x86: {  	_ =	shalt  }
0x87: {  	_ =	shalt  }
.Lfunc_end0:
.L_simem_size_0:
called_computation_lowered:
.L_overlay_start_0:
0x88: {  	s2 =	sld [smem:$0x3FD9]  }
0x89: {  	s3 =	sld [smem:$0x3FFE];
	_ =	sdelay $0x1  }
0x8a: {  	s1 =	srdreg.scid  }
0x8b: {  	s0 =	sand.u32 $0x1, s1  }
0x8c: {  	s17 =	sshll.u32 s0, $0xA;
	s2 =	sadd.s32 s3, s2  }
0x8d: {  	s2 =	sadd.s32 s2, s17  }
0x8e: {  	[smem:$0x3FBE] =	sst s2  }
0x8f: {  	_ = 	snop  }
0x90: {  	s2 =	sld [smem:$0x3FC9]  }
0x91: {  	s18 =	sld [smem:$0x3FC8]  }
0x92: {  	s4 =	sld [smem:$0x3FC7]  }
0x93: {  	s5 =	sld [smem:$0x3FC6]  }
0x94: {  	s6 =	sld [smem:$0x3FC5]  }
0x95: {  	s7 =	sld [smem:$0x3FC4]  }
0x96: {  	s8 =	sld [smem:$0x3FD0];
	(tm) =	ssettm $0x1  }
0x97: {  	s9 =	sld [smem:$0x3FFB];
	_ =	sdelay $0x3  }
0x98: {  	_ =	strace s9  }
0x99: {  	s9 =	sld [smem:$0x3FFC];
	_ =	sdelay $0x3  }
0x9a: {  	_ =	strace s9  }
0x9b: {  	s9 =	sld [smem:$0x3FFD];
	_ =	sdelay $0x3  }
0x9c: {  	_ =	strace s9  }
0x9d: {  	_ =	strace $0x8FFFFFFF  }
0x9e: {  	s19 =	sld [smem:$0x3FDB];
	_ =	sdelay $0x1  }
0x9f: {  	s10 =	simm.s32 $_scs_section_size  }
0xa0: {  	s11 =	simm.s32 $_size__tile_overlayer_lowered;
	s12 =	simm.s32 $_tile_overlayer_lowered  }
0xa1: {  	s22 =	simm.s32 $0x1BFF;
	s21 =	sshll.u32 s12, $0x1;
	s9 =	sadd.s32 s10, s19  }
0xa2: {  	s13 =	simm.s32 $0x0;
	s20 =	sshll.u32 s11, $0x1;
	s11 =	sadd.s32 s21, s9  }
0xa3: {  	[timem:s13], [sflag:s22] =	dma.local [hbm:s11], s20  }
0xa4: {  	_ =	swait.ge [sflag:s22], s20  }
0xa5: {  	s10 =	ssub.s32 $0x0, s20;
	[sflag:s22] =	ssyncset.done $0x0  }
0xa6: {  	[sflag:s22] =	ssyncadd.s32 s10;
	_ =	sdelay $0x1  }
0xa7: {  	s23 =	simm.s32 $0x1B8B  }
0xa8: {  	_ =	swait.ge [sflag:s23], $0x1  }
0xa9: {  	[sflag:s23] =	ssyncset.done $0x0  }
0xaa: {  	s25 =	simm.s32 $0x1B8E;
	s24 =	sld [smem:$0x3FFE];
	[sflag:s23] =	ssyncadd.s32 $0xFFFFFFFF  }
0xab: {  	s26 =	simm.s32 $execute0_lowered;
	[smem:$0x3FD2] =	sst s25  }
0xac: {  	s11 =	sshll.u32 s26, $0x1;
	_ =	strace $0x80000046;
	[dreg:$0x1] =	wrdreg $0xFFFFFFFF  }
0xad: {  	s28 =	simm.s32 $_size_execute0_lowered;
	s9 =	sadd.s32 s9, s11;
	[dreg:$0x0] =	wrdreg $0x0  }
0xae: {  	s11 =	sshll.u32 s28, $0x1;
	[dreg:$0x2] =	wrdreg s9  }
0xaf: {  	[dreg:$0x3] =	wrdreg s11  }
0xb0: {  	[dreg:$0x4] =	wrdreg $0xC0  }
0xb1: {  	_ =	task [dreg:s13], $0x5FFFF  }
0xb2: {  	[dreg:$0x1] =	wrdreg $0xFFFFFFFF  }
0xb3: {  	[dreg:$0x0] =	wrdreg $0x60  }
0xb4: {  	[dreg:$0x2] =	wrdreg s2  }
0xb5: {  	[dreg:$0x3] =	wrdreg s18  }
0xb6: {  	[dreg:$0x4] =	wrdreg s4  }
0xb7: {  	[dreg:$0x5] =	wrdreg s5  }
0xb8: {  	[dreg:$0x6] =	wrdreg s6  }
0xb9: {  	[dreg:$0x7] =	wrdreg s7  }
0xba: {  	[dreg:$0x8] =	wrdreg s24  }
0xbb: {  	[dreg:$0x9] =	wrdreg s8  }
0xbc: {  	[dreg:$0xa] =	wrdreg $0x9  }
0xbd: {  	_ =	task.clear_ibuf [dreg:s13], $0xBFFFF;
	_ =	strace $0x90000046  }
0xbe: {  	s29 =	simm.s32 $0x9;
	_ =	strace $0x80000048  }
0xbf: {  	_ =	swait.ge [sflag:s29], $0x1  }
0xc0: {  	[sflag:s29] =	ssyncadd.s32 $0xFFFFFFFF  }
0xc1: {  	_ =	strace $0x90000048  }
0xc2: {  	_ =	sfence  }
0xc3: {  	s30 =	sld [smem:$0x0];
	_ =	sdelay $0x2  }
0xc4: {  	s31 =	sshll.u32 s1, $0xD;
	s1 =	sshrl.u32 s1, $0x2  }
0xc5: {  	s3 =	sand.u32 $0x4000, s31;
	s1 =	sadd.s32 s1, s30  }
0xc6: {  	s0 =	sor.u32 s3, s0;
	s1 =	sshll.u32 s1, $0x11  }
0xc7: {  	s0 =	sor.u32 s1, s0  }
0xc8: {  	s0 =	sadd.s32 $0x8F2B, s0  }
0xc9: {  	[sflag:s0] =	ssyncadd.remote.s32 $0x1  }
0xca: {  	_ =	sfence.sel $0xFFFF  }
0xcb: {  	[dreg:$0x0] =	wrdreg $0xFFFFFFFF;
	(pc) =	sbr.abs _section_cstart, $3  }
0xcc: {  	[dreg:$0x1] =	wrdreg $0xFFFFFFFF  }
0xcd: {  	_ =	task.clear_ibuf [dreg:s13], $0x2FFFF;
	_ =	strace $0x9FFFFFFF  }
0xce: {  	(tm) =	ssettm $0x7FFFFFFF  }
0xcf: {  	_ =	shalt  }
tec
execute0_lowered:
.L_overlay_start_1:
0x0: {  	(tag) =	ssettag $0x1  }
0x1: {  	s0 =	srdreg.scid  }
0x2: {  	s1 =	stileid.u32;
	s22 =	rddreg [dreg:$0x0];
	s0 =	sand.u32 $0x1, s0  }
0x3: {  	s1 =	sshll.u32 s1, $0xA;
	s2 =	sshll.u32 s0, $0x9;
	s0 =	ssub.s32 $0x2, s0  }
0x4: {  	s25 =	rddreg [dreg:$0x1];
	s1 =	sor.u32 s2, s1;
	s3 =	sshrl.u32 s0, $0x1  }
0x5: {  	s4 =	sor.u32 $0x40, s1;
	s0 =	ssub.s32 s0, s3;
	s3 =	sshrl.u32 s1, $0x3  }
0x6: {  	s9 =	sor.u32 $0x100, s1;
	s15 =	sor.u32 $0x1C0, s1;
	s6 =	sadd.s32 s22, s3  }
0x7: {  	s5 =	sshrl.u32 s4, $0x3;
	s26 =	sadd.s32 s25, s3;
	[dreg:$0x9] =	wrdreg s6  }
0x8: {  	s11 =	sshrl.u32 s9, $0x3;
	s23 =	sadd.s32 s22, s5;
	[dreg:$0x11] =	wrdreg s26  }
0x9: {  	s17 =	sshrl.u32 s15, $0x3;
	s24 =	sadd.s32 s22, s11;
	[dreg:$0xa] =	wrdreg s23  }
0xa: {  	s2 =	sadd.s32 s22, s17;
	[dreg:$0xd] =	wrdreg s24  }
0xb: {  	s6 =	sor.u32 $0x80, s1;
	s28 =	sadd.s32 s25, s5;
	[dreg:$0x10] =	wrdreg s2  }
0xc: {  	s19 =	sadd.s32 s25, s11;
	s7 =	sshrl.u32 s6, $0x3;
	[dreg:$0x12] =	wrdreg s28  }
0xd: {  	s8 =	sor.u32 $0xC0, s1;
	[dreg:$0x15] =	wrdreg s19;
	s10 =	sadd.s32 s22, s7  }
0xe: {  	s2 =	sadd.s32 s25, s17;
	[dreg:$0xb] =	wrdreg s10;
	s10 =	sshrl.u32 s8, $0x3  }
0xf: {  	[dreg:$0x18] =	wrdreg s2;
	s12 =	sadd.s32 s22, s10  }
0x10: {  	s29 =	sadd.s32 s25, s7;
	[dreg:$0xc] =	wrdreg s12;
	s12 =	sor.u32 $0x140, s1  }
0x11: {  	[dreg:$0x13] =	wrdreg s29;
	s30 =	sadd.s32 s25, s10;
	s13 =	sshrl.u32 s12, $0x3  }
0x12: {  	[dreg:$0x14] =	wrdreg s30;
	s16 =	sadd.s32 s22, s13  }
0x13: {  	s14 =	sor.u32 $0x180, s1;
	s20 =	sadd.s32 s25, s13;
	[dreg:$0xe] =	wrdreg s16  }
0x14: {  	s16 =	sshrl.u32 s14, $0x3;
	[dreg:$0x16] =	wrdreg s20  }
0x15: {  	s18 =	sadd.s32 s22, s16;
	s22 =	rddreg [dreg:$0x7]  }
0x16: {  	s21 =	sadd.s32 s25, s16;
	[dreg:$0xf] =	wrdreg s18  }
0x17: {  	[dreg:$0x17] =	wrdreg s21  }
0x18: {  	s3 =	sadd.s32 s22, s3;
	s23 =	sadd.s32 s22, s5;
	s24 =	sadd.s32 s22, s7  }
0x19: {  	s25 =	sadd.s32 s22, s10;
	s26 =	sadd.s32 s22, s11;
	s5 =	rddreg [dreg:$0x2]  }
0x1a: {  	s28 =	sadd.s32 s22, s13;
	s10 =	sshll.u32 s6, $0x4;
	s6 =	rddreg [dreg:$0x3]  }
0x1b: {  	s29 =	sadd.s32 s22, s16;
	s18 =	sshll.u32 s9, $0x4;
	s9 =	rddreg [dreg:$0x4]  }
0x1c: {  	s2 =	sadd.s32 s22, s17;
	s22 =	sshll.u32 s12, $0x4;
	s12 =	rddreg [dreg:$0x5]  }
0x1d: {  	[dreg:$0x19] =	wrdreg s3  }
0x1e: {  	[dreg:$0x1a] =	wrdreg s23  }
0x1f: {  	[dreg:$0x1b] =	wrdreg s24  }
0x20: {  	[dreg:$0x1c] =	wrdreg s25  }
0x21: {  	[dreg:$0x1d] =	wrdreg s26  }
0x22: {  	[dreg:$0x1e] =	wrdreg s28  }
0x23: {  	[smem:$0x7EB] =	sst s2  }
0x24: {  	s31 =	simm.s32 $0x100;
	s1 =	sshll.u32 s1, $0x4;
	s2 =	rddreg [dreg:$0x6]  }
0x25: {  	[dreg:$0x1f] =	wrdreg s29;
	s25 =	simm.s32 $0x0;
	s3 =	sadd.s32 $0x1600, s2  }
0x26: {  	[smem:$0x7FF] =	sst s25;
	s7 =	sadd.s32 $0x41600, s2;
	s30 =	sadd.s32 s3, s1  }
0x27: {  	s4 =	sshll.u32 s4, $0x4;
	s1 =	sadd.s32 s7, s1;
	[smem:$0x7EC] =	sst s30  }
0x28: {  	s0 =	smax.u32 s0, $0x1;
	s11 =	sadd.s32 s3, s4;
	[smem:$0x7ED] =	sst s1  }
0x29: {  	s17 =	sshll.u32 s8, $0x4;
	s13 =	sadd.s32 s3, s10;
	[smem:$0x7EE] =	sst s11  }
0x2a: {  	s8 =	simm.s32 $0x4880;
	s16 =	sadd.s32 s7, s10;
	[smem:$0x7F0] =	sst s13  }
0x2b: {  	s23 =	sshll.u32 s14, $0x4;
	s19 =	sadd.s32 s3, s17;
	[smem:$0x7F1] =	sst s16  }
0x2c: {  	s29 =	sshll.u32 s15, $0x4;
	s20 =	sadd.s32 s3, s18;
	[smem:$0x7F2] =	sst s19  }
0x2d: {  	s14 =	simm.s32 $0xC880;
	s21 =	sadd.s32 s7, s18;
	[smem:$0x7F4] =	sst s20  }
0x2e: {  	s15 =	simm.s32 $0xE880;
	s24 =	sadd.s32 s3, s22;
	[smem:$0x7F5] =	sst s21  }
0x2f: {  	v0 =	vimm.s32 $0xEFCDAB89;
	s26 =	sadd.s32 s3, s23;
	s28 =	sadd.s32 s7, s23;
	[smem:$0x7F6] =	sst s24  }
0x30: {  	v1 =	vimm.s32 $0x67452301;
	v2 =	vimm.s32 $0xDCFE98BA;
	s3 =	sadd.s32 s3, s29;
	s18 =	simm.s32 $0x300;
	[smem:$0x7F8] =	sst s26  }
0x31: {  	v3 =	vimm.s32 $0x54761032;
	v4 =	vimm.s32 $0xBA98FEDC;
	s10 =	simm.s32 $0x6880;
	s23 =	simm.s32 $0x0;
	[smem:$0x7F9] =	sst s28  }
0x32: {  	v5 =	vimm.s32 $0x32107654;
	v6 =	vimm.s32 $0xFEDCBA98;
	s1 =	sadd.s32 s7, s4;
	[smem:$0x7FA] =	sst s3;
	s30 =	sadd.s32 $0x1400, s2  }
0x33: {  	v7 =	vimm.s32 $0x76543210;
	v0 =	vunpack.c.l.s4.s8 v0;
	s2 =	simm.s32 $0x580;
	s4 =	simm.s32 $0x200;
	s11 =	simm.s32 $0x280  }
0x34: {  	v1 =	vunpack.c.l.s4.s8 v1;
	v2 =	vunpack.c.l.s4.s8 v2;
	v3 =	vunpack.c.l.s4.s8 v3;
	s13 =	simm.s32 $0x680;
	s21 =	simm.s32 $0x700;
	s19 =	simm.s32 $0x380  }
0x35: {  	v6 =	vunpack.c.l.s4.s8 v6;
	v4 =	vunpack.c.l.s4.s8 v4;
	v5 =	vunpack.c.l.s4.s8 v5;
	s20 =	simm.s32 $0x780;
	[smem:$0x7EF] =	sst s1;
	s1 =	sadd.s32 s7, s17  }
0x36: {  	v7 =	vunpack.c.l.s4.s8 v7;
	v0 =	vunpack.c.0.s8.s32 v0;
	v1 =	vunpack.c.0.s8.s32 v1;
	s3 =	simm.s32 $0x40;
	[smem:$0x7F3] =	sst s1;
	s1 =	sadd.s32 s7, s22  }
0x37: {  	v2 =	vunpack.c.0.s8.s32 v2;
	v3 =	vunpack.c.0.s8.s32 v3;
	v6 =	vunpack.c.0.s8.s32 v6;
	s16 =	simm.s32 $0x1;
	[smem:$0x7F7] =	sst s1;
	s1 =	sadd.s32 s7, s29  }
0x38: {  	v4 =	vunpack.c.0.s8.s32 v4;
	v5 =	vunpack.c.0.s8.s32 v5;
	v7 =	vunpack.c.0.s8.s32 v7;
	s17 =	simm.s32 $0x3;
	s22 =	simm.s32 $0x2;
	[smem:$0x7FB] =	sst s1  }
0x39: {  	v0 =	vcombine.low v1, v0;
	v1 =	vcombine.low v3, v2;
	v3 =	vand.u32 $0xF, v6;
	s7 =	simm.s32 $0x600;
	_ =	strace $0x80000047;
	[smem:$0x7FC] =	sst s30  }
0x3a: {  	v2 =	vcombine.low v5, v4;
	v4 =	vlaneseq.u32;
	v3 =	vcombine.low v3, v7;
	s1 =	simm.s32 $0x180;
	[smem:$0x7FD] =	sst s0;
	s0 =	simm.s32 $0x500  }
.LBB2_1:
0x3b: {  	s24 =	sld [smem:$0x7FC];
	_ =	sdelay $0x1  }
0x3c: {  	s26 =	simm.s32 $0x800  }
0x3d: {  	[tilespmem:s26], [sflag:$0x3] =	stream.linear.gather [hbm4b:s24+s25], $0x80, $0x38;
	[tilespmem:$0x18A00] =	vst v63  }
0x3e: {  	_ =	swait.ge [sflag:s17], $0x80  }
0x3f: {  	[sflag:s17] =	ssyncset.done $0x0  }
0x40: {  	s26 =	rddreg [dreg:$0x9];
	[sflag:s17] =	ssyncadd.s32 $0xFFFFFF80  }
0x41: {  	[tilespmem:s25], [sflag:$0x3] =	stream.linear.gather [hbm4b:s26+s25], $0x40, $0x38;
	[tilespmem:$0x18A00] =	vst v63  }
0x42: {  	_ =	swait.ge [sflag:s17], $0x40  }
0x43: {  	[sflag:s17] =	ssyncset.done $0x0  }
0x44: {  	s26 =	simm.s32 $0x400;
	s30 =	rddreg [dreg:$0x11];
	[sflag:s17] =	ssyncadd.s32 $0xFFFFFFC0  }
0x45: {  	[tilespmem:s26], [sflag:$0x3] =	stream.linear.gather [hbm4b:s30+s25], $0x40, $0x38;
	[tilespmem:$0x18A00] =	vst v63  }
0x46: {  	_ =	swait.ge [sflag:s17], $0x40  }
0x47: {  	[sflag:s17] =	ssyncset.done $0x0  }
0x48: {  	s28 =	simm.s32 $0x80;
	s30 =	rddreg [dreg:$0xa];
	[sflag:s17] =	ssyncadd.s32 $0xFFFFFFC0  }
0x49: {  	[tilespmem:s28], [sflag:$0x3] =	stream.linear.gather [hbm4b:s30+s25], $0x40, $0x38;
	[tilespmem:$0x18A00] =	vst v63  }
0x4a: {  	_ =	swait.ge [sflag:s17], $0x40  }
0x4b: {  	[sflag:s17] =	ssyncset.done $0x0  }
0x4c: {  	s29 =	simm.s32 $0x480;
	s30 =	rddreg [dreg:$0x12];
	[sflag:s17] =	ssyncadd.s32 $0xFFFFFFC0  }
0x4d: {  	[tilespmem:s29], [sflag:$0x3] =	stream.linear.gather [hbm4b:s30+s25], $0x40, $0x38;
	[tilespmem:$0x18A00] =	vst v63  }
0x4e: {  	_ =	swait.ge [sflag:s17], $0x40  }
0x4f: {  	[sflag:s17] =	ssyncset.done $0x0  }
0x50: {  	s30 =	rddreg [dreg:$0xb];
	[sflag:s17] =	ssyncadd.s32 $0xFFFFFFC0  }
0x51: {  	[tilespmem:s31], [sflag:$0x3] =	stream.linear.gather [hbm4b:s30+s25], $0x40, $0x38;
	[tilespmem:$0x18A00] =	vst v63  }
0x52: {  	_ =	swait.ge [sflag:s17], $0x40  }
0x53: {  	[sflag:s17] =	ssyncset.done $0x0  }
0x54: {  	s30 =	rddreg [dreg:$0x13];
	[sflag:s17] =	ssyncadd.s32 $0xFFFFFFC0  }
0x55: {  	[tilespmem:s0], [sflag:$0x3] =	stream.linear.gather [hbm4b:s30+s25], $0x40, $0x38;
	[tilespmem:$0x18A00] =	vst v63  }
0x56: {  	_ =	swait.ge [sflag:s17], $0x40  }
0x57: {  	[sflag:s17] =	ssyncset.done $0x0  }
0x58: {  	s31 =	rddreg [dreg:$0xc];
	[sflag:s17] =	ssyncadd.s32 $0xFFFFFFC0  }
0x59: {  	[tilespmem:s1], [sflag:$0x3] =	stream.linear.gather [hbm4b:s31+s25], $0x40, $0x38;
	[tilespmem:$0x18A00] =	vst v63  }
0x5a: {  	_ =	swait.ge [sflag:s17], $0x40  }
0x5b: {  	[sflag:s17] =	ssyncset.done $0x0  }
0x5c: {  	s0 =	rddreg [dreg:$0x14];
	[sflag:s17] =	ssyncadd.s32 $0xFFFFFFC0  }
0x5d: {  	[tilespmem:s2], [sflag:$0x3] =	stream.linear.gather [hbm4b:s0+s25], $0x40, $0x38;
	[tilespmem:$0x18A00] =	vst v63  }
0x5e: {  	_ =	swait.ge [sflag:s17], $0x40  }
0x5f: {  	[sflag:s17] =	ssyncset.done $0x0  }
0x60: {  	s1 =	rddreg [dreg:$0xd];
	[sflag:s17] =	ssyncadd.s32 $0xFFFFFFC0  }
0x61: {  	[tilespmem:s4], [sflag:$0x3] =	stream.linear.gather [hbm4b:s1+s25], $0x40, $0x38;
	[tilespmem:$0x18A00] =	vst v63  }
0x62: {  	_ =	swait.ge [sflag:s17], $0x40  }
0x63: {  	[sflag:s17] =	ssyncset.done $0x0  }
0x64: {  	s2 =	rddreg [dreg:$0x15];
	[sflag:s17] =	ssyncadd.s32 $0xFFFFFFC0  }
0x65: {  	[tilespmem:s7], [sflag:$0x3] =	stream.linear.gather [hbm4b:s2+s25], $0x40, $0x38;
	[tilespmem:$0x18A00] =	vst v63  }
0x66: {  	_ =	swait.ge [sflag:s17], $0x40  }
0x67: {  	[sflag:s17] =	ssyncset.done $0x0  }
0x68: {  	s4 =	rddreg [dreg:$0xe];
	[sflag:s17] =	ssyncadd.s32 $0xFFFFFFC0  }
0x69: {  	[tilespmem:s11], [sflag:$0x3] =	stream.linear.gather [hbm4b:s4+s25], $0x40, $0x38;
	[tilespmem:$0x18A00] =	vst v63  }
0x6a: {  	_ =	swait.ge [sflag:s17], $0x40  }
0x6b: {  	[sflag:s17] =	ssyncset.done $0x0  }
0x6c: {  	s7 =	rddreg [dreg:$0x16];
	[sflag:s17] =	ssyncadd.s32 $0xFFFFFFC0  }
0x6d: {  	[tilespmem:s13], [sflag:$0x3] =	stream.linear.gather [hbm4b:s7+s25], $0x40, $0x38;
	[tilespmem:$0x18A00] =	vst v63  }
0x6e: {  	_ =	swait.ge [sflag:s17], $0x40  }
0x6f: {  	[sflag:s17] =	ssyncset.done $0x0  }
0x70: {  	s11 =	rddreg [dreg:$0xf];
	[sflag:s17] =	ssyncadd.s32 $0xFFFFFFC0  }
0x71: {  	[tilespmem:s18], [sflag:$0x3] =	stream.linear.gather [hbm4b:s11+s25], $0x40, $0x38;
	[tilespmem:$0x18A00] =	vst v63  }
0x72: {  	_ =	swait.ge [sflag:s17], $0x40  }
0x73: {  	[sflag:s17] =	ssyncset.done $0x0  }
0x74: {  	s13 =	rddreg [dreg:$0x17];
	[sflag:s17] =	ssyncadd.s32 $0xFFFFFFC0  }
0x75: {  	[tilespmem:s21], [sflag:$0x3] =	stream.linear.gather [hbm4b:s13+s25], $0x40, $0x38;
	[tilespmem:$0x18A00] =	vst v63  }
0x76: {  	_ =	swait.ge [sflag:s17], $0x40  }
0x77: {  	[sflag:s17] =	ssyncset.done $0x0  }
0x78: {  	s18 =	rddreg [dreg:$0x10];
	[sflag:s17] =	ssyncadd.s32 $0xFFFFFFC0  }
0x79: {  	[tilespmem:s19], [sflag:$0x3] =	stream.linear.gather [hbm4b:s18+s25], $0x40, $0x38;
	[tilespmem:$0x18A00] =	vst v63  }
0x7a: {  	_ =	swait.ge [sflag:s17], $0x40  }
0x7b: {  	[sflag:s17] =	ssyncset.done $0x0  }
0x7c: {  	s21 =	rddreg [dreg:$0x18];
	[sflag:s17] =	ssyncadd.s32 $0xFFFFFFC0  }
0x7d: {  	[tilespmem:s20], [sflag:$0x3] =	stream.linear.gather [hbm4b:s21+s25], $0x40, $0x38;
	[tilespmem:$0x18A00] =	vst v63  }
0x7e: {  	_ =	swait.ge [sflag:s17], $0x40  }
0x7f: {  	[sflag:s17] =	ssyncset.done $0x0  }
0x80: {  	s18 =	simm.s32 $0x880;
	[sflag:s17] =	ssyncadd.s32 $0xFFFFFFC0  }
0x81: {  	[tilespmem:s18], [sflag:$0x1] =	stream.indirect.gather [hbm4b:s5+s3], $0x80, s25, s3, $0xb8;
	[tilespmem:$0x18A00] =	vst v63  }
0x82: {  	s19 =	simm.s32 $0x2880  }
0x83: {  	[tilespmem:s19], [sflag:$0x1] =	stream.indirect.gather [hbm4b:s6+s3], $0x80, s26, s3, $0xb8;
	[tilespmem:$0x18A00] =	vst v63  }
0x84: {  	_ = 	snop  }
0x85: {  	[tilespmem:s8], [sflag:$0x1] =	stream.indirect.gather [hbm4b:s9+s3], $0x80, s25, s3, $0xb8;
	[tilespmem:$0x18A00] =	vst v63  }
0x86: {  	_ = 	snop  }
0x87: {  	[tilespmem:s10], [sflag:$0x1] =	stream.indirect.gather [hbm4b:s12+s3], $0x80, s26, s3, $0xb8;
	[tilespmem:$0x18A00] =	vst v63  }
0x88: {  	s20 =	simm.s32 $0x8880  }
0x89: {  	[tilespmem:s20], [sflag:$0x1] =	stream.indirect.gather [hbm4b:s5+s3], $0x80, s28, s3, $0xb8;
	[tilespmem:$0x18A00] =	vst v63  }
0x8a: {  	s30 =	simm.s32 $0xA880  }
0x8b: {  	[tilespmem:s30], [sflag:$0x1] =	stream.indirect.gather [hbm4b:s6+s3], $0x80, s29, s3, $0xb8;
	[tilespmem:$0x18A00] =	vst v63  }
0x8c: {  	_ = 	snop  }
0x8d: {  	[tilespmem:s14], [sflag:$0x1] =	stream.indirect.gather [hbm4b:s9+s3], $0x80, s28, s3, $0xb8;
	[tilespmem:$0x18A00] =	vst v63  }
0x8e: {  	_ = 	snop  }
0x8f: {  	[tilespmem:s15], [sflag:$0x1] =	stream.indirect.gather [hbm4b:s12+s3], $0x80, s29, s3, $0xb8;
	[tilespmem:$0x18A00] =	vst v63  }
0x90: {  	_ =	swait.ge [sflag:s16], $0x2000  }
0x91: {  	[sflag:s16] =	ssyncset.done $0x0  }
0x92: {  	[sflag:s16] =	ssyncadd.s32 $0xFFFFE000  }
0x93: {  	_ =	swait.ge [sflag:s16], $0x2000  }
0x94: {  	[sflag:s16] =	ssyncset.done $0x0  }
0x95: {  	[sflag:s16] =	ssyncadd.s32 $0xFFFFE000  }
0x96: {  	_ =	swait.ge [sflag:s16], $0x2000  }
0x97: {  	[sflag:s16] =	ssyncset.done $0x0  }
0x98: {  	[sflag:s16] =	ssyncadd.s32 $0xFFFFE000  }
0x99: {  	_ =	swait.ge [sflag:s16], $0x2000  }
0x9a: {  	[sflag:s16] =	ssyncset.done $0x0  }
0x9b: {  	[sflag:s16] =	ssyncadd.s32 $0xFFFFE000  }
0x9c: {  	v5 =	vld [tilespmem:$0x800]  }
0x9d: {  	v6 =	vld [tilespmem:$0x810]  }
0x9e: {  	v7 =	vld [tilespmem:$0x820]  }
0x9f: {  	v8 =	vld [tilespmem:$0x830]  }
0xa0: {  	v9 =	vld [tilespmem:$0x840]  }
0xa1: {  	s31 =	simm.s32 $0x8C0;
	v10 =	vld [tilespmem:$0x850]  }
0xa2: {  	s24 =	simm.s32 $0x28C0;
	v12 =	vld [tilespmem:s31+$0xFFFFFFD0]  }
0xa3: {  	v13 =	vld [tilespmem:s24+$0xFFFFFFD0]  }
0xa4: {  	v14 =	vld [tilespmem:s31+$0xFFFFFFC0]  }
0xa5: {  	v15 =	vld [tilespmem:s24+$0xFFFFFFC0]  }
0xa6: {  	v16 =	vld [tilespmem:s24+$0xFFFFFFE0]  }
0xa7: {  	v17 =	vld [tilespmem:s31+$0xFFFFFFE0]  }
0xa8: {  	v11 =	vld [tilespmem:$0x860]  }
0xa9: {  	v18 =	vld [tilespmem:s24+$0xFFFFFFF0]  }
0xaa: {  	v12 =	vmul.f32 v13, v12;
	v13 =	vld [tilespmem:s31+$0xFFFFFFF0]  }
0xab: {  	v19 =	vld [tilespmem:s31+$0x0];
	v14 =	vmul.f32 v15, v14  }
0xac: {  	v15 =	vld [tilespmem:s24+$0x0];
	v16 =	vmul.f32 v16, v17  }
0xad: {  	v60 =	vld [tilespmem:s24+$0x10];
	v12 =	vmul.f32 v12, v6;
	v14 =	vmul.f32 v14, v5  }
0xae: {  	v20 =	vld [tilespmem:s31+$0x10]  }
0xaf: {  	v61 =	vld [tilespmem:s24+$0x20];
	v12 =	vadd.f32 v12, v14;
	v14 =	vmul.f32 v16, v7;
	v13 =	vmul.f32 v18, v13  }
0xb0: {  	v62 =	vld [tilespmem:s31+$0x20]  }
0xb1: {  	v63 =	vld [tilespmem:s31+$0x30];
	v12 =	vadd.f32 v14, v12;
	v14 =	vmul.f32 v15, v19;
	v13 =	vmul.f32 v13, v8  }
0xb2: {  	v15 =	vld [tilespmem:s24+$0x30]  }
0xb3: {  	v17 =	vmul.f32 v60, v20;
	v14 =	vmul.f32 v14, v9;
	v13 =	vadd.f32 v13, v12  }
0xb4: {  	v12 =	vld [tilespmem:$0x870]  }
0xb5: {  	v16 =	vmul.f32 v61, v62;
	v13 =	vadd.f32 v14, v13;
	v14 =	vmul.f32 v17, v10;
	_ =	sdelay $0x1  }
0xb6: {  	v15 =	vmul.f32 v15, v63;
	v13 =	vadd.f32 v14, v13;
	v14 =	vmul.f32 v16, v11;
	_ =	sdelay $0x1  }
0xb7: {  	v13 =	vadd.f32 v14, v13;
	v14 =	vmul.f32 v15, v12;
	_ =	sdelay $0x1  }
0xb8: {  	v13 =	vadd.f32 v14, v13;
	_ =	sdelay $0x1  }
0xb9: {  	v14 =	vperm.xlane v13, v0;
	_ =	sdelay $0x1  }
0xba: {  	v13 =	vadd.f32 v13, v14;
	_ =	sdelay $0x1  }
0xbb: {  	v14 =	vperm.xlane v13, v1;
	_ =	sdelay $0x1  }
0xbc: {  	v13 =	vadd.f32 v13, v14;
	_ =	sdelay $0x1  }
0xbd: {  	v14 =	vperm.xlane v13, v2;
	_ =	sdelay $0x1  }
0xbe: {  	v13 =	vadd.f32 v13, v14;
	_ =	sdelay $0x1  }
0xbf: {  	v14 =	vperm.xlane v13, v3  }
0xc0: {  	s29 =	sand.u32 $0xF, s25  }
0xc1: {  	v13 =	vadd.f32 v13, v14;
	v14 =	vmov s29  }
0xc2: {  	s26 =	simm.s32 $0x18871;
	v15 =	vimm.f32 $0.0e+00;
	vm0 =	veq.s32 v14, v4  }
0xc3: {  	s28 =	simm.s32 $0x1;
	p1 =	sne.s32 s29, $0xF;
	s29 =	simm.s32 $0x940;
	v13 =	vsel vm0, v13, v15  }
.LBB2_2:
0xc4: {  	[tilespmem:s26+$0x0] =	vst @!p1 v13;
	s26 =	sadd.s32 $0x1, s26  }
0xc5: {  	s24 =	sadd.s32 $0x80, s24;
	s30 =	smov.u32 s28;
	s28 =	sadd.s32 $0x1, s28  }
0xc6: {  	v14 =	vld [tilespmem:s29+$0xFFFFFFD0];
	p0 =	sne.s32 s28, $0x40  }
0xc7: {  	v15 =	vld [tilespmem:s24+$0xFFFFFFD0]  }
0xc8: {  	v16 =	vld [tilespmem:s29+$0xFFFFFFC0]  }
0xc9: {  	v17 =	vld [tilespmem:s24+$0xFFFFFFC0]  }
0xca: {  	v18 =	vld [tilespmem:s24+$0xFFFFFFE0]  }
0xcb: {  	v19 =	vld [tilespmem:s29+$0xFFFFFFE0]  }
0xcc: {  	v14 =	vmul.f32 v15, v14;
	v15 =	vld [tilespmem:s24+$0xFFFFFFF0]  }
0xcd: {  	v20 =	vld [tilespmem:s29+$0xFFFFFFF0]  }
0xce: {  	v16 =	vmul.f32 v17, v16;
	v17 =	vld [tilespmem:s24+$0x0]  }
0xcf: {  	v14 =	vmul.f32 v14, v6;
	v21 =	vld [tilespmem:s29+$0x0]  }
0xd0: {  	v16 =	vmul.f32 v16, v5;
	v18 =	vmul.f32 v18, v19;
	v19 =	vld [tilespmem:s24+$0x10]  }
0xd1: {  	v22 =	vld [tilespmem:s29+$0x10]  }
0xd2: {  	v14 =	vadd.f32 v14, v16;
	v16 =	vmul.f32 v18, v7;
	v15 =	vmul.f32 v15, v20;
	v18 =	vld [tilespmem:s24+$0x20]  }
0xd3: {  	v20 =	vld [tilespmem:s29+$0x20]  }
0xd4: {  	v14 =	vadd.f32 v16, v14;
	v15 =	vmul.f32 v15, v8;
	v16 =	vmul.f32 v17, v21;
	v17 =	vld [tilespmem:s24+$0x30]  }
0xd5: {  	v21 =	vld [tilespmem:s29+$0x30]  }
0xd6: {  	v14 =	vadd.f32 v15, v14;
	v15 =	vmul.f32 v16, v9;
	v16 =	vmul.f32 v19, v22;
	_ =	sdelay $0x1  }
0xd7: {  	v14 =	vadd.f32 v15, v14;
	v15 =	vmul.f32 v16, v10;
	v16 =	vmul.f32 v18, v20;
	_ =	sdelay $0x1  }
0xd8: {  	v14 =	vadd.f32 v15, v14;
	v15 =	vmul.f32 v16, v11;
	v16 =	vmul.f32 v17, v21;
	_ =	sdelay $0x1  }
0xd9: {  	v14 =	vadd.f32 v15, v14;
	v15 =	vmul.f32 v16, v12;
	_ =	sdelay $0x1  }
0xda: {  	v14 =	vadd.f32 v15, v14;
	_ =	sdelay $0x1  }
0xdb: {  	v15 =	vperm.xlane v14, v0;
	_ =	sdelay $0x1  }
0xdc: {  	v14 =	vadd.f32 v14, v15;
	_ =	sdelay $0x1  }
0xdd: {  	v15 =	vperm.xlane v14, v1;
	_ =	sdelay $0x1  }
0xde: {  	v14 =	vadd.f32 v14, v15;
	_ =	sdelay $0x1  }
0xdf: {  	v15 =	vperm.xlane v14, v2;
	_ =	sdelay $0x1  }
0xe0: {  	v14 =	vadd.f32 v14, v15;
	_ =	sdelay $0x1  }
.Ltmp0:
0xe1: {  	v15 =	vperm.xlane v14, v3;
	(pc) =	sbr.rel @p0 .LBB2_2-.Ltmp0, $4  }
0xe2: {  	s30 =	sand.u32 $0xF, s30  }
0xe3: {  	v14 =	vadd.f32 v14, v15;
	v15 =	vmov s30  }
0xe4: {  	vm0 =	veq.s32 v15, v4  }
0xe5: {  	p1 =	sne.s32 s30, $0xF;
	s29 =	sadd.s32 $0x80, s29;
	v13 =	vsel vm0, v14, v13  }
0xe6: {  	s24 =	rddreg [dreg:$0x19]  }
0xe7: {  	[tilespmem:s26+$0x0] =	vst @!p1 v13;
	s2 =	simm.s32 $0x0;
	s0 =	simm.s32 $0x18880;
	s4 =	sld [smem:$0x7EC]  }
0xe8: {  	[hbm4b:s24+s2] =	stream.linear.scatter [tilespmem:s0], [sflag:$0x2], $0x40, $0x38;
	[tilespmem:$0x18A00] =	vst v63  }
0xe9: {  	s7 =	sld [smem:$0x7ED]  }
0xea: {  	[hbm4b:s4+s2] =	stream.linear.scatter [tilespmem:s8], [sflag:$0x2], $0x2000, $0x38;
	[tilespmem:$0x18A00] =	vst v63  }
0xeb: {  	_ = 	snop  }
0xec: {  	[hbm4b:s7+s2] =	stream.linear.scatter [tilespmem:s10], [sflag:$0x2], $0x2000, $0x38;
	[tilespmem:$0x18A00] =	vst v63  }
0xed: {  	s11 =	simm.s32 $0x100;
	s13 =	simm.s32 $0x10880  }
0xee: {  	[tilespmem:s13], [sflag:$0x1] =	stream.indirect.gather [hbm4b:s5+s3], $0x80, s11, s3, $0xb8;
	[tilespmem:$0x18A00] =	vst v63  }
0xef: {  	s28 =	simm.s32 $0x500;
	s21 =	simm.s32 $0x12880  }
0xf0: {  	[tilespmem:s21], [sflag:$0x1] =	stream.indirect.gather [hbm4b:s6+s3], $0x80, s28, s3, $0xb8;
	[tilespmem:$0x18A00] =	vst v63  }
0xf1: {  	s30 =	simm.s32 $0x14880  }
0xf2: {  	[tilespmem:s30], [sflag:$0x1] =	stream.indirect.gather [hbm4b:s9+s3], $0x80, s11, s3, $0xb8;
	[tilespmem:$0x18A00] =	vst v63  }
0xf3: {  	s1 =	simm.s32 $0x16880  }
0xf4: {  	[tilespmem:s1], [sflag:$0x1] =	stream.indirect.gather [hbm4b:s12+s3], $0x80, s28, s3, $0xb8;
	[tilespmem:$0x18A00] =	vst v63  }
0xf5: {  	_ =	swait.ge [sflag:s16], $0x2000  }
0xf6: {  	[sflag:s16] =	ssyncset.done $0x0  }
0xf7: {  	[sflag:s16] =	ssyncadd.s32 $0xFFFFE000  }
0xf8: {  	_ =	swait.ge [sflag:s16], $0x2000  }
0xf9: {  	[sflag:s16] =	ssyncset.done $0x0  }
0xfa: {  	[sflag:s16] =	ssyncadd.s32 $0xFFFFE000  }
0xfb: {  	_ =	swait.ge [sflag:s16], $0x2000  }
0xfc: {  	[sflag:s16] =	ssyncset.done $0x0  }
0xfd: {  	[sflag:s16] =	ssyncadd.s32 $0xFFFFE000  }
0xfe: {  	_ =	swait.ge [sflag:s16], $0x2000  }
0xff: {  	[sflag:s16] =	ssyncset.done $0x0  }
0x100: {  	[sflag:s16] =	ssyncadd.s32 $0xFFFFE000  }
0x101: {  	v5 =	vld [tilespmem:$0x800]  }
0x102: {  	v6 =	vld [tilespmem:$0x810]  }
0x103: {  	v7 =	vld [tilespmem:$0x820]  }
0x104: {  	v8 =	vld [tilespmem:$0x830]  }
0x105: {  	v9 =	vld [tilespmem:$0x840]  }
0x106: {  	s28 =	simm.s32 $0x88C0;
	v10 =	vld [tilespmem:$0x850]  }
0x107: {  	s24 =	simm.s32 $0xA8C0;
	v12 =	vld [tilespmem:s28+$0xFFFFFFD0]  }
0x108: {  	v13 =	vld [tilespmem:s24+$0xFFFFFFD0]  }
0x109: {  	v14 =	vld [tilespmem:s28+$0xFFFFFFC0]  }
0x10a: {  	v15 =	vld [tilespmem:s24+$0xFFFFFFC0]  }
0x10b: {  	v16 =	vld [tilespmem:s24+$0xFFFFFFE0]  }
0x10c: {  	v17 =	vld [tilespmem:s28+$0xFFFFFFE0]  }
0x10d: {  	v11 =	vld [tilespmem:$0x860]  }
0x10e: {  	v18 =	vld [tilespmem:s24+$0xFFFFFFF0]  }
0x10f: {  	v12 =	vmul.f32 v13, v12;
	v13 =	vld [tilespmem:s28+$0xFFFFFFF0]  }
0x110: {  	v19 =	vld [tilespmem:s28+$0x0];
	v14 =	vmul.f32 v15, v14  }
0x111: {  	v15 =	vld [tilespmem:s24+$0x0];
	v16 =	vmul.f32 v16, v17  }
0x112: {  	v60 =	vld [tilespmem:s24+$0x10];
	v12 =	vmul.f32 v12, v6;
	v14 =	vmul.f32 v14, v5  }
0x113: {  	v20 =	vld [tilespmem:s28+$0x10]  }
0x114: {  	v61 =	vld [tilespmem:s24+$0x20];
	v12 =	vadd.f32 v12, v14;
	v14 =	vmul.f32 v16, v7;
	v13 =	vmul.f32 v18, v13  }
0x115: {  	v62 =	vld [tilespmem:s28+$0x20]  }
0x116: {  	v63 =	vld [tilespmem:s28+$0x30];
	v12 =	vadd.f32 v14, v12;
	v14 =	vmul.f32 v15, v19;
	v13 =	vmul.f32 v13, v8  }
0x117: {  	v15 =	vld [tilespmem:s24+$0x30]  }
0x118: {  	v17 =	vmul.f32 v60, v20;
	v14 =	vmul.f32 v14, v9;
	v13 =	vadd.f32 v13, v12  }
0x119: {  	v12 =	vld [tilespmem:$0x870]  }
0x11a: {  	v16 =	vmul.f32 v61, v62;
	v13 =	vadd.f32 v14, v13;
	v14 =	vmul.f32 v17, v10;
	_ =	sdelay $0x1  }
0x11b: {  	v15 =	vmul.f32 v15, v63;
	v13 =	vadd.f32 v14, v13;
	v14 =	vmul.f32 v16, v11;
	_ =	sdelay $0x1  }
0x11c: {  	v13 =	vadd.f32 v14, v13;
	v14 =	vmul.f32 v15, v12;
	_ =	sdelay $0x1  }
0x11d: {  	v13 =	vadd.f32 v14, v13;
	_ =	sdelay $0x1  }
0x11e: {  	v14 =	vperm.xlane v13, v0;
	_ =	sdelay $0x1  }
0x11f: {  	v13 =	vadd.f32 v13, v14;
	_ =	sdelay $0x1  }
0x120: {  	v14 =	vperm.xlane v13, v1;
	_ =	sdelay $0x1  }
0x121: {  	v13 =	vadd.f32 v13, v14;
	_ =	sdelay $0x1  }
0x122: {  	v14 =	vperm.xlane v13, v2;
	_ =	sdelay $0x1  }
0x123: {  	v13 =	vadd.f32 v13, v14;
	_ =	sdelay $0x1  }
0x124: {  	v14 =	vperm.xlane v13, v3  }
0x125: {  	s29 =	sand.u32 $0xF, s2  }
0x126: {  	v13 =	vadd.f32 v13, v14;
	v14 =	vmov s29  }
0x127: {  	s31 =	simm.s32 $0x100;
	s26 =	simm.s32 $0x188F1;
	s0 =	simm.s32 $0x500;
	v15 =	vimm.f32 $0.0e+00;
	vm0 =	veq.s32 v14, v4  }
0x128: {  	p1 =	sne.s32 s29, $0xF;
	s28 =	simm.s32 $0x1;
	s29 =	simm.s32 $0x8940;
	v13 =	vsel vm0, v13, v15  }
.LBB2_4:
0x129: {  	[tilespmem:s26+$0x0] =	vst @!p1 v13;
	s26 =	sadd.s32 $0x1, s26  }
0x12a: {  	s24 =	sadd.s32 $0x80, s24;
	s30 =	smov.u32 s28;
	s28 =	sadd.s32 $0x1, s28  }
0x12b: {  	v14 =	vld [tilespmem:s29+$0xFFFFFFD0];
	p0 =	sne.s32 s28, $0x40  }
0x12c: {  	v15 =	vld [tilespmem:s24+$0xFFFFFFD0]  }
0x12d: {  	v16 =	vld [tilespmem:s29+$0xFFFFFFC0]  }
0x12e: {  	v17 =	vld [tilespmem:s24+$0xFFFFFFC0]  }
0x12f: {  	v18 =	vld [tilespmem:s24+$0xFFFFFFE0]  }
0x130: {  	v19 =	vld [tilespmem:s29+$0xFFFFFFE0]  }
0x131: {  	v14 =	vmul.f32 v15, v14;
	v15 =	vld [tilespmem:s24+$0xFFFFFFF0]  }
0x132: {  	v20 =	vld [tilespmem:s29+$0xFFFFFFF0]  }
0x133: {  	v16 =	vmul.f32 v17, v16;
	v17 =	vld [tilespmem:s24+$0x0]  }
0x134: {  	v14 =	vmul.f32 v14, v6;
	v21 =	vld [tilespmem:s29+$0x0]  }
0x135: {  	v16 =	vmul.f32 v16, v5;
	v18 =	vmul.f32 v18, v19;
	v19 =	vld [tilespmem:s24+$0x10]  }
0x136: {  	v22 =	vld [tilespmem:s29+$0x10]  }
0x137: {  	v14 =	vadd.f32 v14, v16;
	v16 =	vmul.f32 v18, v7;
	v15 =	vmul.f32 v15, v20;
	v18 =	vld [tilespmem:s24+$0x20]  }
0x138: {  	v20 =	vld [tilespmem:s29+$0x20]  }
0x139: {  	v14 =	vadd.f32 v16, v14;
	v15 =	vmul.f32 v15, v8;
	v16 =	vmul.f32 v17, v21;
	v17 =	vld [tilespmem:s24+$0x30]  }
0x13a: {  	v21 =	vld [tilespmem:s29+$0x30]  }
0x13b: {  	v14 =	vadd.f32 v15, v14;
	v15 =	vmul.f32 v16, v9;
	v16 =	vmul.f32 v19, v22;
	_ =	sdelay $0x1  }
0x13c: {  	v14 =	vadd.f32 v15, v14;
	v15 =	vmul.f32 v16, v10;
	v16 =	vmul.f32 v18, v20;
	_ =	sdelay $0x1  }
0x13d: {  	v14 =	vadd.f32 v15, v14;
	v15 =	vmul.f32 v16, v11;
	v16 =	vmul.f32 v17, v21;
	_ =	sdelay $0x1  }
0x13e: {  	v14 =	vadd.f32 v15, v14;
	v15 =	vmul.f32 v16, v12;
	_ =	sdelay $0x1  }
0x13f: {  	v14 =	vadd.f32 v15, v14;
	_ =	sdelay $0x1  }
0x140: {  	v15 =	vperm.xlane v14, v0;
	_ =	sdelay $0x1  }
0x141: {  	v14 =	vadd.f32 v14, v15;
	_ =	sdelay $0x1  }
0x142: {  	v15 =	vperm.xlane v14, v1;
	_ =	sdelay $0x1  }
0x143: {  	v14 =	vadd.f32 v14, v15;
	_ =	sdelay $0x1  }
0x144: {  	v15 =	vperm.xlane v14, v2;
	_ =	sdelay $0x1  }
0x145: {  	v14 =	vadd.f32 v14, v15;
	_ =	sdelay $0x1  }
.Ltmp1:
0x146: {  	v15 =	vperm.xlane v14, v3;
	(pc) =	sbr.rel @p0 .LBB2_4-.Ltmp1, $4  }
0x147: {  	s30 =	sand.u32 $0xF, s30  }
0x148: {  	v14 =	vadd.f32 v14, v15;
	v15 =	vmov s30  }
0x149: {  	vm0 =	veq.s32 v15, v4  }
0x14a: {  	p1 =	sne.s32 s30, $0xF;
	s29 =	sadd.s32 $0x80, s29;
	v13 =	vsel vm0, v14, v13  }
0x14b: {  	s24 =	rddreg [dreg:$0x1a]  }
0x14c: {  	[tilespmem:s26+$0x0] =	vst @!p1 v13;
	s11 =	simm.s32 $0x0;
	s1 =	simm.s32 $0x18900;
	s13 =	sld [smem:$0x7EE]  }
0x14d: {  	[hbm4b:s24+s11] =	stream.linear.scatter [tilespmem:s1], [sflag:$0x2], $0x40, $0x38;
	[tilespmem:$0x18A00] =	vst v63  }
0x14e: {  	s21 =	sld [smem:$0x7EF]  }
0x14f: {  	[hbm4b:s13+s11] =	stream.linear.scatter [tilespmem:s14], [sflag:$0x2], $0x2000, $0x38;
	[tilespmem:$0x18A00] =	vst v63  }
0x150: {  	_ = 	snop  }
0x151: {  	[hbm4b:s21+s11] =	stream.linear.scatter [tilespmem:s15], [sflag:$0x2], $0x2000, $0x38;
	[tilespmem:$0x18A00] =	vst v63  }
0x152: {  	_ =	swait.ge [sflag:s22], $0x40  }
0x153: {  	[sflag:s22] =	ssyncset.done $0x0  }
0x154: {  	[sflag:s22] =	ssyncadd.s32 $0xFFFFFFC0  }
0x155: {  	_ =	swait.ge [sflag:s22], $0x2000  }
0x156: {  	[sflag:s22] =	ssyncset.done $0x0  }
0x157: {  	[sflag:s22] =	ssyncadd.s32 $0xFFFFE000  }
0x158: {  	_ =	swait.ge [sflag:s22], $0x2000  }
0x159: {  	[sflag:s22] =	ssyncset.done $0x0  }
0x15a: {  	s30 =	simm.s32 $0x180;
	[sflag:s22] =	ssyncadd.s32 $0xFFFFE000  }
0x15b: {  	[tilespmem:s18], [sflag:$0x1] =	stream.indirect.gather [hbm4b:s5+s3], $0x80, s30, s3, $0xb8;
	[tilespmem:$0x18A00] =	vst v63  }
0x15c: {  	s28 =	simm.s32 $0x580  }
0x15d: {  	[tilespmem:s19], [sflag:$0x1] =	stream.indirect.gather [hbm4b:s6+s3], $0x80, s28, s3, $0xb8;
	[tilespmem:$0x18A00] =	vst v63  }
0x15e: {  	_ = 	snop  }
0x15f: {  	[tilespmem:s8], [sflag:$0x1] =	stream.indirect.gather [hbm4b:s9+s3], $0x80, s30, s3, $0xb8;
	[tilespmem:$0x18A00] =	vst v63  }
0x160: {  	_ = 	snop  }
0x161: {  	[tilespmem:s10], [sflag:$0x1] =	stream.indirect.gather [hbm4b:s12+s3], $0x80, s28, s3, $0xb8;
	[tilespmem:$0x18A00] =	vst v63  }
0x162: {  	_ =	swait.ge [sflag:s16], $0x2000  }
0x163: {  	[sflag:s16] =	ssyncset.done $0x0  }
0x164: {  	[sflag:s16] =	ssyncadd.s32 $0xFFFFE000  }
0x165: {  	_ =	swait.ge [sflag:s16], $0x2000  }
0x166: {  	[sflag:s16] =	ssyncset.done $0x0  }
0x167: {  	[sflag:s16] =	ssyncadd.s32 $0xFFFFE000  }
0x168: {  	_ =	swait.ge [sflag:s16], $0x2000  }
0x169: {  	[sflag:s16] =	ssyncset.done $0x0  }
0x16a: {  	[sflag:s16] =	ssyncadd.s32 $0xFFFFE000  }
0x16b: {  	_ =	swait.ge [sflag:s16], $0x2000  }
0x16c: {  	[sflag:s16] =	ssyncset.done $0x0  }
0x16d: {  	[sflag:s16] =	ssyncadd.s32 $0xFFFFE000  }
0x16e: {  	v5 =	vld [tilespmem:$0x800]  }
0x16f: {  	v6 =	vld [tilespmem:$0x810]  }
0x170: {  	v7 =	vld [tilespmem:$0x820]  }
0x171: {  	v8 =	vld [tilespmem:$0x830]  }
0x172: {  	v9 =	vld [tilespmem:$0x840]  }
0x173: {  	s28 =	simm.s32 $0x108C0;
	v10 =	vld [tilespmem:$0x850]  }
0x174: {  	s24 =	simm.s32 $0x128C0;
	v12 =	vld [tilespmem:s28+$0xFFFFFFD0]  }
0x175: {  	v13 =	vld [tilespmem:s24+$0xFFFFFFD0]  }
0x176: {  	v14 =	vld [tilespmem:s28+$0xFFFFFFC0]  }
0x177: {  	v15 =	vld [tilespmem:s24+$0xFFFFFFC0]  }
0x178: {  	v16 =	vld [tilespmem:s24+$0xFFFFFFE0]  }
0x179: {  	v17 =	vld [tilespmem:s28+$0xFFFFFFE0]  }
0x17a: {  	v11 =	vld [tilespmem:$0x860]  }
0x17b: {  	v18 =	vld [tilespmem:s24+$0xFFFFFFF0]  }
0x17c: {  	v12 =	vmul.f32 v13, v12;
	v13 =	vld [tilespmem:s28+$0xFFFFFFF0]  }
0x17d: {  	v19 =	vld [tilespmem:s28+$0x0];
	v14 =	vmul.f32 v15, v14  }
0x17e: {  	v15 =	vld [tilespmem:s24+$0x0];
	v16 =	vmul.f32 v16, v17  }
0x17f: {  	v60 =	vld [tilespmem:s24+$0x10];
	v12 =	vmul.f32 v12, v6;
	v14 =	vmul.f32 v14, v5  }
0x180: {  	v20 =	vld [tilespmem:s28+$0x10]  }
0x181: {  	v61 =	vld [tilespmem:s24+$0x20];
	v12 =	vadd.f32 v12, v14;
	v14 =	vmul.f32 v16, v7;
	v13 =	vmul.f32 v18, v13  }
0x182: {  	v62 =	vld [tilespmem:s28+$0x20]  }
0x183: {  	v63 =	vld [tilespmem:s28+$0x30];
	v12 =	vadd.f32 v14, v12;
	v14 =	vmul.f32 v15, v19;
	v13 =	vmul.f32 v13, v8  }
0x184: {  	v15 =	vld [tilespmem:s24+$0x30]  }
0x185: {  	v17 =	vmul.f32 v60, v20;
	v14 =	vmul.f32 v14, v9;
	v13 =	vadd.f32 v13, v12  }
0x186: {  	v12 =	vld [tilespmem:$0x870]  }
0x187: {  	v16 =	vmul.f32 v61, v62;
	v13 =	vadd.f32 v14, v13;
	v14 =	vmul.f32 v17, v10;
	_ =	sdelay $0x1  }
0x188: {  	v15 =	vmul.f32 v15, v63;
	v13 =	vadd.f32 v14, v13;
	v14 =	vmul.f32 v16, v11;
	_ =	sdelay $0x1  }
0x189: {  	v13 =	vadd.f32 v14, v13;
	v14 =	vmul.f32 v15, v12;
	_ =	sdelay $0x1  }
0x18a: {  	v13 =	vadd.f32 v14, v13;
	_ =	sdelay $0x1  }
0x18b: {  	v14 =	vperm.xlane v13, v0;
	_ =	sdelay $0x1  }
0x18c: {  	v13 =	vadd.f32 v13, v14;
	_ =	sdelay $0x1  }
0x18d: {  	v14 =	vperm.xlane v13, v1;
	_ =	sdelay $0x1  }
0x18e: {  	v13 =	vadd.f32 v13, v14;
	_ =	sdelay $0x1  }
0x18f: {  	v14 =	vperm.xlane v13, v2;
	_ =	sdelay $0x1  }
0x190: {  	v13 =	vadd.f32 v13, v14;
	_ =	sdelay $0x1  }
0x191: {  	v14 =	vperm.xlane v13, v3  }
0x192: {  	s29 =	sand.u32 $0xF, s11  }
0x193: {  	v13 =	vadd.f32 v13, v14;
	v14 =	vmov s29  }
0x194: {  	s2 =	simm.s32 $0x580;
	s26 =	simm.s32 $0x18971;
	s1 =	simm.s32 $0x180;
	v15 =	vimm.f32 $0.0e+00;
	vm0 =	veq.s32 v14, v4  }
0x195: {  	p1 =	sne.s32 s29, $0xF;
	s28 =	simm.s32 $0x1;
	s29 =	simm.s32 $0x10940;
	v13 =	vsel vm0, v13, v15  }
.LBB2_6:
0x196: {  	[tilespmem:s26+$0x0] =	vst @!p1 v13;
	s26 =	sadd.s32 $0x1, s26  }
0x197: {  	s24 =	sadd.s32 $0x80, s24;
	s30 =	smov.u32 s28;
	s28 =	sadd.s32 $0x1, s28  }
0x198: {  	v14 =	vld [tilespmem:s29+$0xFFFFFFD0];
	p0 =	sne.s32 s28, $0x40  }
0x199: {  	v15 =	vld [tilespmem:s24+$0xFFFFFFD0]  }
0x19a: {  	v16 =	vld [tilespmem:s29+$0xFFFFFFC0]  }
0x19b: {  	v17 =	vld [tilespmem:s24+$0xFFFFFFC0]  }
0x19c: {  	v18 =	vld [tilespmem:s24+$0xFFFFFFE0]  }
0x19d: {  	v19 =	vld [tilespmem:s29+$0xFFFFFFE0]  }
0x19e: {  	v14 =	vmul.f32 v15, v14;
	v15 =	vld [tilespmem:s24+$0xFFFFFFF0]  }
0x19f: {  	v20 =	vld [tilespmem:s29+$0xFFFFFFF0]  }
0x1a0: {  	v16 =	vmul.f32 v17, v16;
	v17 =	vld [tilespmem:s24+$0x0]  }
0x1a1: {  	v14 =	vmul.f32 v14, v6;
	v21 =	vld [tilespmem:s29+$0x0]  }
0x1a2: {  	v16 =	vmul.f32 v16, v5;
	v18 =	vmul.f32 v18, v19;
	v19 =	vld [tilespmem:s24+$0x10]  }
0x1a3: {  	v22 =	vld [tilespmem:s29+$0x10]  }
0x1a4: {  	v14 =	vadd.f32 v14, v16;
	v16 =	vmul.f32 v18, v7;
	v15 =	vmul.f32 v15, v20;
	v18 =	vld [tilespmem:s24+$0x20]  }
0x1a5: {  	v20 =	vld [tilespmem:s29+$0x20]  }
0x1a6: {  	v14 =	vadd.f32 v16, v14;
	v15 =	vmul.f32 v15, v8;
	v16 =	vmul.f32 v17, v21;
	v17 =	vld [tilespmem:s24+$0x30]  }
0x1a7: {  	v21 =	vld [tilespmem:s29+$0x30]  }
0x1a8: {  	v14 =	vadd.f32 v15, v14;
	v15 =	vmul.f32 v16, v9;
	v16 =	vmul.f32 v19, v22;
	_ =	sdelay $0x1  }
0x1a9: {  	v14 =	vadd.f32 v15, v14;
	v15 =	vmul.f32 v16, v10;
	v16 =	vmul.f32 v18, v20;
	_ =	sdelay $0x1  }
0x1aa: {  	v14 =	vadd.f32 v15, v14;
	v15 =	vmul.f32 v16, v11;
	v16 =	vmul.f32 v17, v21;
	_ =	sdelay $0x1  }
0x1ab: {  	v14 =	vadd.f32 v15, v14;
	v15 =	vmul.f32 v16, v12;
	_ =	sdelay $0x1  }
0x1ac: {  	v14 =	vadd.f32 v15, v14;
	_ =	sdelay $0x1  }
0x1ad: {  	v15 =	vperm.xlane v14, v0;
	_ =	sdelay $0x1  }
0x1ae: {  	v14 =	vadd.f32 v14, v15;
	_ =	sdelay $0x1  }
0x1af: {  	v15 =	vperm.xlane v14, v1;
	_ =	sdelay $0x1  }
0x1b0: {  	v14 =	vadd.f32 v14, v15;
	_ =	sdelay $0x1  }
0x1b1: {  	v15 =	vperm.xlane v14, v2;
	_ =	sdelay $0x1  }
0x1b2: {  	v14 =	vadd.f32 v14, v15;
	_ =	sdelay $0x1  }
.Ltmp2:
0x1b3: {  	v15 =	vperm.xlane v14, v3;
	(pc) =	sbr.rel @p0 .LBB2_6-.Ltmp2, $4  }
0x1b4: {  	s30 =	sand.u32 $0xF, s30  }
0x1b5: {  	v14 =	vadd.f32 v14, v15;
	v15 =	vmov s30  }
0x1b6: {  	vm0 =	veq.s32 v15, v4  }
0x1b7: {  	p1 =	sne.s32 s30, $0xF;
	s29 =	sadd.s32 $0x80, s29;
	v13 =	vsel vm0, v14, v13  }
0x1b8: {  	[tilespmem:s26+$0x0] =	vst @!p1 v13;
	s26 =	simm.s32 $0x0;
	s24 =	rddreg [dreg:$0x1b];
	s4 =	simm.s32 $0x18980  }
0x1b9: {  	[hbm4b:s24+s26] =	stream.linear.scatter [tilespmem:s4], [sflag:$0x2], $0x40, $0x38;
	[tilespmem:$0x18A00] =	vst v63  }
0x1ba: {  	s4 =	sld [smem:$0x7F0];
	_ =	sdelay $0x1  }
0x1bb: {  	s7 =	simm.s32 $0x14880;
	s11 =	sld [smem:$0x7F1]  }
0x1bc: {  	[hbm4b:s4+s26] =	stream.linear.scatter [tilespmem:s7], [sflag:$0x2], $0x2000, $0x38;
	[tilespmem:$0x18A00] =	vst v63  }
0x1bd: {  	s13 =	simm.s32 $0x16880  }
0x1be: {  	[hbm4b:s11+s26] =	stream.linear.scatter [tilespmem:s13], [sflag:$0x2], $0x2000, $0x38;
	[tilespmem:$0x18A00] =	vst v63  }
0x1bf: {  	_ =	swait.ge [sflag:s22], $0x40  }
0x1c0: {  	[sflag:s22] =	ssyncset.done $0x0  }
0x1c1: {  	[sflag:s22] =	ssyncadd.s32 $0xFFFFFFC0  }
0x1c2: {  	_ =	swait.ge [sflag:s22], $0x2000  }
0x1c3: {  	[sflag:s22] =	ssyncset.done $0x0  }
0x1c4: {  	[sflag:s22] =	ssyncadd.s32 $0xFFFFE000  }
0x1c5: {  	_ =	swait.ge [sflag:s22], $0x2000  }
0x1c6: {  	[sflag:s22] =	ssyncset.done $0x0  }
0x1c7: {  	s21 =	simm.s32 $0x200;
	[sflag:s22] =	ssyncadd.s32 $0xFFFFE000  }
0x1c8: {  	[tilespmem:s20], [sflag:$0x1] =	stream.indirect.gather [hbm4b:s5+s3], $0x80, s21, s3, $0xb8;
	[tilespmem:$0x18A00] =	vst v63  }
0x1c9: {  	s28 =	simm.s32 $0x600;
	s30 =	simm.s32 $0xA880  }
0x1ca: {  	[tilespmem:s30], [sflag:$0x1] =	stream.indirect.gather [hbm4b:s6+s3], $0x80, s28, s3, $0xb8;
	[tilespmem:$0x18A00] =	vst v63  }
0x1cb: {  	_ = 	snop  }
0x1cc: {  	[tilespmem:s14], [sflag:$0x1] =	stream.indirect.gather [hbm4b:s9+s3], $0x80, s21, s3, $0xb8;
	[tilespmem:$0x18A00] =	vst v63  }
0x1cd: {  	_ = 	snop  }
0x1ce: {  	[tilespmem:s15], [sflag:$0x1] =	stream.indirect.gather [hbm4b:s12+s3], $0x80, s28, s3, $0xb8;
	[tilespmem:$0x18A00] =	vst v63  }
0x1cf: {  	_ =	swait.ge [sflag:s16], $0x2000  }
0x1d0: {  	[sflag:s16] =	ssyncset.done $0x0  }
0x1d1: {  	[sflag:s16] =	ssyncadd.s32 $0xFFFFE000  }
0x1d2: {  	_ =	swait.ge [sflag:s16], $0x2000  }
0x1d3: {  	[sflag:s16] =	ssyncset.done $0x0  }
0x1d4: {  	[sflag:s16] =	ssyncadd.s32 $0xFFFFE000  }
0x1d5: {  	_ =	swait.ge [sflag:s16], $0x2000  }
0x1d6: {  	[sflag:s16] =	ssyncset.done $0x0  }
0x1d7: {  	[sflag:s16] =	ssyncadd.s32 $0xFFFFE000  }
0x1d8: {  	_ =	swait.ge [sflag:s16], $0x2000  }
0x1d9: {  	[sflag:s16] =	ssyncset.done $0x0  }
0x1da: {  	[sflag:s16] =	ssyncadd.s32 $0xFFFFE000  }
0x1db: {  	v5 =	vld [tilespmem:$0x800]  }
0x1dc: {  	v6 =	vld [tilespmem:$0x810]  }
0x1dd: {  	v7 =	vld [tilespmem:$0x820]  }
0x1de: {  	v8 =	vld [tilespmem:$0x830]  }
0x1df: {  	v9 =	vld [tilespmem:$0x840]  }
0x1e0: {  	s28 =	simm.s32 $0x8C0;
	v10 =	vld [tilespmem:$0x850]  }
0x1e1: {  	s24 =	simm.s32 $0x28C0;
	v12 =	vld [tilespmem:s28+$0xFFFFFFD0]  }
0x1e2: {  	v13 =	vld [tilespmem:s24+$0xFFFFFFD0]  }
0x1e3: {  	v14 =	vld [tilespmem:s28+$0xFFFFFFC0]  }
0x1e4: {  	v15 =	vld [tilespmem:s24+$0xFFFFFFC0]  }
0x1e5: {  	v16 =	vld [tilespmem:s24+$0xFFFFFFE0]  }
0x1e6: {  	v17 =	vld [tilespmem:s28+$0xFFFFFFE0]  }
0x1e7: {  	v11 =	vld [tilespmem:$0x860]  }
0x1e8: {  	v18 =	vld [tilespmem:s24+$0xFFFFFFF0]  }
0x1e9: {  	v12 =	vmul.f32 v13, v12;
	v13 =	vld [tilespmem:s28+$0xFFFFFFF0]  }
0x1ea: {  	v19 =	vld [tilespmem:s28+$0x0];
	v14 =	vmul.f32 v15, v14  }
0x1eb: {  	v15 =	vld [tilespmem:s24+$0x0];
	v16 =	vmul.f32 v16, v17  }
0x1ec: {  	v60 =	vld [tilespmem:s24+$0x10];
	v12 =	vmul.f32 v12, v6;
	v14 =	vmul.f32 v14, v5  }
0x1ed: {  	v20 =	vld [tilespmem:s28+$0x10]  }
0x1ee: {  	v61 =	vld [tilespmem:s24+$0x20];
	v12 =	vadd.f32 v12, v14;
	v14 =	vmul.f32 v16, v7;
	v13 =	vmul.f32 v18, v13  }
0x1ef: {  	v62 =	vld [tilespmem:s28+$0x20]  }
0x1f0: {  	v63 =	vld [tilespmem:s28+$0x30];
	v12 =	vadd.f32 v14, v12;
	v14 =	vmul.f32 v15, v19;
	v13 =	vmul.f32 v13, v8  }
0x1f1: {  	v15 =	vld [tilespmem:s24+$0x30]  }
0x1f2: {  	v17 =	vmul.f32 v60, v20;
	v14 =	vmul.f32 v14, v9;
	v13 =	vadd.f32 v13, v12  }
0x1f3: {  	v12 =	vld [tilespmem:$0x870]  }
0x1f4: {  	v16 =	vmul.f32 v61, v62;
	v13 =	vadd.f32 v14, v13;
	v14 =	vmul.f32 v17, v10;
	_ =	sdelay $0x1  }
0x1f5: {  	v15 =	vmul.f32 v15, v63;
	v13 =	vadd.f32 v14, v13;
	v14 =	vmul.f32 v16, v11;
	_ =	sdelay $0x1  }
0x1f6: {  	v13 =	vadd.f32 v14, v13;
	v14 =	vmul.f32 v15, v12;
	_ =	sdelay $0x1  }
0x1f7: {  	v13 =	vadd.f32 v14, v13;
	_ =	sdelay $0x1  }
0x1f8: {  	v14 =	vperm.xlane v13, v0;
	_ =	sdelay $0x1  }
0x1f9: {  	v13 =	vadd.f32 v13, v14;
	_ =	sdelay $0x1  }
0x1fa: {  	v14 =	vperm.xlane v13, v1;
	_ =	sdelay $0x1  }
0x1fb: {  	v13 =	vadd.f32 v13, v14;
	_ =	sdelay $0x1  }
0x1fc: {  	v14 =	vperm.xlane v13, v2;
	_ =	sdelay $0x1  }
0x1fd: {  	v13 =	vadd.f32 v13, v14;
	_ =	sdelay $0x1  }
0x1fe: {  	v14 =	vperm.xlane v13, v3  }
0x1ff: {  	s29 =	sand.u32 $0xF, s26  }
0x200: {  	v13 =	vadd.f32 v13, v14;
	v14 =	vmov s29  }
0x201: {  	p1 =	sne.s32 s29, $0xF;
	s4 =	simm.s32 $0x200;
	s7 =	simm.s32 $0x600;
	v15 =	vimm.f32 $0.0e+00;
	vm0 =	veq.s32 v14, v4  }
0x202: {  	s26 =	simm.s32 $0x18871;
	s28 =	simm.s32 $0x1;
	s29 =	simm.s32 $0x940;
	v13 =	vsel vm0, v13, v15  }
.LBB2_8:
0x203: {  	[tilespmem:s26+$0x0] =	vst @!p1 v13;
	s26 =	sadd.s32 $0x1, s26  }
0x204: {  	s24 =	sadd.s32 $0x80, s24;
	s30 =	smov.u32 s28;
	s28 =	sadd.s32 $0x1, s28  }
0x205: {  	v14 =	vld [tilespmem:s29+$0xFFFFFFD0];
	p0 =	sne.s32 s28, $0x40  }
0x206: {  	v15 =	vld [tilespmem:s24+$0xFFFFFFD0]  }
0x207: {  	v16 =	vld [tilespmem:s29+$0xFFFFFFC0]  }
0x208: {  	v17 =	vld [tilespmem:s24+$0xFFFFFFC0]  }
0x209: {  	v18 =	vld [tilespmem:s24+$0xFFFFFFE0]  }
0x20a: {  	v19 =	vld [tilespmem:s29+$0xFFFFFFE0]  }
0x20b: {  	v14 =	vmul.f32 v15, v14;
	v15 =	vld [tilespmem:s24+$0xFFFFFFF0]  }
0x20c: {  	v20 =	vld [tilespmem:s29+$0xFFFFFFF0]  }
0x20d: {  	v16 =	vmul.f32 v17, v16;
	v17 =	vld [tilespmem:s24+$0x0]  }
0x20e: {  	v14 =	vmul.f32 v14, v6;
	v21 =	vld [tilespmem:s29+$0x0]  }
0x20f: {  	v16 =	vmul.f32 v16, v5;
	v18 =	vmul.f32 v18, v19;
	v19 =	vld [tilespmem:s24+$0x10]  }
0x210: {  	v22 =	vld [tilespmem:s29+$0x10]  }
0x211: {  	v14 =	vadd.f32 v14, v16;
	v16 =	vmul.f32 v18, v7;
	v15 =	vmul.f32 v15, v20;
	v18 =	vld [tilespmem:s24+$0x20]  }
0x212: {  	v20 =	vld [tilespmem:s29+$0x20]  }
0x213: {  	v14 =	vadd.f32 v16, v14;
	v15 =	vmul.f32 v15, v8;
	v16 =	vmul.f32 v17, v21;
	v17 =	vld [tilespmem:s24+$0x30]  }
0x214: {  	v21 =	vld [tilespmem:s29+$0x30]  }
0x215: {  	v14 =	vadd.f32 v15, v14;
	v15 =	vmul.f32 v16, v9;
	v16 =	vmul.f32 v19, v22;
	_ =	sdelay $0x1  }
0x216: {  	v14 =	vadd.f32 v15, v14;
	v15 =	vmul.f32 v16, v10;
	v16 =	vmul.f32 v18, v20;
	_ =	sdelay $0x1  }
0x217: {  	v14 =	vadd.f32 v15, v14;
	v15 =	vmul.f32 v16, v11;
	v16 =	vmul.f32 v17, v21;
	_ =	sdelay $0x1  }
0x218: {  	v14 =	vadd.f32 v15, v14;
	v15 =	vmul.f32 v16, v12;
	_ =	sdelay $0x1  }
0x219: {  	v14 =	vadd.f32 v15, v14;
	_ =	sdelay $0x1  }
0x21a: {  	v15 =	vperm.xlane v14, v0;
	_ =	sdelay $0x1  }
0x21b: {  	v14 =	vadd.f32 v14, v15;
	_ =	sdelay $0x1  }
0x21c: {  	v15 =	vperm.xlane v14, v1;
	_ =	sdelay $0x1  }
0x21d: {  	v14 =	vadd.f32 v14, v15;
	_ =	sdelay $0x1  }
0x21e: {  	v15 =	vperm.xlane v14, v2;
	_ =	sdelay $0x1  }
0x21f: {  	v14 =	vadd.f32 v14, v15;
	_ =	sdelay $0x1  }
.Ltmp3:
0x220: {  	v15 =	vperm.xlane v14, v3;
	(pc) =	sbr.rel @p0 .LBB2_8-.Ltmp3, $4  }
0x221: {  	s30 =	sand.u32 $0xF, s30  }
0x222: {  	v14 =	vadd.f32 v14, v15;
	v15 =	vmov s30  }
0x223: {  	vm0 =	veq.s32 v15, v4  }
0x224: {  	p1 =	sne.s32 s30, $0xF;
	s29 =	sadd.s32 $0x80, s29;
	v13 =	vsel vm0, v14, v13  }
0x225: {  	[tilespmem:s26+$0x0] =	vst @!p1 v13;
	s26 =	simm.s32 $0x0;
	s24 =	rddreg [dreg:$0x1c];
	s11 =	simm.s32 $0x18880  }
0x226: {  	[hbm4b:s24+s26] =	stream.linear.scatter [tilespmem:s11], [sflag:$0x2], $0x40, $0x38;
	[tilespmem:$0x18A00] =	vst v63  }
0x227: {  	s11 =	sld [smem:$0x7F2];
	_ =	sdelay $0x1  }
0x228: {  	s13 =	sld [smem:$0x7F3]  }
0x229: {  	[hbm4b:s11+s26] =	stream.linear.scatter [tilespmem:s8], [sflag:$0x2], $0x2000, $0x38;
	[tilespmem:$0x18A00] =	vst v63  }
0x22a: {  	_ = 	snop  }
0x22b: {  	[hbm4b:s13+s26] =	stream.linear.scatter [tilespmem:s10], [sflag:$0x2], $0x2000, $0x38;
	[tilespmem:$0x18A00] =	vst v63  }
0x22c: {  	_ =	swait.ge [sflag:s22], $0x40  }
0x22d: {  	[sflag:s22] =	ssyncset.done $0x0  }
0x22e: {  	[sflag:s22] =	ssyncadd.s32 $0xFFFFFFC0  }
0x22f: {  	_ =	swait.ge [sflag:s22], $0x2000  }
0x230: {  	[sflag:s22] =	ssyncset.done $0x0  }
0x231: {  	[sflag:s22] =	ssyncadd.s32 $0xFFFFE000  }
0x232: {  	_ =	swait.ge [sflag:s22], $0x2000  }
0x233: {  	[sflag:s22] =	ssyncset.done $0x0  }
0x234: {  	s21 =	simm.s32 $0x10880;
	s24 =	simm.s32 $0x280;
	[sflag:s22] =	ssyncadd.s32 $0xFFFFE000  }
0x235: {  	[tilespmem:s21], [sflag:$0x1] =	stream.indirect.gather [hbm4b:s5+s3], $0x80, s24, s3, $0xb8;
	[tilespmem:$0x18A00] =	vst v63  }
0x236: {  	s28 =	simm.s32 $0x680;
	s30 =	simm.s32 $0x12880  }
0x237: {  	[tilespmem:s30], [sflag:$0x1] =	stream.indirect.gather [hbm4b:s6+s3], $0x80, s28, s3, $0xb8;
	[tilespmem:$0x18A00] =	vst v63  }
0x238: {  	s13 =	simm.s32 $0x14880  }
0x239: {  	[tilespmem:s13], [sflag:$0x1] =	stream.indirect.gather [hbm4b:s9+s3], $0x80, s24, s3, $0xb8;
	[tilespmem:$0x18A00] =	vst v63  }
0x23a: {  	s21 =	simm.s32 $0x16880  }
0x23b: {  	[tilespmem:s21], [sflag:$0x1] =	stream.indirect.gather [hbm4b:s12+s3], $0x80, s28, s3, $0xb8;
	[tilespmem:$0x18A00] =	vst v63  }
0x23c: {  	_ =	swait.ge [sflag:s16], $0x2000  }
0x23d: {  	[sflag:s16] =	ssyncset.done $0x0  }
0x23e: {  	[sflag:s16] =	ssyncadd.s32 $0xFFFFE000  }
0x23f: {  	_ =	swait.ge [sflag:s16], $0x2000  }
0x240: {  	[sflag:s16] =	ssyncset.done $0x0  }
0x241: {  	[sflag:s16] =	ssyncadd.s32 $0xFFFFE000  }
0x242: {  	_ =	swait.ge [sflag:s16], $0x2000  }
0x243: {  	[sflag:s16] =	ssyncset.done $0x0  }
0x244: {  	[sflag:s16] =	ssyncadd.s32 $0xFFFFE000  }
0x245: {  	_ =	swait.ge [sflag:s16], $0x2000  }
0x246: {  	[sflag:s16] =	ssyncset.done $0x0  }
0x247: {  	[sflag:s16] =	ssyncadd.s32 $0xFFFFE000  }
0x248: {  	v5 =	vld [tilespmem:$0x800]  }
0x249: {  	v6 =	vld [tilespmem:$0x810]  }
0x24a: {  	v7 =	vld [tilespmem:$0x820]  }
0x24b: {  	v8 =	vld [tilespmem:$0x830]  }
0x24c: {  	v9 =	vld [tilespmem:$0x840]  }
0x24d: {  	s28 =	simm.s32 $0x88C0;
	v10 =	vld [tilespmem:$0x850]  }
0x24e: {  	s24 =	simm.s32 $0xA8C0;
	v12 =	vld [tilespmem:s28+$0xFFFFFFD0]  }
0x24f: {  	v13 =	vld [tilespmem:s24+$0xFFFFFFD0]  }
0x250: {  	v14 =	vld [tilespmem:s28+$0xFFFFFFC0]  }
0x251: {  	v15 =	vld [tilespmem:s24+$0xFFFFFFC0]  }
0x252: {  	v16 =	vld [tilespmem:s24+$0xFFFFFFE0]  }
0x253: {  	v17 =	vld [tilespmem:s28+$0xFFFFFFE0]  }
0x254: {  	v11 =	vld [tilespmem:$0x860]  }
0x255: {  	v18 =	vld [tilespmem:s24+$0xFFFFFFF0]  }
0x256: {  	v12 =	vmul.f32 v13, v12;
	v13 =	vld [tilespmem:s28+$0xFFFFFFF0]  }
0x257: {  	v19 =	vld [tilespmem:s28+$0x0];
	v14 =	vmul.f32 v15, v14  }
0x258: {  	v15 =	vld [tilespmem:s24+$0x0];
	v16 =	vmul.f32 v16, v17  }
0x259: {  	v60 =	vld [tilespmem:s24+$0x10];
	v12 =	vmul.f32 v12, v6;
	v14 =	vmul.f32 v14, v5  }
0x25a: {  	v20 =	vld [tilespmem:s28+$0x10]  }
0x25b: {  	v61 =	vld [tilespmem:s24+$0x20];
	v12 =	vadd.f32 v12, v14;
	v14 =	vmul.f32 v16, v7;
	v13 =	vmul.f32 v18, v13  }
0x25c: {  	v62 =	vld [tilespmem:s28+$0x20]  }
0x25d: {  	v63 =	vld [tilespmem:s28+$0x30];
	v12 =	vadd.f32 v14, v12;
	v14 =	vmul.f32 v15, v19;
	v13 =	vmul.f32 v13, v8  }
0x25e: {  	v15 =	vld [tilespmem:s24+$0x30]  }
0x25f: {  	v17 =	vmul.f32 v60, v20;
	v14 =	vmul.f32 v14, v9;
	v13 =	vadd.f32 v13, v12  }
0x260: {  	v12 =	vld [tilespmem:$0x870]  }
0x261: {  	v16 =	vmul.f32 v61, v62;
	v13 =	vadd.f32 v14, v13;
	v14 =	vmul.f32 v17, v10;
	_ =	sdelay $0x1  }
0x262: {  	v15 =	vmul.f32 v15, v63;
	v13 =	vadd.f32 v14, v13;
	v14 =	vmul.f32 v16, v11;
	_ =	sdelay $0x1  }
0x263: {  	v13 =	vadd.f32 v14, v13;
	v14 =	vmul.f32 v15, v12;
	_ =	sdelay $0x1  }
0x264: {  	v13 =	vadd.f32 v14, v13;
	_ =	sdelay $0x1  }
0x265: {  	v14 =	vperm.xlane v13, v0;
	_ =	sdelay $0x1  }
0x266: {  	v13 =	vadd.f32 v13, v14;
	_ =	sdelay $0x1  }
0x267: {  	v14 =	vperm.xlane v13, v1;
	_ =	sdelay $0x1  }
0x268: {  	v13 =	vadd.f32 v13, v14;
	_ =	sdelay $0x1  }
0x269: {  	v14 =	vperm.xlane v13, v2;
	_ =	sdelay $0x1  }
0x26a: {  	v13 =	vadd.f32 v13, v14;
	_ =	sdelay $0x1  }
0x26b: {  	v14 =	vperm.xlane v13, v3  }
0x26c: {  	s29 =	sand.u32 $0xF, s26  }
0x26d: {  	v13 =	vadd.f32 v13, v14;
	v14 =	vmov s29  }
0x26e: {  	p1 =	sne.s32 s29, $0xF;
	s11 =	simm.s32 $0x280;
	s26 =	simm.s32 $0x188F1;
	v15 =	vimm.f32 $0.0e+00;
	vm0 =	veq.s32 v14, v4  }
0x26f: {  	s13 =	simm.s32 $0x680;
	s28 =	simm.s32 $0x1;
	s29 =	simm.s32 $0x8940;
	v13 =	vsel vm0, v13, v15  }
.LBB2_10:
0x270: {  	[tilespmem:s26+$0x0] =	vst @!p1 v13;
	s26 =	sadd.s32 $0x1, s26  }
0x271: {  	s24 =	sadd.s32 $0x80, s24;
	s30 =	smov.u32 s28;
	s28 =	sadd.s32 $0x1, s28  }
0x272: {  	v14 =	vld [tilespmem:s29+$0xFFFFFFD0];
	p0 =	sne.s32 s28, $0x40  }
0x273: {  	v15 =	vld [tilespmem:s24+$0xFFFFFFD0]  }
0x274: {  	v16 =	vld [tilespmem:s29+$0xFFFFFFC0]  }
0x275: {  	v17 =	vld [tilespmem:s24+$0xFFFFFFC0]  }
0x276: {  	v18 =	vld [tilespmem:s24+$0xFFFFFFE0]  }
0x277: {  	v19 =	vld [tilespmem:s29+$0xFFFFFFE0]  }
0x278: {  	v14 =	vmul.f32 v15, v14;
	v15 =	vld [tilespmem:s24+$0xFFFFFFF0]  }
0x279: {  	v20 =	vld [tilespmem:s29+$0xFFFFFFF0]  }
0x27a: {  	v16 =	vmul.f32 v17, v16;
	v17 =	vld [tilespmem:s24+$0x0]  }
0x27b: {  	v14 =	vmul.f32 v14, v6;
	v21 =	vld [tilespmem:s29+$0x0]  }
0x27c: {  	v16 =	vmul.f32 v16, v5;
	v18 =	vmul.f32 v18, v19;
	v19 =	vld [tilespmem:s24+$0x10]  }
0x27d: {  	v22 =	vld [tilespmem:s29+$0x10]  }
0x27e: {  	v14 =	vadd.f32 v14, v16;
	v16 =	vmul.f32 v18, v7;
	v15 =	vmul.f32 v15, v20;
	v18 =	vld [tilespmem:s24+$0x20]  }
0x27f: {  	v20 =	vld [tilespmem:s29+$0x20]  }
0x280: {  	v14 =	vadd.f32 v16, v14;
	v15 =	vmul.f32 v15, v8;
	v16 =	vmul.f32 v17, v21;
	v17 =	vld [tilespmem:s24+$0x30]  }
0x281: {  	v21 =	vld [tilespmem:s29+$0x30]  }
0x282: {  	v14 =	vadd.f32 v15, v14;
	v15 =	vmul.f32 v16, v9;
	v16 =	vmul.f32 v19, v22;
	_ =	sdelay $0x1  }
0x283: {  	v14 =	vadd.f32 v15, v14;
	v15 =	vmul.f32 v16, v10;
	v16 =	vmul.f32 v18, v20;
	_ =	sdelay $0x1  }
0x284: {  	v14 =	vadd.f32 v15, v14;
	v15 =	vmul.f32 v16, v11;
	v16 =	vmul.f32 v17, v21;
	_ =	sdelay $0x1  }
0x285: {  	v14 =	vadd.f32 v15, v14;
	v15 =	vmul.f32 v16, v12;
	_ =	sdelay $0x1  }
0x286: {  	v14 =	vadd.f32 v15, v14;
	_ =	sdelay $0x1  }
0x287: {  	v15 =	vperm.xlane v14, v0;
	_ =	sdelay $0x1  }
0x288: {  	v14 =	vadd.f32 v14, v15;
	_ =	sdelay $0x1  }
0x289: {  	v15 =	vperm.xlane v14, v1;
	_ =	sdelay $0x1  }
0x28a: {  	v14 =	vadd.f32 v14, v15;
	_ =	sdelay $0x1  }
0x28b: {  	v15 =	vperm.xlane v14, v2;
	_ =	sdelay $0x1  }
0x28c: {  	v14 =	vadd.f32 v14, v15;
	_ =	sdelay $0x1  }
.Ltmp4:
0x28d: {  	v15 =	vperm.xlane v14, v3;
	(pc) =	sbr.rel @p0 .LBB2_10-.Ltmp4, $4  }
0x28e: {  	s30 =	sand.u32 $0xF, s30  }
0x28f: {  	v14 =	vadd.f32 v14, v15;
	v15 =	vmov s30  }
0x290: {  	vm0 =	veq.s32 v15, v4  }
0x291: {  	p1 =	sne.s32 s30, $0xF;
	s29 =	sadd.s32 $0x80, s29;
	v13 =	vsel vm0, v14, v13  }
0x292: {  	s24 =	rddreg [dreg:$0x1d]  }
0x293: {  	[tilespmem:s26+$0x0] =	vst @!p1 v13;
	s26 =	simm.s32 $0x0;
	s21 =	simm.s32 $0x18900;
	s30 =	sld [smem:$0x7F4]  }
0x294: {  	[hbm4b:s24+s26] =	stream.linear.scatter [tilespmem:s21], [sflag:$0x2], $0x40, $0x38;
	[tilespmem:$0x18A00] =	vst v63  }
0x295: {  	s21 =	sld [smem:$0x7F5]  }
0x296: {  	[hbm4b:s30+s26] =	stream.linear.scatter [tilespmem:s14], [sflag:$0x2], $0x2000, $0x38;
	[tilespmem:$0x18A00] =	vst v63  }
0x297: {  	_ = 	snop  }
0x298: {  	[hbm4b:s21+s26] =	stream.linear.scatter [tilespmem:s15], [sflag:$0x2], $0x2000, $0x38;
	[tilespmem:$0x18A00] =	vst v63  }
0x299: {  	_ =	swait.ge [sflag:s22], $0x40  }
0x29a: {  	[sflag:s22] =	ssyncset.done $0x0  }
0x29b: {  	[sflag:s22] =	ssyncadd.s32 $0xFFFFFFC0  }
0x29c: {  	_ =	swait.ge [sflag:s22], $0x2000  }
0x29d: {  	[sflag:s22] =	ssyncset.done $0x0  }
0x29e: {  	[sflag:s22] =	ssyncadd.s32 $0xFFFFE000  }
0x29f: {  	_ =	swait.ge [sflag:s22], $0x2000  }
0x2a0: {  	[sflag:s22] =	ssyncset.done $0x0  }
0x2a1: {  	s30 =	simm.s32 $0x300;
	[sflag:s22] =	ssyncadd.s32 $0xFFFFE000  }
0x2a2: {  	[tilespmem:s18], [sflag:$0x1] =	stream.indirect.gather [hbm4b:s5+s3], $0x80, s30, s3, $0xb8;
	[tilespmem:$0x18A00] =	vst v63  }
0x2a3: {  	s28 =	simm.s32 $0x700  }
0x2a4: {  	[tilespmem:s19], [sflag:$0x1] =	stream.indirect.gather [hbm4b:s6+s3], $0x80, s28, s3, $0xb8;
	[tilespmem:$0x18A00] =	vst v63  }
0x2a5: {  	_ = 	snop  }
0x2a6: {  	[tilespmem:s8], [sflag:$0x1] =	stream.indirect.gather [hbm4b:s9+s3], $0x80, s30, s3, $0xb8;
	[tilespmem:$0x18A00] =	vst v63  }
0x2a7: {  	_ = 	snop  }
0x2a8: {  	[tilespmem:s10], [sflag:$0x1] =	stream.indirect.gather [hbm4b:s12+s3], $0x80, s28, s3, $0xb8;
	[tilespmem:$0x18A00] =	vst v63  }
0x2a9: {  	_ =	swait.ge [sflag:s16], $0x2000  }
0x2aa: {  	[sflag:s16] =	ssyncset.done $0x0  }
0x2ab: {  	[sflag:s16] =	ssyncadd.s32 $0xFFFFE000  }
0x2ac: {  	_ =	swait.ge [sflag:s16], $0x2000  }
0x2ad: {  	[sflag:s16] =	ssyncset.done $0x0  }
0x2ae: {  	[sflag:s16] =	ssyncadd.s32 $0xFFFFE000  }
0x2af: {  	_ =	swait.ge [sflag:s16], $0x2000  }
0x2b0: {  	[sflag:s16] =	ssyncset.done $0x0  }
0x2b1: {  	[sflag:s16] =	ssyncadd.s32 $0xFFFFE000  }
0x2b2: {  	_ =	swait.ge [sflag:s16], $0x2000  }
0x2b3: {  	[sflag:s16] =	ssyncset.done $0x0  }
0x2b4: {  	[sflag:s16] =	ssyncadd.s32 $0xFFFFE000  }
0x2b5: {  	v5 =	vld [tilespmem:$0x800]  }
0x2b6: {  	v6 =	vld [tilespmem:$0x810]  }
0x2b7: {  	v7 =	vld [tilespmem:$0x820]  }
0x2b8: {  	v8 =	vld [tilespmem:$0x830]  }
0x2b9: {  	v9 =	vld [tilespmem:$0x840]  }
0x2ba: {  	s28 =	simm.s32 $0x108C0;
	v10 =	vld [tilespmem:$0x850]  }
0x2bb: {  	s24 =	simm.s32 $0x128C0;
	v12 =	vld [tilespmem:s28+$0xFFFFFFD0]  }
0x2bc: {  	v13 =	vld [tilespmem:s24+$0xFFFFFFD0]  }
0x2bd: {  	v14 =	vld [tilespmem:s28+$0xFFFFFFC0]  }
0x2be: {  	v15 =	vld [tilespmem:s24+$0xFFFFFFC0]  }
0x2bf: {  	v16 =	vld [tilespmem:s24+$0xFFFFFFE0]  }
0x2c0: {  	v17 =	vld [tilespmem:s28+$0xFFFFFFE0]  }
0x2c1: {  	v11 =	vld [tilespmem:$0x860]  }
0x2c2: {  	v18 =	vld [tilespmem:s24+$0xFFFFFFF0]  }
0x2c3: {  	v12 =	vmul.f32 v13, v12;
	v13 =	vld [tilespmem:s28+$0xFFFFFFF0]  }
0x2c4: {  	v19 =	vld [tilespmem:s28+$0x0];
	v14 =	vmul.f32 v15, v14  }
0x2c5: {  	v15 =	vld [tilespmem:s24+$0x0];
	v16 =	vmul.f32 v16, v17  }
0x2c6: {  	v60 =	vld [tilespmem:s24+$0x10];
	v12 =	vmul.f32 v12, v6;
	v14 =	vmul.f32 v14, v5  }
0x2c7: {  	v20 =	vld [tilespmem:s28+$0x10]  }
0x2c8: {  	v61 =	vld [tilespmem:s24+$0x20];
	v12 =	vadd.f32 v12, v14;
	v14 =	vmul.f32 v16, v7;
	v13 =	vmul.f32 v18, v13  }
0x2c9: {  	v62 =	vld [tilespmem:s28+$0x20]  }
0x2ca: {  	v63 =	vld [tilespmem:s28+$0x30];
	v12 =	vadd.f32 v14, v12;
	v14 =	vmul.f32 v15, v19;
	v13 =	vmul.f32 v13, v8  }
0x2cb: {  	v15 =	vld [tilespmem:s24+$0x30]  }
0x2cc: {  	v17 =	vmul.f32 v60, v20;
	v14 =	vmul.f32 v14, v9;
	v13 =	vadd.f32 v13, v12  }
0x2cd: {  	v12 =	vld [tilespmem:$0x870]  }
0x2ce: {  	v16 =	vmul.f32 v61, v62;
	v13 =	vadd.f32 v14, v13;
	v14 =	vmul.f32 v17, v10;
	_ =	sdelay $0x1  }
0x2cf: {  	v15 =	vmul.f32 v15, v63;
	v13 =	vadd.f32 v14, v13;
	v14 =	vmul.f32 v16, v11;
	_ =	sdelay $0x1  }
0x2d0: {  	v13 =	vadd.f32 v14, v13;
	v14 =	vmul.f32 v15, v12;
	_ =	sdelay $0x1  }
0x2d1: {  	v13 =	vadd.f32 v14, v13;
	_ =	sdelay $0x1  }
0x2d2: {  	v14 =	vperm.xlane v13, v0;
	_ =	sdelay $0x1  }
0x2d3: {  	v13 =	vadd.f32 v13, v14;
	_ =	sdelay $0x1  }
0x2d4: {  	v14 =	vperm.xlane v13, v1;
	_ =	sdelay $0x1  }
0x2d5: {  	v13 =	vadd.f32 v13, v14;
	_ =	sdelay $0x1  }
0x2d6: {  	v14 =	vperm.xlane v13, v2;
	_ =	sdelay $0x1  }
0x2d7: {  	v13 =	vadd.f32 v13, v14;
	_ =	sdelay $0x1  }
0x2d8: {  	v14 =	vperm.xlane v13, v3  }
0x2d9: {  	s29 =	sand.u32 $0xF, s26  }
0x2da: {  	v13 =	vadd.f32 v13, v14;
	v14 =	vmov s29  }
0x2db: {  	p1 =	sne.s32 s29, $0xF;
	s21 =	simm.s32 $0x700;
	s26 =	simm.s32 $0x18971;
	v15 =	vimm.f32 $0.0e+00;
	vm0 =	veq.s32 v14, v4  }
0x2dc: {  	s18 =	simm.s32 $0x300;
	s28 =	simm.s32 $0x1;
	s29 =	simm.s32 $0x10940;
	v13 =	vsel vm0, v13, v15  }
.LBB2_12:
0x2dd: {  	[tilespmem:s26+$0x0] =	vst @!p1 v13;
	s26 =	sadd.s32 $0x1, s26  }
0x2de: {  	s24 =	sadd.s32 $0x80, s24;
	s30 =	smov.u32 s28;
	s28 =	sadd.s32 $0x1, s28  }
0x2df: {  	v14 =	vld [tilespmem:s29+$0xFFFFFFD0];
	p0 =	sne.s32 s28, $0x40  }
0x2e0: {  	v15 =	vld [tilespmem:s24+$0xFFFFFFD0]  }
0x2e1: {  	v16 =	vld [tilespmem:s29+$0xFFFFFFC0]  }
0x2e2: {  	v17 =	vld [tilespmem:s24+$0xFFFFFFC0]  }
0x2e3: {  	v18 =	vld [tilespmem:s24+$0xFFFFFFE0]  }
0x2e4: {  	v19 =	vld [tilespmem:s29+$0xFFFFFFE0]  }
0x2e5: {  	v14 =	vmul.f32 v15, v14;
	v15 =	vld [tilespmem:s24+$0xFFFFFFF0]  }
0x2e6: {  	v20 =	vld [tilespmem:s29+$0xFFFFFFF0]  }
0x2e7: {  	v16 =	vmul.f32 v17, v16;
	v17 =	vld [tilespmem:s24+$0x0]  }
0x2e8: {  	v14 =	vmul.f32 v14, v6;
	v21 =	vld [tilespmem:s29+$0x0]  }
0x2e9: {  	v16 =	vmul.f32 v16, v5;
	v18 =	vmul.f32 v18, v19;
	v19 =	vld [tilespmem:s24+$0x10]  }
0x2ea: {  	v22 =	vld [tilespmem:s29+$0x10]  }
0x2eb: {  	v14 =	vadd.f32 v14, v16;
	v16 =	vmul.f32 v18, v7;
	v15 =	vmul.f32 v15, v20;
	v18 =	vld [tilespmem:s24+$0x20]  }
0x2ec: {  	v20 =	vld [tilespmem:s29+$0x20]  }
0x2ed: {  	v14 =	vadd.f32 v16, v14;
	v15 =	vmul.f32 v15, v8;
	v16 =	vmul.f32 v17, v21;
	v17 =	vld [tilespmem:s24+$0x30]  }
0x2ee: {  	v21 =	vld [tilespmem:s29+$0x30]  }
0x2ef: {  	v14 =	vadd.f32 v15, v14;
	v15 =	vmul.f32 v16, v9;
	v16 =	vmul.f32 v19, v22;
	_ =	sdelay $0x1  }
0x2f0: {  	v14 =	vadd.f32 v15, v14;
	v15 =	vmul.f32 v16, v10;
	v16 =	vmul.f32 v18, v20;
	_ =	sdelay $0x1  }
0x2f1: {  	v14 =	vadd.f32 v15, v14;
	v15 =	vmul.f32 v16, v11;
	v16 =	vmul.f32 v17, v21;
	_ =	sdelay $0x1  }
0x2f2: {  	v14 =	vadd.f32 v15, v14;
	v15 =	vmul.f32 v16, v12;
	_ =	sdelay $0x1  }
0x2f3: {  	v14 =	vadd.f32 v15, v14;
	_ =	sdelay $0x1  }
0x2f4: {  	v15 =	vperm.xlane v14, v0;
	_ =	sdelay $0x1  }
0x2f5: {  	v14 =	vadd.f32 v14, v15;
	_ =	sdelay $0x1  }
0x2f6: {  	v15 =	vperm.xlane v14, v1;
	_ =	sdelay $0x1  }
0x2f7: {  	v14 =	vadd.f32 v14, v15;
	_ =	sdelay $0x1  }
0x2f8: {  	v15 =	vperm.xlane v14, v2;
	_ =	sdelay $0x1  }
0x2f9: {  	v14 =	vadd.f32 v14, v15;
	_ =	sdelay $0x1  }
.Ltmp5:
0x2fa: {  	v15 =	vperm.xlane v14, v3;
	(pc) =	sbr.rel @p0 .LBB2_12-.Ltmp5, $4  }
0x2fb: {  	s30 =	sand.u32 $0xF, s30  }
0x2fc: {  	v14 =	vadd.f32 v14, v15;
	v15 =	vmov s30  }
0x2fd: {  	vm0 =	veq.s32 v15, v4  }
0x2fe: {  	p1 =	sne.s32 s30, $0xF;
	s29 =	sadd.s32 $0x80, s29;
	v13 =	vsel vm0, v14, v13  }
0x2ff: {  	[tilespmem:s26+$0x0] =	vst @!p1 v13;
	s26 =	simm.s32 $0x0;
	s24 =	rddreg [dreg:$0x1e];
	s19 =	simm.s32 $0x18980  }
0x300: {  	[hbm4b:s24+s26] =	stream.linear.scatter [tilespmem:s19], [sflag:$0x2], $0x40, $0x38;
	[tilespmem:$0x18A00] =	vst v63  }
0x301: {  	s19 =	sld [smem:$0x7F6];
	_ =	sdelay $0x1  }
0x302: {  	s30 =	simm.s32 $0x14880  }
0x303: {  	[hbm4b:s19+s26] =	stream.linear.scatter [tilespmem:s30], [sflag:$0x2], $0x2000, $0x38;
	[tilespmem:$0x18A00] =	vst v63  }
0x304: {  	s19 =	sld [smem:$0x7F7];
	_ =	sdelay $0x1  }
0x305: {  	s30 =	simm.s32 $0x16880  }
0x306: {  	[hbm4b:s19+s26] =	stream.linear.scatter [tilespmem:s30], [sflag:$0x2], $0x2000, $0x38;
	[tilespmem:$0x18A00] =	vst v63  }
0x307: {  	_ =	swait.ge [sflag:s22], $0x40  }
0x308: {  	[sflag:s22] =	ssyncset.done $0x0  }
0x309: {  	[sflag:s22] =	ssyncadd.s32 $0xFFFFFFC0  }
0x30a: {  	_ =	swait.ge [sflag:s22], $0x2000  }
0x30b: {  	[sflag:s22] =	ssyncset.done $0x0  }
0x30c: {  	[sflag:s22] =	ssyncadd.s32 $0xFFFFE000  }
0x30d: {  	_ =	swait.ge [sflag:s22], $0x2000  }
0x30e: {  	[sflag:s22] =	ssyncset.done $0x0  }
0x30f: {  	s24 =	simm.s32 $0x380;
	[sflag:s22] =	ssyncadd.s32 $0xFFFFE000  }
0x310: {  	[tilespmem:s20], [sflag:$0x1] =	stream.indirect.gather [hbm4b:s5+s3], $0x80, s24, s3, $0xb8;
	[tilespmem:$0x18A00] =	vst v63  }
0x311: {  	s28 =	simm.s32 $0x780;
	s30 =	simm.s32 $0xA880  }
0x312: {  	[tilespmem:s30], [sflag:$0x1] =	stream.indirect.gather [hbm4b:s6+s3], $0x80, s28, s3, $0xb8;
	[tilespmem:$0x18A00] =	vst v63  }
0x313: {  	_ = 	snop  }
0x314: {  	[tilespmem:s14], [sflag:$0x1] =	stream.indirect.gather [hbm4b:s9+s3], $0x80, s24, s3, $0xb8;
	[tilespmem:$0x18A00] =	vst v63  }
0x315: {  	_ = 	snop  }
0x316: {  	[tilespmem:s15], [sflag:$0x1] =	stream.indirect.gather [hbm4b:s12+s3], $0x80, s28, s3, $0xb8;
	[tilespmem:$0x18A00] =	vst v63  }
0x317: {  	_ =	swait.ge [sflag:s16], $0x2000  }
0x318: {  	[sflag:s16] =	ssyncset.done $0x0  }
0x319: {  	[sflag:s16] =	ssyncadd.s32 $0xFFFFE000  }
0x31a: {  	_ =	swait.ge [sflag:s16], $0x2000  }
0x31b: {  	[sflag:s16] =	ssyncset.done $0x0  }
0x31c: {  	[sflag:s16] =	ssyncadd.s32 $0xFFFFE000  }
0x31d: {  	_ =	swait.ge [sflag:s16], $0x2000  }
0x31e: {  	[sflag:s16] =	ssyncset.done $0x0  }
0x31f: {  	[sflag:s16] =	ssyncadd.s32 $0xFFFFE000  }
0x320: {  	_ =	swait.ge [sflag:s16], $0x2000  }
0x321: {  	[sflag:s16] =	ssyncset.done $0x0  }
0x322: {  	[sflag:s16] =	ssyncadd.s32 $0xFFFFE000  }
0x323: {  	v5 =	vld [tilespmem:$0x800]  }
0x324: {  	v6 =	vld [tilespmem:$0x810]  }
0x325: {  	v7 =	vld [tilespmem:$0x820]  }
0x326: {  	v8 =	vld [tilespmem:$0x830]  }
0x327: {  	v9 =	vld [tilespmem:$0x840]  }
0x328: {  	s28 =	simm.s32 $0x8C0;
	v10 =	vld [tilespmem:$0x850]  }
0x329: {  	s24 =	simm.s32 $0x28C0;
	v12 =	vld [tilespmem:s28+$0xFFFFFFD0]  }
0x32a: {  	v13 =	vld [tilespmem:s24+$0xFFFFFFD0]  }
0x32b: {  	v14 =	vld [tilespmem:s28+$0xFFFFFFC0]  }
0x32c: {  	v15 =	vld [tilespmem:s24+$0xFFFFFFC0]  }
0x32d: {  	v16 =	vld [tilespmem:s24+$0xFFFFFFE0]  }
0x32e: {  	v17 =	vld [tilespmem:s28+$0xFFFFFFE0]  }
0x32f: {  	v11 =	vld [tilespmem:$0x860]  }
0x330: {  	v18 =	vld [tilespmem:s24+$0xFFFFFFF0]  }
0x331: {  	v12 =	vmul.f32 v13, v12;
	v13 =	vld [tilespmem:s28+$0xFFFFFFF0]  }
0x332: {  	v19 =	vld [tilespmem:s28+$0x0];
	v14 =	vmul.f32 v15, v14  }
0x333: {  	v15 =	vld [tilespmem:s24+$0x0];
	v16 =	vmul.f32 v16, v17  }
0x334: {  	v60 =	vld [tilespmem:s24+$0x10];
	v12 =	vmul.f32 v12, v6;
	v14 =	vmul.f32 v14, v5  }
0x335: {  	v20 =	vld [tilespmem:s28+$0x10]  }
0x336: {  	v61 =	vld [tilespmem:s24+$0x20];
	v12 =	vadd.f32 v12, v14;
	v14 =	vmul.f32 v16, v7;
	v13 =	vmul.f32 v18, v13  }
0x337: {  	v62 =	vld [tilespmem:s28+$0x20]  }
0x338: {  	v63 =	vld [tilespmem:s28+$0x30];
	v12 =	vadd.f32 v14, v12;
	v14 =	vmul.f32 v15, v19;
	v13 =	vmul.f32 v13, v8  }
0x339: {  	v15 =	vld [tilespmem:s24+$0x30]  }
0x33a: {  	v17 =	vmul.f32 v60, v20;
	v14 =	vmul.f32 v14, v9;
	v13 =	vadd.f32 v13, v12  }
0x33b: {  	v12 =	vld [tilespmem:$0x870]  }
0x33c: {  	v16 =	vmul.f32 v61, v62;
	v13 =	vadd.f32 v14, v13;
	v14 =	vmul.f32 v17, v10;
	_ =	sdelay $0x1  }
0x33d: {  	v15 =	vmul.f32 v15, v63;
	v13 =	vadd.f32 v14, v13;
	v14 =	vmul.f32 v16, v11;
	_ =	sdelay $0x1  }
0x33e: {  	v13 =	vadd.f32 v14, v13;
	v14 =	vmul.f32 v15, v12;
	_ =	sdelay $0x1  }
0x33f: {  	v13 =	vadd.f32 v14, v13;
	_ =	sdelay $0x1  }
0x340: {  	v14 =	vperm.xlane v13, v0;
	_ =	sdelay $0x1  }
0x341: {  	v13 =	vadd.f32 v13, v14;
	_ =	sdelay $0x1  }
0x342: {  	v14 =	vperm.xlane v13, v1;
	_ =	sdelay $0x1  }
0x343: {  	v13 =	vadd.f32 v13, v14;
	_ =	sdelay $0x1  }
0x344: {  	v14 =	vperm.xlane v13, v2;
	_ =	sdelay $0x1  }
0x345: {  	v13 =	vadd.f32 v13, v14;
	_ =	sdelay $0x1  }
0x346: {  	v14 =	vperm.xlane v13, v3  }
0x347: {  	s29 =	sand.u32 $0xF, s26  }
0x348: {  	v13 =	vadd.f32 v13, v14;
	v14 =	vmov s29  }
0x349: {  	p1 =	sne.s32 s29, $0xF;
	s19 =	simm.s32 $0x380;
	s26 =	simm.s32 $0x18871;
	v15 =	vimm.f32 $0.0e+00;
	vm0 =	veq.s32 v14, v4  }
0x34a: {  	s20 =	simm.s32 $0x780;
	s28 =	simm.s32 $0x1;
	s29 =	simm.s32 $0x940;
	v13 =	vsel vm0, v13, v15  }
.LBB2_14:
0x34b: {  	[tilespmem:s26+$0x0] =	vst @!p1 v13;
	s26 =	sadd.s32 $0x1, s26  }
0x34c: {  	s24 =	sadd.s32 $0x80, s24;
	s30 =	smov.u32 s28;
	s28 =	sadd.s32 $0x1, s28  }
0x34d: {  	v14 =	vld [tilespmem:s29+$0xFFFFFFD0];
	p0 =	sne.s32 s28, $0x40  }
0x34e: {  	v15 =	vld [tilespmem:s24+$0xFFFFFFD0]  }
0x34f: {  	v16 =	vld [tilespmem:s29+$0xFFFFFFC0]  }
0x350: {  	v17 =	vld [tilespmem:s24+$0xFFFFFFC0]  }
0x351: {  	v18 =	vld [tilespmem:s24+$0xFFFFFFE0]  }
0x352: {  	v19 =	vld [tilespmem:s29+$0xFFFFFFE0]  }
0x353: {  	v14 =	vmul.f32 v15, v14;
	v15 =	vld [tilespmem:s24+$0xFFFFFFF0]  }
0x354: {  	v20 =	vld [tilespmem:s29+$0xFFFFFFF0]  }
0x355: {  	v16 =	vmul.f32 v17, v16;
	v17 =	vld [tilespmem:s24+$0x0]  }
0x356: {  	v14 =	vmul.f32 v14, v6;
	v21 =	vld [tilespmem:s29+$0x0]  }
0x357: {  	v16 =	vmul.f32 v16, v5;
	v18 =	vmul.f32 v18, v19;
	v19 =	vld [tilespmem:s24+$0x10]  }
0x358: {  	v22 =	vld [tilespmem:s29+$0x10]  }
0x359: {  	v14 =	vadd.f32 v14, v16;
	v16 =	vmul.f32 v18, v7;
	v15 =	vmul.f32 v15, v20;
	v18 =	vld [tilespmem:s24+$0x20]  }
0x35a: {  	v20 =	vld [tilespmem:s29+$0x20]  }
0x35b: {  	v14 =	vadd.f32 v16, v14;
	v15 =	vmul.f32 v15, v8;
	v16 =	vmul.f32 v17, v21;
	v17 =	vld [tilespmem:s24+$0x30]  }
0x35c: {  	v21 =	vld [tilespmem:s29+$0x30]  }
0x35d: {  	v14 =	vadd.f32 v15, v14;
	v15 =	vmul.f32 v16, v9;
	v16 =	vmul.f32 v19, v22;
	_ =	sdelay $0x1  }
0x35e: {  	v14 =	vadd.f32 v15, v14;
	v15 =	vmul.f32 v16, v10;
	v16 =	vmul.f32 v18, v20;
	_ =	sdelay $0x1  }
0x35f: {  	v14 =	vadd.f32 v15, v14;
	v15 =	vmul.f32 v16, v11;
	v16 =	vmul.f32 v17, v21;
	_ =	sdelay $0x1  }
0x360: {  	v14 =	vadd.f32 v15, v14;
	v15 =	vmul.f32 v16, v12;
	_ =	sdelay $0x1  }
0x361: {  	v14 =	vadd.f32 v15, v14;
	_ =	sdelay $0x1  }
0x362: {  	v15 =	vperm.xlane v14, v0;
	_ =	sdelay $0x1  }
0x363: {  	v14 =	vadd.f32 v14, v15;
	_ =	sdelay $0x1  }
0x364: {  	v15 =	vperm.xlane v14, v1;
	_ =	sdelay $0x1  }
0x365: {  	v14 =	vadd.f32 v14, v15;
	_ =	sdelay $0x1  }
0x366: {  	v15 =	vperm.xlane v14, v2;
	_ =	sdelay $0x1  }
0x367: {  	v14 =	vadd.f32 v14, v15;
	_ =	sdelay $0x1  }
.Ltmp6:
0x368: {  	v15 =	vperm.xlane v14, v3;
	(pc) =	sbr.rel @p0 .LBB2_14-.Ltmp6, $4  }
0x369: {  	s30 =	sand.u32 $0xF, s30  }
0x36a: {  	v14 =	vadd.f32 v14, v15;
	v15 =	vmov s30  }
0x36b: {  	vm0 =	veq.s32 v15, v4  }
0x36c: {  	p1 =	sne.s32 s30, $0xF;
	s29 =	sadd.s32 $0x80, s29;
	v13 =	vsel vm0, v14, v13  }
0x36d: {  	s24 =	rddreg [dreg:$0x1f]  }
0x36e: {  	[tilespmem:s26+$0x0] =	vst @!p1 v13;
	s26 =	simm.s32 $0x0;
	s28 =	simm.s32 $0x18880;
	s30 =	sld [smem:$0x7F8]  }
0x36f: {  	[hbm4b:s24+s26] =	stream.linear.scatter [tilespmem:s28], [sflag:$0x2], $0x40, $0x38;
	[tilespmem:$0x18A00] =	vst v63  }
0x370: {  	_ = 	snop  }
0x371: {  	[hbm4b:s30+s26] =	stream.linear.scatter [tilespmem:s8], [sflag:$0x2], $0x2000, $0x38;
	[tilespmem:$0x18A00] =	vst v63  }
0x372: {  	s30 =	sld [smem:$0x7F9];
	_ =	sdelay $0x2  }
0x373: {  	[hbm4b:s30+s26] =	stream.linear.scatter [tilespmem:s10], [sflag:$0x2], $0x2000, $0x38;
	[tilespmem:$0x18A00] =	vst v63  }
0x374: {  	_ =	swait.ge [sflag:s16], $0x2000  }
0x375: {  	[sflag:s16] =	ssyncset.done $0x0  }
0x376: {  	[sflag:s16] =	ssyncadd.s32 $0xFFFFE000  }
0x377: {  	_ =	swait.ge [sflag:s16], $0x2000  }
0x378: {  	[sflag:s16] =	ssyncset.done $0x0  }
0x379: {  	[sflag:s16] =	ssyncadd.s32 $0xFFFFE000  }
0x37a: {  	_ =	swait.ge [sflag:s16], $0x2000  }
0x37b: {  	[sflag:s16] =	ssyncset.done $0x0  }
0x37c: {  	[sflag:s16] =	ssyncadd.s32 $0xFFFFE000  }
0x37d: {  	_ =	swait.ge [sflag:s16], $0x2000  }
0x37e: {  	[sflag:s16] =	ssyncset.done $0x0  }
0x37f: {  	[sflag:s16] =	ssyncadd.s32 $0xFFFFE000  }
0x380: {  	v5 =	vld [tilespmem:$0x800]  }
0x381: {  	v6 =	vld [tilespmem:$0x810]  }
0x382: {  	v7 =	vld [tilespmem:$0x820]  }
0x383: {  	v8 =	vld [tilespmem:$0x830]  }
0x384: {  	v9 =	vld [tilespmem:$0x840]  }
0x385: {  	s28 =	simm.s32 $0x88C0;
	v10 =	vld [tilespmem:$0x850]  }
0x386: {  	s24 =	simm.s32 $0xA8C0;
	v12 =	vld [tilespmem:s28+$0xFFFFFFD0]  }
0x387: {  	v13 =	vld [tilespmem:s24+$0xFFFFFFD0]  }
0x388: {  	v14 =	vld [tilespmem:s28+$0xFFFFFFC0]  }
0x389: {  	v15 =	vld [tilespmem:s24+$0xFFFFFFC0]  }
0x38a: {  	v16 =	vld [tilespmem:s24+$0xFFFFFFE0]  }
0x38b: {  	v17 =	vld [tilespmem:s28+$0xFFFFFFE0]  }
0x38c: {  	v11 =	vld [tilespmem:$0x860]  }
0x38d: {  	v18 =	vld [tilespmem:s24+$0xFFFFFFF0]  }
0x38e: {  	v12 =	vmul.f32 v13, v12;
	v13 =	vld [tilespmem:s28+$0xFFFFFFF0]  }
0x38f: {  	v19 =	vld [tilespmem:s28+$0x0];
	v14 =	vmul.f32 v15, v14  }
0x390: {  	v15 =	vld [tilespmem:s24+$0x0];
	v16 =	vmul.f32 v16, v17  }
0x391: {  	v60 =	vld [tilespmem:s24+$0x10];
	v12 =	vmul.f32 v12, v6;
	v14 =	vmul.f32 v14, v5  }
0x392: {  	v20 =	vld [tilespmem:s28+$0x10]  }
0x393: {  	v61 =	vld [tilespmem:s24+$0x20];
	v12 =	vadd.f32 v12, v14;
	v14 =	vmul.f32 v16, v7;
	v13 =	vmul.f32 v18, v13  }
0x394: {  	v62 =	vld [tilespmem:s28+$0x20]  }
0x395: {  	v63 =	vld [tilespmem:s28+$0x30];
	v12 =	vadd.f32 v14, v12;
	v14 =	vmul.f32 v15, v19;
	v13 =	vmul.f32 v13, v8  }
0x396: {  	v15 =	vld [tilespmem:s24+$0x30]  }
0x397: {  	v17 =	vmul.f32 v60, v20;
	v14 =	vmul.f32 v14, v9;
	v13 =	vadd.f32 v13, v12  }
0x398: {  	v12 =	vld [tilespmem:$0x870]  }
0x399: {  	v16 =	vmul.f32 v61, v62;
	v13 =	vadd.f32 v14, v13;
	v14 =	vmul.f32 v17, v10;
	_ =	sdelay $0x1  }
0x39a: {  	v15 =	vmul.f32 v15, v63;
	v13 =	vadd.f32 v14, v13;
	v14 =	vmul.f32 v16, v11;
	_ =	sdelay $0x1  }
0x39b: {  	v13 =	vadd.f32 v14, v13;
	v14 =	vmul.f32 v15, v12;
	_ =	sdelay $0x1  }
0x39c: {  	v13 =	vadd.f32 v14, v13;
	_ =	sdelay $0x1  }
0x39d: {  	v14 =	vperm.xlane v13, v0;
	_ =	sdelay $0x1  }
0x39e: {  	v13 =	vadd.f32 v13, v14;
	_ =	sdelay $0x1  }
0x39f: {  	v14 =	vperm.xlane v13, v1;
	_ =	sdelay $0x1  }
0x3a0: {  	v13 =	vadd.f32 v13, v14;
	_ =	sdelay $0x1  }
0x3a1: {  	v14 =	vperm.xlane v13, v2;
	_ =	sdelay $0x1  }
0x3a2: {  	v13 =	vadd.f32 v13, v14;
	_ =	sdelay $0x1  }
0x3a3: {  	v14 =	vperm.xlane v13, v3  }
0x3a4: {  	s29 =	sand.u32 $0xF, s26  }
0x3a5: {  	v13 =	vadd.f32 v13, v14;
	v14 =	vmov s29  }
0x3a6: {  	p1 =	sne.s32 s29, $0xF;
	v15 =	vimm.f32 $0.0e+00;
	vm0 =	veq.s32 v14, v4  }
0x3a7: {  	s26 =	simm.s32 $0x188F1;
	s28 =	simm.s32 $0x1;
	s29 =	simm.s32 $0x8940;
	v13 =	vsel vm0, v13, v15  }
.LBB2_16:
0x3a8: {  	[tilespmem:s26+$0x0] =	vst @!p1 v13;
	s26 =	sadd.s32 $0x1, s26  }
0x3a9: {  	s24 =	sadd.s32 $0x80, s24;
	s30 =	smov.u32 s28;
	s28 =	sadd.s32 $0x1, s28  }
0x3aa: {  	v14 =	vld [tilespmem:s29+$0xFFFFFFD0];
	p0 =	sne.s32 s28, $0x40  }
0x3ab: {  	v15 =	vld [tilespmem:s24+$0xFFFFFFD0]  }
0x3ac: {  	v16 =	vld [tilespmem:s29+$0xFFFFFFC0]  }
0x3ad: {  	v17 =	vld [tilespmem:s24+$0xFFFFFFC0]  }
0x3ae: {  	v18 =	vld [tilespmem:s24+$0xFFFFFFE0]  }
0x3af: {  	v19 =	vld [tilespmem:s29+$0xFFFFFFE0]  }
0x3b0: {  	v14 =	vmul.f32 v15, v14;
	v15 =	vld [tilespmem:s24+$0xFFFFFFF0]  }
0x3b1: {  	v20 =	vld [tilespmem:s29+$0xFFFFFFF0]  }
0x3b2: {  	v16 =	vmul.f32 v17, v16;
	v17 =	vld [tilespmem:s24+$0x0]  }
0x3b3: {  	v14 =	vmul.f32 v14, v6;
	v21 =	vld [tilespmem:s29+$0x0]  }
0x3b4: {  	v16 =	vmul.f32 v16, v5;
	v18 =	vmul.f32 v18, v19;
	v19 =	vld [tilespmem:s24+$0x10]  }
0x3b5: {  	v22 =	vld [tilespmem:s29+$0x10]  }
0x3b6: {  	v14 =	vadd.f32 v14, v16;
	v16 =	vmul.f32 v18, v7;
	v15 =	vmul.f32 v15, v20;
	v18 =	vld [tilespmem:s24+$0x20]  }
0x3b7: {  	v20 =	vld [tilespmem:s29+$0x20]  }
0x3b8: {  	v14 =	vadd.f32 v16, v14;
	v15 =	vmul.f32 v15, v8;
	v16 =	vmul.f32 v17, v21;
	v17 =	vld [tilespmem:s24+$0x30]  }
0x3b9: {  	v21 =	vld [tilespmem:s29+$0x30]  }
0x3ba: {  	v14 =	vadd.f32 v15, v14;
	v15 =	vmul.f32 v16, v9;
	v16 =	vmul.f32 v19, v22;
	_ =	sdelay $0x1  }
0x3bb: {  	v14 =	vadd.f32 v15, v14;
	v15 =	vmul.f32 v16, v10;
	v16 =	vmul.f32 v18, v20;
	_ =	sdelay $0x1  }
0x3bc: {  	v14 =	vadd.f32 v15, v14;
	v15 =	vmul.f32 v16, v11;
	v16 =	vmul.f32 v17, v21;
	_ =	sdelay $0x1  }
0x3bd: {  	v14 =	vadd.f32 v15, v14;
	v15 =	vmul.f32 v16, v12;
	_ =	sdelay $0x1  }
0x3be: {  	v14 =	vadd.f32 v15, v14;
	_ =	sdelay $0x1  }
0x3bf: {  	v15 =	vperm.xlane v14, v0;
	_ =	sdelay $0x1  }
0x3c0: {  	v14 =	vadd.f32 v14, v15;
	_ =	sdelay $0x1  }
0x3c1: {  	v15 =	vperm.xlane v14, v1;
	_ =	sdelay $0x1  }
0x3c2: {  	v14 =	vadd.f32 v14, v15;
	_ =	sdelay $0x1  }
0x3c3: {  	v15 =	vperm.xlane v14, v2;
	_ =	sdelay $0x1  }
0x3c4: {  	v14 =	vadd.f32 v14, v15;
	_ =	sdelay $0x1  }
.Ltmp7:
0x3c5: {  	v15 =	vperm.xlane v14, v3;
	(pc) =	sbr.rel @p0 .LBB2_16-.Ltmp7, $4  }
0x3c6: {  	s30 =	sand.u32 $0xF, s30  }
0x3c7: {  	v14 =	vadd.f32 v14, v15;
	v15 =	vmov s30  }
0x3c8: {  	vm0 =	veq.s32 v15, v4  }
0x3c9: {  	p1 =	sne.s32 s30, $0xF;
	s29 =	sadd.s32 $0x80, s29;
	v13 =	vsel vm0, v14, v13  }
0x3ca: {  	s24 =	sld [smem:$0x7EB];
	_ =	sdelay $0x1  }
0x3cb: {  	[tilespmem:s26+$0x0] =	vst @!p1 v13;
	s30 =	simm.s32 $0x18900;
	s28 =	sld [smem:$0x7FA]  }
0x3cc: {  	[hbm4b:s24+s25] =	stream.linear.scatter [tilespmem:s30], [sflag:$0x2], $0x40, $0x38;
	[tilespmem:$0x18A00] =	vst v63  }
0x3cd: {  	s29 =	sld [smem:$0x7FB]  }
0x3ce: {  	[hbm4b:s28+s25] =	stream.linear.scatter [tilespmem:s14], [sflag:$0x2], $0x2000, $0x38;
	[tilespmem:$0x18A00] =	vst v63  }
0x3cf: {  	_ = 	snop  }
0x3d0: {  	[hbm4b:s29+s25] =	stream.linear.scatter [tilespmem:s15], [sflag:$0x2], $0x2000, $0x38;
	[tilespmem:$0x18A00] =	vst v63  }
0x3d1: {  	_ =	swait.ge [sflag:s22], $0x40  }
0x3d2: {  	[sflag:s22] =	ssyncset.done $0x0  }
0x3d3: {  	[sflag:s22] =	ssyncadd.s32 $0xFFFFFFC0  }
0x3d4: {  	_ =	swait.ge [sflag:s22], $0x2000  }
0x3d5: {  	[sflag:s22] =	ssyncset.done $0x0  }
0x3d6: {  	[sflag:s22] =	ssyncadd.s32 $0xFFFFE000  }
0x3d7: {  	_ =	swait.ge [sflag:s22], $0x2000  }
0x3d8: {  	[sflag:s22] =	ssyncset.done $0x0  }
0x3d9: {  	[sflag:s22] =	ssyncadd.s32 $0xFFFFE000  }
0x3da: {  	_ =	swait.ge [sflag:s22], $0x40  }
0x3db: {  	[sflag:s22] =	ssyncset.done $0x0  }
0x3dc: {  	[sflag:s22] =	ssyncadd.s32 $0xFFFFFFC0  }
0x3dd: {  	_ =	swait.ge [sflag:s22], $0x2000  }
0x3de: {  	[sflag:s22] =	ssyncset.done $0x0  }
0x3df: {  	[sflag:s22] =	ssyncadd.s32 $0xFFFFE000  }
0x3e0: {  	_ =	swait.ge [sflag:s22], $0x2000  }
0x3e1: {  	[sflag:s22] =	ssyncset.done $0x0  }
0x3e2: {  	[sflag:s22] =	ssyncadd.s32 $0xFFFFE000  }
0x3e3: {  	_ =	swait.ge [sflag:s22], $0x40  }
0x3e4: {  	[sflag:s22] =	ssyncset.done $0x0  }
0x3e5: {  	[sflag:s22] =	ssyncadd.s32 $0xFFFFFFC0  }
0x3e6: {  	_ =	swait.ge [sflag:s22], $0x2000  }
0x3e7: {  	[sflag:s22] =	ssyncset.done $0x0  }
0x3e8: {  	[sflag:s22] =	ssyncadd.s32 $0xFFFFE000  }
0x3e9: {  	_ =	swait.ge [sflag:s22], $0x2000  }
0x3ea: {  	s30 =	sld [smem:$0x7FD];
	_ =	sdelay $0x1  }
0x3eb: {  	s23 =	sadd.s32 $0x1, s23  }
0x3ec: {  	p0 =	sne.s32 s23, s30  }
.Ltmp8:
0x3ed: {  	_ = 	snop;
	(pc) =	sbr.rel @p0 .LBB2_1-.Ltmp8, $3  }
0x3ee: {  	_ =	sdelay $0x1  }
0x3ef: {  	[sflag:s22] =	ssyncset.done $0x0  }
0x3f0: {  	[sflag:s22] =	ssyncadd.s32 $0xFFFFE000  }
0x3f1: {  	_ =	sfence.sel $0x180000  }
0x3f2: {  	[bflag:$0x0] =	sbarrier.arrive $0xFFFF  }
0x3f3: {  	_ =	strace $0x90000047  }
0x3f4: {  	s0 =	stileid.u32;
	[bflag:$0x2] =	sbarrier.arrive $0xFFFF  }
0x3f5: {  	p0 =	sne.s32 s0, $0x0;
	s0 =	rddreg [dreg:$0x8]  }
0x3f6: {  	s0 =	sadd.s32 @!p0 $0x100000, s0  }
0x3f7: {  	[sflag:s0] =	ssyncadd.tile.s32 @!p0 $0x1;
	_ =	shalt  }
.Lfunc_end2:
_tile_overlayer_lowered:
.L_overlay_start_2:
0x3f8: {  	(tag) =	ssettag $0x2  }
0x3f9: {  	s0 =	rddreg [dreg:$0x0];
	s2 =	stileid.u32  }
0x3fa: {  	s1 =	rddreg [dreg:$0x1];
	p0 =	sne.s32 s2, $0x0  }
0x3fb: {  	s3 =	rddreg [dreg:$0x2];
	[bflag:$0x3] =	sbarrier.arrive $0xFFFF;
	s2 =	simm.s32 @!p0 $0x1C03  }
0x3fc: {  	[timem:s3], [sflag:s2] =	dma.local @!p0 [hbm:s0], s1  }
0x3fd: {  	s0 =	simm.s32 @!p0 $0x3  }
0x3fe: {  	_ =	swait.ge @!p0 [sflag:s0], s1  }
0x3ff: {  	s1 =	ssub.s32 @!p0 $0x0, s1;
	[sflag:s0] =	ssyncset.done @!p0 $0x0  }
0x400: {  	[sflag:s0] =	ssyncadd.s32 @!p0 s1  }
0x401: {  	[bflag:$0x3] =	sbarrier.arrive $0xFFFF  }
0x402: {  	_ =	shalt  }

</sc_bundles>
